<compile_context>
chip_gen: v7x
topology: tpu7x:2x2x1
jax: 0.10.2.dev20260603
libtpu: 0.0.44.dev20260713+nightly
codegen_flags: <defaults>
</compile_context>

<pallas_src>
import functools

import jax
import jax.numpy as jnp
from jax import lax
from jax.experimental import pallas as pl
from jax.experimental.pallas import tpu as pltpu
from jax.experimental.pallas import tpu_sc as plsc

U = 10000
N = 10000
E = 320000
D = 128

NC = 2
NS = 16
NW = NC * NS
EPW = E // NW
CB = 64
NCHUNK = E // CB
NQMAX = (NCHUNK + NW - 1) // NW
ZCH = U // CB
ZTAIL = U - ZCH * CB
CNTB = 200
OCB = 200
NOCH = U // OCB

DEPTH = 3
NGROUP = (NQMAX + DEPTH - 1) // DEPTH


def _sc_pass_body(table, gidx, sidx, edge, acc_out, cnt_out, *refs):
    gidx_v = refs[0:DEPTH]
    sidx_v = refs[DEPTH:2 * DEPTH]
    edge_v = refs[2 * DEPTH:3 * DEPTH]
    rows_v = refs[3 * DEPTH:4 * DEPTH]
    zrow_v, ones_v, cnt_v = refs[4 * DEPTH:4 * DEPTH + 3]
    loadsem = refs[4 * DEPTH + 3:5 * DEPTH + 3]
    gathsem = refs[5 * DEPTH + 3:6 * DEPTH + 3]
    scatsem = refs[6 * DEPTH + 3:7 * DEPTH + 3]
    acc_sp, cnt_sp = refs[7 * DEPTH + 3:7 * DEPTH + 5]

    c = lax.axis_index("c")
    s = lax.axis_index("s")
    wid = s * NC + c
    if NCHUNK % NW:
        nq = jnp.where(wid < NCHUNK % NW, NQMAX, NQMAX - 1).astype(jnp.int32)
    else:
        nq = jnp.int32(NCHUNK // NW)

    def _fill_small(i, carry):
        zrow_v[pl.ds(i * 16, 16)] = jnp.zeros((16,), jnp.float32)
        ones_v[pl.ds(i * 16, 16)] = jnp.full((16,), 1.0, jnp.float32)
        return carry
    lax.fori_loop(0, CB // 16, _fill_small, 0)

    def _fill_zbuf(r, carry):
        for j in range(D // 16):
            edge_v[0][r, pl.ds(j * 16, 16)] = jnp.zeros((16,), jnp.float32)
        return carry
    lax.fori_loop(0, CB, _fill_zbuf, 0)

    def _zero(k, carry):
        ch = s + k * NS

        @pl.when(ch < ZCH)
        def _():
            pltpu.sync_copy(edge_v[0], acc_sp.at[pl.ds(ch * CB, CB)])
            pltpu.sync_copy(zrow_v, cnt_sp.at[pl.ds(ch * CB, CB)])
        return carry
    lax.fori_loop(0, (ZCH + NS - 1) // NS, _zero, 0)

    @pl.when(s == 0)
    def _():
        pltpu.sync_copy(edge_v[0].at[pl.ds(0, ZTAIL)],
                        acc_sp.at[pl.ds(ZCH * CB, ZTAIL)])
        pltpu.sync_copy(zrow_v.at[pl.ds(0, ZTAIL)],
                        cnt_sp.at[pl.ds(ZCH * CB, ZTAIL)])

    plsc.subcore_barrier()

    def _start_loads(q, j):
        base = (q * NW + wid) * CB
        pltpu.async_copy(gidx.at[pl.ds(base, CB)], gidx_v[j], loadsem[j])
        pltpu.async_copy(sidx.at[pl.ds(base, CB)], sidx_v[j], loadsem[j])
        pltpu.async_copy(edge.at[pl.ds(base, CB)], edge_v[j], loadsem[j])

    def _wait_loads(j):
        pltpu.make_async_copy(gidx.at[pl.ds(0, CB)], gidx_v[j], loadsem[j]).wait()
        pltpu.make_async_copy(sidx.at[pl.ds(0, CB)], sidx_v[j], loadsem[j]).wait()
        pltpu.make_async_copy(edge.at[pl.ds(0, CB)], edge_v[j], loadsem[j]).wait()

    def _start_gather(j):
        pltpu.async_copy(table.at[gidx_v[j]], rows_v[j], gathsem[j])

    def _wait_gather(j):
        pltpu.make_async_copy(table.at[gidx_v[j]], rows_v[j], gathsem[j]).wait()

    def _start_scatter(j):
        pltpu.async_copy(edge_v[j], acc_sp.at[sidx_v[j]], scatsem[j], add=True)
        pltpu.async_copy(ones_v, cnt_sp.at[sidx_v[j]], scatsem[j], add=True)

    def _wait_scatter(j):
        pltpu.make_async_copy(edge_v[j], acc_sp.at[sidx_v[j]], scatsem[j]).wait()
        pltpu.make_async_copy(ones_v, cnt_sp.at[sidx_v[j]], scatsem[j]).wait()

    for q0 in range(DEPTH - 1):
        _start_loads(q0, q0)
    _wait_loads(0)
    _start_gather(0)

    def _group(g, carry):
        for j in range(DEPTH):
            q = g * DEPTH + j
            j1 = (j + 1) % DEPTH
            jp = (j - 1) % DEPTH

            @pl.when(q < nq)
            def _():
                @pl.when(q + 1 < nq)
                def _():
                    _wait_loads(j1)
                    _start_gather(j1)

                @pl.when(q >= 1)
                def _():
                    _wait_scatter(jp)

                @pl.when(q + DEPTH - 1 < nq)
                def _():
                    _start_loads(q + DEPTH - 1, jp)

                _wait_gather(j)

                def _mul(r, carry2):
                    for jj in range(D // 16):
                        sl = pl.ds(jj * 16, 16)
                        edge_v[j][r, sl] = rows_v[j][r, sl] * edge_v[j][r, sl]
                    return carry2
                lax.fori_loop(0, CB, _mul, 0)

                _start_scatter(j)
        return carry
    lax.fori_loop(0, NGROUP, _group, 0)

    for jd in range(DEPTH):
        @pl.when(lax.rem(nq - 1, jnp.int32(DEPTH)) == jd)
        def _(jd=jd):
            _wait_scatter(jd)

    plsc.subcore_barrier()

    def _copy_out(k, carry):
        ch = s + k * NS

        @pl.when(ch < NOCH)
        def _():
            pltpu.sync_copy(acc_sp.at[pl.ds(ch * OCB, OCB)],
                            acc_out.at[pl.ds(c * U + ch * OCB, OCB)])
        return carry
    lax.fori_loop(0, (NOCH + NS - 1) // NS, _copy_out, 0)

    def _cnt_out(k, carry):
        ch = s + k * NS

        @pl.when(ch < U // CNTB)
        def _():
            pltpu.sync_copy(cnt_sp.at[pl.ds(ch * CNTB, CNTB)], cnt_v)
            pltpu.sync_copy(cnt_v, cnt_out.at[pl.ds(c * U + ch * CNTB, CNTB)])
        return carry
    lax.fori_loop(0, (U // CNTB + NS - 1) // NS, _cnt_out, 0)


_sc_pass = functools.partial(
    pl.kernel,
    out_type=(jax.ShapeDtypeStruct((NC * U, D), jnp.float32),
              jax.ShapeDtypeStruct((NC * U,), jnp.float32)),
    mesh=plsc.VectorSubcoreMesh(core_axis_name="c", subcore_axis_name="s",
                                num_cores=NC, num_subcores=NS),
    scratch_types=(
        [pltpu.VMEM((CB,), jnp.int32) for _ in range(DEPTH)]
        + [pltpu.VMEM((CB,), jnp.int32) for _ in range(DEPTH)]
        + [pltpu.VMEM((CB, D), jnp.float32) for _ in range(DEPTH)]
        + [pltpu.VMEM((CB, D), jnp.float32) for _ in range(DEPTH)]
        + [pltpu.VMEM((CB,), jnp.float32),
           pltpu.VMEM((CB,), jnp.float32),
           pltpu.VMEM((CNTB,), jnp.float32)]
        + [pltpu.SemaphoreType.DMA for _ in range(3 * DEPTH)]
        + [pltpu.VMEM_SHARED((U, D), jnp.float32),
           pltpu.VMEM_SHARED((U,), jnp.float32)]
    ),
)(_sc_pass_body)


BU = 1000


def _lstm_body(unew_ref, hn_ref, cs_ref, wih_ref, whh_ref,
               b_ref, hn_out_ref, cs_out_ref):
    gates = (jnp.dot(unew_ref[...], wih_ref[...],
                     preferred_element_type=jnp.float32)
             + jnp.dot(hn_ref[...], whh_ref[...],
                       preferred_element_type=jnp.float32)
             + b_ref[...])
    i = jax.nn.sigmoid(gates[:, 0:D])
    f = jax.nn.sigmoid(gates[:, D:2 * D])
    g = jnp.tanh(gates[:, 2 * D:3 * D])
    o = jax.nn.sigmoid(gates[:, 3 * D:4 * D])
    cs = f * cs_ref[...] + i * g
    cs_out_ref[...] = cs
    hn_out_ref[...] = o * jnp.tanh(cs)


def _norm_body(acc_ref, cnt_ref, nf_ref, out_ref):
    a = acc_ref[0] + acc_ref[1]
    cnt = cnt_ref[0] + cnt_ref[1]
    out_ref[...] = a / jnp.maximum(cnt, 1.0) + nf_ref[...]


def kernel(user_feat, news_feat, edge_src_user, edge_dst_news, edge_feat,
           edge_feat_rev, prev_hn, prev_cs, W_ih, W_hh, b_ih, b_hh):
    gidx1 = edge_dst_news.astype(jnp.int32)
    sidx1 = edge_src_user.astype(jnp.int32)

    acc1, cnt1 = _sc_pass(news_feat, gidx1, sidx1, edge_feat_rev)
    acc1 = acc1.reshape(NC, U, D)
    cnt1 = cnt1.reshape(NC, U, 1)

    wihT = W_ih.T
    whhT = W_hh.T
    b = (b_ih + b_hh).reshape(1, 4 * D)

    user_new = pl.pallas_call(
        _norm_body,
        grid=(U // BU,),
        in_specs=[
            pl.BlockSpec((NC, BU, D), lambda i: (0, i, 0)),
            pl.BlockSpec((NC, BU, 1), lambda i: (0, i, 0)),
            pl.BlockSpec((BU, D), lambda i: (i, 0)),
        ],
        out_specs=pl.BlockSpec((BU, D), lambda i: (i, 0)),
        out_shape=jax.ShapeDtypeStruct((U, D), jnp.float32),
    )(acc1, cnt1, user_feat)

    user_hn, user_cs = pl.pallas_call(
        _lstm_body,
        grid=(U // BU,),
        in_specs=[
            pl.BlockSpec((BU, D), lambda i: (i, 0)),
            pl.BlockSpec((BU, D), lambda i: (i, 0)),
            pl.BlockSpec((BU, D), lambda i: (i, 0)),
            pl.BlockSpec((D, 4 * D), lambda i: (0, 0)),
            pl.BlockSpec((D, 4 * D), lambda i: (0, 0)),
            pl.BlockSpec((1, 4 * D), lambda i: (0, 0)),
        ],
        out_specs=[
            pl.BlockSpec((BU, D), lambda i: (i, 0)),
            pl.BlockSpec((BU, D), lambda i: (i, 0)),
        ],
        out_shape=[
            jax.ShapeDtypeStruct((U, D), jnp.float32),
            jax.ShapeDtypeStruct((U, D), jnp.float32),
        ],
    )(user_new, prev_hn, prev_cs, wihT, whhT, b)

    acc2, cnt2 = _sc_pass(user_new, sidx1, gidx1, edge_feat)
    acc2 = acc2.reshape(NC, N, D)
    cnt2 = cnt2.reshape(NC, N, 1)

    news_new = pl.pallas_call(
        _norm_body,
        grid=(N // BU,),
        in_specs=[
            pl.BlockSpec((NC, BU, D), lambda i: (0, i, 0)),
            pl.BlockSpec((NC, BU, 1), lambda i: (0, i, 0)),
            pl.BlockSpec((BU, D), lambda i: (i, 0)),
        ],
        out_specs=pl.BlockSpec((BU, D), lambda i: (i, 0)),
        out_shape=jax.ShapeDtypeStruct((N, D), jnp.float32),
    )(acc2, cnt2, news_feat)

    return user_hn, user_cs, news_new

# --- scband reference (transcript-rebuilt; emitter-appended) ---
"""Pipeline reference for scband-gcrnn-81174881894863 (READ-ONLY COPY).

The authoritative reference and input builder live on the scoring server;
editing this copy changes nothing except your own understanding.
"""

import jax, jax.numpy as jnp
import numpy as np

U = 10000
N = 10000
E = 320000
D = 128


def _segment_mean(vals, seg, num):
    s = jax.ops.segment_sum(vals, seg, num_segments=num)
    cnt = jax.ops.segment_sum(jnp.ones((vals.shape[0], 1), vals.dtype), seg, num_segments=num)
    return s / jnp.maximum(cnt, 1.0)


def setup_inputs(seed: int = 0) -> dict:
    key = jax.random.key(seed)
    ks = jax.random.split(key, 10)
    user_feat = jax.random.normal(ks[0], (U, D), dtype=jnp.float32)
    news_feat = jax.random.normal(ks[1], (N, D), dtype=jnp.float32)
    edge_src_user = jax.random.randint(ks[2], (E,), 0, U, dtype=jnp.int64 if jax.config.jax_enable_x64 else jnp.int32)
    edge_dst_news = jax.random.randint(ks[3], (E,), 0, N, dtype=jnp.int64 if jax.config.jax_enable_x64 else jnp.int32)
    edge_feat = jax.random.normal(ks[4], (E, D), dtype=jnp.float32)
    edge_feat_rev = jax.random.normal(ks[5], (E, D), dtype=jnp.float32)
    prev_hn = jnp.zeros((U, D), dtype=jnp.float32)
    prev_cs = jnp.zeros((U, D), dtype=jnp.float32)
    # LSTMCell parameters (nn.LSTMCell(emb_dim, emb_dim, bias=True))
    W_ih = jax.random.normal(ks[6], (4 * D, D), dtype=jnp.float32) * 0.05
    W_hh = jax.random.normal(ks[7], (4 * D, D), dtype=jnp.float32) * 0.05
    b_ih = jnp.zeros((4 * D,), dtype=jnp.float32)
    b_hh = jnp.zeros((4 * D,), dtype=jnp.float32)
    return {
        "user_feat": user_feat,
        "news_feat": news_feat,
        "edge_src_user": edge_src_user,
        "edge_dst_news": edge_dst_news,
        "edge_feat": edge_feat,
        "edge_feat_rev": edge_feat_rev,
        "prev_hn": prev_hn,
        "prev_cs": prev_cs,
        "W_ih": W_ih,
        "W_hh": W_hh,
        "b_ih": b_ih,
        "b_hh": b_hh,
    }


def reference(user_feat, news_feat, edge_src_user, edge_dst_news, edge_feat, edge_feat_rev, prev_hn, prev_cs, W_ih, W_hh, b_ih, b_hh):
    # GCN pass 1: etype='clicked_reverse' (news -> user).
    # message: src(news) feat * edge feat; reduce: mean over mailbox + residual dst feat.
    msg_rev = news_feat[edge_dst_news] * edge_feat_rev
    user_new = _segment_mean(msg_rev, edge_src_user, U) + user_feat
    # GCN pass 2: etype='clicked' (user -> news), using updated user feats.
    msg_fwd = user_new[edge_src_user] * edge_feat
    news_new = _segment_mean(msg_fwd, edge_dst_news, N) + news_feat
    # GRNN: LSTMCell on user features with per-user previous (h, c) state.
    gates = user_new @ W_ih.T + b_ih + prev_hn @ W_hh.T + b_hh
    i, f, g, o = jnp.split(gates, 4, axis=1)
    i = jax.nn.sigmoid(i)
    f = jax.nn.sigmoid(f)
    g = jnp.tanh(g)
    o = jax.nn.sigmoid(o)
    user_cs = f * prev_cs + i * g
    user_hn = o * jnp.tanh(user_cs)
    return (user_hn, user_cs, news_new)

if __name__ == "__main__":
    import jax
    _d = setup_inputs()
    print(jax.jit(kernel)(*tuple(_d.values())))

</pallas_src>

<mosaic_0001>
#map = affine_map<(d0, d1) -> (0, 0)>
#map1 = affine_map<(d0, d1) -> (0)>
module attributes {stable_mosaic.version = 14 : i64} {
  func.func @_sc_pass_body(%arg0: i32, %arg1: i32, %arg2: memref<10000x128xf32, #tpu.memory_space<hbm>>, %arg3: memref<320000xi32, #tpu.memory_space<hbm>>, %arg4: memref<320000xi32, #tpu.memory_space<hbm>>, %arg5: memref<320000x128xf32, #tpu.memory_space<hbm>>, %arg6: memref<20000x128xf32, #tpu.memory_space<hbm>>, %arg7: memref<20000xf32, #tpu.memory_space<hbm>>, %arg8: memref<64xi32, #tpu.memory_space<vmem>>, %arg9: memref<64xi32, #tpu.memory_space<vmem>>, %arg10: memref<64xi32, #tpu.memory_space<vmem>>, %arg11: memref<64xi32, #tpu.memory_space<vmem>>, %arg12: memref<64xi32, #tpu.memory_space<vmem>>, %arg13: memref<64xi32, #tpu.memory_space<vmem>>, %arg14: memref<64x128xf32, #tpu.memory_space<vmem>>, %arg15: memref<64x128xf32, #tpu.memory_space<vmem>>, %arg16: memref<64x128xf32, #tpu.memory_space<vmem>>, %arg17: memref<64x128xf32, #tpu.memory_space<vmem>>, %arg18: memref<64x128xf32, #tpu.memory_space<vmem>>, %arg19: memref<64x128xf32, #tpu.memory_space<vmem>>, %arg20: memref<64xf32, #tpu.memory_space<vmem>>, %arg21: memref<64xf32, #tpu.memory_space<vmem>>, %arg22: memref<200xf32, #tpu.memory_space<vmem>>, %arg23: memref<!tpu.dma_semaphore, #tpu.memory_space<semaphore_mem>>, %arg24: memref<!tpu.dma_semaphore, #tpu.memory_space<semaphore_mem>>, %arg25: memref<!tpu.dma_semaphore, #tpu.memory_space<semaphore_mem>>, %arg26: memref<!tpu.dma_semaphore, #tpu.memory_space<semaphore_mem>>, %arg27: memref<!tpu.dma_semaphore, #tpu.memory_space<semaphore_mem>>, %arg28: memref<!tpu.dma_semaphore, #tpu.memory_space<semaphore_mem>>, %arg29: memref<!tpu.dma_semaphore, #tpu.memory_space<semaphore_mem>>, %arg30: memref<!tpu.dma_semaphore, #tpu.memory_space<semaphore_mem>>, %arg31: memref<!tpu.dma_semaphore, #tpu.memory_space<semaphore_mem>>, %arg32: memref<10000x128xf32, #tpu.memory_space<vmem_shared>>, %arg33: memref<10000xf32, #tpu.memory_space<vmem_shared>>) attributes {dimension_semantics = [#tpu.dimension_semantics<core_parallel>, #tpu.dimension_semantics<subcore_parallel>], iteration_bounds = array<i64: 2, 16>, scalar_prefetch = 0 : i64, scratch_operands = 26 : i64, tpu.core_type = #tpu.core_type<sc_vector_subcore>, window_params = [{transform_indices = #map}, {transform_indices = #map1}, {transform_indices = #map1}, {transform_indices = #map}, {transform_indices = #map}, {transform_indices = #map1}]} {
    %mul3A = arith.constant 2 : i32
    %mul3A_0 = arith.muli %arg1, %mul3A : i32
    %add3A = arith.addi %mul3A_0, %arg0 : i32
    %lt3A = arith.constant 8 : i32
    %lt3A_1 = arith.cmpi slt, %add3A, %lt3A : i32
    %jit3A = arith.constant 157 : i32
    %jit3A_2 = arith.constant 156 : i32
    %select_n3A = arith.select %lt3A_1, %jit3A, %jit3A_2 : i32
    %scan3A = arith.constant 0 : i32
    %scan3A_3 = arith.constant 0 : i32
    %scan3A_4 = arith.constant 4 : i32
    %scan3A_5 = arith.addi %scan3A_3, %scan3A_4 : i32
    %scan3A_6 = arith.constant 1 : i32
    scf.for %scan3A_105 = %scan3A_3 to %scan3A_5 step %scan3A_6  : i32 {
      %broadcast_in_dim3A = arith.constant 0.000000e+00 : f32
      %broadcast_in_dim3A_106 = vector.broadcast %broadcast_in_dim3A : f32 to vector<16xf32>
      %mul3A_107 = arith.constant 16 : i32
      %mul3A_108 = arith.muli %scan3A_105, %mul3A_107 : i32
      %swap3A = arith.index_cast %mul3A_108 : i32 to index
      %swap3A_109 = tpu.vector_load %arg20[%swap3A] {strides = array<i32>} : memref<64xf32, #tpu.memory_space<vmem>>, vector<16xf32>,
      %swap3A_110 = vector.shape_cast %swap3A_109 : vector<16xf32> to vector<16xf32>
      %swap3A_111 = vector.shape_cast %broadcast_in_dim3A_106 : vector<16xf32> to vector<16xf32>
      tpu.vector_store %arg20[%swap3A], %swap3A_111 {strides = array<i32>} : memref<64xf32, #tpu.memory_space<vmem>>, vector<16xf32>,
      %broadcast_in_dim3A_112 = arith.constant 1.000000e+00 : f32
      %broadcast_in_dim3A_113 = vector.broadcast %broadcast_in_dim3A_112 : f32 to vector<16xf32>
      %mul3A_114 = arith.constant 16 : i32
      %mul3A_115 = arith.muli %scan3A_105, %mul3A_114 : i32
      %swap3A_116 = arith.index_cast %mul3A_115 : i32 to index
      %swap3A_117 = tpu.vector_load %arg21[%swap3A_116] {strides = array<i32>} : memref<64xf32, #tpu.memory_space<vmem>>, vector<16xf32>,
      %swap3A_118 = vector.shape_cast %swap3A_117 : vector<16xf32> to vector<16xf32>
      %swap3A_119 = vector.shape_cast %broadcast_in_dim3A_113 : vector<16xf32> to vector<16xf32>
      tpu.vector_store %arg21[%swap3A_116], %swap3A_119 {strides = array<i32>} : memref<64xf32, #tpu.memory_space<vmem>>, vector<16xf32>,
    }
    %scan3A_7 = arith.constant 4 : i32
    %scan3A_8 = arith.constant 0 : i32
    %scan3A_9 = arith.constant 0 : i32
    %scan3A_10 = arith.constant 64 : i32
    %scan3A_11 = arith.addi %scan3A_9, %scan3A_10 : i32
    %scan3A_12 = arith.constant 1 : i32
    scf.for %scan3A_105 = %scan3A_9 to %scan3A_11 step %scan3A_12  : i32 {
      %broadcast_in_dim3A = arith.constant 0.000000e+00 : f32
      %broadcast_in_dim3A_106 = vector.broadcast %broadcast_in_dim3A : f32 to vector<16xf32>
      %swap3A = arith.index_cast %scan3A_105 : i32 to index
      %swap3A_107 = arith.constant 0 : index
      %swap3A_108 = tpu.vector_load %arg14[%swap3A, %swap3A_107] {strides = array<i32>} : memref<64x128xf32, #tpu.memory_space<vmem>>, vector<1x16xf32>,
      %swap3A_109 = vector.shape_cast %swap3A_108 : vector<1x16xf32> to vector<16xf32>
      %swap3A_110 = vector.shape_cast %broadcast_in_dim3A_106 : vector<16xf32> to vector<1x16xf32>
      tpu.vector_store %arg14[%swap3A, %swap3A_107], %swap3A_110 {strides = array<i32>} : memref<64x128xf32, #tpu.memory_space<vmem>>, vector<1x16xf32>,
      %broadcast_in_dim3A_111 = arith.constant 0.000000e+00 : f32
      %broadcast_in_dim3A_112 = vector.broadcast %broadcast_in_dim3A_111 : f32 to vector<16xf32>
      %swap3A_113 = arith.index_cast %scan3A_105 : i32 to index
      %swap3A_114 = arith.constant 16 : index
      %swap3A_115 = tpu.vector_load %arg14[%swap3A_113, %swap3A_114] {strides = array<i32>} : memref<64x128xf32, #tpu.memory_space<vmem>>, vector<1x16xf32>,
      %swap3A_116 = vector.shape_cast %swap3A_115 : vector<1x16xf32> to vector<16xf32>
      %swap3A_117 = vector.shape_cast %broadcast_in_dim3A_112 : vector<16xf32> to vector<1x16xf32>
      tpu.vector_store %arg14[%swap3A_113, %swap3A_114], %swap3A_117 {strides = array<i32>} : memref<64x128xf32, #tpu.memory_space<vmem>>, vector<1x16xf32>,
      %broadcast_in_dim3A_118 = arith.constant 0.000000e+00 : f32
      %broadcast_in_dim3A_119 = vector.broadcast %broadcast_in_dim3A_118 : f32 to vector<16xf32>
      %swap3A_120 = arith.index_cast %scan3A_105 : i32 to index
      %swap3A_121 = arith.constant 32 : index
      %swap3A_122 = tpu.vector_load %arg14[%swap3A_120, %swap3A_121] {strides = array<i32>} : memref<64x128xf32, #tpu.memory_space<vmem>>, vector<1x16xf32>,
      %swap3A_123 = vector.shape_cast %swap3A_122 : vector<1x16xf32> to vector<16xf32>
      %swap3A_124 = vector.shape_cast %broadcast_in_dim3A_119 : vector<16xf32> to vector<1x16xf32>
      tpu.vector_store %arg14[%swap3A_120, %swap3A_121], %swap3A_124 {strides = array<i32>} : memref<64x128xf32, #tpu.memory_space<vmem>>, vector<1x16xf32>,
      %broadcast_in_dim3A_125 = arith.constant 0.000000e+00 : f32
      %broadcast_in_dim3A_126 = vector.broadcast %broadcast_in_dim3A_125 : f32 to vector<16xf32>
      %swap3A_127 = arith.index_cast %scan3A_105 : i32 to index
      %swap3A_128 = arith.constant 48 : index
      %swap3A_129 = tpu.vector_load %arg14[%swap3A_127, %swap3A_128] {strides = array<i32>} : memref<64x128xf32, #tpu.memory_space<vmem>>, vector<1x16xf32>,
      %swap3A_130 = vector.shape_cast %swap3A_129 : vector<1x16xf32> to vector<16xf32>
      %swap3A_131 = vector.shape_cast %broadcast_in_dim3A_126 : vector<16xf32> to vector<1x16xf32>
      tpu.vector_store %arg14[%swap3A_127, %swap3A_128], %swap3A_131 {strides = array<i32>} : memref<64x128xf32, #tpu.memory_space<vmem>>, vector<1x16xf32>,
      %broadcast_in_dim3A_132 = arith.constant 0.000000e+00 : f32
      %broadcast_in_dim3A_133 = vector.broadcast %broadcast_in_dim3A_132 : f32 to vector<16xf32>
      %swap3A_134 = arith.index_cast %scan3A_105 : i32 to index
      %swap3A_135 = arith.constant 64 : index
      %swap3A_136 = tpu.vector_load %arg14[%swap3A_134, %swap3A_135] {strides = array<i32>} : memref<64x128xf32, #tpu.memory_space<vmem>>, vector<1x16xf32>,
      %swap3A_137 = vector.shape_cast %swap3A_136 : vector<1x16xf32> to vector<16xf32>
      %swap3A_138 = vector.shape_cast %broadcast_in_dim3A_133 : vector<16xf32> to vector<1x16xf32>
      tpu.vector_store %arg14[%swap3A_134, %swap3A_135], %swap3A_138 {strides = array<i32>} : memref<64x128xf32, #tpu.memory_space<vmem>>, vector<1x16xf32>,
      %broadcast_in_dim3A_139 = arith.constant 0.000000e+00 : f32
      %broadcast_in_dim3A_140 = vector.broadcast %broadcast_in_dim3A_139 : f32 to vector<16xf32>
      %swap3A_141 = arith.index_cast %scan3A_105 : i32 to index
      %swap3A_142 = arith.constant 80 : index
      %swap3A_143 = tpu.vector_load %arg14[%swap3A_141, %swap3A_142] {strides = array<i32>} : memref<64x128xf32, #tpu.memory_space<vmem>>, vector<1x16xf32>,
      %swap3A_144 = vector.shape_cast %swap3A_143 : vector<1x16xf32> to vector<16xf32>
      %swap3A_145 = vector.shape_cast %broadcast_in_dim3A_140 : vector<16xf32> to vector<1x16xf32>
      tpu.vector_store %arg14[%swap3A_141, %swap3A_142], %swap3A_145 {strides = array<i32>} : memref<64x128xf32, #tpu.memory_space<vmem>>, vector<1x16xf32>,
      %broadcast_in_dim3A_146 = arith.constant 0.000000e+00 : f32
      %broadcast_in_dim3A_147 = vector.broadcast %broadcast_in_dim3A_146 : f32 to vector<16xf32>
      %swap3A_148 = arith.index_cast %scan3A_105 : i32 to index
      %swap3A_149 = arith.constant 96 : index
      %swap3A_150 = tpu.vector_load %arg14[%swap3A_148, %swap3A_149] {strides = array<i32>} : memref<64x128xf32, #tpu.memory_space<vmem>>, vector<1x16xf32>,
      %swap3A_151 = vector.shape_cast %swap3A_150 : vector<1x16xf32> to vector<16xf32>
      %swap3A_152 = vector.shape_cast %broadcast_in_dim3A_147 : vector<16xf32> to vector<1x16xf32>
      tpu.vector_store %arg14[%swap3A_148, %swap3A_149], %swap3A_152 {strides = array<i32>} : memref<64x128xf32, #tpu.memory_space<vmem>>, vector<1x16xf32>,
      %broadcast_in_dim3A_153 = arith.constant 0.000000e+00 : f32
      %broadcast_in_dim3A_154 = vector.broadcast %broadcast_in_dim3A_153 : f32 to vector<16xf32>
      %swap3A_155 = arith.index_cast %scan3A_105 : i32 to index
      %swap3A_156 = arith.constant 112 : index
      %swap3A_157 = tpu.vector_load %arg14[%swap3A_155, %swap3A_156] {strides = array<i32>} : memref<64x128xf32, #tpu.memory_space<vmem>>, vector<1x16xf32>,
      %swap3A_158 = vector.shape_cast %swap3A_157 : vector<1x16xf32> to vector<16xf32>
      %swap3A_159 = vector.shape_cast %broadcast_in_dim3A_154 : vector<16xf32> to vector<1x16xf32>
      tpu.vector_store %arg14[%swap3A_155, %swap3A_156], %swap3A_159 {strides = array<i32>} : memref<64x128xf32, #tpu.memory_space<vmem>>, vector<1x16xf32>,
    }
    %scan3A_13 = arith.constant 64 : i32
    %scan3A_14 = arith.constant 0 : i32
    %scan3A_15 = arith.constant 0 : i32
    %scan3A_16 = arith.constant 10 : i32
    %scan3A_17 = arith.addi %scan3A_15, %scan3A_16 : i32
    %scan3A_18 = arith.constant 1 : i32
    scf.for %scan3A_105 = %scan3A_15 to %scan3A_17 step %scan3A_18  : i32 {
      %mul3A_106 = arith.constant 16 : i32
      %mul3A_107 = arith.muli %scan3A_105, %mul3A_106 : i32
      %add3A_108 = arith.addi %arg1, %mul3A_107 : i32
      %lt3A_109 = arith.constant 156 : i32
      %lt3A_110 = arith.cmpi slt, %add3A_108, %lt3A_109 : i32
      %convert_element_type3A_111 = arith.extui %lt3A_110 : i1 to i32
      %cond3A_112 = arith.constant 0 : i32
      %cond3A_113 = arith.cmpi ne, %convert_element_type3A_111, %cond3A_112 : i32
      scf.if %cond3A_113 {
        %mul3A_114 = arith.constant 64 : i32
        %mul3A_115 = arith.muli %add3A_108, %mul3A_114 : i32
        "tpu.region"() ({
          %run_scoped3A = tpu.sem_alloc : memref<!tpu.dma_semaphore, #tpu.memory_space<semaphore_mem>>
          %dma_start3A_118 = arith.constant 0 : i32
          %dma_start3A_119 = tpu.memref_slice %arg32[%mul3A_115, %dma_start3A_118] : memref<10000x128xf32, #tpu.memory_space<vmem_shared>> -> memref<64x128xf32, #tpu.memory_space<vmem_shared>>
          %dma_start3A_120 = arith.constant 0 : i32
          %dma_start3A_121 = tpu.memref_slice %arg32[%mul3A_115, %dma_start3A_120] : memref<10000x128xf32, #tpu.memory_space<vmem_shared>> -> memref<64x128xf32, #tpu.memory_space<vmem_shared>>
          tpu.enqueue_dma source(%arg14 : memref<64x128xf32, #tpu.memory_space<vmem>>) target(%dma_start3A_121 : memref<64x128xf32, #tpu.memory_space<vmem_shared>>) target_semaphore(%run_scoped3A : memref<!tpu.dma_semaphore, #tpu.memory_space<semaphore_mem>>)
          %dma_wait3A_122 = arith.constant 0 : i32
          %dma_wait3A_123 = tpu.memref_slice %arg32[%mul3A_115, %dma_wait3A_122] : memref<10000x128xf32, #tpu.memory_space<vmem_shared>> -> memref<64x128xf32, #tpu.memory_space<vmem_shared>>
          %dma_wait3A_124 = arith.constant 0 : i32
          %dma_wait3A_125 = tpu.memref_slice %arg32[%mul3A_115, %dma_wait3A_124] : memref<10000x128xf32, #tpu.memory_space<vmem_shared>> -> memref<64x128xf32, #tpu.memory_space<vmem_shared>>
          tpu.wait_dma2 semaphore(%run_scoped3A : memref<!tpu.dma_semaphore, #tpu.memory_space<semaphore_mem>>) src(%arg14 : memref<64x128xf32, #tpu.memory_space<vmem>>) dst(%dma_wait3A_125 : memref<64x128xf32, #tpu.memory_space<vmem_shared>>)
          tpu.yield
        }) : () -> ()
        %mul3A_116 = arith.constant 64 : i32
        %mul3A_117 = arith.muli %add3A_108, %mul3A_116 : i32
        "tpu.region"() ({
          %run_scoped3A = tpu.sem_alloc : memref<!tpu.dma_semaphore, #tpu.memory_space<semaphore_mem>>
          %dma_start3A_118 = tpu.memref_slice %arg33[%mul3A_117] : memref<10000xf32, #tpu.memory_space<vmem_shared>> -> memref<64xf32, #tpu.memory_space<vmem_shared>>
          %dma_start3A_119 = tpu.memref_slice %arg33[%mul3A_117] : memref<10000xf32, #tpu.memory_space<vmem_shared>> -> memref<64xf32, #tpu.memory_space<vmem_shared>>
          tpu.enqueue_dma source(%arg20 : memref<64xf32, #tpu.memory_space<vmem>>) target(%dma_start3A_119 : memref<64xf32, #tpu.memory_space<vmem_shared>>) target_semaphore(%run_scoped3A : memref<!tpu.dma_semaphore, #tpu.memory_space<semaphore_mem>>)
          %dma_wait3A_120 = tpu.memref_slice %arg33[%mul3A_117] : memref<10000xf32, #tpu.memory_space<vmem_shared>> -> memref<64xf32, #tpu.memory_space<vmem_shared>>
          %dma_wait3A_121 = tpu.memref_slice %arg33[%mul3A_117] : memref<10000xf32, #tpu.memory_space<vmem_shared>> -> memref<64xf32, #tpu.memory_space<vmem_shared>>
          tpu.wait_dma2 semaphore(%run_scoped3A : memref<!tpu.dma_semaphore, #tpu.memory_space<semaphore_mem>>) src(%arg20 : memref<64xf32, #tpu.memory_space<vmem>>) dst(%dma_wait3A_121 : memref<64xf32, #tpu.memory_space<vmem_shared>>)
          tpu.yield
        }) : () -> ()
      } else {
      }
    }
    %scan3A_19 = arith.constant 10 : i32
    %eq3A = arith.constant 0 : i32
    %eq3A_20 = arith.cmpi eq, %arg1, %eq3A : i32
    %convert_element_type3A = arith.extui %eq3A_20 : i1 to i32
    %cond3A = arith.constant 0 : i32
    %cond3A_21 = arith.cmpi ne, %convert_element_type3A, %cond3A : i32
    scf.if %cond3A_21 {
      "tpu.region"() ({
        %run_scoped3A = tpu.sem_alloc : memref<!tpu.dma_semaphore, #tpu.memory_space<semaphore_mem>>
        %dma_start3A_105 = arith.constant 0 : i32
        %dma_start3A_106 = arith.constant 0 : i32
        %dma_start3A_107 = tpu.memref_slice %arg14[%dma_start3A_105, %dma_start3A_106] : memref<64x128xf32, #tpu.memory_space<vmem>> -> memref<16x128xf32, #tpu.memory_space<vmem>>
        %dma_start3A_108 = arith.constant 9984 : i32
        %dma_start3A_109 = arith.constant 0 : i32
        %dma_start3A_110 = tpu.memref_slice %arg32[%dma_start3A_108, %dma_start3A_109] : memref<10000x128xf32, #tpu.memory_space<vmem_shared>> -> memref<16x128xf32, #tpu.memory_space<vmem_shared>>
        %dma_start3A_111 = arith.constant 9984 : i32
        %dma_start3A_112 = arith.constant 0 : i32
        %dma_start3A_113 = tpu.memref_slice %arg32[%dma_start3A_111, %dma_start3A_112] : memref<10000x128xf32, #tpu.memory_space<vmem_shared>> -> memref<16x128xf32, #tpu.memory_space<vmem_shared>>
        %dma_start3A_114 = arith.constant 0 : i32
        %dma_start3A_115 = arith.constant 0 : i32
        %dma_start3A_116 = tpu.memref_slice %arg14[%dma_start3A_114, %dma_start3A_115] : memref<64x128xf32, #tpu.memory_space<vmem>> -> memref<16x128xf32, #tpu.memory_space<vmem>>
        tpu.enqueue_dma source(%dma_start3A_116 : memref<16x128xf32, #tpu.memory_space<vmem>>) target(%dma_start3A_113 : memref<16x128xf32, #tpu.memory_space<vmem_shared>>) target_semaphore(%run_scoped3A : memref<!tpu.dma_semaphore, #tpu.memory_space<semaphore_mem>>)
        %dma_wait3A_117 = arith.constant 0 : i32
        %dma_wait3A_118 = arith.constant 0 : i32
        %dma_wait3A_119 = tpu.memref_slice %arg14[%dma_wait3A_117, %dma_wait3A_118] : memref<64x128xf32, #tpu.memory_space<vmem>> -> memref<16x128xf32, #tpu.memory_space<vmem>>
        %dma_wait3A_120 = arith.constant 9984 : i32
        %dma_wait3A_121 = arith.constant 0 : i32
        %dma_wait3A_122 = tpu.memref_slice %arg32[%dma_wait3A_120, %dma_wait3A_121] : memref<10000x128xf32, #tpu.memory_space<vmem_shared>> -> memref<16x128xf32, #tpu.memory_space<vmem_shared>>
        %dma_wait3A_123 = arith.constant 9984 : i32
        %dma_wait3A_124 = arith.constant 0 : i32
        %dma_wait3A_125 = tpu.memref_slice %arg32[%dma_wait3A_123, %dma_wait3A_124] : memref<10000x128xf32, #tpu.memory_space<vmem_shared>> -> memref<16x128xf32, #tpu.memory_space<vmem_shared>>
        %dma_wait3A_126 = arith.constant 0 : i32
        %dma_wait3A_127 = arith.constant 0 : i32
        %dma_wait3A_128 = tpu.memref_slice %arg14[%dma_wait3A_126, %dma_wait3A_127] : memref<64x128xf32, #tpu.memory_space<vmem>> -> memref<16x128xf32, #tpu.memory_space<vmem>>
        tpu.wait_dma2 semaphore(%run_scoped3A : memref<!tpu.dma_semaphore, #tpu.memory_space<semaphore_mem>>) src(%dma_wait3A_128 : memref<16x128xf32, #tpu.memory_space<vmem>>) dst(%dma_wait3A_125 : memref<16x128xf32, #tpu.memory_space<vmem_shared>>)
        tpu.yield
      }) : () -> ()
      "tpu.region"() ({
        %run_scoped3A = tpu.sem_alloc : memref<!tpu.dma_semaphore, #tpu.memory_space<semaphore_mem>>
        %dma_start3A_105 = arith.constant 0 : i32
        %dma_start3A_106 = tpu.memref_slice %arg20[%dma_start3A_105] : memref<64xf32, #tpu.memory_space<vmem>> -> memref<16xf32, #tpu.memory_space<vmem>>
        %dma_start3A_107 = arith.constant 9984 : i32
        %dma_start3A_108 = tpu.memref_slice %arg33[%dma_start3A_107] : memref<10000xf32, #tpu.memory_space<vmem_shared>> -> memref<16xf32, #tpu.memory_space<vmem_shared>>
        %dma_start3A_109 = arith.constant 9984 : i32
        %dma_start3A_110 = tpu.memref_slice %arg33[%dma_start3A_109] : memref<10000xf32, #tpu.memory_space<vmem_shared>> -> memref<16xf32, #tpu.memory_space<vmem_shared>>
        %dma_start3A_111 = arith.constant 0 : i32
        %dma_start3A_112 = tpu.memref_slice %arg20[%dma_start3A_111] : memref<64xf32, #tpu.memory_space<vmem>> -> memref<16xf32, #tpu.memory_space<vmem>>
        tpu.enqueue_dma source(%dma_start3A_112 : memref<16xf32, #tpu.memory_space<vmem>>) target(%dma_start3A_110 : memref<16xf32, #tpu.memory_space<vmem_shared>>) target_semaphore(%run_scoped3A : memref<!tpu.dma_semaphore, #tpu.memory_space<semaphore_mem>>)
        %dma_wait3A_113 = arith.constant 0 : i32
        %dma_wait3A_114 = tpu.memref_slice %arg20[%dma_wait3A_113] : memref<64xf32, #tpu.memory_space<vmem>> -> memref<16xf32, #tpu.memory_space<vmem>>
        %dma_wait3A_115 = arith.constant 9984 : i32
        %dma_wait3A_116 = tpu.memref_slice %arg33[%dma_wait3A_115] : memref<10000xf32, #tpu.memory_space<vmem_shared>> -> memref<16xf32, #tpu.memory_space<vmem_shared>>
        %dma_wait3A_117 = arith.constant 9984 : i32
        %dma_wait3A_118 = tpu.memref_slice %arg33[%dma_wait3A_117] : memref<10000xf32, #tpu.memory_space<vmem_shared>> -> memref<16xf32, #tpu.memory_space<vmem_shared>>
        %dma_wait3A_119 = arith.constant 0 : i32
        %dma_wait3A_120 = tpu.memref_slice %arg20[%dma_wait3A_119] : memref<64xf32, #tpu.memory_space<vmem>> -> memref<16xf32, #tpu.memory_space<vmem>>
        tpu.wait_dma2 semaphore(%run_scoped3A : memref<!tpu.dma_semaphore, #tpu.memory_space<semaphore_mem>>) src(%dma_wait3A_120 : memref<16xf32, #tpu.memory_space<vmem>>) dst(%dma_wait3A_118 : memref<16xf32, #tpu.memory_space<vmem_shared>>)
        tpu.yield
      }) : () -> ()
    } else {
    }
    %barrier3A = arith.constant 0 : index
    tpu.barrier barrier_id(%barrier3A)
    %add3A_22 = arith.constant 0 : i32
    %add3A_23 = arith.addi %add3A_22, %add3A : i32
    %mul3A_24 = arith.constant 64 : i32
    %mul3A_25 = arith.muli %add3A_23, %mul3A_24 : i32
    %dma_start3A = tpu.memref_slice %arg3[%mul3A_25] : memref<320000xi32, #tpu.memory_space<hbm>> -> memref<64xi32, #tpu.memory_space<hbm>>
    %dma_start3A_26 = tpu.memref_slice %arg3[%mul3A_25] : memref<320000xi32, #tpu.memory_space<hbm>> -> memref<64xi32, #tpu.memory_space<hbm>>
    tpu.enqueue_dma source(%dma_start3A_26 : memref<64xi32, #tpu.memory_space<hbm>>) target(%arg8 : memref<64xi32, #tpu.memory_space<vmem>>) target_semaphore(%arg23 : memref<!tpu.dma_semaphore, #tpu.memory_space<semaphore_mem>>)
    %dma_start3A_27 = tpu.memref_slice %arg4[%mul3A_25] : memref<320000xi32, #tpu.memory_space<hbm>> -> memref<64xi32, #tpu.memory_space<hbm>>
    %dma_start3A_28 = tpu.memref_slice %arg4[%mul3A_25] : memref<320000xi32, #tpu.memory_space<hbm>> -> memref<64xi32, #tpu.memory_space<hbm>>
    tpu.enqueue_dma source(%dma_start3A_28 : memref<64xi32, #tpu.memory_space<hbm>>) target(%arg11 : memref<64xi32, #tpu.memory_space<vmem>>) target_semaphore(%arg23 : memref<!tpu.dma_semaphore, #tpu.memory_space<semaphore_mem>>)
    %dma_start3A_29 = arith.constant 0 : i32
    %dma_start3A_30 = tpu.memref_slice %arg5[%mul3A_25, %dma_start3A_29] : memref<320000x128xf32, #tpu.memory_space<hbm>> -> memref<64x128xf32, #tpu.memory_space<hbm>>
    %dma_start3A_31 = arith.constant 0 : i32
    %dma_start3A_32 = tpu.memref_slice %arg5[%mul3A_25, %dma_start3A_31] : memref<320000x128xf32, #tpu.memory_space<hbm>> -> memref<64x128xf32, #tpu.memory_space<hbm>>
    tpu.enqueue_dma source(%dma_start3A_32 : memref<64x128xf32, #tpu.memory_space<hbm>>) target(%arg14 : memref<64x128xf32, #tpu.memory_space<vmem>>) target_semaphore(%arg23 : memref<!tpu.dma_semaphore, #tpu.memory_space<semaphore_mem>>)
    %add3A_33 = arith.constant 32 : i32
    %add3A_34 = arith.addi %add3A_33, %add3A : i32
    %mul3A_35 = arith.constant 64 : i32
    %mul3A_36 = arith.muli %add3A_34, %mul3A_35 : i32
    %dma_start3A_37 = tpu.memref_slice %arg3[%mul3A_36] : memref<320000xi32, #tpu.memory_space<hbm>> -> memref<64xi32, #tpu.memory_space<hbm>>
    %dma_start3A_38 = tpu.memref_slice %arg3[%mul3A_36] : memref<320000xi32, #tpu.memory_space<hbm>> -> memref<64xi32, #tpu.memory_space<hbm>>
    tpu.enqueue_dma source(%dma_start3A_38 : memref<64xi32, #tpu.memory_space<hbm>>) target(%arg9 : memref<64xi32, #tpu.memory_space<vmem>>) target_semaphore(%arg24 : memref<!tpu.dma_semaphore, #tpu.memory_space<semaphore_mem>>)
    %dma_start3A_39 = tpu.memref_slice %arg4[%mul3A_36] : memref<320000xi32, #tpu.memory_space<hbm>> -> memref<64xi32, #tpu.memory_space<hbm>>
    %dma_start3A_40 = tpu.memref_slice %arg4[%mul3A_36] : memref<320000xi32, #tpu.memory_space<hbm>> -> memref<64xi32, #tpu.memory_space<hbm>>
    tpu.enqueue_dma source(%dma_start3A_40 : memref<64xi32, #tpu.memory_space<hbm>>) target(%arg12 : memref<64xi32, #tpu.memory_space<vmem>>) target_semaphore(%arg24 : memref<!tpu.dma_semaphore, #tpu.memory_space<semaphore_mem>>)
    %dma_start3A_41 = arith.constant 0 : i32
    %dma_start3A_42 = tpu.memref_slice %arg5[%mul3A_36, %dma_start3A_41] : memref<320000x128xf32, #tpu.memory_space<hbm>> -> memref<64x128xf32, #tpu.memory_space<hbm>>
    %dma_start3A_43 = arith.constant 0 : i32
    %dma_start3A_44 = tpu.memref_slice %arg5[%mul3A_36, %dma_start3A_43] : memref<320000x128xf32, #tpu.memory_space<hbm>> -> memref<64x128xf32, #tpu.memory_space<hbm>>
    tpu.enqueue_dma source(%dma_start3A_44 : memref<64x128xf32, #tpu.memory_space<hbm>>) target(%arg15 : memref<64x128xf32, #tpu.memory_space<vmem>>) target_semaphore(%arg24 : memref<!tpu.dma_semaphore, #tpu.memory_space<semaphore_mem>>)
    %dma_wait3A = arith.constant 0 : i32
    %dma_wait3A_45 = tpu.memref_slice %arg3[%dma_wait3A] : memref<320000xi32, #tpu.memory_space<hbm>> -> memref<64xi32, #tpu.memory_space<hbm>>
    %dma_wait3A_46 = arith.constant 0 : i32
    %dma_wait3A_47 = tpu.memref_slice %arg3[%dma_wait3A_46] : memref<320000xi32, #tpu.memory_space<hbm>> -> memref<64xi32, #tpu.memory_space<hbm>>
    tpu.wait_dma2 semaphore(%arg23 : memref<!tpu.dma_semaphore, #tpu.memory_space<semaphore_mem>>) src(%dma_wait3A_47 : memref<64xi32, #tpu.memory_space<hbm>>) dst(%arg8 : memref<64xi32, #tpu.memory_space<vmem>>)
    %dma_wait3A_48 = arith.constant 0 : i32
    %dma_wait3A_49 = tpu.memref_slice %arg4[%dma_wait3A_48] : memref<320000xi32, #tpu.memory_space<hbm>> -> memref<64xi32, #tpu.memory_space<hbm>>
    %dma_wait3A_50 = arith.constant 0 : i32
    %dma_wait3A_51 = tpu.memref_slice %arg4[%dma_wait3A_50] : memref<320000xi32, #tpu.memory_space<hbm>> -> memref<64xi32, #tpu.memory_space<hbm>>
    tpu.wait_dma2 semaphore(%arg23 : memref<!tpu.dma_semaphore, #tpu.memory_space<semaphore_mem>>) src(%dma_wait3A_51 : memref<64xi32, #tpu.memory_space<hbm>>) dst(%arg11 : memref<64xi32, #tpu.memory_space<vmem>>)
    %dma_wait3A_52 = arith.constant 0 : i32
    %dma_wait3A_53 = arith.constant 0 : i32
    %dma_wait3A_54 = tpu.memref_slice %arg5[%dma_wait3A_52, %dma_wait3A_53] : memref<320000x128xf32, #tpu.memory_space<hbm>> -> memref<64x128xf32, #tpu.memory_space<hbm>>
    %dma_wait3A_55 = arith.constant 0 : i32
    %dma_wait3A_56 = arith.constant 0 : i32
    %dma_wait3A_57 = tpu.memref_slice %arg5[%dma_wait3A_55, %dma_wait3A_56] : memref<320000x128xf32, #tpu.memory_space<hbm>> -> memref<64x128xf32, #tpu.memory_space<hbm>>
    tpu.wait_dma2 semaphore(%arg23 : memref<!tpu.dma_semaphore, #tpu.memory_space<semaphore_mem>>) src(%dma_wait3A_57 : memref<64x128xf32, #tpu.memory_space<hbm>>) dst(%arg14 : memref<64x128xf32, #tpu.memory_space<vmem>>)
    %dma_start3A_58 = arith.constant 0 : i32
    %dma_start3A_59 = arith.constant 0 : i32
    %dma_start3A_60 = tpu.memref_slice %arg2[%dma_start3A_58, %dma_start3A_59] : memref<10000x128xf32, #tpu.memory_space<hbm>> -> memref<10000x128xf32, #tpu.memory_space<hbm>>
    tpu.enqueue_indirect_dma source(%dma_start3A_60 : memref<10000x128xf32, #tpu.memory_space<hbm>>) target(%arg17 : memref<64x128xf32, #tpu.memory_space<vmem>>) offsets(%arg8 : memref<64xi32, #tpu.memory_space<vmem>>) semaphore(%arg26 : memref<!tpu.dma_semaphore, #tpu.memory_space<semaphore_mem>>)
    %scan3A_61 = arith.constant 0 : i32
    %scan3A_62 = arith.constant 0 : i32
    %scan3A_63 = arith.constant 53 : i32
    %scan3A_64 = arith.addi %scan3A_62, %scan3A_63 : i32
    %scan3A_65 = arith.constant 1 : i32
    scf.for %scan3A_105 = %scan3A_62 to %scan3A_64 step %scan3A_65  : i32 {
      %mul3A_106 = arith.constant 3 : i32
      %mul3A_107 = arith.muli %scan3A_105, %mul3A_106 : i32
      %add3A_108 = arith.constant 0 : i32
      %add3A_109 = arith.addi %mul3A_107, %add3A_108 : i32
      %lt3A_110 = arith.cmpi slt, %add3A_109, %select_n3A : i32
      %convert_element_type3A_111 = arith.extui %lt3A_110 : i1 to i32
      %cond3A_112 = arith.constant 0 : i32
      %cond3A_113 = arith.cmpi ne, %convert_element_type3A_111, %cond3A_112 : i32
      scf.if %cond3A_113 {
        %add3A_130 = arith.constant 1 : i32
        %add3A_131 = arith.addi %add3A_109, %add3A_130 : i32
        %lt3A_132 = arith.cmpi slt, %add3A_131, %select_n3A : i32
        %convert_element_type3A_133 = arith.extui %lt3A_132 : i1 to i32
        %cond3A_134 = arith.constant 0 : i32
        %cond3A_135 = arith.cmpi ne, %convert_element_type3A_133, %cond3A_134 : i32
        scf.if %cond3A_135 {
          %dma_wait3A_162 = arith.constant 0 : i32
          %dma_wait3A_163 = tpu.memref_slice %arg3[%dma_wait3A_162] : memref<320000xi32, #tpu.memory_space<hbm>> -> memref<64xi32, #tpu.memory_space<hbm>>
          %dma_wait3A_164 = arith.constant 0 : i32
          %dma_wait3A_165 = tpu.memref_slice %arg3[%dma_wait3A_164] : memref<320000xi32, #tpu.memory_space<hbm>> -> memref<64xi32, #tpu.memory_space<hbm>>
          tpu.wait_dma2 semaphore(%arg24 : memref<!tpu.dma_semaphore, #tpu.memory_space<semaphore_mem>>) src(%dma_wait3A_165 : memref<64xi32, #tpu.memory_space<hbm>>) dst(%arg9 : memref<64xi32, #tpu.memory_space<vmem>>)
          %dma_wait3A_166 = arith.constant 0 : i32
          %dma_wait3A_167 = tpu.memref_slice %arg4[%dma_wait3A_166] : memref<320000xi32, #tpu.memory_space<hbm>> -> memref<64xi32, #tpu.memory_space<hbm>>
          %dma_wait3A_168 = arith.constant 0 : i32
          %dma_wait3A_169 = tpu.memref_slice %arg4[%dma_wait3A_168] : memref<320000xi32, #tpu.memory_space<hbm>> -> memref<64xi32, #tpu.memory_space<hbm>>
          tpu.wait_dma2 semaphore(%arg24 : memref<!tpu.dma_semaphore, #tpu.memory_space<semaphore_mem>>) src(%dma_wait3A_169 : memref<64xi32, #tpu.memory_space<hbm>>) dst(%arg12 : memref<64xi32, #tpu.memory_space<vmem>>)
          %dma_wait3A_170 = arith.constant 0 : i32
          %dma_wait3A_171 = arith.constant 0 : i32
          %dma_wait3A_172 = tpu.memref_slice %arg5[%dma_wait3A_170, %dma_wait3A_171] : memref<320000x128xf32, #tpu.memory_space<hbm>> -> memref<64x128xf32, #tpu.memory_space<hbm>>
          %dma_wait3A_173 = arith.constant 0 : i32
          %dma_wait3A_174 = arith.constant 0 : i32
          %dma_wait3A_175 = tpu.memref_slice %arg5[%dma_wait3A_173, %dma_wait3A_174] : memref<320000x128xf32, #tpu.memory_space<hbm>> -> memref<64x128xf32, #tpu.memory_space<hbm>>
          tpu.wait_dma2 semaphore(%arg24 : memref<!tpu.dma_semaphore, #tpu.memory_space<semaphore_mem>>) src(%dma_wait3A_175 : memref<64x128xf32, #tpu.memory_space<hbm>>) dst(%arg15 : memref<64x128xf32, #tpu.memory_space<vmem>>)
          %dma_start3A_176 = arith.constant 0 : i32
          %dma_start3A_177 = arith.constant 0 : i32
          %dma_start3A_178 = tpu.memref_slice %arg2[%dma_start3A_176, %dma_start3A_177] : memref<10000x128xf32, #tpu.memory_space<hbm>> -> memref<10000x128xf32, #tpu.memory_space<hbm>>
          tpu.enqueue_indirect_dma source(%dma_start3A_178 : memref<10000x128xf32, #tpu.memory_space<hbm>>) target(%arg18 : memref<64x128xf32, #tpu.memory_space<vmem>>) offsets(%arg9 : memref<64xi32, #tpu.memory_space<vmem>>) semaphore(%arg27 : memref<!tpu.dma_semaphore, #tpu.memory_space<semaphore_mem>>)
        } else {
        }
        %ge3A = arith.constant 1 : i32
        %ge3A_136 = arith.cmpi sge, %add3A_109, %ge3A : i32
        %convert_element_type3A_137 = arith.extui %ge3A_136 : i1 to i32
        %cond3A_138 = arith.constant 0 : i32
        %cond3A_139 = arith.cmpi ne, %convert_element_type3A_137, %cond3A_138 : i32
        scf.if %cond3A_139 {
          %dma_wait3A_162 = arith.constant 0 : i32
          %dma_wait3A_163 = arith.constant 0 : i32
          %dma_wait3A_164 = tpu.memref_slice %arg32[%dma_wait3A_162, %dma_wait3A_163] : memref<10000x128xf32, #tpu.memory_space<vmem_shared>> -> memref<10000x128xf32, #tpu.memory_space<vmem_shared>>
          tpu.wait_indirect_dma semaphore(%arg31 : memref<!tpu.dma_semaphore, #tpu.memory_space<semaphore_mem>>) src(%arg16 : memref<64x128xf32, #tpu.memory_space<vmem>>) dst(%dma_wait3A_164 : memref<10000x128xf32, #tpu.memory_space<vmem_shared>>)
          %dma_wait3A_165 = arith.constant 0 : i32
          %dma_wait3A_166 = tpu.memref_slice %arg33[%dma_wait3A_165] : memref<10000xf32, #tpu.memory_space<vmem_shared>> -> memref<10000xf32, #tpu.memory_space<vmem_shared>>
          tpu.wait_indirect_dma semaphore(%arg31 : memref<!tpu.dma_semaphore, #tpu.memory_space<semaphore_mem>>) src(%arg21 : memref<64xf32, #tpu.memory_space<vmem>>) dst(%dma_wait3A_166 : memref<10000xf32, #tpu.memory_space<vmem_shared>>)
        } else {
        }
        %add3A_140 = arith.constant 3 : i32
        %add3A_141 = arith.addi %add3A_109, %add3A_140 : i32
        %sub3A_142 = arith.constant 1 : i32
        %sub3A_143 = arith.subi %add3A_141, %sub3A_142 : i32
        %lt3A_144 = arith.cmpi slt, %sub3A_143, %select_n3A : i32
        %convert_element_type3A_145 = arith.extui %lt3A_144 : i1 to i32
        %cond3A_146 = arith.constant 0 : i32
        %cond3A_147 = arith.cmpi ne, %convert_element_type3A_145, %cond3A_146 : i32
        scf.if %cond3A_147 {
          %add3A_162 = arith.constant 3 : i32
          %add3A_163 = arith.addi %add3A_109, %add3A_162 : i32
          %sub3A_164 = arith.constant 1 : i32
          %sub3A_165 = arith.subi %add3A_163, %sub3A_164 : i32
          %mul3A_166 = arith.constant 32 : i32
          %mul3A_167 = arith.muli %sub3A_165, %mul3A_166 : i32
          %add3A_168 = arith.addi %mul3A_167, %add3A : i32
          %mul3A_169 = arith.constant 64 : i32
          %mul3A_170 = arith.muli %add3A_168, %mul3A_169 : i32
          %dma_start3A_171 = tpu.memref_slice %arg3[%mul3A_170] : memref<320000xi32, #tpu.memory_space<hbm>> -> memref<64xi32, #tpu.memory_space<hbm>>
          %dma_start3A_172 = tpu.memref_slice %arg3[%mul3A_170] : memref<320000xi32, #tpu.memory_space<hbm>> -> memref<64xi32, #tpu.memory_space<hbm>>
          tpu.enqueue_dma source(%dma_start3A_172 : memref<64xi32, #tpu.memory_space<hbm>>) target(%arg10 : memref<64xi32, #tpu.memory_space<vmem>>) target_semaphore(%arg25 : memref<!tpu.dma_semaphore, #tpu.memory_space<semaphore_mem>>)
          %dma_start3A_173 = tpu.memref_slice %arg4[%mul3A_170] : memref<320000xi32, #tpu.memory_space<hbm>> -> memref<64xi32, #tpu.memory_space<hbm>>
          %dma_start3A_174 = tpu.memref_slice %arg4[%mul3A_170] : memref<320000xi32, #tpu.memory_space<hbm>> -> memref<64xi32, #tpu.memory_space<hbm>>
          tpu.enqueue_dma source(%dma_start3A_174 : memref<64xi32, #tpu.memory_space<hbm>>) target(%arg13 : memref<64xi32, #tpu.memory_space<vmem>>) target_semaphore(%arg25 : memref<!tpu.dma_semaphore, #tpu.memory_space<semaphore_mem>>)
          %dma_start3A_175 = arith.constant 0 : i32
          %dma_start3A_176 = tpu.memref_slice %arg5[%mul3A_170, %dma_start3A_175] : memref<320000x128xf32, #tpu.memory_space<hbm>> -> memref<64x128xf32, #tpu.memory_space<hbm>>
          %dma_start3A_177 = arith.constant 0 : i32
          %dma_start3A_178 = tpu.memref_slice %arg5[%mul3A_170, %dma_start3A_177] : memref<320000x128xf32, #tpu.memory_space<hbm>> -> memref<64x128xf32, #tpu.memory_space<hbm>>
          tpu.enqueue_dma source(%dma_start3A_178 : memref<64x128xf32, #tpu.memory_space<hbm>>) target(%arg16 : memref<64x128xf32, #tpu.memory_space<vmem>>) target_semaphore(%arg25 : memref<!tpu.dma_semaphore, #tpu.memory_space<semaphore_mem>>)
        } else {
        }
        %dma_wait3A_148 = arith.constant 0 : i32
        %dma_wait3A_149 = arith.constant 0 : i32
        %dma_wait3A_150 = tpu.memref_slice %arg2[%dma_wait3A_148, %dma_wait3A_149] : memref<10000x128xf32, #tpu.memory_space<hbm>> -> memref<10000x128xf32, #tpu.memory_space<hbm>>
        tpu.wait_indirect_dma semaphore(%arg26 : memref<!tpu.dma_semaphore, #tpu.memory_space<semaphore_mem>>) src(%dma_wait3A_150 : memref<10000x128xf32, #tpu.memory_space<hbm>>) dst(%arg17 : memref<64x128xf32, #tpu.memory_space<vmem>>)
        %scan3A_151 = arith.constant 0 : i32
        %scan3A_152 = arith.constant 0 : i32
        %scan3A_153 = arith.constant 64 : i32
        %scan3A_154 = arith.addi %scan3A_152, %scan3A_153 : i32
        %scan3A_155 = arith.constant 1 : i32
        scf.for %scan3A_162 = %scan3A_152 to %scan3A_154 step %scan3A_155  : i32 {
          %get3A = arith.index_cast %scan3A_162 : i32 to index
          %get3A_163 = arith.constant 0 : index
          %get3A_164 = tpu.vector_load %arg17[%get3A, %get3A_163] {strides = array<i32>} : memref<64x128xf32, #tpu.memory_space<vmem>>, vector<1x16xf32>,
          %get3A_165 = vector.shape_cast %get3A_164 : vector<1x16xf32> to vector<16xf32>
          %get3A_166 = arith.index_cast %scan3A_162 : i32 to index
          %get3A_167 = arith.constant 0 : index
          %get3A_168 = tpu.vector_load %arg14[%get3A_166, %get3A_167] {strides = array<i32>} : memref<64x128xf32, #tpu.memory_space<vmem>>, vector<1x16xf32>,
          %get3A_169 = vector.shape_cast %get3A_168 : vector<1x16xf32> to vector<16xf32>
          %mul3A_170 = arith.mulf %get3A_165, %get3A_169 : vector<16xf32>
          %swap3A = arith.index_cast %scan3A_162 : i32 to index
          %swap3A_171 = arith.constant 0 : index
          %swap3A_172 = tpu.vector_load %arg14[%swap3A, %swap3A_171] {strides = array<i32>} : memref<64x128xf32, #tpu.memory_space<vmem>>, vector<1x16xf32>,
          %swap3A_173 = vector.shape_cast %swap3A_172 : vector<1x16xf32> to vector<16xf32>
          %swap3A_174 = vector.shape_cast %mul3A_170 : vector<16xf32> to vector<1x16xf32>
          tpu.vector_store %arg14[%swap3A, %swap3A_171], %swap3A_174 {strides = array<i32>} : memref<64x128xf32, #tpu.memory_space<vmem>>, vector<1x16xf32>,
          %get3A_175 = arith.index_cast %scan3A_162 : i32 to index
          %get3A_176 = arith.constant 16 : index
          %get3A_177 = tpu.vector_load %arg17[%get3A_175, %get3A_176] {strides = array<i32>} : memref<64x128xf32, #tpu.memory_space<vmem>>, vector<1x16xf32>,
          %get3A_178 = vector.shape_cast %get3A_177 : vector<1x16xf32> to vector<16xf32>
          %get3A_179 = arith.index_cast %scan3A_162 : i32 to index
          %get3A_180 = arith.constant 16 : index
          %get3A_181 = tpu.vector_load %arg14[%get3A_179, %get3A_180] {strides = array<i32>} : memref<64x128xf32, #tpu.memory_space<vmem>>, vector<1x16xf32>,
          %get3A_182 = vector.shape_cast %get3A_181 : vector<1x16xf32> to vector<16xf32>
          %mul3A_183 = arith.mulf %get3A_178, %get3A_182 : vector<16xf32>
          %swap3A_184 = arith.index_cast %scan3A_162 : i32 to index
          %swap3A_185 = arith.constant 16 : index
          %swap3A_186 = tpu.vector_load %arg14[%swap3A_184, %swap3A_185] {strides = array<i32>} : memref<64x128xf32, #tpu.memory_space<vmem>>, vector<1x16xf32>,
          %swap3A_187 = vector.shape_cast %swap3A_186 : vector<1x16xf32> to vector<16xf32>
          %swap3A_188 = vector.shape_cast %mul3A_183 : vector<16xf32> to vector<1x16xf32>
          tpu.vector_store %arg14[%swap3A_184, %swap3A_185], %swap3A_188 {strides = array<i32>} : memref<64x128xf32, #tpu.memory_space<vmem>>, vector<1x16xf32>,
          %get3A_189 = arith.index_cast %scan3A_162 : i32 to index
          %get3A_190 = arith.constant 32 : index
          %get3A_191 = tpu.vector_load %arg17[%get3A_189, %get3A_190] {strides = array<i32>} : memref<64x128xf32, #tpu.memory_space<vmem>>, vector<1x16xf32>,
          %get3A_192 = vector.shape_cast %get3A_191 : vector<1x16xf32> to vector<16xf32>
          %get3A_193 = arith.index_cast %scan3A_162 : i32 to index
          %get3A_194 = arith.constant 32 : index
          %get3A_195 = tpu.vector_load %arg14[%get3A_193, %get3A_194] {strides = array<i32>} : memref<64x128xf32, #tpu.memory_space<vmem>>, vector<1x16xf32>,
          %get3A_196 = vector.shape_cast %get3A_195 : vector<1x16xf32> to vector<16xf32>
          %mul3A_197 = arith.mulf %get3A_192, %get3A_196 : vector<16xf32>
          %swap3A_198 = arith.index_cast %scan3A_162 : i32 to index
          %swap3A_199 = arith.constant 32 : index
          %swap3A_200 = tpu.vector_load %arg14[%swap3A_198, %swap3A_199] {strides = array<i32>} : memref<64x128xf32, #tpu.memory_space<vmem>>, vector<1x16xf32>,
          %swap3A_201 = vector.shape_cast %swap3A_200 : vector<1x16xf32> to vector<16xf32>
          %swap3A_202 = vector.shape_cast %mul3A_197 : vector<16xf32> to vector<1x16xf32>
          tpu.vector_store %arg14[%swap3A_198, %swap3A_199], %swap3A_202 {strides = array<i32>} : memref<64x128xf32, #tpu.memory_space<vmem>>, vector<1x16xf32>,
          %get3A_203 = arith.index_cast %scan3A_162 : i32 to index
          %get3A_204 = arith.constant 48 : index
          %get3A_205 = tpu.vector_load %arg17[%get3A_203, %get3A_204] {strides = array<i32>} : memref<64x128xf32, #tpu.memory_space<vmem>>, vector<1x16xf32>,
          %get3A_206 = vector.shape_cast %get3A_205 : vector<1x16xf32> to vector<16xf32>
          %get3A_207 = arith.index_cast %scan3A_162 : i32 to index
          %get3A_208 = arith.constant 48 : index
          %get3A_209 = tpu.vector_load %arg14[%get3A_207, %get3A_208] {strides = array<i32>} : memref<64x128xf32, #tpu.memory_space<vmem>>, vector<1x16xf32>,
          %get3A_210 = vector.shape_cast %get3A_209 : vector<1x16xf32> to vector<16xf32>
          %mul3A_211 = arith.mulf %get3A_206, %get3A_210 : vector<16xf32>
          %swap3A_212 = arith.index_cast %scan3A_162 : i32 to index
          %swap3A_213 = arith.constant 48 : index
          %swap3A_214 = tpu.vector_load %arg14[%swap3A_212, %swap3A_213] {strides = array<i32>} : memref<64x128xf32, #tpu.memory_space<vmem>>, vector<1x16xf32>,
          %swap3A_215 = vector.shape_cast %swap3A_214 : vector<1x16xf32> to vector<16xf32>
          %swap3A_216 = vector.shape_cast %mul3A_211 : vector<16xf32> to vector<1x16xf32>
          tpu.vector_store %arg14[%swap3A_212, %swap3A_213], %swap3A_216 {strides = array<i32>} : memref<64x128xf32, #tpu.memory_space<vmem>>, vector<1x16xf32>,
          %get3A_217 = arith.index_cast %scan3A_162 : i32 to index
          %get3A_218 = arith.constant 64 : index
          %get3A_219 = tpu.vector_load %arg17[%get3A_217, %get3A_218] {strides = array<i32>} : memref<64x128xf32, #tpu.memory_space<vmem>>, vector<1x16xf32>,
          %get3A_220 = vector.shape_cast %get3A_219 : vector<1x16xf32> to vector<16xf32>
          %get3A_221 = arith.index_cast %scan3A_162 : i32 to index
          %get3A_222 = arith.constant 64 : index
          %get3A_223 = tpu.vector_load %arg14[%get3A_221, %get3A_222] {strides = array<i32>} : memref<64x128xf32, #tpu.memory_space<vmem>>, vector<1x16xf32>,
          %get3A_224 = vector.shape_cast %get3A_223 : vector<1x16xf32> to vector<16xf32>
          %mul3A_225 = arith.mulf %get3A_220, %get3A_224 : vector<16xf32>
          %swap3A_226 = arith.index_cast %scan3A_162 : i32 to index
          %swap3A_227 = arith.constant 64 : index
          %swap3A_228 = tpu.vector_load %arg14[%swap3A_226, %swap3A_227] {strides = array<i32>} : memref<64x128xf32, #tpu.memory_space<vmem>>, vector<1x16xf32>,
          %swap3A_229 = vector.shape_cast %swap3A_228 : vector<1x16xf32> to vector<16xf32>
          %swap3A_230 = vector.shape_cast %mul3A_225 : vector<16xf32> to vector<1x16xf32>
          tpu.vector_store %arg14[%swap3A_226, %swap3A_227], %swap3A_230 {strides = array<i32>} : memref<64x128xf32, #tpu.memory_space<vmem>>, vector<1x16xf32>,
          %get3A_231 = arith.index_cast %scan3A_162 : i32 to index
          %get3A_232 = arith.constant 80 : index
          %get3A_233 = tpu.vector_load %arg17[%get3A_231, %get3A_232] {strides = array<i32>} : memref<64x128xf32, #tpu.memory_space<vmem>>, vector<1x16xf32>,
          %get3A_234 = vector.shape_cast %get3A_233 : vector<1x16xf32> to vector<16xf32>
          %get3A_235 = arith.index_cast %scan3A_162 : i32 to index
          %get3A_236 = arith.constant 80 : index
          %get3A_237 = tpu.vector_load %arg14[%get3A_235, %get3A_236] {strides = array<i32>} : memref<64x128xf32, #tpu.memory_space<vmem>>, vector<1x16xf32>,
          %get3A_238 = vector.shape_cast %get3A_237 : vector<1x16xf32> to vector<16xf32>
          %mul3A_239 = arith.mulf %get3A_234, %get3A_238 : vector<16xf32>
          %swap3A_240 = arith.index_cast %scan3A_162 : i32 to index
          %swap3A_241 = arith.constant 80 : index
          %swap3A_242 = tpu.vector_load %arg14[%swap3A_240, %swap3A_241] {strides = array<i32>} : memref<64x128xf32, #tpu.memory_space<vmem>>, vector<1x16xf32>,
          %swap3A_243 = vector.shape_cast %swap3A_242 : vector<1x16xf32> to vector<16xf32>
          %swap3A_244 = vector.shape_cast %mul3A_239 : vector<16xf32> to vector<1x16xf32>
          tpu.vector_store %arg14[%swap3A_240, %swap3A_241], %swap3A_244 {strides = array<i32>} : memref<64x128xf32, #tpu.memory_space<vmem>>, vector<1x16xf32>,
          %get3A_245 = arith.index_cast %scan3A_162 : i32 to index
          %get3A_246 = arith.constant 96 : index
          %get3A_247 = tpu.vector_load %arg17[%get3A_245, %get3A_246] {strides = array<i32>} : memref<64x128xf32, #tpu.memory_space<vmem>>, vector<1x16xf32>,
          %get3A_248 = vector.shape_cast %get3A_247 : vector<1x16xf32> to vector<16xf32>
          %get3A_249 = arith.index_cast %scan3A_162 : i32 to index
          %get3A_250 = arith.constant 96 : index
          %get3A_251 = tpu.vector_load %arg14[%get3A_249, %get3A_250] {strides = array<i32>} : memref<64x128xf32, #tpu.memory_space<vmem>>, vector<1x16xf32>,
          %get3A_252 = vector.shape_cast %get3A_251 : vector<1x16xf32> to vector<16xf32>
          %mul3A_253 = arith.mulf %get3A_248, %get3A_252 : vector<16xf32>
          %swap3A_254 = arith.index_cast %scan3A_162 : i32 to index
          %swap3A_255 = arith.constant 96 : index
          %swap3A_256 = tpu.vector_load %arg14[%swap3A_254, %swap3A_255] {strides = array<i32>} : memref<64x128xf32, #tpu.memory_space<vmem>>, vector<1x16xf32>,
          %swap3A_257 = vector.shape_cast %swap3A_256 : vector<1x16xf32> to vector<16xf32>
          %swap3A_258 = vector.shape_cast %mul3A_253 : vector<16xf32> to vector<1x16xf32>
          tpu.vector_store %arg14[%swap3A_254, %swap3A_255], %swap3A_258 {strides = array<i32>} : memref<64x128xf32, #tpu.memory_space<vmem>>, vector<1x16xf32>,
          %get3A_259 = arith.index_cast %scan3A_162 : i32 to index
          %get3A_260 = arith.constant 112 : index
          %get3A_261 = tpu.vector_load %arg17[%get3A_259, %get3A_260] {strides = array<i32>} : memref<64x128xf32, #tpu.memory_space<vmem>>, vector<1x16xf32>,
          %get3A_262 = vector.shape_cast %get3A_261 : vector<1x16xf32> to vector<16xf32>
          %get3A_263 = arith.index_cast %scan3A_162 : i32 to index
          %get3A_264 = arith.constant 112 : index
          %get3A_265 = tpu.vector_load %arg14[%get3A_263, %get3A_264] {strides = array<i32>} : memref<64x128xf32, #tpu.memory_space<vmem>>, vector<1x16xf32>,
          %get3A_266 = vector.shape_cast %get3A_265 : vector<1x16xf32> to vector<16xf32>
          %mul3A_267 = arith.mulf %get3A_262, %get3A_266 : vector<16xf32>
          %swap3A_268 = arith.index_cast %scan3A_162 : i32 to index
          %swap3A_269 = arith.constant 112 : index
          %swap3A_270 = tpu.vector_load %arg14[%swap3A_268, %swap3A_269] {strides = array<i32>} : memref<64x128xf32, #tpu.memory_space<vmem>>, vector<1x16xf32>,
          %swap3A_271 = vector.shape_cast %swap3A_270 : vector<1x16xf32> to vector<16xf32>
          %swap3A_272 = vector.shape_cast %mul3A_267 : vector<16xf32> to vector<1x16xf32>
          tpu.vector_store %arg14[%swap3A_268, %swap3A_269], %swap3A_272 {strides = array<i32>} : memref<64x128xf32, #tpu.memory_space<vmem>>, vector<1x16xf32>,
        }
        %scan3A_156 = arith.constant 64 : i32
        %dma_start3A_157 = arith.constant 0 : i32
        %dma_start3A_158 = arith.constant 0 : i32
        %dma_start3A_159 = tpu.memref_slice %arg32[%dma_start3A_157, %dma_start3A_158] : memref<10000x128xf32, #tpu.memory_space<vmem_shared>> -> memref<10000x128xf32, #tpu.memory_space<vmem_shared>>
        tpu.enqueue_indirect_dma source(%arg14 : memref<64x128xf32, #tpu.memory_space<vmem>>) target(%dma_start3A_159 : memref<10000x128xf32, #tpu.memory_space<vmem_shared>>) offsets(%arg11 : memref<64xi32, #tpu.memory_space<vmem>>) semaphore(%arg29 : memref<!tpu.dma_semaphore, #tpu.memory_space<semaphore_mem>>) {add = true}
        %dma_start3A_160 = arith.constant 0 : i32
        %dma_start3A_161 = tpu.memref_slice %arg33[%dma_start3A_160] : memref<10000xf32, #tpu.memory_space<vmem_shared>> -> memref<10000xf32, #tpu.memory_space<vmem_shared>>
        tpu.enqueue_indirect_dma source(%arg21 : memref<64xf32, #tpu.memory_space<vmem>>) target(%dma_start3A_161 : memref<10000xf32, #tpu.memory_space<vmem_shared>>) offsets(%arg11 : memref<64xi32, #tpu.memory_space<vmem>>) semaphore(%arg29 : memref<!tpu.dma_semaphore, #tpu.memory_space<semaphore_mem>>) {add = true}
      } else {
      }
      %mul3A_114 = arith.constant 3 : i32
      %mul3A_115 = arith.muli %scan3A_105, %mul3A_114 : i32
      %add3A_116 = arith.constant 1 : i32
      %add3A_117 = arith.addi %mul3A_115, %add3A_116 : i32
      %lt3A_118 = arith.cmpi slt, %add3A_117, %select_n3A : i32
      %convert_element_type3A_119 = arith.extui %lt3A_118 : i1 to i32
      %cond3A_120 = arith.constant 0 : i32
      %cond3A_121 = arith.cmpi ne, %convert_element_type3A_119, %cond3A_120 : i32
      scf.if %cond3A_121 {
        %add3A_130 = arith.constant 1 : i32
        %add3A_131 = arith.addi %add3A_117, %add3A_130 : i32
        %lt3A_132 = arith.cmpi slt, %add3A_131, %select_n3A : i32
        %convert_element_type3A_133 = arith.extui %lt3A_132 : i1 to i32
        %cond3A_134 = arith.constant 0 : i32
        %cond3A_135 = arith.cmpi ne, %convert_element_type3A_133, %cond3A_134 : i32
        scf.if %cond3A_135 {
          %dma_wait3A_162 = arith.constant 0 : i32
          %dma_wait3A_163 = tpu.memref_slice %arg3[%dma_wait3A_162] : memref<320000xi32, #tpu.memory_space<hbm>> -> memref<64xi32, #tpu.memory_space<hbm>>
          %dma_wait3A_164 = arith.constant 0 : i32
          %dma_wait3A_165 = tpu.memref_slice %arg3[%dma_wait3A_164] : memref<320000xi32, #tpu.memory_space<hbm>> -> memref<64xi32, #tpu.memory_space<hbm>>
          tpu.wait_dma2 semaphore(%arg25 : memref<!tpu.dma_semaphore, #tpu.memory_space<semaphore_mem>>) src(%dma_wait3A_165 : memref<64xi32, #tpu.memory_space<hbm>>) dst(%arg10 : memref<64xi32, #tpu.memory_space<vmem>>)
          %dma_wait3A_166 = arith.constant 0 : i32
          %dma_wait3A_167 = tpu.memref_slice %arg4[%dma_wait3A_166] : memref<320000xi32, #tpu.memory_space<hbm>> -> memref<64xi32, #tpu.memory_space<hbm>>
          %dma_wait3A_168 = arith.constant 0 : i32
          %dma_wait3A_169 = tpu.memref_slice %arg4[%dma_wait3A_168] : memref<320000xi32, #tpu.memory_space<hbm>> -> memref<64xi32, #tpu.memory_space<hbm>>
          tpu.wait_dma2 semaphore(%arg25 : memref<!tpu.dma_semaphore, #tpu.memory_space<semaphore_mem>>) src(%dma_wait3A_169 : memref<64xi32, #tpu.memory_space<hbm>>) dst(%arg13 : memref<64xi32, #tpu.memory_space<vmem>>)
          %dma_wait3A_170 = arith.constant 0 : i32
          %dma_wait3A_171 = arith.constant 0 : i32
          %dma_wait3A_172 = tpu.memref_slice %arg5[%dma_wait3A_170, %dma_wait3A_171] : memref<320000x128xf32, #tpu.memory_space<hbm>> -> memref<64x128xf32, #tpu.memory_space<hbm>>
          %dma_wait3A_173 = arith.constant 0 : i32
          %dma_wait3A_174 = arith.constant 0 : i32
          %dma_wait3A_175 = tpu.memref_slice %arg5[%dma_wait3A_173, %dma_wait3A_174] : memref<320000x128xf32, #tpu.memory_space<hbm>> -> memref<64x128xf32, #tpu.memory_space<hbm>>
          tpu.wait_dma2 semaphore(%arg25 : memref<!tpu.dma_semaphore, #tpu.memory_space<semaphore_mem>>) src(%dma_wait3A_175 : memref<64x128xf32, #tpu.memory_space<hbm>>) dst(%arg16 : memref<64x128xf32, #tpu.memory_space<vmem>>)
          %dma_start3A_176 = arith.constant 0 : i32
          %dma_start3A_177 = arith.constant 0 : i32
          %dma_start3A_178 = tpu.memref_slice %arg2[%dma_start3A_176, %dma_start3A_177] : memref<10000x128xf32, #tpu.memory_space<hbm>> -> memref<10000x128xf32, #tpu.memory_space<hbm>>
          tpu.enqueue_indirect_dma source(%dma_start3A_178 : memref<10000x128xf32, #tpu.memory_space<hbm>>) target(%arg19 : memref<64x128xf32, #tpu.memory_space<vmem>>) offsets(%arg10 : memref<64xi32, #tpu.memory_space<vmem>>) semaphore(%arg28 : memref<!tpu.dma_semaphore, #tpu.memory_space<semaphore_mem>>)
        } else {
        }
        %ge3A = arith.constant 1 : i32
        %ge3A_136 = arith.cmpi sge, %add3A_117, %ge3A : i32
        %convert_element_type3A_137 = arith.extui %ge3A_136 : i1 to i32
        %cond3A_138 = arith.constant 0 : i32
        %cond3A_139 = arith.cmpi ne, %convert_element_type3A_137, %cond3A_138 : i32
        scf.if %cond3A_139 {
          %dma_wait3A_162 = arith.constant 0 : i32
          %dma_wait3A_163 = arith.constant 0 : i32
          %dma_wait3A_164 = tpu.memref_slice %arg32[%dma_wait3A_162, %dma_wait3A_163] : memref<10000x128xf32, #tpu.memory_space<vmem_shared>> -> memref<10000x128xf32, #tpu.memory_space<vmem_shared>>
          tpu.wait_indirect_dma semaphore(%arg29 : memref<!tpu.dma_semaphore, #tpu.memory_space<semaphore_mem>>) src(%arg14 : memref<64x128xf32, #tpu.memory_space<vmem>>) dst(%dma_wait3A_164 : memref<10000x128xf32, #tpu.memory_space<vmem_shared>>)
          %dma_wait3A_165 = arith.constant 0 : i32
          %dma_wait3A_166 = tpu.memref_slice %arg33[%dma_wait3A_165] : memref<10000xf32, #tpu.memory_space<vmem_shared>> -> memref<10000xf32, #tpu.memory_space<vmem_shared>>
          tpu.wait_indirect_dma semaphore(%arg29 : memref<!tpu.dma_semaphore, #tpu.memory_space<semaphore_mem>>) src(%arg21 : memref<64xf32, #tpu.memory_space<vmem>>) dst(%dma_wait3A_166 : memref<10000xf32, #tpu.memory_space<vmem_shared>>)
        } else {
        }
        %add3A_140 = arith.constant 3 : i32
        %add3A_141 = arith.addi %add3A_117, %add3A_140 : i32
        %sub3A_142 = arith.constant 1 : i32
        %sub3A_143 = arith.subi %add3A_141, %sub3A_142 : i32
        %lt3A_144 = arith.cmpi slt, %sub3A_143, %select_n3A : i32
        %convert_element_type3A_145 = arith.extui %lt3A_144 : i1 to i32
        %cond3A_146 = arith.constant 0 : i32
        %cond3A_147 = arith.cmpi ne, %convert_element_type3A_145, %cond3A_146 : i32
        scf.if %cond3A_147 {
          %add3A_162 = arith.constant 3 : i32
          %add3A_163 = arith.addi %add3A_117, %add3A_162 : i32
          %sub3A_164 = arith.constant 1 : i32
          %sub3A_165 = arith.subi %add3A_163, %sub3A_164 : i32
          %mul3A_166 = arith.constant 32 : i32
          %mul3A_167 = arith.muli %sub3A_165, %mul3A_166 : i32
          %add3A_168 = arith.addi %mul3A_167, %add3A : i32
          %mul3A_169 = arith.constant 64 : i32
          %mul3A_170 = arith.muli %add3A_168, %mul3A_169 : i32
          %dma_start3A_171 = tpu.memref_slice %arg3[%mul3A_170] : memref<320000xi32, #tpu.memory_space<hbm>> -> memref<64xi32, #tpu.memory_space<hbm>>
          %dma_start3A_172 = tpu.memref_slice %arg3[%mul3A_170] : memref<320000xi32, #tpu.memory_space<hbm>> -> memref<64xi32, #tpu.memory_space<hbm>>
          tpu.enqueue_dma source(%dma_start3A_172 : memref<64xi32, #tpu.memory_space<hbm>>) target(%arg8 : memref<64xi32, #tpu.memory_space<vmem>>) target_semaphore(%arg23 : memref<!tpu.dma_semaphore, #tpu.memory_space<semaphore_mem>>)
          %dma_start3A_173 = tpu.memref_slice %arg4[%mul3A_170] : memref<320000xi32, #tpu.memory_space<hbm>> -> memref<64xi32, #tpu.memory_space<hbm>>
          %dma_start3A_174 = tpu.memref_slice %arg4[%mul3A_170] : memref<320000xi32, #tpu.memory_space<hbm>> -> memref<64xi32, #tpu.memory_space<hbm>>
          tpu.enqueue_dma source(%dma_start3A_174 : memref<64xi32, #tpu.memory_space<hbm>>) target(%arg11 : memref<64xi32, #tpu.memory_space<vmem>>) target_semaphore(%arg23 : memref<!tpu.dma_semaphore, #tpu.memory_space<semaphore_mem>>)
          %dma_start3A_175 = arith.constant 0 : i32
          %dma_start3A_176 = tpu.memref_slice %arg5[%mul3A_170, %dma_start3A_175] : memref<320000x128xf32, #tpu.memory_space<hbm>> -> memref<64x128xf32, #tpu.memory_space<hbm>>
          %dma_start3A_177 = arith.constant 0 : i32
          %dma_start3A_178 = tpu.memref_slice %arg5[%mul3A_170, %dma_start3A_177] : memref<320000x128xf32, #tpu.memory_space<hbm>> -> memref<64x128xf32, #tpu.memory_space<hbm>>
          tpu.enqueue_dma source(%dma_start3A_178 : memref<64x128xf32, #tpu.memory_space<hbm>>) target(%arg14 : memref<64x128xf32, #tpu.memory_space<vmem>>) target_semaphore(%arg23 : memref<!tpu.dma_semaphore, #tpu.memory_space<semaphore_mem>>)
        } else {
        }
        %dma_wait3A_148 = arith.constant 0 : i32
        %dma_wait3A_149 = arith.constant 0 : i32
        %dma_wait3A_150 = tpu.memref_slice %arg2[%dma_wait3A_148, %dma_wait3A_149] : memref<10000x128xf32, #tpu.memory_space<hbm>> -> memref<10000x128xf32, #tpu.memory_space<hbm>>
        tpu.wait_indirect_dma semaphore(%arg27 : memref<!tpu.dma_semaphore, #tpu.memory_space<semaphore_mem>>) src(%dma_wait3A_150 : memref<10000x128xf32, #tpu.memory_space<hbm>>) dst(%arg18 : memref<64x128xf32, #tpu.memory_space<vmem>>)
        %scan3A_151 = arith.constant 0 : i32
        %scan3A_152 = arith.constant 0 : i32
        %scan3A_153 = arith.constant 64 : i32
        %scan3A_154 = arith.addi %scan3A_152, %scan3A_153 : i32
        %scan3A_155 = arith.constant 1 : i32
        scf.for %scan3A_162 = %scan3A_152 to %scan3A_154 step %scan3A_155  : i32 {
          %get3A = arith.index_cast %scan3A_162 : i32 to index
          %get3A_163 = arith.constant 0 : index
          %get3A_164 = tpu.vector_load %arg18[%get3A, %get3A_163] {strides = array<i32>} : memref<64x128xf32, #tpu.memory_space<vmem>>, vector<1x16xf32>,
          %get3A_165 = vector.shape_cast %get3A_164 : vector<1x16xf32> to vector<16xf32>
          %get3A_166 = arith.index_cast %scan3A_162 : i32 to index
          %get3A_167 = arith.constant 0 : index
          %get3A_168 = tpu.vector_load %arg15[%get3A_166, %get3A_167] {strides = array<i32>} : memref<64x128xf32, #tpu.memory_space<vmem>>, vector<1x16xf32>,
          %get3A_169 = vector.shape_cast %get3A_168 : vector<1x16xf32> to vector<16xf32>
          %mul3A_170 = arith.mulf %get3A_165, %get3A_169 : vector<16xf32>
          %swap3A = arith.index_cast %scan3A_162 : i32 to index
          %swap3A_171 = arith.constant 0 : index
          %swap3A_172 = tpu.vector_load %arg15[%swap3A, %swap3A_171] {strides = array<i32>} : memref<64x128xf32, #tpu.memory_space<vmem>>, vector<1x16xf32>,
          %swap3A_173 = vector.shape_cast %swap3A_172 : vector<1x16xf32> to vector<16xf32>
          %swap3A_174 = vector.shape_cast %mul3A_170 : vector<16xf32> to vector<1x16xf32>
          tpu.vector_store %arg15[%swap3A, %swap3A_171], %swap3A_174 {strides = array<i32>} : memref<64x128xf32, #tpu.memory_space<vmem>>, vector<1x16xf32>,
          %get3A_175 = arith.index_cast %scan3A_162 : i32 to index
          %get3A_176 = arith.constant 16 : index
          %get3A_177 = tpu.vector_load %arg18[%get3A_175, %get3A_176] {strides = array<i32>} : memref<64x128xf32, #tpu.memory_space<vmem>>, vector<1x16xf32>,
          %get3A_178 = vector.shape_cast %get3A_177 : vector<1x16xf32> to vector<16xf32>
          %get3A_179 = arith.index_cast %scan3A_162 : i32 to index
          %get3A_180 = arith.constant 16 : index
          %get3A_181 = tpu.vector_load %arg15[%get3A_179, %get3A_180] {strides = array<i32>} : memref<64x128xf32, #tpu.memory_space<vmem>>, vector<1x16xf32>,
          %get3A_182 = vector.shape_cast %get3A_181 : vector<1x16xf32> to vector<16xf32>
          %mul3A_183 = arith.mulf %get3A_178, %get3A_182 : vector<16xf32>
          %swap3A_184 = arith.index_cast %scan3A_162 : i32 to index
          %swap3A_185 = arith.constant 16 : index
          %swap3A_186 = tpu.vector_load %arg15[%swap3A_184, %swap3A_185] {strides = array<i32>} : memref<64x128xf32, #tpu.memory_space<vmem>>, vector<1x16xf32>,
          %swap3A_187 = vector.shape_cast %swap3A_186 : vector<1x16xf32> to vector<16xf32>
          %swap3A_188 = vector.shape_cast %mul3A_183 : vector<16xf32> to vector<1x16xf32>
          tpu.vector_store %arg15[%swap3A_184, %swap3A_185], %swap3A_188 {strides = array<i32>} : memref<64x128xf32, #tpu.memory_space<vmem>>, vector<1x16xf32>,
          %get3A_189 = arith.index_cast %scan3A_162 : i32 to index
          %get3A_190 = arith.constant 32 : index
          %get3A_191 = tpu.vector_load %arg18[%get3A_189, %get3A_190] {strides = array<i32>} : memref<64x128xf32, #tpu.memory_space<vmem>>, vector<1x16xf32>,
          %get3A_192 = vector.shape_cast %get3A_191 : vector<1x16xf32> to vector<16xf32>
          %get3A_193 = arith.index_cast %scan3A_162 : i32 to index
          %get3A_194 = arith.constant 32 : index
          %get3A_195 = tpu.vector_load %arg15[%get3A_193, %get3A_194] {strides = array<i32>} : memref<64x128xf32, #tpu.memory_space<vmem>>, vector<1x16xf32>,
          %get3A_196 = vector.shape_cast %get3A_195 : vector<1x16xf32> to vector<16xf32>
          %mul3A_197 = arith.mulf %get3A_192, %get3A_196 : vector<16xf32>
          %swap3A_198 = arith.index_cast %scan3A_162 : i32 to index
          %swap3A_199 = arith.constant 32 : index
          %swap3A_200 = tpu.vector_load %arg15[%swap3A_198, %swap3A_199] {strides = array<i32>} : memref<64x128xf32, #tpu.memory_space<vmem>>, vector<1x16xf32>,
          %swap3A_201 = vector.shape_cast %swap3A_200 : vector<1x16xf32> to vector<16xf32>
          %swap3A_202 = vector.shape_cast %mul3A_197 : vector<16xf32> to vector<1x16xf32>
          tpu.vector_store %arg15[%swap3A_198, %swap3A_199], %swap3A_202 {strides = array<i32>} : memref<64x128xf32, #tpu.memory_space<vmem>>, vector<1x16xf32>,
          %get3A_203 = arith.index_cast %scan3A_162 : i32 to index
          %get3A_204 = arith.constant 48 : index
          %get3A_205 = tpu.vector_load %arg18[%get3A_203, %get3A_204] {strides = array<i32>} : memref<64x128xf32, #tpu.memory_space<vmem>>, vector<1x16xf32>,
          %get3A_206 = vector.shape_cast %get3A_205 : vector<1x16xf32> to vector<16xf32>
          %get3A_207 = arith.index_cast %scan3A_162 : i32 to index
          %get3A_208 = arith.constant 48 : index
          %get3A_209 = tpu.vector_load %arg15[%get3A_207, %get3A_208] {strides = array<i32>} : memref<64x128xf32, #tpu.memory_space<vmem>>, vector<1x16xf32>,
          %get3A_210 = vector.shape_cast %get3A_209 : vector<1x16xf32> to vector<16xf32>
          %mul3A_211 = arith.mulf %get3A_206, %get3A_210 : vector<16xf32>
          %swap3A_212 = arith.index_cast %scan3A_162 : i32 to index
          %swap3A_213 = arith.constant 48 : index
          %swap3A_214 = tpu.vector_load %arg15[%swap3A_212, %swap3A_213] {strides = array<i32>} : memref<64x128xf32, #tpu.memory_space<vmem>>, vector<1x16xf32>,
          %swap3A_215 = vector.shape_cast %swap3A_214 : vector<1x16xf32> to vector<16xf32>
          %swap3A_216 = vector.shape_cast %mul3A_211 : vector<16xf32> to vector<1x16xf32>
          tpu.vector_store %arg15[%swap3A_212, %swap3A_213], %swap3A_216 {strides = array<i32>} : memref<64x128xf32, #tpu.memory_space<vmem>>, vector<1x16xf32>,
          %get3A_217 = arith.index_cast %scan3A_162 : i32 to index
          %get3A_218 = arith.constant 64 : index
          %get3A_219 = tpu.vector_load %arg18[%get3A_217, %get3A_218] {strides = array<i32>} : memref<64x128xf32, #tpu.memory_space<vmem>>, vector<1x16xf32>,
          %get3A_220 = vector.shape_cast %get3A_219 : vector<1x16xf32> to vector<16xf32>
          %get3A_221 = arith.index_cast %scan3A_162 : i32 to index
          %get3A_222 = arith.constant 64 : index
          %get3A_223 = tpu.vector_load %arg15[%get3A_221, %get3A_222] {strides = array<i32>} : memref<64x128xf32, #tpu.memory_space<vmem>>, vector<1x16xf32>,
          %get3A_224 = vector.shape_cast %get3A_223 : vector<1x16xf32> to vector<16xf32>
          %mul3A_225 = arith.mulf %get3A_220, %get3A_224 : vector<16xf32>
          %swap3A_226 = arith.index_cast %scan3A_162 : i32 to index
          %swap3A_227 = arith.constant 64 : index
          %swap3A_228 = tpu.vector_load %arg15[%swap3A_226, %swap3A_227] {strides = array<i32>} : memref<64x128xf32, #tpu.memory_space<vmem>>, vector<1x16xf32>,
          %swap3A_229 = vector.shape_cast %swap3A_228 : vector<1x16xf32> to vector<16xf32>
          %swap3A_230 = vector.shape_cast %mul3A_225 : vector<16xf32> to vector<1x16xf32>
          tpu.vector_store %arg15[%swap3A_226, %swap3A_227], %swap3A_230 {strides = array<i32>} : memref<64x128xf32, #tpu.memory_space<vmem>>, vector<1x16xf32>,
          %get3A_231 = arith.index_cast %scan3A_162 : i32 to index
          %get3A_232 = arith.constant 80 : index
          %get3A_233 = tpu.vector_load %arg18[%get3A_231, %get3A_232] {strides = array<i32>} : memref<64x128xf32, #tpu.memory_space<vmem>>, vector<1x16xf32>,
          %get3A_234 = vector.shape_cast %get3A_233 : vector<1x16xf32> to vector<16xf32>
          %get3A_235 = arith.index_cast %scan3A_162 : i32 to index
          %get3A_236 = arith.constant 80 : index
          %get3A_237 = tpu.vector_load %arg15[%get3A_235, %get3A_236] {strides = array<i32>} : memref<64x128xf32, #tpu.memory_space<vmem>>, vector<1x16xf32>,
          %get3A_238 = vector.shape_cast %get3A_237 : vector<1x16xf32> to vector<16xf32>
          %mul3A_239 = arith.mulf %get3A_234, %get3A_238 : vector<16xf32>
          %swap3A_240 = arith.index_cast %scan3A_162 : i32 to index
          %swap3A_241 = arith.constant 80 : index
          %swap3A_242 = tpu.vector_load %arg15[%swap3A_240, %swap3A_241] {strides = array<i32>} : memref<64x128xf32, #tpu.memory_space<vmem>>, vector<1x16xf32>,
          %swap3A_243 = vector.shape_cast %swap3A_242 : vector<1x16xf32> to vector<16xf32>
          %swap3A_244 = vector.shape_cast %mul3A_239 : vector<16xf32> to vector<1x16xf32>
          tpu.vector_store %arg15[%swap3A_240, %swap3A_241], %swap3A_244 {strides = array<i32>} : memref<64x128xf32, #tpu.memory_space<vmem>>, vector<1x16xf32>,
          %get3A_245 = arith.index_cast %scan3A_162 : i32 to index
          %get3A_246 = arith.constant 96 : index
          %get3A_247 = tpu.vector_load %arg18[%get3A_245, %get3A_246] {strides = array<i32>} : memref<64x128xf32, #tpu.memory_space<vmem>>, vector<1x16xf32>,
          %get3A_248 = vector.shape_cast %get3A_247 : vector<1x16xf32> to vector<16xf32>
          %get3A_249 = arith.index_cast %scan3A_162 : i32 to index
          %get3A_250 = arith.constant 96 : index
          %get3A_251 = tpu.vector_load %arg15[%get3A_249, %get3A_250] {strides = array<i32>} : memref<64x128xf32, #tpu.memory_space<vmem>>, vector<1x16xf32>,
          %get3A_252 = vector.shape_cast %get3A_251 : vector<1x16xf32> to vector<16xf32>
          %mul3A_253 = arith.mulf %get3A_248, %get3A_252 : vector<16xf32>
          %swap3A_254 = arith.index_cast %scan3A_162 : i32 to index
          %swap3A_255 = arith.constant 96 : index
          %swap3A_256 = tpu.vector_load %arg15[%swap3A_254, %swap3A_255] {strides = array<i32>} : memref<64x128xf32, #tpu.memory_space<vmem>>, vector<1x16xf32>,
          %swap3A_257 = vector.shape_cast %swap3A_256 : vector<1x16xf32> to vector<16xf32>
          %swap3A_258 = vector.shape_cast %mul3A_253 : vector<16xf32> to vector<1x16xf32>
          tpu.vector_store %arg15[%swap3A_254, %swap3A_255], %swap3A_258 {strides = array<i32>} : memref<64x128xf32, #tpu.memory_space<vmem>>, vector<1x16xf32>,
          %get3A_259 = arith.index_cast %scan3A_162 : i32 to index
          %get3A_260 = arith.constant 112 : index
          %get3A_261 = tpu.vector_load %arg18[%get3A_259, %get3A_260] {strides = array<i32>} : memref<64x128xf32, #tpu.memory_space<vmem>>, vector<1x16xf32>,
          %get3A_262 = vector.shape_cast %get3A_261 : vector<1x16xf32> to vector<16xf32>
          %get3A_263 = arith.index_cast %scan3A_162 : i32 to index
          %get3A_264 = arith.constant 112 : index
          %get3A_265 = tpu.vector_load %arg15[%get3A_263, %get3A_264] {strides = array<i32>} : memref<64x128xf32, #tpu.memory_space<vmem>>, vector<1x16xf32>,
          %get3A_266 = vector.shape_cast %get3A_265 : vector<1x16xf32> to vector<16xf32>
          %mul3A_267 = arith.mulf %get3A_262, %get3A_266 : vector<16xf32>
          %swap3A_268 = arith.index_cast %scan3A_162 : i32 to index
          %swap3A_269 = arith.constant 112 : index
          %swap3A_270 = tpu.vector_load %arg15[%swap3A_268, %swap3A_269] {strides = array<i32>} : memref<64x128xf32, #tpu.memory_space<vmem>>, vector<1x16xf32>,
          %swap3A_271 = vector.shape_cast %swap3A_270 : vector<1x16xf32> to vector<16xf32>
          %swap3A_272 = vector.shape_cast %mul3A_267 : vector<16xf32> to vector<1x16xf32>
          tpu.vector_store %arg15[%swap3A_268, %swap3A_269], %swap3A_272 {strides = array<i32>} : memref<64x128xf32, #tpu.memory_space<vmem>>, vector<1x16xf32>,
        }
        %scan3A_156 = arith.constant 64 : i32
        %dma_start3A_157 = arith.constant 0 : i32
        %dma_start3A_158 = arith.constant 0 : i32
        %dma_start3A_159 = tpu.memref_slice %arg32[%dma_start3A_157, %dma_start3A_158] : memref<10000x128xf32, #tpu.memory_space<vmem_shared>> -> memref<10000x128xf32, #tpu.memory_space<vmem_shared>>
        tpu.enqueue_indirect_dma source(%arg15 : memref<64x128xf32, #tpu.memory_space<vmem>>) target(%dma_start3A_159 : memref<10000x128xf32, #tpu.memory_space<vmem_shared>>) offsets(%arg12 : memref<64xi32, #tpu.memory_space<vmem>>) semaphore(%arg30 : memref<!tpu.dma_semaphore, #tpu.memory_space<semaphore_mem>>) {add = true}
        %dma_start3A_160 = arith.constant 0 : i32
        %dma_start3A_161 = tpu.memref_slice %arg33[%dma_start3A_160] : memref<10000xf32, #tpu.memory_space<vmem_shared>> -> memref<10000xf32, #tpu.memory_space<vmem_shared>>
        tpu.enqueue_indirect_dma source(%arg21 : memref<64xf32, #tpu.memory_space<vmem>>) target(%dma_start3A_161 : memref<10000xf32, #tpu.memory_space<vmem_shared>>) offsets(%arg12 : memref<64xi32, #tpu.memory_space<vmem>>) semaphore(%arg30 : memref<!tpu.dma_semaphore, #tpu.memory_space<semaphore_mem>>) {add = true}
      } else {
      }
      %mul3A_122 = arith.constant 3 : i32
      %mul3A_123 = arith.muli %scan3A_105, %mul3A_122 : i32
      %add3A_124 = arith.constant 2 : i32
      %add3A_125 = arith.addi %mul3A_123, %add3A_124 : i32
      %lt3A_126 = arith.cmpi slt, %add3A_125, %select_n3A : i32
      %convert_element_type3A_127 = arith.extui %lt3A_126 : i1 to i32
      %cond3A_128 = arith.constant 0 : i32
      %cond3A_129 = arith.cmpi ne, %convert_element_type3A_127, %cond3A_128 : i32
      scf.if %cond3A_129 {
        %add3A_130 = arith.constant 1 : i32
        %add3A_131 = arith.addi %add3A_125, %add3A_130 : i32
        %lt3A_132 = arith.cmpi slt, %add3A_131, %select_n3A : i32
        %convert_element_type3A_133 = arith.extui %lt3A_132 : i1 to i32
        %cond3A_134 = arith.constant 0 : i32
        %cond3A_135 = arith.cmpi ne, %convert_element_type3A_133, %cond3A_134 : i32
        scf.if %cond3A_135 {
          %dma_wait3A_162 = arith.constant 0 : i32
          %dma_wait3A_163 = tpu.memref_slice %arg3[%dma_wait3A_162] : memref<320000xi32, #tpu.memory_space<hbm>> -> memref<64xi32, #tpu.memory_space<hbm>>
          %dma_wait3A_164 = arith.constant 0 : i32
          %dma_wait3A_165 = tpu.memref_slice %arg3[%dma_wait3A_164] : memref<320000xi32, #tpu.memory_space<hbm>> -> memref<64xi32, #tpu.memory_space<hbm>>
          tpu.wait_dma2 semaphore(%arg23 : memref<!tpu.dma_semaphore, #tpu.memory_space<semaphore_mem>>) src(%dma_wait3A_165 : memref<64xi32, #tpu.memory_space<hbm>>) dst(%arg8 : memref<64xi32, #tpu.memory_space<vmem>>)
          %dma_wait3A_166 = arith.constant 0 : i32
          %dma_wait3A_167 = tpu.memref_slice %arg4[%dma_wait3A_166] : memref<320000xi32, #tpu.memory_space<hbm>> -> memref<64xi32, #tpu.memory_space<hbm>>
          %dma_wait3A_168 = arith.constant 0 : i32
          %dma_wait3A_169 = tpu.memref_slice %arg4[%dma_wait3A_168] : memref<320000xi32, #tpu.memory_space<hbm>> -> memref<64xi32, #tpu.memory_space<hbm>>
          tpu.wait_dma2 semaphore(%arg23 : memref<!tpu.dma_semaphore, #tpu.memory_space<semaphore_mem>>) src(%dma_wait3A_169 : memref<64xi32, #tpu.memory_space<hbm>>) dst(%arg11 : memref<64xi32, #tpu.memory_space<vmem>>)
          %dma_wait3A_170 = arith.constant 0 : i32
          %dma_wait3A_171 = arith.constant 0 : i32
          %dma_wait3A_172 = tpu.memref_slice %arg5[%dma_wait3A_170, %dma_wait3A_171] : memref<320000x128xf32, #tpu.memory_space<hbm>> -> memref<64x128xf32, #tpu.memory_space<hbm>>
          %dma_wait3A_173 = arith.constant 0 : i32
          %dma_wait3A_174 = arith.constant 0 : i32
          %dma_wait3A_175 = tpu.memref_slice %arg5[%dma_wait3A_173, %dma_wait3A_174] : memref<320000x128xf32, #tpu.memory_space<hbm>> -> memref<64x128xf32, #tpu.memory_space<hbm>>
          tpu.wait_dma2 semaphore(%arg23 : memref<!tpu.dma_semaphore, #tpu.memory_space<semaphore_mem>>) src(%dma_wait3A_175 : memref<64x128xf32, #tpu.memory_space<hbm>>) dst(%arg14 : memref<64x128xf32, #tpu.memory_space<vmem>>)
          %dma_start3A_176 = arith.constant 0 : i32
          %dma_start3A_177 = arith.constant 0 : i32
          %dma_start3A_178 = tpu.memref_slice %arg2[%dma_start3A_176, %dma_start3A_177] : memref<10000x128xf32, #tpu.memory_space<hbm>> -> memref<10000x128xf32, #tpu.memory_space<hbm>>
          tpu.enqueue_indirect_dma source(%dma_start3A_178 : memref<10000x128xf32, #tpu.memory_space<hbm>>) target(%arg17 : memref<64x128xf32, #tpu.memory_space<vmem>>) offsets(%arg8 : memref<64xi32, #tpu.memory_space<vmem>>) semaphore(%arg26 : memref<!tpu.dma_semaphore, #tpu.memory_space<semaphore_mem>>)
        } else {
        }
        %ge3A = arith.constant 1 : i32
        %ge3A_136 = arith.cmpi sge, %add3A_125, %ge3A : i32
        %convert_element_type3A_137 = arith.extui %ge3A_136 : i1 to i32
        %cond3A_138 = arith.constant 0 : i32
        %cond3A_139 = arith.cmpi ne, %convert_element_type3A_137, %cond3A_138 : i32
        scf.if %cond3A_139 {
          %dma_wait3A_162 = arith.constant 0 : i32
          %dma_wait3A_163 = arith.constant 0 : i32
          %dma_wait3A_164 = tpu.memref_slice %arg32[%dma_wait3A_162, %dma_wait3A_163] : memref<10000x128xf32, #tpu.memory_space<vmem_shared>> -> memref<10000x128xf32, #tpu.memory_space<vmem_shared>>
          tpu.wait_indirect_dma semaphore(%arg30 : memref<!tpu.dma_semaphore, #tpu.memory_space<semaphore_mem>>) src(%arg15 : memref<64x128xf32, #tpu.memory_space<vmem>>) dst(%dma_wait3A_164 : memref<10000x128xf32, #tpu.memory_space<vmem_shared>>)
          %dma_wait3A_165 = arith.constant 0 : i32
          %dma_wait3A_166 = tpu.memref_slice %arg33[%dma_wait3A_165] : memref<10000xf32, #tpu.memory_space<vmem_shared>> -> memref<10000xf32, #tpu.memory_space<vmem_shared>>
          tpu.wait_indirect_dma semaphore(%arg30 : memref<!tpu.dma_semaphore, #tpu.memory_space<semaphore_mem>>) src(%arg21 : memref<64xf32, #tpu.memory_space<vmem>>) dst(%dma_wait3A_166 : memref<10000xf32, #tpu.memory_space<vmem_shared>>)
        } else {
        }
        %add3A_140 = arith.constant 3 : i32
        %add3A_141 = arith.addi %add3A_125, %add3A_140 : i32
        %sub3A_142 = arith.constant 1 : i32
        %sub3A_143 = arith.subi %add3A_141, %sub3A_142 : i32
        %lt3A_144 = arith.cmpi slt, %sub3A_143, %select_n3A : i32
        %convert_element_type3A_145 = arith.extui %lt3A_144 : i1 to i32
        %cond3A_146 = arith.constant 0 : i32
        %cond3A_147 = arith.cmpi ne, %convert_element_type3A_145, %cond3A_146 : i32
        scf.if %cond3A_147 {
          %add3A_162 = arith.constant 3 : i32
          %add3A_163 = arith.addi %add3A_125, %add3A_162 : i32
          %sub3A_164 = arith.constant 1 : i32
          %sub3A_165 = arith.subi %add3A_163, %sub3A_164 : i32
          %mul3A_166 = arith.constant 32 : i32
          %mul3A_167 = arith.muli %sub3A_165, %mul3A_166 : i32
          %add3A_168 = arith.addi %mul3A_167, %add3A : i32
          %mul3A_169 = arith.constant 64 : i32
          %mul3A_170 = arith.muli %add3A_168, %mul3A_169 : i32
          %dma_start3A_171 = tpu.memref_slice %arg3[%mul3A_170] : memref<320000xi32, #tpu.memory_space<hbm>> -> memref<64xi32, #tpu.memory_space<hbm>>
          %dma_start3A_172 = tpu.memref_slice %arg3[%mul3A_170] : memref<320000xi32, #tpu.memory_space<hbm>> -> memref<64xi32, #tpu.memory_space<hbm>>
          tpu.enqueue_dma source(%dma_start3A_172 : memref<64xi32, #tpu.memory_space<hbm>>) target(%arg9 : memref<64xi32, #tpu.memory_space<vmem>>) target_semaphore(%arg24 : memref<!tpu.dma_semaphore, #tpu.memory_space<semaphore_mem>>)
          %dma_start3A_173 = tpu.memref_slice %arg4[%mul3A_170] : memref<320000xi32, #tpu.memory_space<hbm>> -> memref<64xi32, #tpu.memory_space<hbm>>
          %dma_start3A_174 = tpu.memref_slice %arg4[%mul3A_170] : memref<320000xi32, #tpu.memory_space<hbm>> -> memref<64xi32, #tpu.memory_space<hbm>>
          tpu.enqueue_dma source(%dma_start3A_174 : memref<64xi32, #tpu.memory_space<hbm>>) target(%arg12 : memref<64xi32, #tpu.memory_space<vmem>>) target_semaphore(%arg24 : memref<!tpu.dma_semaphore, #tpu.memory_space<semaphore_mem>>)
          %dma_start3A_175 = arith.constant 0 : i32
          %dma_start3A_176 = tpu.memref_slice %arg5[%mul3A_170, %dma_start3A_175] : memref<320000x128xf32, #tpu.memory_space<hbm>> -> memref<64x128xf32, #tpu.memory_space<hbm>>
          %dma_start3A_177 = arith.constant 0 : i32
          %dma_start3A_178 = tpu.memref_slice %arg5[%mul3A_170, %dma_start3A_177] : memref<320000x128xf32, #tpu.memory_space<hbm>> -> memref<64x128xf32, #tpu.memory_space<hbm>>
          tpu.enqueue_dma source(%dma_start3A_178 : memref<64x128xf32, #tpu.memory_space<hbm>>) target(%arg15 : memref<64x128xf32, #tpu.memory_space<vmem>>) target_semaphore(%arg24 : memref<!tpu.dma_semaphore, #tpu.memory_space<semaphore_mem>>)
        } else {
        }
        %dma_wait3A_148 = arith.constant 0 : i32
        %dma_wait3A_149 = arith.constant 0 : i32
        %dma_wait3A_150 = tpu.memref_slice %arg2[%dma_wait3A_148, %dma_wait3A_149] : memref<10000x128xf32, #tpu.memory_space<hbm>> -> memref<10000x128xf32, #tpu.memory_space<hbm>>
        tpu.wait_indirect_dma semaphore(%arg28 : memref<!tpu.dma_semaphore, #tpu.memory_space<semaphore_mem>>) src(%dma_wait3A_150 : memref<10000x128xf32, #tpu.memory_space<hbm>>) dst(%arg19 : memref<64x128xf32, #tpu.memory_space<vmem>>)
        %scan3A_151 = arith.constant 0 : i32
        %scan3A_152 = arith.constant 0 : i32
        %scan3A_153 = arith.constant 64 : i32
        %scan3A_154 = arith.addi %scan3A_152, %scan3A_153 : i32
        %scan3A_155 = arith.constant 1 : i32
        scf.for %scan3A_162 = %scan3A_152 to %scan3A_154 step %scan3A_155  : i32 {
          %get3A = arith.index_cast %scan3A_162 : i32 to index
          %get3A_163 = arith.constant 0 : index
          %get3A_164 = tpu.vector_load %arg19[%get3A, %get3A_163] {strides = array<i32>} : memref<64x128xf32, #tpu.memory_space<vmem>>, vector<1x16xf32>,
          %get3A_165 = vector.shape_cast %get3A_164 : vector<1x16xf32> to vector<16xf32>
          %get3A_166 = arith.index_cast %scan3A_162 : i32 to index
          %get3A_167 = arith.constant 0 : index
          %get3A_168 = tpu.vector_load %arg16[%get3A_166, %get3A_167] {strides = array<i32>} : memref<64x128xf32, #tpu.memory_space<vmem>>, vector<1x16xf32>,
          %get3A_169 = vector.shape_cast %get3A_168 : vector<1x16xf32> to vector<16xf32>
          %mul3A_170 = arith.mulf %get3A_165, %get3A_169 : vector<16xf32>
          %swap3A = arith.index_cast %scan3A_162 : i32 to index
          %swap3A_171 = arith.constant 0 : index
          %swap3A_172 = tpu.vector_load %arg16[%swap3A, %swap3A_171] {strides = array<i32>} : memref<64x128xf32, #tpu.memory_space<vmem>>, vector<1x16xf32>,
          %swap3A_173 = vector.shape_cast %swap3A_172 : vector<1x16xf32> to vector<16xf32>
          %swap3A_174 = vector.shape_cast %mul3A_170 : vector<16xf32> to vector<1x16xf32>
          tpu.vector_store %arg16[%swap3A, %swap3A_171], %swap3A_174 {strides = array<i32>} : memref<64x128xf32, #tpu.memory_space<vmem>>, vector<1x16xf32>,
          %get3A_175 = arith.index_cast %scan3A_162 : i32 to index
          %get3A_176 = arith.constant 16 : index
          %get3A_177 = tpu.vector_load %arg19[%get3A_175, %get3A_176] {strides = array<i32>} : memref<64x128xf32, #tpu.memory_space<vmem>>, vector<1x16xf32>,
          %get3A_178 = vector.shape_cast %get3A_177 : vector<1x16xf32> to vector<16xf32>
          %get3A_179 = arith.index_cast %scan3A_162 : i32 to index
          %get3A_180 = arith.constant 16 : index
          %get3A_181 = tpu.vector_load %arg16[%get3A_179, %get3A_180] {strides = array<i32>} : memref<64x128xf32, #tpu.memory_space<vmem>>, vector<1x16xf32>,
          %get3A_182 = vector.shape_cast %get3A_181 : vector<1x16xf32> to vector<16xf32>
          %mul3A_183 = arith.mulf %get3A_178, %get3A_182 : vector<16xf32>
          %swap3A_184 = arith.index_cast %scan3A_162 : i32 to index
          %swap3A_185 = arith.constant 16 : index
          %swap3A_186 = tpu.vector_load %arg16[%swap3A_184, %swap3A_185] {strides = array<i32>} : memref<64x128xf32, #tpu.memory_space<vmem>>, vector<1x16xf32>,
          %swap3A_187 = vector.shape_cast %swap3A_186 : vector<1x16xf32> to vector<16xf32>
          %swap3A_188 = vector.shape_cast %mul3A_183 : vector<16xf32> to vector<1x16xf32>
          tpu.vector_store %arg16[%swap3A_184, %swap3A_185], %swap3A_188 {strides = array<i32>} : memref<64x128xf32, #tpu.memory_space<vmem>>, vector<1x16xf32>,
          %get3A_189 = arith.index_cast %scan3A_162 : i32 to index
          %get3A_190 = arith.constant 32 : index
          %get3A_191 = tpu.vector_load %arg19[%get3A_189, %get3A_190] {strides = array<i32>} : memref<64x128xf32, #tpu.memory_space<vmem>>, vector<1x16xf32>,
          %get3A_192 = vector.shape_cast %get3A_191 : vector<1x16xf32> to vector<16xf32>
          %get3A_193 = arith.index_cast %scan3A_162 : i32 to index
          %get3A_194 = arith.constant 32 : index
          %get3A_195 = tpu.vector_load %arg16[%get3A_193, %get3A_194] {strides = array<i32>} : memref<64x128xf32, #tpu.memory_space<vmem>>, vector<1x16xf32>,
          %get3A_196 = vector.shape_cast %get3A_195 : vector<1x16xf32> to vector<16xf32>
          %mul3A_197 = arith.mulf %get3A_192, %get3A_196 : vector<16xf32>
          %swap3A_198 = arith.index_cast %scan3A_162 : i32 to index
          %swap3A_199 = arith.constant 32 : index
          %swap3A_200 = tpu.vector_load %arg16[%swap3A_198, %swap3A_199] {strides = array<i32>} : memref<64x128xf32, #tpu.memory_space<vmem>>, vector<1x16xf32>,
          %swap3A_201 = vector.shape_cast %swap3A_200 : vector<1x16xf32> to vector<16xf32>
          %swap3A_202 = vector.shape_cast %mul3A_197 : vector<16xf32> to vector<1x16xf32>
          tpu.vector_store %arg16[%swap3A_198, %swap3A_199], %swap3A_202 {strides = array<i32>} : memref<64x128xf32, #tpu.memory_space<vmem>>, vector<1x16xf32>,
          %get3A_203 = arith.index_cast %scan3A_162 : i32 to index
          %get3A_204 = arith.constant 48 : index
          %get3A_205 = tpu.vector_load %arg19[%get3A_203, %get3A_204] {strides = array<i32>} : memref<64x128xf32, #tpu.memory_space<vmem>>, vector<1x16xf32>,
          %get3A_206 = vector.shape_cast %get3A_205 : vector<1x16xf32> to vector<16xf32>
          %get3A_207 = arith.index_cast %scan3A_162 : i32 to index
          %get3A_208 = arith.constant 48 : index
          %get3A_209 = tpu.vector_load %arg16[%get3A_207, %get3A_208] {strides = array<i32>} : memref<64x128xf32, #tpu.memory_space<vmem>>, vector<1x16xf32>,
          %get3A_210 = vector.shape_cast %get3A_209 : vector<1x16xf32> to vector<16xf32>
          %mul3A_211 = arith.mulf %get3A_206, %get3A_210 : vector<16xf32>
          %swap3A_212 = arith.index_cast %scan3A_162 : i32 to index
          %swap3A_213 = arith.constant 48 : index
          %swap3A_214 = tpu.vector_load %arg16[%swap3A_212, %swap3A_213] {strides = array<i32>} : memref<64x128xf32, #tpu.memory_space<vmem>>, vector<1x16xf32>,
          %swap3A_215 = vector.shape_cast %swap3A_214 : vector<1x16xf32> to vector<16xf32>
          %swap3A_216 = vector.shape_cast %mul3A_211 : vector<16xf32> to vector<1x16xf32>
          tpu.vector_store %arg16[%swap3A_212, %swap3A_213], %swap3A_216 {strides = array<i32>} : memref<64x128xf32, #tpu.memory_space<vmem>>, vector<1x16xf32>,
          %get3A_217 = arith.index_cast %scan3A_162 : i32 to index
          %get3A_218 = arith.constant 64 : index
          %get3A_219 = tpu.vector_load %arg19[%get3A_217, %get3A_218] {strides = array<i32>} : memref<64x128xf32, #tpu.memory_space<vmem>>, vector<1x16xf32>,
          %get3A_220 = vector.shape_cast %get3A_219 : vector<1x16xf32> to vector<16xf32>
          %get3A_221 = arith.index_cast %scan3A_162 : i32 to index
          %get3A_222 = arith.constant 64 : index
          %get3A_223 = tpu.vector_load %arg16[%get3A_221, %get3A_222] {strides = array<i32>} : memref<64x128xf32, #tpu.memory_space<vmem>>, vector<1x16xf32>,
          %get3A_224 = vector.shape_cast %get3A_223 : vector<1x16xf32> to vector<16xf32>
          %mul3A_225 = arith.mulf %get3A_220, %get3A_224 : vector<16xf32>
          %swap3A_226 = arith.index_cast %scan3A_162 : i32 to index
          %swap3A_227 = arith.constant 64 : index
          %swap3A_228 = tpu.vector_load %arg16[%swap3A_226, %swap3A_227] {strides = array<i32>} : memref<64x128xf32, #tpu.memory_space<vmem>>, vector<1x16xf32>,
          %swap3A_229 = vector.shape_cast %swap3A_228 : vector<1x16xf32> to vector<16xf32>
          %swap3A_230 = vector.shape_cast %mul3A_225 : vector<16xf32> to vector<1x16xf32>
          tpu.vector_store %arg16[%swap3A_226, %swap3A_227], %swap3A_230 {strides = array<i32>} : memref<64x128xf32, #tpu.memory_space<vmem>>, vector<1x16xf32>,
          %get3A_231 = arith.index_cast %scan3A_162 : i32 to index
          %get3A_232 = arith.constant 80 : index
          %get3A_233 = tpu.vector_load %arg19[%get3A_231, %get3A_232] {strides = array<i32>} : memref<64x128xf32, #tpu.memory_space<vmem>>, vector<1x16xf32>,
          %get3A_234 = vector.shape_cast %get3A_233 : vector<1x16xf32> to vector<16xf32>
          %get3A_235 = arith.index_cast %scan3A_162 : i32 to index
          %get3A_236 = arith.constant 80 : index
          %get3A_237 = tpu.vector_load %arg16[%get3A_235, %get3A_236] {strides = array<i32>} : memref<64x128xf32, #tpu.memory_space<vmem>>, vector<1x16xf32>,
          %get3A_238 = vector.shape_cast %get3A_237 : vector<1x16xf32> to vector<16xf32>
          %mul3A_239 = arith.mulf %get3A_234, %get3A_238 : vector<16xf32>
          %swap3A_240 = arith.index_cast %scan3A_162 : i32 to index
          %swap3A_241 = arith.constant 80 : index
          %swap3A_242 = tpu.vector_load %arg16[%swap3A_240, %swap3A_241] {strides = array<i32>} : memref<64x128xf32, #tpu.memory_space<vmem>>, vector<1x16xf32>,
          %swap3A_243 = vector.shape_cast %swap3A_242 : vector<1x16xf32> to vector<16xf32>
          %swap3A_244 = vector.shape_cast %mul3A_239 : vector<16xf32> to vector<1x16xf32>
          tpu.vector_store %arg16[%swap3A_240, %swap3A_241], %swap3A_244 {strides = array<i32>} : memref<64x128xf32, #tpu.memory_space<vmem>>, vector<1x16xf32>,
          %get3A_245 = arith.index_cast %scan3A_162 : i32 to index
          %get3A_246 = arith.constant 96 : index
          %get3A_247 = tpu.vector_load %arg19[%get3A_245, %get3A_246] {strides = array<i32>} : memref<64x128xf32, #tpu.memory_space<vmem>>, vector<1x16xf32>,
          %get3A_248 = vector.shape_cast %get3A_247 : vector<1x16xf32> to vector<16xf32>
          %get3A_249 = arith.index_cast %scan3A_162 : i32 to index
          %get3A_250 = arith.constant 96 : index
          %get3A_251 = tpu.vector_load %arg16[%get3A_249, %get3A_250] {strides = array<i32>} : memref<64x128xf32, #tpu.memory_space<vmem>>, vector<1x16xf32>,
          %get3A_252 = vector.shape_cast %get3A_251 : vector<1x16xf32> to vector<16xf32>
          %mul3A_253 = arith.mulf %get3A_248, %get3A_252 : vector<16xf32>
          %swap3A_254 = arith.index_cast %scan3A_162 : i32 to index
          %swap3A_255 = arith.constant 96 : index
          %swap3A_256 = tpu.vector_load %arg16[%swap3A_254, %swap3A_255] {strides = array<i32>} : memref<64x128xf32, #tpu.memory_space<vmem>>, vector<1x16xf32>,
          %swap3A_257 = vector.shape_cast %swap3A_256 : vector<1x16xf32> to vector<16xf32>
          %swap3A_258 = vector.shape_cast %mul3A_253 : vector<16xf32> to vector<1x16xf32>
          tpu.vector_store %arg16[%swap3A_254, %swap3A_255], %swap3A_258 {strides = array<i32>} : memref<64x128xf32, #tpu.memory_space<vmem>>, vector<1x16xf32>,
          %get3A_259 = arith.index_cast %scan3A_162 : i32 to index
          %get3A_260 = arith.constant 112 : index
          %get3A_261 = tpu.vector_load %arg19[%get3A_259, %get3A_260] {strides = array<i32>} : memref<64x128xf32, #tpu.memory_space<vmem>>, vector<1x16xf32>,
          %get3A_262 = vector.shape_cast %get3A_261 : vector<1x16xf32> to vector<16xf32>
          %get3A_263 = arith.index_cast %scan3A_162 : i32 to index
          %get3A_264 = arith.constant 112 : index
          %get3A_265 = tpu.vector_load %arg16[%get3A_263, %get3A_264] {strides = array<i32>} : memref<64x128xf32, #tpu.memory_space<vmem>>, vector<1x16xf32>,
          %get3A_266 = vector.shape_cast %get3A_265 : vector<1x16xf32> to vector<16xf32>
          %mul3A_267 = arith.mulf %get3A_262, %get3A_266 : vector<16xf32>
          %swap3A_268 = arith.index_cast %scan3A_162 : i32 to index
          %swap3A_269 = arith.constant 112 : index
          %swap3A_270 = tpu.vector_load %arg16[%swap3A_268, %swap3A_269] {strides = array<i32>} : memref<64x128xf32, #tpu.memory_space<vmem>>, vector<1x16xf32>,
          %swap3A_271 = vector.shape_cast %swap3A_270 : vector<1x16xf32> to vector<16xf32>
          %swap3A_272 = vector.shape_cast %mul3A_267 : vector<16xf32> to vector<1x16xf32>
          tpu.vector_store %arg16[%swap3A_268, %swap3A_269], %swap3A_272 {strides = array<i32>} : memref<64x128xf32, #tpu.memory_space<vmem>>, vector<1x16xf32>,
        }
        %scan3A_156 = arith.constant 64 : i32
        %dma_start3A_157 = arith.constant 0 : i32
        %dma_start3A_158 = arith.constant 0 : i32
        %dma_start3A_159 = tpu.memref_slice %arg32[%dma_start3A_157, %dma_start3A_158] : memref<10000x128xf32, #tpu.memory_space<vmem_shared>> -> memref<10000x128xf32, #tpu.memory_space<vmem_shared>>
        tpu.enqueue_indirect_dma source(%arg16 : memref<64x128xf32, #tpu.memory_space<vmem>>) target(%dma_start3A_159 : memref<10000x128xf32, #tpu.memory_space<vmem_shared>>) offsets(%arg13 : memref<64xi32, #tpu.memory_space<vmem>>) semaphore(%arg31 : memref<!tpu.dma_semaphore, #tpu.memory_space<semaphore_mem>>) {add = true}
        %dma_start3A_160 = arith.constant 0 : i32
        %dma_start3A_161 = tpu.memref_slice %arg33[%dma_start3A_160] : memref<10000xf32, #tpu.memory_space<vmem_shared>> -> memref<10000xf32, #tpu.memory_space<vmem_shared>>
        tpu.enqueue_indirect_dma source(%arg21 : memref<64xf32, #tpu.memory_space<vmem>>) target(%dma_start3A_161 : memref<10000xf32, #tpu.memory_space<vmem_shared>>) offsets(%arg13 : memref<64xi32, #tpu.memory_space<vmem>>) semaphore(%arg31 : memref<!tpu.dma_semaphore, #tpu.memory_space<semaphore_mem>>) {add = true}
      } else {
      }
    }
    %scan3A_66 = arith.constant 53 : i32
    %sub3A = arith.constant 1 : i32
    %sub3A_67 = arith.subi %select_n3A, %sub3A : i32
    %rem3A = arith.constant 3 : i32
    %rem3A_68 = arith.remsi %sub3A_67, %rem3A : i32
    %eq3A_69 = arith.constant 0 : i32
    %eq3A_70 = arith.cmpi eq, %rem3A_68, %eq3A_69 : i32
    %convert_element_type3A_71 = arith.extui %eq3A_70 : i1 to i32
    %cond3A_72 = arith.constant 0 : i32
    %cond3A_73 = arith.cmpi ne, %convert_element_type3A_71, %cond3A_72 : i32
    scf.if %cond3A_73 {
      %dma_wait3A_105 = arith.constant 0 : i32
      %dma_wait3A_106 = arith.constant 0 : i32
      %dma_wait3A_107 = tpu.memref_slice %arg32[%dma_wait3A_105, %dma_wait3A_106] : memref<10000x128xf32, #tpu.memory_space<vmem_shared>> -> memref<10000x128xf32, #tpu.memory_space<vmem_shared>>
      tpu.wait_indirect_dma semaphore(%arg29 : memref<!tpu.dma_semaphore, #tpu.memory_space<semaphore_mem>>) src(%arg14 : memref<64x128xf32, #tpu.memory_space<vmem>>) dst(%dma_wait3A_107 : memref<10000x128xf32, #tpu.memory_space<vmem_shared>>)
      %dma_wait3A_108 = arith.constant 0 : i32
      %dma_wait3A_109 = tpu.memref_slice %arg33[%dma_wait3A_108] : memref<10000xf32, #tpu.memory_space<vmem_shared>> -> memref<10000xf32, #tpu.memory_space<vmem_shared>>
      tpu.wait_indirect_dma semaphore(%arg29 : memref<!tpu.dma_semaphore, #tpu.memory_space<semaphore_mem>>) src(%arg21 : memref<64xf32, #tpu.memory_space<vmem>>) dst(%dma_wait3A_109 : memref<10000xf32, #tpu.memory_space<vmem_shared>>)
    } else {
    }
    %sub3A_74 = arith.constant 1 : i32
    %sub3A_75 = arith.subi %select_n3A, %sub3A_74 : i32
    %rem3A_76 = arith.constant 3 : i32
    %rem3A_77 = arith.remsi %sub3A_75, %rem3A_76 : i32
    %eq3A_78 = arith.constant 1 : i32
    %eq3A_79 = arith.cmpi eq, %rem3A_77, %eq3A_78 : i32
    %convert_element_type3A_80 = arith.extui %eq3A_79 : i1 to i32
    %cond3A_81 = arith.constant 0 : i32
    %cond3A_82 = arith.cmpi ne, %convert_element_type3A_80, %cond3A_81 : i32
    scf.if %cond3A_82 {
      %dma_wait3A_105 = arith.constant 0 : i32
      %dma_wait3A_106 = arith.constant 0 : i32
      %dma_wait3A_107 = tpu.memref_slice %arg32[%dma_wait3A_105, %dma_wait3A_106] : memref<10000x128xf32, #tpu.memory_space<vmem_shared>> -> memref<10000x128xf32, #tpu.memory_space<vmem_shared>>
      tpu.wait_indirect_dma semaphore(%arg30 : memref<!tpu.dma_semaphore, #tpu.memory_space<semaphore_mem>>) src(%arg15 : memref<64x128xf32, #tpu.memory_space<vmem>>) dst(%dma_wait3A_107 : memref<10000x128xf32, #tpu.memory_space<vmem_shared>>)
      %dma_wait3A_108 = arith.constant 0 : i32
      %dma_wait3A_109 = tpu.memref_slice %arg33[%dma_wait3A_108] : memref<10000xf32, #tpu.memory_space<vmem_shared>> -> memref<10000xf32, #tpu.memory_space<vmem_shared>>
      tpu.wait_indirect_dma semaphore(%arg30 : memref<!tpu.dma_semaphore, #tpu.memory_space<semaphore_mem>>) src(%arg21 : memref<64xf32, #tpu.memory_space<vmem>>) dst(%dma_wait3A_109 : memref<10000xf32, #tpu.memory_space<vmem_shared>>)
    } else {
    }
    %sub3A_83 = arith.constant 1 : i32
    %sub3A_84 = arith.subi %select_n3A, %sub3A_83 : i32
    %rem3A_85 = arith.constant 3 : i32
    %rem3A_86 = arith.remsi %sub3A_84, %rem3A_85 : i32
    %eq3A_87 = arith.constant 2 : i32
    %eq3A_88 = arith.cmpi eq, %rem3A_86, %eq3A_87 : i32
    %convert_element_type3A_89 = arith.extui %eq3A_88 : i1 to i32
    %cond3A_90 = arith.constant 0 : i32
    %cond3A_91 = arith.cmpi ne, %convert_element_type3A_89, %cond3A_90 : i32
    scf.if %cond3A_91 {
      %dma_wait3A_105 = arith.constant 0 : i32
      %dma_wait3A_106 = arith.constant 0 : i32
      %dma_wait3A_107 = tpu.memref_slice %arg32[%dma_wait3A_105, %dma_wait3A_106] : memref<10000x128xf32, #tpu.memory_space<vmem_shared>> -> memref<10000x128xf32, #tpu.memory_space<vmem_shared>>
      tpu.wait_indirect_dma semaphore(%arg31 : memref<!tpu.dma_semaphore, #tpu.memory_space<semaphore_mem>>) src(%arg16 : memref<64x128xf32, #tpu.memory_space<vmem>>) dst(%dma_wait3A_107 : memref<10000x128xf32, #tpu.memory_space<vmem_shared>>)
      %dma_wait3A_108 = arith.constant 0 : i32
      %dma_wait3A_109 = tpu.memref_slice %arg33[%dma_wait3A_108] : memref<10000xf32, #tpu.memory_space<vmem_shared>> -> memref<10000xf32, #tpu.memory_space<vmem_shared>>
      tpu.wait_indirect_dma semaphore(%arg31 : memref<!tpu.dma_semaphore, #tpu.memory_space<semaphore_mem>>) src(%arg21 : memref<64xf32, #tpu.memory_space<vmem>>) dst(%dma_wait3A_109 : memref<10000xf32, #tpu.memory_space<vmem_shared>>)
    } else {
    }
    %barrier3A_92 = arith.constant 0 : index
    tpu.barrier barrier_id(%barrier3A_92)
    %scan3A_93 = arith.constant 0 : i32
    %scan3A_94 = arith.constant 0 : i32
    %scan3A_95 = arith.constant 4 : i32
    %scan3A_96 = arith.addi %scan3A_94, %scan3A_95 : i32
    %scan3A_97 = arith.constant 1 : i32
    scf.for %scan3A_105 = %scan3A_94 to %scan3A_96 step %scan3A_97  : i32 {
      %mul3A_106 = arith.constant 16 : i32
      %mul3A_107 = arith.muli %scan3A_105, %mul3A_106 : i32
      %add3A_108 = arith.addi %arg1, %mul3A_107 : i32
      %lt3A_109 = arith.constant 50 : i32
      %lt3A_110 = arith.cmpi slt, %add3A_108, %lt3A_109 : i32
      %convert_element_type3A_111 = arith.extui %lt3A_110 : i1 to i32
      %cond3A_112 = arith.constant 0 : i32
      %cond3A_113 = arith.cmpi ne, %convert_element_type3A_111, %cond3A_112 : i32
      scf.if %cond3A_113 {
        %mul3A_114 = arith.constant 200 : i32
        %mul3A_115 = arith.muli %add3A_108, %mul3A_114 : i32
        %mul3A_116 = arith.constant 10000 : i32
        %mul3A_117 = arith.muli %arg0, %mul3A_116 : i32
        %mul3A_118 = arith.constant 200 : i32
        %mul3A_119 = arith.muli %add3A_108, %mul3A_118 : i32
        %add3A_120 = arith.addi %mul3A_117, %mul3A_119 : i32
        "tpu.region"() ({
          %run_scoped3A = tpu.sem_alloc : memref<!tpu.dma_semaphore, #tpu.memory_space<semaphore_mem>>
          %dma_start3A_121 = arith.constant 0 : i32
          %dma_start3A_122 = tpu.memref_slice %arg6[%add3A_120, %dma_start3A_121] : memref<20000x128xf32, #tpu.memory_space<hbm>> -> memref<200x128xf32, #tpu.memory_space<hbm>>
          %dma_start3A_123 = arith.constant 0 : i32
          %dma_start3A_124 = tpu.memref_slice %arg32[%mul3A_115, %dma_start3A_123] : memref<10000x128xf32, #tpu.memory_space<vmem_shared>> -> memref<200x128xf32, #tpu.memory_space<vmem_shared>>
          tpu.enqueue_dma source(%dma_start3A_124 : memref<200x128xf32, #tpu.memory_space<vmem_shared>>) target(%dma_start3A_122 : memref<200x128xf32, #tpu.memory_space<hbm>>) target_semaphore(%run_scoped3A : memref<!tpu.dma_semaphore, #tpu.memory_space<semaphore_mem>>)
          %dma_wait3A_125 = arith.constant 0 : i32
          %dma_wait3A_126 = tpu.memref_slice %arg6[%add3A_120, %dma_wait3A_125] : memref<20000x128xf32, #tpu.memory_space<hbm>> -> memref<200x128xf32, #tpu.memory_space<hbm>>
          %dma_wait3A_127 = arith.constant 0 : i32
          %dma_wait3A_128 = tpu.memref_slice %arg32[%mul3A_115, %dma_wait3A_127] : memref<10000x128xf32, #tpu.memory_space<vmem_shared>> -> memref<200x128xf32, #tpu.memory_space<vmem_shared>>
          tpu.wait_dma2 semaphore(%run_scoped3A : memref<!tpu.dma_semaphore, #tpu.memory_space<semaphore_mem>>) src(%dma_wait3A_128 : memref<200x128xf32, #tpu.memory_space<vmem_shared>>) dst(%dma_wait3A_126 : memref<200x128xf32, #tpu.memory_space<hbm>>)
          tpu.yield
        }) : () -> ()
      } else {
      }
    }
    %scan3A_98 = arith.constant 4 : i32
    %scan3A_99 = arith.constant 0 : i32
    %scan3A_100 = arith.constant 0 : i32
    %scan3A_101 = arith.constant 4 : i32
    %scan3A_102 = arith.addi %scan3A_100, %scan3A_101 : i32
    %scan3A_103 = arith.constant 1 : i32
    scf.for %scan3A_105 = %scan3A_100 to %scan3A_102 step %scan3A_103  : i32 {
      %mul3A_106 = arith.constant 16 : i32
      %mul3A_107 = arith.muli %scan3A_105, %mul3A_106 : i32
      %add3A_108 = arith.addi %arg1, %mul3A_107 : i32
      %lt3A_109 = arith.constant 50 : i32
      %lt3A_110 = arith.cmpi slt, %add3A_108, %lt3A_109 : i32
      %convert_element_type3A_111 = arith.extui %lt3A_110 : i1 to i32
      %cond3A_112 = arith.constant 0 : i32
      %cond3A_113 = arith.cmpi ne, %convert_element_type3A_111, %cond3A_112 : i32
      scf.if %cond3A_113 {
        %mul3A_114 = arith.constant 200 : i32
        %mul3A_115 = arith.muli %add3A_108, %mul3A_114 : i32
        "tpu.region"() ({
          %run_scoped3A = tpu.sem_alloc : memref<!tpu.dma_semaphore, #tpu.memory_space<semaphore_mem>>
          %dma_start3A_121 = tpu.memref_slice %arg33[%mul3A_115] : memref<10000xf32, #tpu.memory_space<vmem_shared>> -> memref<200xf32, #tpu.memory_space<vmem_shared>>
          %dma_start3A_122 = tpu.memref_slice %arg33[%mul3A_115] : memref<10000xf32, #tpu.memory_space<vmem_shared>> -> memref<200xf32, #tpu.memory_space<vmem_shared>>
          tpu.enqueue_dma source(%dma_start3A_122 : memref<200xf32, #tpu.memory_space<vmem_shared>>) target(%arg22 : memref<200xf32, #tpu.memory_space<vmem>>) target_semaphore(%run_scoped3A : memref<!tpu.dma_semaphore, #tpu.memory_space<semaphore_mem>>)
          %dma_wait3A_123 = tpu.memref_slice %arg33[%mul3A_115] : memref<10000xf32, #tpu.memory_space<vmem_shared>> -> memref<200xf32, #tpu.memory_space<vmem_shared>>
          %dma_wait3A_124 = tpu.memref_slice %arg33[%mul3A_115] : memref<10000xf32, #tpu.memory_space<vmem_shared>> -> memref<200xf32, #tpu.memory_space<vmem_shared>>
          tpu.wait_dma2 semaphore(%run_scoped3A : memref<!tpu.dma_semaphore, #tpu.memory_space<semaphore_mem>>) src(%dma_wait3A_124 : memref<200xf32, #tpu.memory_space<vmem_shared>>) dst(%arg22 : memref<200xf32, #tpu.memory_space<vmem>>)
          tpu.yield
        }) : () -> ()
        %mul3A_116 = arith.constant 10000 : i32
        %mul3A_117 = arith.muli %arg0, %mul3A_116 : i32
        %mul3A_118 = arith.constant 200 : i32
        %mul3A_119 = arith.muli %add3A_108, %mul3A_118 : i32
        %add3A_120 = arith.addi %mul3A_117, %mul3A_119 : i32
        "tpu.region"() ({
          %run_scoped3A = tpu.sem_alloc : memref<!tpu.dma_semaphore, #tpu.memory_space<semaphore_mem>>
          %dma_start3A_121 = tpu.memref_slice %arg7[%add3A_120] : memref<20000xf32, #tpu.memory_space<hbm>> -> memref<200xf32, #tpu.memory_space<hbm>>
          %dma_start3A_122 = tpu.memref_slice %arg7[%add3A_120] : memref<20000xf32, #tpu.memory_space<hbm>> -> memref<200xf32, #tpu.memory_space<hbm>>
          tpu.enqueue_dma source(%arg22 : memref<200xf32, #tpu.memory_space<vmem>>) target(%dma_start3A_122 : memref<200xf32, #tpu.memory_space<hbm>>) target_semaphore(%run_scoped3A : memref<!tpu.dma_semaphore, #tpu.memory_space<semaphore_mem>>)
          %dma_wait3A_123 = tpu.memref_slice %arg7[%add3A_120] : memref<20000xf32, #tpu.memory_space<hbm>> -> memref<200xf32, #tpu.memory_space<hbm>>
          %dma_wait3A_124 = tpu.memref_slice %arg7[%add3A_120] : memref<20000xf32, #tpu.memory_space<hbm>> -> memref<200xf32, #tpu.memory_space<hbm>>
          tpu.wait_dma2 semaphore(%run_scoped3A : memref<!tpu.dma_semaphore, #tpu.memory_space<semaphore_mem>>) src(%arg22 : memref<200xf32, #tpu.memory_space<vmem>>) dst(%dma_wait3A_124 : memref<200xf32, #tpu.memory_space<hbm>>)
          tpu.yield
        }) : () -> ()
      } else {
      }
    }
    %scan3A_104 = arith.constant 4 : i32
    return
  }
}

#map = affine_map<(d0, d1) -> (0, 0)>
#map1 = affine_map<(d0, d1) -> (0)>
module attributes {stable_mosaic.version = 14 : i64} {
  func.func @_sc_pass_body(%arg0: i32, %arg1: i32, %arg2: memref<10000x128xf32, #tpu.memory_space<hbm>>, %arg3: memref<320000xi32, #tpu.memory_space<hbm>>, %arg4: memref<320000xi32, #tpu.memory_space<hbm>>, %arg5: memref<320000x128xf32, #tpu.memory_space<hbm>>, %arg6: memref<20000x128xf32, #tpu.memory_space<hbm>>, %arg7: memref<20000xf32, #tpu.memory_space<hbm>>, %arg8: memref<64xi32, #tpu.memory_space<vmem>>, %arg9: memref<64xi32, #tpu.memory_space<vmem>>, %arg10: memref<64xi32, #tpu.memory_space<vmem>>, %arg11: memref<64xi32, #tpu.memory_space<vmem>>, %arg12: memref<64xi32, #tpu.memory_space<vmem>>, %arg13: memref<64xi32, #tpu.memory_space<vmem>>, %arg14: memref<64x128xf32, #tpu.memory_space<vmem>>, %arg15: memref<64x128xf32, #tpu.memory_space<vmem>>, %arg16: memref<64x128xf32, #tpu.memory_space<vmem>>, %arg17: memref<64x128xf32, #tpu.memory_space<vmem>>, %arg18: memref<64x128xf32, #tpu.memory_space<vmem>>, %arg19: memref<64x128xf32, #tpu.memory_space<vmem>>, %arg20: memref<64xf32, #tpu.memory_space<vmem>>, %arg21: memref<64xf32, #tpu.memory_space<vmem>>, %arg22: memref<200xf32, #tpu.memory_space<vmem>>, %arg23: memref<!tpu.dma_semaphore, #tpu.memory_space<semaphore_mem>>, %arg24: memref<!tpu.dma_semaphore, #tpu.memory_space<semaphore_mem>>, %arg25: memref<!tpu.dma_semaphore, #tpu.memory_space<semaphore_mem>>, %arg26: memref<!tpu.dma_semaphore, #tpu.memory_space<semaphore_mem>>, %arg27: memref<!tpu.dma_semaphore, #tpu.memory_space<semaphore_mem>>, %arg28: memref<!tpu.dma_semaphore, #tpu.memory_space<semaphore_mem>>, %arg29: memref<!tpu.dma_semaphore, #tpu.memory_space<semaphore_mem>>, %arg30: memref<!tpu.dma_semaphore, #tpu.memory_space<semaphore_mem>>, %arg31: memref<!tpu.dma_semaphore, #tpu.memory_space<semaphore_mem>>, %arg32: memref<10000x128xf32, #tpu.memory_space<vmem_shared>>, %arg33: memref<10000xf32, #tpu.memory_space<vmem_shared>>) attributes {dimension_semantics = [#tpu.dimension_semantics<core_parallel>, #tpu.dimension_semantics<subcore_parallel>], iteration_bounds = array<i64: 2, 16>, scalar_prefetch = 0 : i64, scratch_operands = 26 : i64, tpu.core_type = #tpu.core_type<sc_vector_subcore>, window_params = [{transform_indices = #map}, {transform_indices = #map1}, {transform_indices = #map1}, {transform_indices = #map}, {transform_indices = #map}, {transform_indices = #map1}]} {
    %mul3A = arith.constant 2 : i32
    %mul3A_0 = arith.muli %arg1, %mul3A : i32
    %add3A = arith.addi %mul3A_0, %arg0 : i32
    %lt3A = arith.constant 8 : i32
    %lt3A_1 = arith.cmpi slt, %add3A, %lt3A : i32
    %jit3A = arith.constant 157 : i32
    %jit3A_2 = arith.constant 156 : i32
    %select_n3A = arith.select %lt3A_1, %jit3A, %jit3A_2 : i32
    %scan3A = arith.constant 0 : i32
    %scan3A_3 = arith.constant 0 : i32
    %scan3A_4 = arith.constant 4 : i32
    %scan3A_5 = arith.addi %scan3A_3, %scan3A_4 : i32
    %scan3A_6 = arith.constant 1 : i32
    scf.for %scan3A_105 = %scan3A_3 to %scan3A_5 step %scan3A_6  : i32 {
      %broadcast_in_dim3A = arith.constant 0.000000e+00 : f32
      %broadcast_in_dim3A_106 = vector.broadcast %broadcast_in_dim3A : f32 to vector<16xf32>
      %mul3A_107 = arith.constant 16 : i32
      %mul3A_108 = arith.muli %scan3A_105, %mul3A_107 : i32
      %swap3A = arith.index_cast %mul3A_108 : i32 to index
      %swap3A_109 = tpu.vector_load %arg20[%swap3A] {strides = array<i32>} : memref<64xf32, #tpu.memory_space<vmem>>, vector<16xf32>,
      %swap3A_110 = vector.shape_cast %swap3A_109 : vector<16xf32> to vector<16xf32>
      %swap3A_111 = vector.shape_cast %broadcast_in_dim3A_106 : vector<16xf32> to vector<16xf32>
      tpu.vector_store %arg20[%swap3A], %swap3A_111 {strides = array<i32>} : memref<64xf32, #tpu.memory_space<vmem>>, vector<16xf32>,
      %broadcast_in_dim3A_112 = arith.constant 1.000000e+00 : f32
      %broadcast_in_dim3A_113 = vector.broadcast %broadcast_in_dim3A_112 : f32 to vector<16xf32>
      %mul3A_114 = arith.constant 16 : i32
      %mul3A_115 = arith.muli %scan3A_105, %mul3A_114 : i32
      %swap3A_116 = arith.index_cast %mul3A_115 : i32 to index
      %swap3A_117 = tpu.vector_load %arg21[%swap3A_116] {strides = array<i32>} : memref<64xf32, #tpu.memory_space<vmem>>, vector<16xf32>,
      %swap3A_118 = vector.shape_cast %swap3A_117 : vector<16xf32> to vector<16xf32>
      %swap3A_119 = vector.shape_cast %broadcast_in_dim3A_113 : vector<16xf32> to vector<16xf32>
      tpu.vector_store %arg21[%swap3A_116], %swap3A_119 {strides = array<i32>} : memref<64xf32, #tpu.memory_space<vmem>>, vector<16xf32>,
    }
    %scan3A_7 = arith.constant 4 : i32
    %scan3A_8 = arith.constant 0 : i32
    %scan3A_9 = arith.constant 0 : i32
    %scan3A_10 = arith.constant 64 : i32
    %scan3A_11 = arith.addi %scan3A_9, %scan3A_10 : i32
    %scan3A_12 = arith.constant 1 : i32
    scf.for %scan3A_105 = %scan3A_9 to %scan3A_11 step %scan3A_12  : i32 {
      %broadcast_in_dim3A = arith.constant 0.000000e+00 : f32
      %broadcast_in_dim3A_106 = vector.broadcast %broadcast_in_dim3A : f32 to vector<16xf32>
      %swap3A = arith.index_cast %scan3A_105 : i32 to index
      %swap3A_107 = arith.constant 0 : index
      %swap3A_108 = tpu.vector_load %arg14[%swap3A, %swap3A_107] {strides = array<i32>} : memref<64x128xf32, #tpu.memory_space<vmem>>, vector<1x16xf32>,
      %swap3A_109 = vector.shape_cast %swap3A_108 : vector<1x16xf32> to vector<16xf32>
      %swap3A_110 = vector.shape_cast %broadcast_in_dim3A_106 : vector<16xf32> to vector<1x16xf32>
      tpu.vector_store %arg14[%swap3A, %swap3A_107], %swap3A_110 {strides = array<i32>} : memref<64x128xf32, #tpu.memory_space<vmem>>, vector<1x16xf32>,
      %broadcast_in_dim3A_111 = arith.constant 0.000000e+00 : f32
      %broadcast_in_dim3A_112 = vector.broadcast %broadcast_in_dim3A_111 : f32 to vector<16xf32>
      %swap3A_113 = arith.index_cast %scan3A_105 : i32 to index
      %swap3A_114 = arith.constant 16 : index
      %swap3A_115 = tpu.vector_load %arg14[%swap3A_113, %swap3A_114] {strides = array<i32>} : memref<64x128xf32, #tpu.memory_space<vmem>>, vector<1x16xf32>,
      %swap3A_116 = vector.shape_cast %swap3A_115 : vector<1x16xf32> to vector<16xf32>
      %swap3A_117 = vector.shape_cast %broadcast_in_dim3A_112 : vector<16xf32> to vector<1x16xf32>
      tpu.vector_store %arg14[%swap3A_113, %swap3A_114], %swap3A_117 {strides = array<i32>} : memref<64x128xf32, #tpu.memory_space<vmem>>, vector<1x16xf32>,
      %broadcast_in_dim3A_118 = arith.constant 0.000000e+00 : f32
      %broadcast_in_dim3A_119 = vector.broadcast %broadcast_in_dim3A_118 : f32 to vector<16xf32>
      %swap3A_120 = arith.index_cast %scan3A_105 : i32 to index
      %swap3A_121 = arith.constant 32 : index
      %swap3A_122 = tpu.vector_load %arg14[%swap3A_120, %swap3A_121] {strides = array<i32>} : memref<64x128xf32, #tpu.memory_space<vmem>>, vector<1x16xf32>,
      %swap3A_123 = vector.shape_cast %swap3A_122 : vector<1x16xf32> to vector<16xf32>
      %swap3A_124 = vector.shape_cast %broadcast_in_dim3A_119 : vector<16xf32> to vector<1x16xf32>
      tpu.vector_store %arg14[%swap3A_120, %swap3A_121], %swap3A_124 {strides = array<i32>} : memref<64x128xf32, #tpu.memory_space<vmem>>, vector<1x16xf32>,
      %broadcast_in_dim3A_125 = arith.constant 0.000000e+00 : f32
      %broadcast_in_dim3A_126 = vector.broadcast %broadcast_in_dim3A_125 : f32 to vector<16xf32>
      %swap3A_127 = arith.index_cast %scan3A_105 : i32 to index
      %swap3A_128 = arith.constant 48 : index
      %swap3A_129 = tpu.vector_load %arg14[%swap3A_127, %swap3A_128] {strides = array<i32>} : memref<64x128xf32, #tpu.memory_space<vmem>>, vector<1x16xf32>,
      %swap3A_130 = vector.shape_cast %swap3A_129 : vector<1x16xf32> to vector<16xf32>
      %swap3A_131 = vector.shape_cast %broadcast_in_dim3A_126 : vector<16xf32> to vector<1x16xf32>
      tpu.vector_store %arg14[%swap3A_127, %swap3A_128], %swap3A_131 {strides = array<i32>} : memref<64x128xf32, #tpu.memory_space<vmem>>, vector<1x16xf32>,
      %broadcast_in_dim3A_132 = arith.constant 0.000000e+00 : f32
      %broadcast_in_dim3A_133 = vector.broadcast %broadcast_in_dim3A_132 : f32 to vector<16xf32>
      %swap3A_134 = arith.index_cast %scan3A_105 : i32 to index
      %swap3A_135 = arith.constant 64 : index
      %swap3A_136 = tpu.vector_load %arg14[%swap3A_134, %swap3A_135] {strides = array<i32>} : memref<64x128xf32, #tpu.memory_space<vmem>>, vector<1x16xf32>,
      %swap3A_137 = vector.shape_cast %swap3A_136 : vector<1x16xf32> to vector<16xf32>
      %swap3A_138 = vector.shape_cast %broadcast_in_dim3A_133 : vector<16xf32> to vector<1x16xf32>
      tpu.vector_store %arg14[%swap3A_134, %swap3A_135], %swap3A_138 {strides = array<i32>} : memref<64x128xf32, #tpu.memory_space<vmem>>, vector<1x16xf32>,
      %broadcast_in_dim3A_139 = arith.constant 0.000000e+00 : f32
      %broadcast_in_dim3A_140 = vector.broadcast %broadcast_in_dim3A_139 : f32 to vector<16xf32>
      %swap3A_141 = arith.index_cast %scan3A_105 : i32 to index
      %swap3A_142 = arith.constant 80 : index
      %swap3A_143 = tpu.vector_load %arg14[%swap3A_141, %swap3A_142] {strides = array<i32>} : memref<64x128xf32, #tpu.memory_space<vmem>>, vector<1x16xf32>,
      %swap3A_144 = vector.shape_cast %swap3A_143 : vector<1x16xf32> to vector<16xf32>
      %swap3A_145 = vector.shape_cast %broadcast_in_dim3A_140 : vector<16xf32> to vector<1x16xf32>
      tpu.vector_store %arg14[%swap3A_141, %swap3A_142], %swap3A_145 {strides = array<i32>} : memref<64x128xf32, #tpu.memory_space<vmem>>, vector<1x16xf32>,
      %broadcast_in_dim3A_146 = arith.constant 0.000000e+00 : f32
      %broadcast_in_dim3A_147 = vector.broadcast %broadcast_in_dim3A_146 : f32 to vector<16xf32>
      %swap3A_148 = arith.index_cast %scan3A_105 : i32 to index
      %swap3A_149 = arith.constant 96 : index
      %swap3A_150 = tpu.vector_load %arg14[%swap3A_148, %swap3A_149] {strides = array<i32>} : memref<64x128xf32, #tpu.memory_space<vmem>>, vector<1x16xf32>,
      %swap3A_151 = vector.shape_cast %swap3A_150 : vector<1x16xf32> to vector<16xf32>
      %swap3A_152 = vector.shape_cast %broadcast_in_dim3A_147 : vector<16xf32> to vector<1x16xf32>
      tpu.vector_store %arg14[%swap3A_148, %swap3A_149], %swap3A_152 {strides = array<i32>} : memref<64x128xf32, #tpu.memory_space<vmem>>, vector<1x16xf32>,
      %broadcast_in_dim3A_153 = arith.constant 0.000000e+00 : f32
      %broadcast_in_dim3A_154 = vector.broadcast %broadcast_in_dim3A_153 : f32 to vector<16xf32>
      %swap3A_155 = arith.index_cast %scan3A_105 : i32 to index
      %swap3A_156 = arith.constant 112 : index
      %swap3A_157 = tpu.vector_load %arg14[%swap3A_155, %swap3A_156] {strides = array<i32>} : memref<64x128xf32, #tpu.memory_space<vmem>>, vector<1x16xf32>,
      %swap3A_158 = vector.shape_cast %swap3A_157 : vector<1x16xf32> to vector<16xf32>
      %swap3A_159 = vector.shape_cast %broadcast_in_dim3A_154 : vector<16xf32> to vector<1x16xf32>
      tpu.vector_store %arg14[%swap3A_155, %swap3A_156], %swap3A_159 {strides = array<i32>} : memref<64x128xf32, #tpu.memory_space<vmem>>, vector<1x16xf32>,
    }
    %scan3A_13 = arith.constant 64 : i32
    %scan3A_14 = arith.constant 0 : i32
    %scan3A_15 = arith.constant 0 : i32
    %scan3A_16 = arith.constant 10 : i32
    %scan3A_17 = arith.addi %scan3A_15, %scan3A_16 : i32
    %scan3A_18 = arith.constant 1 : i32
    scf.for %scan3A_105 = %scan3A_15 to %scan3A_17 step %scan3A_18  : i32 {
      %mul3A_106 = arith.constant 16 : i32
      %mul3A_107 = arith.muli %scan3A_105, %mul3A_106 : i32
      %add3A_108 = arith.addi %arg1, %mul3A_107 : i32
      %lt3A_109 = arith.constant 156 : i32
      %lt3A_110 = arith.cmpi slt, %add3A_108, %lt3A_109 : i32
      %convert_element_type3A_111 = arith.extui %lt3A_110 : i1 to i32
      %cond3A_112 = arith.constant 0 : i32
      %cond3A_113 = arith.cmpi ne, %convert_element_type3A_111, %cond3A_112 : i32
      scf.if %cond3A_113 {
        %mul3A_114 = arith.constant 64 : i32
        %mul3A_115 = arith.muli %add3A_108, %mul3A_114 : i32
        "tpu.region"() ({
          %run_scoped3A = tpu.sem_alloc : memref<!tpu.dma_semaphore, #tpu.memory_space<semaphore_mem>>
          %dma_start3A_118 = arith.constant 0 : i32
          %dma_start3A_119 = tpu.memref_slice %arg32[%mul3A_115, %dma_start3A_118] : memref<10000x128xf32, #tpu.memory_space<vmem_shared>> -> memref<64x128xf32, #tpu.memory_space<vmem_shared>>
          %dma_start3A_120 = arith.constant 0 : i32
          %dma_start3A_121 = tpu.memref_slice %arg32[%mul3A_115, %dma_start3A_120] : memref<10000x128xf32, #tpu.memory_space<vmem_shared>> -> memref<64x128xf32, #tpu.memory_space<vmem_shared>>
          tpu.enqueue_dma source(%arg14 : memref<64x128xf32, #tpu.memory_space<vmem>>) target(%dma_start3A_121 : memref<64x128xf32, #tpu.memory_space<vmem_shared>>) target_semaphore(%run_scoped3A : memref<!tpu.dma_semaphore, #tpu.memory_space<semaphore_mem>>)
          %dma_wait3A_122 = arith.constant 0 : i32
          %dma_wait3A_123 = tpu.memref_slice %arg32[%mul3A_115, %dma_wait3A_122] : memref<10000x128xf32, #tpu.memory_space<vmem_shared>> -> memref<64x128xf32, #tpu.memory_space<vmem_shared>>
          %dma_wait3A_124 = arith.constant 0 : i32
          %dma_wait3A_125 = tpu.memref_slice %arg32[%mul3A_115, %dma_wait3A_124] : memref<10000x128xf32, #tpu.memory_space<vmem_shared>> -> memref<64x128xf32, #tpu.memory_space<vmem_shared>>
          tpu.wait_dma2 semaphore(%run_scoped3A : memref<!tpu.dma_semaphore, #tpu.memory_space<semaphore_mem>>) src(%arg14 : memref<64x128xf32, #tpu.memory_space<vmem>>) dst(%dma_wait3A_125 : memref<64x128xf32, #tpu.memory_space<vmem_shared>>)
          tpu.yield
        }) : () -> ()
        %mul3A_116 = arith.constant 64 : i32
        %mul3A_117 = arith.muli %add3A_108, %mul3A_116 : i32
        "tpu.region"() ({
          %run_scoped3A = tpu.sem_alloc : memref<!tpu.dma_semaphore, #tpu.memory_space<semaphore_mem>>
          %dma_start3A_118 = tpu.memref_slice %arg33[%mul3A_117] : memref<10000xf32, #tpu.memory_space<vmem_shared>> -> memref<64xf32, #tpu.memory_space<vmem_shared>>
          %dma_start3A_119 = tpu.memref_slice %arg33[%mul3A_117] : memref<10000xf32, #tpu.memory_space<vmem_shared>> -> memref<64xf32, #tpu.memory_space<vmem_shared>>
          tpu.enqueue_dma source(%arg20 : memref<64xf32, #tpu.memory_space<vmem>>) target(%dma_start3A_119 : memref<64xf32, #tpu.memory_space<vmem_shared>>) target_semaphore(%run_scoped3A : memref<!tpu.dma_semaphore, #tpu.memory_space<semaphore_mem>>)
          %dma_wait3A_120 = tpu.memref_slice %arg33[%mul3A_117] : memref<10000xf32, #tpu.memory_space<vmem_shared>> -> memref<64xf32, #tpu.memory_space<vmem_shared>>
          %dma_wait3A_121 = tpu.memref_slice %arg33[%mul3A_117] : memref<10000xf32, #tpu.memory_space<vmem_shared>> -> memref<64xf32, #tpu.memory_space<vmem_shared>>
          tpu.wait_dma2 semaphore(%run_scoped3A : memref<!tpu.dma_semaphore, #tpu.memory_space<semaphore_mem>>) src(%arg20 : memref<64xf32, #tpu.memory_space<vmem>>) dst(%dma_wait3A_121 : memref<64xf32, #tpu.memory_space<vmem_shared>>)
          tpu.yield
        }) : () -> ()
      } else {
      }
    }
    %scan3A_19 = arith.constant 10 : i32
    %eq3A = arith.constant 0 : i32
    %eq3A_20 = arith.cmpi eq, %arg1, %eq3A : i32
    %convert_element_type3A = arith.extui %eq3A_20 : i1 to i32
    %cond3A = arith.constant 0 : i32
    %cond3A_21 = arith.cmpi ne, %convert_element_type3A, %cond3A : i32
    scf.if %cond3A_21 {
      "tpu.region"() ({
        %run_scoped3A = tpu.sem_alloc : memref<!tpu.dma_semaphore, #tpu.memory_space<semaphore_mem>>
        %dma_start3A_105 = arith.constant 0 : i32
        %dma_start3A_106 = arith.constant 0 : i32
        %dma_start3A_107 = tpu.memref_slice %arg14[%dma_start3A_105, %dma_start3A_106] : memref<64x128xf32, #tpu.memory_space<vmem>> -> memref<16x128xf32, #tpu.memory_space<vmem>>
        %dma_start3A_108 = arith.constant 9984 : i32
        %dma_start3A_109 = arith.constant 0 : i32
        %dma_start3A_110 = tpu.memref_slice %arg32[%dma_start3A_108, %dma_start3A_109] : memref<10000x128xf32, #tpu.memory_space<vmem_shared>> -> memref<16x128xf32, #tpu.memory_space<vmem_shared>>
        %dma_start3A_111 = arith.constant 9984 : i32
        %dma_start3A_112 = arith.constant 0 : i32
        %dma_start3A_113 = tpu.memref_slice %arg32[%dma_start3A_111, %dma_start3A_112] : memref<10000x128xf32, #tpu.memory_space<vmem_shared>> -> memref<16x128xf32, #tpu.memory_space<vmem_shared>>
        %dma_start3A_114 = arith.constant 0 : i32
        %dma_start3A_115 = arith.constant 0 : i32
        %dma_start3A_116 = tpu.memref_slice %arg14[%dma_start3A_114, %dma_start3A_115] : memref<64x128xf32, #tpu.memory_space<vmem>> -> memref<16x128xf32, #tpu.memory_space<vmem>>
        tpu.enqueue_dma source(%dma_start3A_116 : memref<16x128xf32, #tpu.memory_space<vmem>>) target(%dma_start3A_113 : memref<16x128xf32, #tpu.memory_space<vmem_shared>>) target_semaphore(%run_scoped3A : memref<!tpu.dma_semaphore, #tpu.memory_space<semaphore_mem>>)
        %dma_wait3A_117 = arith.constant 0 : i32
        %dma_wait3A_118 = arith.constant 0 : i32
        %dma_wait3A_119 = tpu.memref_slice %arg14[%dma_wait3A_117, %dma_wait3A_118] : memref<64x128xf32, #tpu.memory_space<vmem>> -> memref<16x128xf32, #tpu.memory_space<vmem>>
        %dma_wait3A_120 = arith.constant 9984 : i32
        %dma_wait3A_121 = arith.constant 0 : i32
        %dma_wait3A_122 = tpu.memref_slice %arg32[%dma_wait3A_120, %dma_wait3A_121] : memref<10000x128xf32, #tpu.memory_space<vmem_shared>> -> memref<16x128xf32, #tpu.memory_space<vmem_shared>>
        %dma_wait3A_123 = arith.constant 9984 : i32
        %dma_wait3A_124 = arith.constant 0 : i32
        %dma_wait3A_125 = tpu.memref_slice %arg32[%dma_wait3A_123, %dma_wait3A_124] : memref<10000x128xf32, #tpu.memory_space<vmem_shared>> -> memref<16x128xf32, #tpu.memory_space<vmem_shared>>
        %dma_wait3A_126 = arith.constant 0 : i32
        %dma_wait3A_127 = arith.constant 0 : i32
        %dma_wait3A_128 = tpu.memref_slice %arg14[%dma_wait3A_126, %dma_wait3A_127] : memref<64x128xf32, #tpu.memory_space<vmem>> -> memref<16x128xf32, #tpu.memory_space<vmem>>
        tpu.wait_dma2 semaphore(%run_scoped3A : memref<!tpu.dma_semaphore, #tpu.memory_space<semaphore_mem>>) src(%dma_wait3A_128 : memref<16x128xf32, #tpu.memory_space<vmem>>) dst(%dma_wait3A_125 : memref<16x128xf32, #tpu.memory_space<vmem_shared>>)
        tpu.yield
      }) : () -> ()
      "tpu.region"() ({
        %run_scoped3A = tpu.sem_alloc : memref<!tpu.dma_semaphore, #tpu.memory_space<semaphore_mem>>
        %dma_start3A_105 = arith.constant 0 : i32
        %dma_start3A_106 = tpu.memref_slice %arg20[%dma_start3A_105] : memref<64xf32, #tpu.memory_space<vmem>> -> memref<16xf32, #tpu.memory_space<vmem>>
        %dma_start3A_107 = arith.constant 9984 : i32
        %dma_start3A_108 = tpu.memref_slice %arg33[%dma_start3A_107] : memref<10000xf32, #tpu.memory_space<vmem_shared>> -> memref<16xf32, #tpu.memory_space<vmem_shared>>
        %dma_start3A_109 = arith.constant 9984 : i32
        %dma_start3A_110 = tpu.memref_slice %arg33[%dma_start3A_109] : memref<10000xf32, #tpu.memory_space<vmem_shared>> -> memref<16xf32, #tpu.memory_space<vmem_shared>>
        %dma_start3A_111 = arith.constant 0 : i32
        %dma_start3A_112 = tpu.memref_slice %arg20[%dma_start3A_111] : memref<64xf32, #tpu.memory_space<vmem>> -> memref<16xf32, #tpu.memory_space<vmem>>
        tpu.enqueue_dma source(%dma_start3A_112 : memref<16xf32, #tpu.memory_space<vmem>>) target(%dma_start3A_110 : memref<16xf32, #tpu.memory_space<vmem_shared>>) target_semaphore(%run_scoped3A : memref<!tpu.dma_semaphore, #tpu.memory_space<semaphore_mem>>)
        %dma_wait3A_113 = arith.constant 0 : i32
        %dma_wait3A_114 = tpu.memref_slice %arg20[%dma_wait3A_113] : memref<64xf32, #tpu.memory_space<vmem>> -> memref<16xf32, #tpu.memory_space<vmem>>
        %dma_wait3A_115 = arith.constant 9984 : i32
        %dma_wait3A_116 = tpu.memref_slice %arg33[%dma_wait3A_115] : memref<10000xf32, #tpu.memory_space<vmem_shared>> -> memref<16xf32, #tpu.memory_space<vmem_shared>>
        %dma_wait3A_117 = arith.constant 9984 : i32
        %dma_wait3A_118 = tpu.memref_slice %arg33[%dma_wait3A_117] : memref<10000xf32, #tpu.memory_space<vmem_shared>> -> memref<16xf32, #tpu.memory_space<vmem_shared>>
        %dma_wait3A_119 = arith.constant 0 : i32
        %dma_wait3A_120 = tpu.memref_slice %arg20[%dma_wait3A_119] : memref<64xf32, #tpu.memory_space<vmem>> -> memref<16xf32, #tpu.memory_space<vmem>>
        tpu.wait_dma2 semaphore(%run_scoped3A : memref<!tpu.dma_semaphore, #tpu.memory_space<semaphore_mem>>) src(%dma_wait3A_120 : memref<16xf32, #tpu.memory_space<vmem>>) dst(%dma_wait3A_118 : memref<16xf32, #tpu.memory_space<vmem_shared>>)
        tpu.yield
      }) : () -> ()
    } else {
    }
    %barrier3A = arith.constant 0 : index
    tpu.barrier barrier_id(%barrier3A)
    %add3A_22 = arith.constant 0 : i32
    %add3A_23 = arith.addi %add3A_22, %add3A : i32
    %mul3A_24 = arith.constant 64 : i32
    %mul3A_25 = arith.muli %add3A_23, %mul3A_24 : i32
    %dma_start3A = tpu.memref_slice %arg3[%mul3A_25] : memref<320000xi32, #tpu.memory_space<hbm>> -> memref<64xi32, #tpu.memory_space<hbm>>
    %dma_start3A_26 = tpu.memref_slice %arg3[%mul3A_25] : memref<320000xi32, #tpu.memory_space<hbm>> -> memref<64xi32, #tpu.memory_space<hbm>>
    tpu.enqueue_dma source(%dma_start3A_26 : memref<64xi32, #tpu.memory_space<hbm>>) target(%arg8 : memref<64xi32, #tpu.memory_space<vmem>>) target_semaphore(%arg23 : memref<!tpu.dma_semaphore, #tpu.memory_space<semaphore_mem>>)
    %dma_start3A_27 = tpu.memref_slice %arg4[%mul3A_25] : memref<320000xi32, #tpu.memory_space<hbm>> -> memref<64xi32, #tpu.memory_space<hbm>>
    %dma_start3A_28 = tpu.memref_slice %arg4[%mul3A_25] : memref<320000xi32, #tpu.memory_space<hbm>> -> memref<64xi32, #tpu.memory_space<hbm>>
    tpu.enqueue_dma source(%dma_start3A_28 : memref<64xi32, #tpu.memory_space<hbm>>) target(%arg11 : memref<64xi32, #tpu.memory_space<vmem>>) target_semaphore(%arg23 : memref<!tpu.dma_semaphore, #tpu.memory_space<semaphore_mem>>)
    %dma_start3A_29 = arith.constant 0 : i32
    %dma_start3A_30 = tpu.memref_slice %arg5[%mul3A_25, %dma_start3A_29] : memref<320000x128xf32, #tpu.memory_space<hbm>> -> memref<64x128xf32, #tpu.memory_space<hbm>>
    %dma_start3A_31 = arith.constant 0 : i32
    %dma_start3A_32 = tpu.memref_slice %arg5[%mul3A_25, %dma_start3A_31] : memref<320000x128xf32, #tpu.memory_space<hbm>> -> memref<64x128xf32, #tpu.memory_space<hbm>>
    tpu.enqueue_dma source(%dma_start3A_32 : memref<64x128xf32, #tpu.memory_space<hbm>>) target(%arg14 : memref<64x128xf32, #tpu.memory_space<vmem>>) target_semaphore(%arg23 : memref<!tpu.dma_semaphore, #tpu.memory_space<semaphore_mem>>)
    %add3A_33 = arith.constant 32 : i32
    %add3A_34 = arith.addi %add3A_33, %add3A : i32
    %mul3A_35 = arith.constant 64 : i32
    %mul3A_36 = arith.muli %add3A_34, %mul3A_35 : i32
    %dma_start3A_37 = tpu.memref_slice %arg3[%mul3A_36] : memref<320000xi32, #tpu.memory_space<hbm>> -> memref<64xi32, #tpu.memory_space<hbm>>
    %dma_start3A_38 = tpu.memref_slice %arg3[%mul3A_36] : memref<320000xi32, #tpu.memory_space<hbm>> -> memref<64xi32, #tpu.memory_space<hbm>>
    tpu.enqueue_dma source(%dma_start3A_38 : memref<64xi32, #tpu.memory_space<hbm>>) target(%arg9 : memref<64xi32, #tpu.memory_space<vmem>>) target_semaphore(%arg24 : memref<!tpu.dma_semaphore, #tpu.memory_space<semaphore_mem>>)
    %dma_start3A_39 = tpu.memref_slice %arg4[%mul3A_36] : memref<320000xi32, #tpu.memory_space<hbm>> -> memref<64xi32, #tpu.memory_space<hbm>>
    %dma_start3A_40 = tpu.memref_slice %arg4[%mul3A_36] : memref<320000xi32, #tpu.memory_space<hbm>> -> memref<64xi32, #tpu.memory_space<hbm>>
    tpu.enqueue_dma source(%dma_start3A_40 : memref<64xi32, #tpu.memory_space<hbm>>) target(%arg12 : memref<64xi32, #tpu.memory_space<vmem>>) target_semaphore(%arg24 : memref<!tpu.dma_semaphore, #tpu.memory_space<semaphore_mem>>)
    %dma_start3A_41 = arith.constant 0 : i32
    %dma_start3A_42 = tpu.memref_slice %arg5[%mul3A_36, %dma_start3A_41] : memref<320000x128xf32, #tpu.memory_space<hbm>> -> memref<64x128xf32, #tpu.memory_space<hbm>>
    %dma_start3A_43 = arith.constant 0 : i32
    %dma_start3A_44 = tpu.memref_slice %arg5[%mul3A_36, %dma_start3A_43] : memref<320000x128xf32, #tpu.memory_space<hbm>> -> memref<64x128xf32, #tpu.memory_space<hbm>>
    tpu.enqueue_dma source(%dma_start3A_44 : memref<64x128xf32, #tpu.memory_space<hbm>>) target(%arg15 : memref<64x128xf32, #tpu.memory_space<vmem>>) target_semaphore(%arg24 : memref<!tpu.dma_semaphore, #tpu.memory_space<semaphore_mem>>)
    %dma_wait3A = arith.constant 0 : i32
    %dma_wait3A_45 = tpu.memref_slice %arg3[%dma_wait3A] : memref<320000xi32, #tpu.memory_space<hbm>> -> memref<64xi32, #tpu.memory_space<hbm>>
    %dma_wait3A_46 = arith.constant 0 : i32
    %dma_wait3A_47 = tpu.memref_slice %arg3[%dma_wait3A_46] : memref<320000xi32, #tpu.memory_space<hbm>> -> memref<64xi32, #tpu.memory_space<hbm>>
    tpu.wait_dma2 semaphore(%arg23 : memref<!tpu.dma_semaphore, #tpu.memory_space<semaphore_mem>>) src(%dma_wait3A_47 : memref<64xi32, #tpu.memory_space<hbm>>) dst(%arg8 : memref<64xi32, #tpu.memory_space<vmem>>)
    %dma_wait3A_48 = arith.constant 0 : i32
    %dma_wait3A_49 = tpu.memref_slice %arg4[%dma_wait3A_48] : memref<320000xi32, #tpu.memory_space<hbm>> -> memref<64xi32, #tpu.memory_space<hbm>>
    %dma_wait3A_50 = arith.constant 0 : i32
    %dma_wait3A_51 = tpu.memref_slice %arg4[%dma_wait3A_50] : memref<320000xi32, #tpu.memory_space<hbm>> -> memref<64xi32, #tpu.memory_space<hbm>>
    tpu.wait_dma2 semaphore(%arg23 : memref<!tpu.dma_semaphore, #tpu.memory_space<semaphore_mem>>) src(%dma_wait3A_51 : memref<64xi32, #tpu.memory_space<hbm>>) dst(%arg11 : memref<64xi32, #tpu.memory_space<vmem>>)
    %dma_wait3A_52 = arith.constant 0 : i32
    %dma_wait3A_53 = arith.constant 0 : i32
    %dma_wait3A_54 = tpu.memref_slice %arg5[%dma_wait3A_52, %dma_wait3A_53] : memref<320000x128xf32, #tpu.memory_space<hbm>> -> memref<64x128xf32, #tpu.memory_space<hbm>>
    %dma_wait3A_55 = arith.constant 0 : i32
    %dma_wait3A_56 = arith.constant 0 : i32
    %dma_wait3A_57 = tpu.memref_slice %arg5[%dma_wait3A_55, %dma_wait3A_56] : memref<320000x128xf32, #tpu.memory_space<hbm>> -> memref<64x128xf32, #tpu.memory_space<hbm>>
    tpu.wait_dma2 semaphore(%arg23 : memref<!tpu.dma_semaphore, #tpu.memory_space<semaphore_mem>>) src(%dma_wait3A_57 : memref<64x128xf32, #tpu.memory_space<hbm>>) dst(%arg14 : memref<64x128xf32, #tpu.memory_space<vmem>>)
    %dma_start3A_58 = arith.constant 0 : i32
    %dma_start3A_59 = arith.constant 0 : i32
    %dma_start3A_60 = tpu.memref_slice %arg2[%dma_start3A_58, %dma_start3A_59] : memref<10000x128xf32, #tpu.memory_space<hbm>> -> memref<10000x128xf32, #tpu.memory_space<hbm>>
    tpu.enqueue_indirect_dma source(%dma_start3A_60 : memref<10000x128xf32, #tpu.memory_space<hbm>>) target(%arg17 : memref<64x128xf32, #tpu.memory_space<vmem>>) offsets(%arg8 : memref<64xi32, #tpu.memory_space<vmem>>) semaphore(%arg26 : memref<!tpu.dma_semaphore, #tpu.memory_space<semaphore_mem>>)
    %scan3A_61 = arith.constant 0 : i32
    %scan3A_62 = arith.constant 0 : i32
    %scan3A_63 = arith.constant 53 : i32
    %scan3A_64 = arith.addi %scan3A_62, %scan3A_63 : i32
    %scan3A_65 = arith.constant 1 : i32
    scf.for %scan3A_105 = %scan3A_62 to %scan3A_64 step %scan3A_65  : i32 {
      %mul3A_106 = arith.constant 3 : i32
      %mul3A_107 = arith.muli %scan3A_105, %mul3A_106 : i32
      %add3A_108 = arith.constant 0 : i32
      %add3A_109 = arith.addi %mul3A_107, %add3A_108 : i32
      %lt3A_110 = arith.cmpi slt, %add3A_109, %select_n3A : i32
      %convert_element_type3A_111 = arith.extui %lt3A_110 : i1 to i32
      %cond3A_112 = arith.constant 0 : i32
      %cond3A_113 = arith.cmpi ne, %convert_element_type3A_111, %cond3A_112 : i32
      scf.if %cond3A_113 {
        %add3A_130 = arith.constant 1 : i32
        %add3A_131 = arith.addi %add3A_109, %add3A_130 : i32
        %lt3A_132 = arith.cmpi slt, %add3A_131, %select_n3A : i32
        %convert_element_type3A_133 = arith.extui %lt3A_132 : i1 to i32
        %cond3A_134 = arith.constant 0 : i32
        %cond3A_135 = arith.cmpi ne, %convert_element_type3A_133, %cond3A_134 : i32
        scf.if %cond3A_135 {
          %dma_wait3A_162 = arith.constant 0 : i32
          %dma_wait3A_163 = tpu.memref_slice %arg3[%dma_wait3A_162] : memref<320000xi32, #tpu.memory_space<hbm>> -> memref<64xi32, #tpu.memory_space<hbm>>
          %dma_wait3A_164 = arith.constant 0 : i32
          %dma_wait3A_165 = tpu.memref_slice %arg3[%dma_wait3A_164] : memref<320000xi32, #tpu.memory_space<hbm>> -> memref<64xi32, #tpu.memory_space<hbm>>
          tpu.wait_dma2 semaphore(%arg24 : memref<!tpu.dma_semaphore, #tpu.memory_space<semaphore_mem>>) src(%dma_wait3A_165 : memref<64xi32, #tpu.memory_space<hbm>>) dst(%arg9 : memref<64xi32, #tpu.memory_space<vmem>>)
          %dma_wait3A_166 = arith.constant 0 : i32
          %dma_wait3A_167 = tpu.memref_slice %arg4[%dma_wait3A_166] : memref<320000xi32, #tpu.memory_space<hbm>> -> memref<64xi32, #tpu.memory_space<hbm>>
          %dma_wait3A_168 = arith.constant 0 : i32
          %dma_wait3A_169 = tpu.memref_slice %arg4[%dma_wait3A_168] : memref<320000xi32, #tpu.memory_space<hbm>> -> memref<64xi32, #tpu.memory_space<hbm>>
          tpu.wait_dma2 semaphore(%arg24 : memref<!tpu.dma_semaphore, #tpu.memory_space<semaphore_mem>>) src(%dma_wait3A_169 : memref<64xi32, #tpu.memory_space<hbm>>) dst(%arg12 : memref<64xi32, #tpu.memory_space<vmem>>)
          %dma_wait3A_170 = arith.constant 0 : i32
          %dma_wait3A_171 = arith.constant 0 : i32
          %dma_wait3A_172 = tpu.memref_slice %arg5[%dma_wait3A_170, %dma_wait3A_171] : memref<320000x128xf32, #tpu.memory_space<hbm>> -> memref<64x128xf32, #tpu.memory_space<hbm>>
          %dma_wait3A_173 = arith.constant 0 : i32
          %dma_wait3A_174 = arith.constant 0 : i32
          %dma_wait3A_175 = tpu.memref_slice %arg5[%dma_wait3A_173, %dma_wait3A_174] : memref<320000x128xf32, #tpu.memory_space<hbm>> -> memref<64x128xf32, #tpu.memory_space<hbm>>
          tpu.wait_dma2 semaphore(%arg24 : memref<!tpu.dma_semaphore, #tpu.memory_space<semaphore_mem>>) src(%dma_wait3A_175 : memref<64x128xf32, #tpu.memory_space<hbm>>) dst(%arg15 : memref<64x128xf32, #tpu.memory_space<vmem>>)
          %dma_start3A_176 = arith.constant 0 : i32
          %dma_start3A_177 = arith.constant 0 : i32
          %dma_start3A_178 = tpu.memref_slice %arg2[%dma_start3A_176, %dma_start3A_177] : memref<10000x128xf32, #tpu.memory_space<hbm>> -> memref<10000x128xf32, #tpu.memory_space<hbm>>
          tpu.enqueue_indirect_dma source(%dma_start3A_178 : memref<10000x128xf32, #tpu.memory_space<hbm>>) target(%arg18 : memref<64x128xf32, #tpu.memory_space<vmem>>) offsets(%arg9 : memref<64xi32, #tpu.memory_space<vmem>>) semaphore(%arg27 : memref<!tpu.dma_semaphore, #tpu.memory_space<semaphore_mem>>)
        } else {
        }
        %ge3A = arith.constant 1 : i32
        %ge3A_136 = arith.cmpi sge, %add3A_109, %ge3A : i32
        %convert_element_type3A_137 = arith.extui %ge3A_136 : i1 to i32
        %cond3A_138 = arith.constant 0 : i32
        %cond3A_139 = arith.cmpi ne, %convert_element_type3A_137, %cond3A_138 : i32
        scf.if %cond3A_139 {
          %dma_wait3A_162 = arith.constant 0 : i32
          %dma_wait3A_163 = arith.constant 0 : i32
          %dma_wait3A_164 = tpu.memref_slice %arg32[%dma_wait3A_162, %dma_wait3A_163] : memref<10000x128xf32, #tpu.memory_space<vmem_shared>> -> memref<10000x128xf32, #tpu.memory_space<vmem_shared>>
          tpu.wait_indirect_dma semaphore(%arg31 : memref<!tpu.dma_semaphore, #tpu.memory_space<semaphore_mem>>) src(%arg16 : memref<64x128xf32, #tpu.memory_space<vmem>>) dst(%dma_wait3A_164 : memref<10000x128xf32, #tpu.memory_space<vmem_shared>>)
          %dma_wait3A_165 = arith.constant 0 : i32
          %dma_wait3A_166 = tpu.memref_slice %arg33[%dma_wait3A_165] : memref<10000xf32, #tpu.memory_space<vmem_shared>> -> memref<10000xf32, #tpu.memory_space<vmem_shared>>
          tpu.wait_indirect_dma semaphore(%arg31 : memref<!tpu.dma_semaphore, #tpu.memory_space<semaphore_mem>>) src(%arg21 : memref<64xf32, #tpu.memory_space<vmem>>) dst(%dma_wait3A_166 : memref<10000xf32, #tpu.memory_space<vmem_shared>>)
        } else {
        }
        %add3A_140 = arith.constant 3 : i32
        %add3A_141 = arith.addi %add3A_109, %add3A_140 : i32
        %sub3A_142 = arith.constant 1 : i32
        %sub3A_143 = arith.subi %add3A_141, %sub3A_142 : i32
        %lt3A_144 = arith.cmpi slt, %sub3A_143, %select_n3A : i32
        %convert_element_type3A_145 = arith.extui %lt3A_144 : i1 to i32
        %cond3A_146 = arith.constant 0 : i32
        %cond3A_147 = arith.cmpi ne, %convert_element_type3A_145, %cond3A_146 : i32
        scf.if %cond3A_147 {
          %add3A_162 = arith.constant 3 : i32
          %add3A_163 = arith.addi %add3A_109, %add3A_162 : i32
          %sub3A_164 = arith.constant 1 : i32
          %sub3A_165 = arith.subi %add3A_163, %sub3A_164 : i32
          %mul3A_166 = arith.constant 32 : i32
          %mul3A_167 = arith.muli %sub3A_165, %mul3A_166 : i32
          %add3A_168 = arith.addi %mul3A_167, %add3A : i32
          %mul3A_169 = arith.constant 64 : i32
          %mul3A_170 = arith.muli %add3A_168, %mul3A_169 : i32
          %dma_start3A_171 = tpu.memref_slice %arg3[%mul3A_170] : memref<320000xi32, #tpu.memory_space<hbm>> -> memref<64xi32, #tpu.memory_space<hbm>>
          %dma_start3A_172 = tpu.memref_slice %arg3[%mul3A_170] : memref<320000xi32, #tpu.memory_space<hbm>> -> memref<64xi32, #tpu.memory_space<hbm>>
          tpu.enqueue_dma source(%dma_start3A_172 : memref<64xi32, #tpu.memory_space<hbm>>) target(%arg10 : memref<64xi32, #tpu.memory_space<vmem>>) target_semaphore(%arg25 : memref<!tpu.dma_semaphore, #tpu.memory_space<semaphore_mem>>)
          %dma_start3A_173 = tpu.memref_slice %arg4[%mul3A_170] : memref<320000xi32, #tpu.memory_space<hbm>> -> memref<64xi32, #tpu.memory_space<hbm>>
          %dma_start3A_174 = tpu.memref_slice %arg4[%mul3A_170] : memref<320000xi32, #tpu.memory_space<hbm>> -> memref<64xi32, #tpu.memory_space<hbm>>
          tpu.enqueue_dma source(%dma_start3A_174 : memref<64xi32, #tpu.memory_space<hbm>>) target(%arg13 : memref<64xi32, #tpu.memory_space<vmem>>) target_semaphore(%arg25 : memref<!tpu.dma_semaphore, #tpu.memory_space<semaphore_mem>>)
          %dma_start3A_175 = arith.constant 0 : i32
          %dma_start3A_176 = tpu.memref_slice %arg5[%mul3A_170, %dma_start3A_175] : memref<320000x128xf32, #tpu.memory_space<hbm>> -> memref<64x128xf32, #tpu.memory_space<hbm>>
          %dma_start3A_177 = arith.constant 0 : i32
          %dma_start3A_178 = tpu.memref_slice %arg5[%mul3A_170, %dma_start3A_177] : memref<320000x128xf32, #tpu.memory_space<hbm>> -> memref<64x128xf32, #tpu.memory_space<hbm>>
          tpu.enqueue_dma source(%dma_start3A_178 : memref<64x128xf32, #tpu.memory_space<hbm>>) target(%arg16 : memref<64x128xf32, #tpu.memory_space<vmem>>) target_semaphore(%arg25 : memref<!tpu.dma_semaphore, #tpu.memory_space<semaphore_mem>>)
        } else {
        }
        %dma_wait3A_148 = arith.constant 0 : i32
        %dma_wait3A_149 = arith.constant 0 : i32
        %dma_wait3A_150 = tpu.memref_slice %arg2[%dma_wait3A_148, %dma_wait3A_149] : memref<10000x128xf32, #tpu.memory_space<hbm>> -> memref<10000x128xf32, #tpu.memory_space<hbm>>
        tpu.wait_indirect_dma semaphore(%arg26 : memref<!tpu.dma_semaphore, #tpu.memory_space<semaphore_mem>>) src(%dma_wait3A_150 : memref<10000x128xf32, #tpu.memory_space<hbm>>) dst(%arg17 : memref<64x128xf32, #tpu.memory_space<vmem>>)
        %scan3A_151 = arith.constant 0 : i32
        %scan3A_152 = arith.constant 0 : i32
        %scan3A_153 = arith.constant 64 : i32
        %scan3A_154 = arith.addi %scan3A_152, %scan3A_153 : i32
        %scan3A_155 = arith.constant 1 : i32
        scf.for %scan3A_162 = %scan3A_152 to %scan3A_154 step %scan3A_155  : i32 {
          %get3A = arith.index_cast %scan3A_162 : i32 to index
          %get3A_163 = arith.constant 0 : index
          %get3A_164 = tpu.vector_load %arg17[%get3A, %get3A_163] {strides = array<i32>} : memref<64x128xf32, #tpu.memory_space<vmem>>, vector<1x16xf32>,
          %get3A_165 = vector.shape_cast %get3A_164 : vector<1x16xf32> to vector<16xf32>
          %get3A_166 = arith.index_cast %scan3A_162 : i32 to index
          %get3A_167 = arith.constant 0 : index
          %get3A_168 = tpu.vector_load %arg14[%get3A_166, %get3A_167] {strides = array<i32>} : memref<64x128xf32, #tpu.memory_space<vmem>>, vector<1x16xf32>,
          %get3A_169 = vector.shape_cast %get3A_168 : vector<1x16xf32> to vector<16xf32>
          %mul3A_170 = arith.mulf %get3A_165, %get3A_169 : vector<16xf32>
          %swap3A = arith.index_cast %scan3A_162 : i32 to index
          %swap3A_171 = arith.constant 0 : index
          %swap3A_172 = tpu.vector_load %arg14[%swap3A, %swap3A_171] {strides = array<i32>} : memref<64x128xf32, #tpu.memory_space<vmem>>, vector<1x16xf32>,
          %swap3A_173 = vector.shape_cast %swap3A_172 : vector<1x16xf32> to vector<16xf32>
          %swap3A_174 = vector.shape_cast %mul3A_170 : vector<16xf32> to vector<1x16xf32>
          tpu.vector_store %arg14[%swap3A, %swap3A_171], %swap3A_174 {strides = array<i32>} : memref<64x128xf32, #tpu.memory_space<vmem>>, vector<1x16xf32>,
          %get3A_175 = arith.index_cast %scan3A_162 : i32 to index
          %get3A_176 = arith.constant 16 : index
          %get3A_177 = tpu.vector_load %arg17[%get3A_175, %get3A_176] {strides = array<i32>} : memref<64x128xf32, #tpu.memory_space<vmem>>, vector<1x16xf32>,
          %get3A_178 = vector.shape_cast %get3A_177 : vector<1x16xf32> to vector<16xf32>
          %get3A_179 = arith.index_cast %scan3A_162 : i32 to index
          %get3A_180 = arith.constant 16 : index
          %get3A_181 = tpu.vector_load %arg14[%get3A_179, %get3A_180] {strides = array<i32>} : memref<64x128xf32, #tpu.memory_space<vmem>>, vector<1x16xf32>,
          %get3A_182 = vector.shape_cast %get3A_181 : vector<1x16xf32> to vector<16xf32>
          %mul3A_183 = arith.mulf %get3A_178, %get3A_182 : vector<16xf32>
          %swap3A_184 = arith.index_cast %scan3A_162 : i32 to index
          %swap3A_185 = arith.constant 16 : index
          %swap3A_186 = tpu.vector_load %arg14[%swap3A_184, %swap3A_185] {strides = array<i32>} : memref<64x128xf32, #tpu.memory_space<vmem>>, vector<1x16xf32>,
          %swap3A_187 = vector.shape_cast %swap3A_186 : vector<1x16xf32> to vector<16xf32>
          %swap3A_188 = vector.shape_cast %mul3A_183 : vector<16xf32> to vector<1x16xf32>
          tpu.vector_store %arg14[%swap3A_184, %swap3A_185], %swap3A_188 {strides = array<i32>} : memref<64x128xf32, #tpu.memory_space<vmem>>, vector<1x16xf32>,
          %get3A_189 = arith.index_cast %scan3A_162 : i32 to index
          %get3A_190 = arith.constant 32 : index
          %get3A_191 = tpu.vector_load %arg17[%get3A_189, %get3A_190] {strides = array<i32>} : memref<64x128xf32, #tpu.memory_space<vmem>>, vector<1x16xf32>,
          %get3A_192 = vector.shape_cast %get3A_191 : vector<1x16xf32> to vector<16xf32>
          %get3A_193 = arith.index_cast %scan3A_162 : i32 to index
          %get3A_194 = arith.constant 32 : index
          %get3A_195 = tpu.vector_load %arg14[%get3A_193, %get3A_194] {strides = array<i32>} : memref<64x128xf32, #tpu.memory_space<vmem>>, vector<1x16xf32>,
          %get3A_196 = vector.shape_cast %get3A_195 : vector<1x16xf32> to vector<16xf32>
          %mul3A_197 = arith.mulf %get3A_192, %get3A_196 : vector<16xf32>
          %swap3A_198 = arith.index_cast %scan3A_162 : i32 to index
          %swap3A_199 = arith.constant 32 : index
          %swap3A_200 = tpu.vector_load %arg14[%swap3A_198, %swap3A_199] {strides = array<i32>} : memref<64x128xf32, #tpu.memory_space<vmem>>, vector<1x16xf32>,
          %swap3A_201 = vector.shape_cast %swap3A_200 : vector<1x16xf32> to vector<16xf32>
          %swap3A_202 = vector.shape_cast %mul3A_197 : vector<16xf32> to vector<1x16xf32>
          tpu.vector_store %arg14[%swap3A_198, %swap3A_199], %swap3A_202 {strides = array<i32>} : memref<64x128xf32, #tpu.memory_space<vmem>>, vector<1x16xf32>,
          %get3A_203 = arith.index_cast %scan3A_162 : i32 to index
          %get3A_204 = arith.constant 48 : index
          %get3A_205 = tpu.vector_load %arg17[%get3A_203, %get3A_204] {strides = array<i32>} : memref<64x128xf32, #tpu.memory_space<vmem>>, vector<1x16xf32>,
          %get3A_206 = vector.shape_cast %get3A_205 : vector<1x16xf32> to vector<16xf32>
          %get3A_207 = arith.index_cast %scan3A_162 : i32 to index
          %get3A_208 = arith.constant 48 : index
          %get3A_209 = tpu.vector_load %arg14[%get3A_207, %get3A_208] {strides = array<i32>} : memref<64x128xf32, #tpu.memory_space<vmem>>, vector<1x16xf32>,
          %get3A_210 = vector.shape_cast %get3A_209 : vector<1x16xf32> to vector<16xf32>
          %mul3A_211 = arith.mulf %get3A_206, %get3A_210 : vector<16xf32>
          %swap3A_212 = arith.index_cast %scan3A_162 : i32 to index
          %swap3A_213 = arith.constant 48 : index
          %swap3A_214 = tpu.vector_load %arg14[%swap3A_212, %swap3A_213] {strides = array<i32>} : memref<64x128xf32, #tpu.memory_space<vmem>>, vector<1x16xf32>,
          %swap3A_215 = vector.shape_cast %swap3A_214 : vector<1x16xf32> to vector<16xf32>
          %swap3A_216 = vector.shape_cast %mul3A_211 : vector<16xf32> to vector<1x16xf32>
          tpu.vector_store %arg14[%swap3A_212, %swap3A_213], %swap3A_216 {strides = array<i32>} : memref<64x128xf32, #tpu.memory_space<vmem>>, vector<1x16xf32>,
          %get3A_217 = arith.index_cast %scan3A_162 : i32 to index
          %get3A_218 = arith.constant 64 : index
          %get3A_219 = tpu.vector_load %arg17[%get3A_217, %get3A_218] {strides = array<i32>} : memref<64x128xf32, #tpu.memory_space<vmem>>, vector<1x16xf32>,
          %get3A_220 = vector.shape_cast %get3A_219 : vector<1x16xf32> to vector<16xf32>
          %get3A_221 = arith.index_cast %scan3A_162 : i32 to index
          %get3A_222 = arith.constant 64 : index
          %get3A_223 = tpu.vector_load %arg14[%get3A_221, %get3A_222] {strides = array<i32>} : memref<64x128xf32, #tpu.memory_space<vmem>>, vector<1x16xf32>,
          %get3A_224 = vector.shape_cast %get3A_223 : vector<1x16xf32> to vector<16xf32>
          %mul3A_225 = arith.mulf %get3A_220, %get3A_224 : vector<16xf32>
          %swap3A_226 = arith.index_cast %scan3A_162 : i32 to index
          %swap3A_227 = arith.constant 64 : index
          %swap3A_228 = tpu.vector_load %arg14[%swap3A_226, %swap3A_227] {strides = array<i32>} : memref<64x128xf32, #tpu.memory_space<vmem>>, vector<1x16xf32>,
          %swap3A_229 = vector.shape_cast %swap3A_228 : vector<1x16xf32> to vector<16xf32>
          %swap3A_230 = vector.shape_cast %mul3A_225 : vector<16xf32> to vector<1x16xf32>
          tpu.vector_store %arg14[%swap3A_226, %swap3A_227], %swap3A_230 {strides = array<i32>} : memref<64x128xf32, #tpu.memory_space<vmem>>, vector<1x16xf32>,
          %get3A_231 = arith.index_cast %scan3A_162 : i32 to index
          %get3A_232 = arith.constant 80 : index
          %get3A_233 = tpu.vector_load %arg17[%get3A_231, %get3A_232] {strides = array<i32>} : memref<64x128xf32, #tpu.memory_space<vmem>>, vector<1x16xf32>,
          %get3A_234 = vector.shape_cast %get3A_233 : vector<1x16xf32> to vector<16xf32>
          %get3A_235 = arith.index_cast %scan3A_162 : i32 to index
          %get3A_236 = arith.constant 80 : index
          %get3A_237 = tpu.vector_load %arg14[%get3A_235, %get3A_236] {strides = array<i32>} : memref<64x128xf32, #tpu.memory_space<vmem>>, vector<1x16xf32>,
          %get3A_238 = vector.shape_cast %get3A_237 : vector<1x16xf32> to vector<16xf32>
          %mul3A_239 = arith.mulf %get3A_234, %get3A_238 : vector<16xf32>
          %swap3A_240 = arith.index_cast %scan3A_162 : i32 to index
          %swap3A_241 = arith.constant 80 : index
          %swap3A_242 = tpu.vector_load %arg14[%swap3A_240, %swap3A_241] {strides = array<i32>} : memref<64x128xf32, #tpu.memory_space<vmem>>, vector<1x16xf32>,
          %swap3A_243 = vector.shape_cast %swap3A_242 : vector<1x16xf32> to vector<16xf32>
          %swap3A_244 = vector.shape_cast %mul3A_239 : vector<16xf32> to vector<1x16xf32>
          tpu.vector_store %arg14[%swap3A_240, %swap3A_241], %swap3A_244 {strides = array<i32>} : memref<64x128xf32, #tpu.memory_space<vmem>>, vector<1x16xf32>,
          %get3A_245 = arith.index_cast %scan3A_162 : i32 to index
          %get3A_246 = arith.constant 96 : index
          %get3A_247 = tpu.vector_load %arg17[%get3A_245, %get3A_246] {strides = array<i32>} : memref<64x128xf32, #tpu.memory_space<vmem>>, vector<1x16xf32>,
          %get3A_248 = vector.shape_cast %get3A_247 : vector<1x16xf32> to vector<16xf32>
          %get3A_249 = arith.index_cast %scan3A_162 : i32 to index
          %get3A_250 = arith.constant 96 : index
          %get3A_251 = tpu.vector_load %arg14[%get3A_249, %get3A_250] {strides = array<i32>} : memref<64x128xf32, #tpu.memory_space<vmem>>, vector<1x16xf32>,
          %get3A_252 = vector.shape_cast %get3A_251 : vector<1x16xf32> to vector<16xf32>
          %mul3A_253 = arith.mulf %get3A_248, %get3A_252 : vector<16xf32>
          %swap3A_254 = arith.index_cast %scan3A_162 : i32 to index
          %swap3A_255 = arith.constant 96 : index
          %swap3A_256 = tpu.vector_load %arg14[%swap3A_254, %swap3A_255] {strides = array<i32>} : memref<64x128xf32, #tpu.memory_space<vmem>>, vector<1x16xf32>,
          %swap3A_257 = vector.shape_cast %swap3A_256 : vector<1x16xf32> to vector<16xf32>
          %swap3A_258 = vector.shape_cast %mul3A_253 : vector<16xf32> to vector<1x16xf32>
          tpu.vector_store %arg14[%swap3A_254, %swap3A_255], %swap3A_258 {strides = array<i32>} : memref<64x128xf32, #tpu.memory_space<vmem>>, vector<1x16xf32>,
          %get3A_259 = arith.index_cast %scan3A_162 : i32 to index
          %get3A_260 = arith.constant 112 : index
          %get3A_261 = tpu.vector_load %arg17[%get3A_259, %get3A_260] {strides = array<i32>} : memref<64x128xf32, #tpu.memory_space<vmem>>, vector<1x16xf32>,
          %get3A_262 = vector.shape_cast %get3A_261 : vector<1x16xf32> to vector<16xf32>
          %get3A_263 = arith.index_cast %scan3A_162 : i32 to index
          %get3A_264 = arith.constant 112 : index
          %get3A_265 = tpu.vector_load %arg14[%get3A_263, %get3A_264] {strides = array<i32>} : memref<64x128xf32, #tpu.memory_space<vmem>>, vector<1x16xf32>,
          %get3A_266 = vector.shape_cast %get3A_265 : vector<1x16xf32> to vector<16xf32>
          %mul3A_267 = arith.mulf %get3A_262, %get3A_266 : vector<16xf32>
          %swap3A_268 = arith.index_cast %scan3A_162 : i32 to index
          %swap3A_269 = arith.constant 112 : index
          %swap3A_270 = tpu.vector_load %arg14[%swap3A_268, %swap3A_269] {strides = array<i32>} : memref<64x128xf32, #tpu.memory_space<vmem>>, vector<1x16xf32>,
          %swap3A_271 = vector.shape_cast %swap3A_270 : vector<1x16xf32> to vector<16xf32>
          %swap3A_272 = vector.shape_cast %mul3A_267 : vector<16xf32> to vector<1x16xf32>
          tpu.vector_store %arg14[%swap3A_268, %swap3A_269], %swap3A_272 {strides = array<i32>} : memref<64x128xf32, #tpu.memory_space<vmem>>, vector<1x16xf32>,
        }
        %scan3A_156 = arith.constant 64 : i32
        %dma_start3A_157 = arith.constant 0 : i32
        %dma_start3A_158 = arith.constant 0 : i32
        %dma_start3A_159 = tpu.memref_slice %arg32[%dma_start3A_157, %dma_start3A_158] : memref<10000x128xf32, #tpu.memory_space<vmem_shared>> -> memref<10000x128xf32, #tpu.memory_space<vmem_shared>>
        tpu.enqueue_indirect_dma source(%arg14 : memref<64x128xf32, #tpu.memory_space<vmem>>) target(%dma_start3A_159 : memref<10000x128xf32, #tpu.memory_space<vmem_shared>>) offsets(%arg11 : memref<64xi32, #tpu.memory_space<vmem>>) semaphore(%arg29 : memref<!tpu.dma_semaphore, #tpu.memory_space<semaphore_mem>>) {add = true}
        %dma_start3A_160 = arith.constant 0 : i32
        %dma_start3A_161 = tpu.memref_slice %arg33[%dma_start3A_160] : memref<10000xf32, #tpu.memory_space<vmem_shared>> -> memref<10000xf32, #tpu.memory_space<vmem_shared>>
        tpu.enqueue_indirect_dma source(%arg21 : memref<64xf32, #tpu.memory_space<vmem>>) target(%dma_start3A_161 : memref<10000xf32, #tpu.memory_space<vmem_shared>>) offsets(%arg11 : memref<64xi32, #tpu.memory_space<vmem>>) semaphore(%arg29 : memref<!tpu.dma_semaphore, #tpu.memory_space<semaphore_mem>>) {add = true}
      } else {
      }
      %mul3A_114 = arith.constant 3 : i32
      %mul3A_115 = arith.muli %scan3A_105, %mul3A_114 : i32
      %add3A_116 = arith.constant 1 : i32
      %add3A_117 = arith.addi %mul3A_115, %add3A_116 : i32
      %lt3A_118 = arith.cmpi slt, %add3A_117, %select_n3A : i32
      %convert_element_type3A_119 = arith.extui %lt3A_118 : i1 to i32
      %cond3A_120 = arith.constant 0 : i32
      %cond3A_121 = arith.cmpi ne, %convert_element_type3A_119, %cond3A_120 : i32
      scf.if %cond3A_121 {
        %add3A_130 = arith.constant 1 : i32
        %add3A_131 = arith.addi %add3A_117, %add3A_130 : i32
        %lt3A_132 = arith.cmpi slt, %add3A_131, %select_n3A : i32
        %convert_element_type3A_133 = arith.extui %lt3A_132 : i1 to i32
        %cond3A_134 = arith.constant 0 : i32
        %cond3A_135 = arith.cmpi ne, %convert_element_type3A_133, %cond3A_134 : i32
        scf.if %cond3A_135 {
          %dma_wait3A_162 = arith.constant 0 : i32
          %dma_wait3A_163 = tpu.memref_slice %arg3[%dma_wait3A_162] : memref<320000xi32, #tpu.memory_space<hbm>> -> memref<64xi32, #tpu.memory_space<hbm>>
          %dma_wait3A_164 = arith.constant 0 : i32
          %dma_wait3A_165 = tpu.memref_slice %arg3[%dma_wait3A_164] : memref<320000xi32, #tpu.memory_space<hbm>> -> memref<64xi32, #tpu.memory_space<hbm>>
          tpu.wait_dma2 semaphore(%arg25 : memref<!tpu.dma_semaphore, #tpu.memory_space<semaphore_mem>>) src(%dma_wait3A_165 : memref<64xi32, #tpu.memory_space<hbm>>) dst(%arg10 : memref<64xi32, #tpu.memory_space<vmem>>)
          %dma_wait3A_166 = arith.constant 0 : i32
          %dma_wait3A_167 = tpu.memref_slice %arg4[%dma_wait3A_166] : memref<320000xi32, #tpu.memory_space<hbm>> -> memref<64xi32, #tpu.memory_space<hbm>>
          %dma_wait3A_168 = arith.constant 0 : i32
          %dma_wait3A_169 = tpu.memref_slice %arg4[%dma_wait3A_168] : memref<320000xi32, #tpu.memory_space<hbm>> -> memref<64xi32, #tpu.memory_space<hbm>>
          tpu.wait_dma2 semaphore(%arg25 : memref<!tpu.dma_semaphore, #tpu.memory_space<semaphore_mem>>) src(%dma_wait3A_169 : memref<64xi32, #tpu.memory_space<hbm>>) dst(%arg13 : memref<64xi32, #tpu.memory_space<vmem>>)
          %dma_wait3A_170 = arith.constant 0 : i32
          %dma_wait3A_171 = arith.constant 0 : i32
          %dma_wait3A_172 = tpu.memref_slice %arg5[%dma_wait3A_170, %dma_wait3A_171] : memref<320000x128xf32, #tpu.memory_space<hbm>> -> memref<64x128xf32, #tpu.memory_space<hbm>>
          %dma_wait3A_173 = arith.constant 0 : i32
          %dma_wait3A_174 = arith.constant 0 : i32
          %dma_wait3A_175 = tpu.memref_slice %arg5[%dma_wait3A_173, %dma_wait3A_174] : memref<320000x128xf32, #tpu.memory_space<hbm>> -> memref<64x128xf32, #tpu.memory_space<hbm>>
          tpu.wait_dma2 semaphore(%arg25 : memref<!tpu.dma_semaphore, #tpu.memory_space<semaphore_mem>>) src(%dma_wait3A_175 : memref<64x128xf32, #tpu.memory_space<hbm>>) dst(%arg16 : memref<64x128xf32, #tpu.memory_space<vmem>>)
          %dma_start3A_176 = arith.constant 0 : i32
          %dma_start3A_177 = arith.constant 0 : i32
          %dma_start3A_178 = tpu.memref_slice %arg2[%dma_start3A_176, %dma_start3A_177] : memref<10000x128xf32, #tpu.memory_space<hbm>> -> memref<10000x128xf32, #tpu.memory_space<hbm>>
          tpu.enqueue_indirect_dma source(%dma_start3A_178 : memref<10000x128xf32, #tpu.memory_space<hbm>>) target(%arg19 : memref<64x128xf32, #tpu.memory_space<vmem>>) offsets(%arg10 : memref<64xi32, #tpu.memory_space<vmem>>) semaphore(%arg28 : memref<!tpu.dma_semaphore, #tpu.memory_space<semaphore_mem>>)
        } else {
        }
        %ge3A = arith.constant 1 : i32
        %ge3A_136 = arith.cmpi sge, %add3A_117, %ge3A : i32
        %convert_element_type3A_137 = arith.extui %ge3A_136 : i1 to i32
        %cond3A_138 = arith.constant 0 : i32
        %cond3A_139 = arith.cmpi ne, %convert_element_type3A_137, %cond3A_138 : i32
        scf.if %cond3A_139 {
          %dma_wait3A_162 = arith.constant 0 : i32
          %dma_wait3A_163 = arith.constant 0 : i32
          %dma_wait3A_164 = tpu.memref_slice %arg32[%dma_wait3A_162, %dma_wait3A_163] : memref<10000x128xf32, #tpu.memory_space<vmem_shared>> -> memref<10000x128xf32, #tpu.memory_space<vmem_shared>>
          tpu.wait_indirect_dma semaphore(%arg29 : memref<!tpu.dma_semaphore, #tpu.memory_space<semaphore_mem>>) src(%arg14 : memref<64x128xf32, #tpu.memory_space<vmem>>) dst(%dma_wait3A_164 : memref<10000x128xf32, #tpu.memory_space<vmem_shared>>)
          %dma_wait3A_165 = arith.constant 0 : i32
          %dma_wait3A_166 = tpu.memref_slice %arg33[%dma_wait3A_165] : memref<10000xf32, #tpu.memory_space<vmem_shared>> -> memref<10000xf32, #tpu.memory_space<vmem_shared>>
          tpu.wait_indirect_dma semaphore(%arg29 : memref<!tpu.dma_semaphore, #tpu.memory_space<semaphore_mem>>) src(%arg21 : memref<64xf32, #tpu.memory_space<vmem>>) dst(%dma_wait3A_166 : memref<10000xf32, #tpu.memory_space<vmem_shared>>)
        } else {
        }
        %add3A_140 = arith.constant 3 : i32
        %add3A_141 = arith.addi %add3A_117, %add3A_140 : i32
        %sub3A_142 = arith.constant 1 : i32
        %sub3A_143 = arith.subi %add3A_141, %sub3A_142 : i32
        %lt3A_144 = arith.cmpi slt, %sub3A_143, %select_n3A : i32
        %convert_element_type3A_145 = arith.extui %lt3A_144 : i1 to i32
        %cond3A_146 = arith.constant 0 : i32
        %cond3A_147 = arith.cmpi ne, %convert_element_type3A_145, %cond3A_146 : i32
        scf.if %cond3A_147 {
          %add3A_162 = arith.constant 3 : i32
          %add3A_163 = arith.addi %add3A_117, %add3A_162 : i32
          %sub3A_164 = arith.constant 1 : i32
          %sub3A_165 = arith.subi %add3A_163, %sub3A_164 : i32
          %mul3A_166 = arith.constant 32 : i32
          %mul3A_167 = arith.muli %sub3A_165, %mul3A_166 : i32
          %add3A_168 = arith.addi %mul3A_167, %add3A : i32
          %mul3A_169 = arith.constant 64 : i32
          %mul3A_170 = arith.muli %add3A_168, %mul3A_169 : i32
          %dma_start3A_171 = tpu.memref_slice %arg3[%mul3A_170] : memref<320000xi32, #tpu.memory_space<hbm>> -> memref<64xi32, #tpu.memory_space<hbm>>
          %dma_start3A_172 = tpu.memref_slice %arg3[%mul3A_170] : memref<320000xi32, #tpu.memory_space<hbm>> -> memref<64xi32, #tpu.memory_space<hbm>>
          tpu.enqueue_dma source(%dma_start3A_172 : memref<64xi32, #tpu.memory_space<hbm>>) target(%arg8 : memref<64xi32, #tpu.memory_space<vmem>>) target_semaphore(%arg23 : memref<!tpu.dma_semaphore, #tpu.memory_space<semaphore_mem>>)
          %dma_start3A_173 = tpu.memref_slice %arg4[%mul3A_170] : memref<320000xi32, #tpu.memory_space<hbm>> -> memref<64xi32, #tpu.memory_space<hbm>>
          %dma_start3A_174 = tpu.memref_slice %arg4[%mul3A_170] : memref<320000xi32, #tpu.memory_space<hbm>> -> memref<64xi32, #tpu.memory_space<hbm>>
          tpu.enqueue_dma source(%dma_start3A_174 : memref<64xi32, #tpu.memory_space<hbm>>) target(%arg11 : memref<64xi32, #tpu.memory_space<vmem>>) target_semaphore(%arg23 : memref<!tpu.dma_semaphore, #tpu.memory_space<semaphore_mem>>)
          %dma_start3A_175 = arith.constant 0 : i32
          %dma_start3A_176 = tpu.memref_slice %arg5[%mul3A_170, %dma_start3A_175] : memref<320000x128xf32, #tpu.memory_space<hbm>> -> memref<64x128xf32, #tpu.memory_space<hbm>>
          %dma_start3A_177 = arith.constant 0 : i32
          %dma_start3A_178 = tpu.memref_slice %arg5[%mul3A_170, %dma_start3A_177] : memref<320000x128xf32, #tpu.memory_space<hbm>> -> memref<64x128xf32, #tpu.memory_space<hbm>>
          tpu.enqueue_dma source(%dma_start3A_178 : memref<64x128xf32, #tpu.memory_space<hbm>>) target(%arg14 : memref<64x128xf32, #tpu.memory_space<vmem>>) target_semaphore(%arg23 : memref<!tpu.dma_semaphore, #tpu.memory_space<semaphore_mem>>)
        } else {
        }
        %dma_wait3A_148 = arith.constant 0 : i32
        %dma_wait3A_149 = arith.constant 0 : i32
        %dma_wait3A_150 = tpu.memref_slice %arg2[%dma_wait3A_148, %dma_wait3A_149] : memref<10000x128xf32, #tpu.memory_space<hbm>> -> memref<10000x128xf32, #tpu.memory_space<hbm>>
        tpu.wait_indirect_dma semaphore(%arg27 : memref<!tpu.dma_semaphore, #tpu.memory_space<semaphore_mem>>) src(%dma_wait3A_150 : memref<10000x128xf32, #tpu.memory_space<hbm>>) dst(%arg18 : memref<64x128xf32, #tpu.memory_space<vmem>>)
        %scan3A_151 = arith.constant 0 : i32
        %scan3A_152 = arith.constant 0 : i32
        %scan3A_153 = arith.constant 64 : i32
        %scan3A_154 = arith.addi %scan3A_152, %scan3A_153 : i32
        %scan3A_155 = arith.constant 1 : i32
        scf.for %scan3A_162 = %scan3A_152 to %scan3A_154 step %scan3A_155  : i32 {
          %get3A = arith.index_cast %scan3A_162 : i32 to index
          %get3A_163 = arith.constant 0 : index
          %get3A_164 = tpu.vector_load %arg18[%get3A, %get3A_163] {strides = array<i32>} : memref<64x128xf32, #tpu.memory_space<vmem>>, vector<1x16xf32>,
          %get3A_165 = vector.shape_cast %get3A_164 : vector<1x16xf32> to vector<16xf32>
          %get3A_166 = arith.index_cast %scan3A_162 : i32 to index
          %get3A_167 = arith.constant 0 : index
          %get3A_168 = tpu.vector_load %arg15[%get3A_166, %get3A_167] {strides = array<i32>} : memref<64x128xf32, #tpu.memory_space<vmem>>, vector<1x16xf32>,
          %get3A_169 = vector.shape_cast %get3A_168 : vector<1x16xf32> to vector<16xf32>
          %mul3A_170 = arith.mulf %get3A_165, %get3A_169 : vector<16xf32>
          %swap3A = arith.index_cast %scan3A_162 : i32 to index
          %swap3A_171 = arith.constant 0 : index
          %swap3A_172 = tpu.vector_load %arg15[%swap3A, %swap3A_171] {strides = array<i32>} : memref<64x128xf32, #tpu.memory_space<vmem>>, vector<1x16xf32>,
          %swap3A_173 = vector.shape_cast %swap3A_172 : vector<1x16xf32> to vector<16xf32>
          %swap3A_174 = vector.shape_cast %mul3A_170 : vector<16xf32> to vector<1x16xf32>
          tpu.vector_store %arg15[%swap3A, %swap3A_171], %swap3A_174 {strides = array<i32>} : memref<64x128xf32, #tpu.memory_space<vmem>>, vector<1x16xf32>,
          %get3A_175 = arith.index_cast %scan3A_162 : i32 to index
          %get3A_176 = arith.constant 16 : index
          %get3A_177 = tpu.vector_load %arg18[%get3A_175, %get3A_176] {strides = array<i32>} : memref<64x128xf32, #tpu.memory_space<vmem>>, vector<1x16xf32>,
          %get3A_178 = vector.shape_cast %get3A_177 : vector<1x16xf32> to vector<16xf32>
          %get3A_179 = arith.index_cast %scan3A_162 : i32 to index
          %get3A_180 = arith.constant 16 : index
          %get3A_181 = tpu.vector_load %arg15[%get3A_179, %get3A_180] {strides = array<i32>} : memref<64x128xf32, #tpu.memory_space<vmem>>, vector<1x16xf32>,
          %get3A_182 = vector.shape_cast %get3A_181 : vector<1x16xf32> to vector<16xf32>
          %mul3A_183 = arith.mulf %get3A_178, %get3A_182 : vector<16xf32>
          %swap3A_184 = arith.index_cast %scan3A_162 : i32 to index
          %swap3A_185 = arith.constant 16 : index
          %swap3A_186 = tpu.vector_load %arg15[%swap3A_184, %swap3A_185] {strides = array<i32>} : memref<64x128xf32, #tpu.memory_space<vmem>>, vector<1x16xf32>,
          %swap3A_187 = vector.shape_cast %swap3A_186 : vector<1x16xf32> to vector<16xf32>
          %swap3A_188 = vector.shape_cast %mul3A_183 : vector<16xf32> to vector<1x16xf32>
          tpu.vector_store %arg15[%swap3A_184, %swap3A_185], %swap3A_188 {strides = array<i32>} : memref<64x128xf32, #tpu.memory_space<vmem>>, vector<1x16xf32>,
          %get3A_189 = arith.index_cast %scan3A_162 : i32 to index
          %get3A_190 = arith.constant 32 : index
          %get3A_191 = tpu.vector_load %arg18[%get3A_189, %get3A_190] {strides = array<i32>} : memref<64x128xf32, #tpu.memory_space<vmem>>, vector<1x16xf32>,
          %get3A_192 = vector.shape_cast %get3A_191 : vector<1x16xf32> to vector<16xf32>
          %get3A_193 = arith.index_cast %scan3A_162 : i32 to index
          %get3A_194 = arith.constant 32 : index
          %get3A_195 = tpu.vector_load %arg15[%get3A_193, %get3A_194] {strides = array<i32>} : memref<64x128xf32, #tpu.memory_space<vmem>>, vector<1x16xf32>,
          %get3A_196 = vector.shape_cast %get3A_195 : vector<1x16xf32> to vector<16xf32>
          %mul3A_197 = arith.mulf %get3A_192, %get3A_196 : vector<16xf32>
          %swap3A_198 = arith.index_cast %scan3A_162 : i32 to index
          %swap3A_199 = arith.constant 32 : index
          %swap3A_200 = tpu.vector_load %arg15[%swap3A_198, %swap3A_199] {strides = array<i32>} : memref<64x128xf32, #tpu.memory_space<vmem>>, vector<1x16xf32>,
          %swap3A_201 = vector.shape_cast %swap3A_200 : vector<1x16xf32> to vector<16xf32>
          %swap3A_202 = vector.shape_cast %mul3A_197 : vector<16xf32> to vector<1x16xf32>
          tpu.vector_store %arg15[%swap3A_198, %swap3A_199], %swap3A_202 {strides = array<i32>} : memref<64x128xf32, #tpu.memory_space<vmem>>, vector<1x16xf32>,
          %get3A_203 = arith.index_cast %scan3A_162 : i32 to index
          %get3A_204 = arith.constant 48 : index
          %get3A_205 = tpu.vector_load %arg18[%get3A_203, %get3A_204] {strides = array<i32>} : memref<64x128xf32, #tpu.memory_space<vmem>>, vector<1x16xf32>,
          %get3A_206 = vector.shape_cast %get3A_205 : vector<1x16xf32> to vector<16xf32>
          %get3A_207 = arith.index_cast %scan3A_162 : i32 to index
          %get3A_208 = arith.constant 48 : index
          %get3A_209 = tpu.vector_load %arg15[%get3A_207, %get3A_208] {strides = array<i32>} : memref<64x128xf32, #tpu.memory_space<vmem>>, vector<1x16xf32>,
          %get3A_210 = vector.shape_cast %get3A_209 : vector<1x16xf32> to vector<16xf32>
          %mul3A_211 = arith.mulf %get3A_206, %get3A_210 : vector<16xf32>
          %swap3A_212 = arith.index_cast %scan3A_162 : i32 to index
          %swap3A_213 = arith.constant 48 : index
          %swap3A_214 = tpu.vector_load %arg15[%swap3A_212, %swap3A_213] {strides = array<i32>} : memref<64x128xf32, #tpu.memory_space<vmem>>, vector<1x16xf32>,
          %swap3A_215 = vector.shape_cast %swap3A_214 : vector<1x16xf32> to vector<16xf32>
          %swap3A_216 = vector.shape_cast %mul3A_211 : vector<16xf32> to vector<1x16xf32>
          tpu.vector_store %arg15[%swap3A_212, %swap3A_213], %swap3A_216 {strides = array<i32>} : memref<64x128xf32, #tpu.memory_space<vmem>>, vector<1x16xf32>,
          %get3A_217 = arith.index_cast %scan3A_162 : i32 to index
          %get3A_218 = arith.constant 64 : index
          %get3A_219 = tpu.vector_load %arg18[%get3A_217, %get3A_218] {strides = array<i32>} : memref<64x128xf32, #tpu.memory_space<vmem>>, vector<1x16xf32>,
          %get3A_220 = vector.shape_cast %get3A_219 : vector<1x16xf32> to vector<16xf32>
          %get3A_221 = arith.index_cast %scan3A_162 : i32 to index
          %get3A_222 = arith.constant 64 : index
          %get3A_223 = tpu.vector_load %arg15[%get3A_221, %get3A_222] {strides = array<i32>} : memref<64x128xf32, #tpu.memory_space<vmem>>, vector<1x16xf32>,
          %get3A_224 = vector.shape_cast %get3A_223 : vector<1x16xf32> to vector<16xf32>
          %mul3A_225 = arith.mulf %get3A_220, %get3A_224 : vector<16xf32>
          %swap3A_226 = arith.index_cast %scan3A_162 : i32 to index
          %swap3A_227 = arith.constant 64 : index
          %swap3A_228 = tpu.vector_load %arg15[%swap3A_226, %swap3A_227] {strides = array<i32>} : memref<64x128xf32, #tpu.memory_space<vmem>>, vector<1x16xf32>,
          %swap3A_229 = vector.shape_cast %swap3A_228 : vector<1x16xf32> to vector<16xf32>
          %swap3A_230 = vector.shape_cast %mul3A_225 : vector<16xf32> to vector<1x16xf32>
          tpu.vector_store %arg15[%swap3A_226, %swap3A_227], %swap3A_230 {strides = array<i32>} : memref<64x128xf32, #tpu.memory_space<vmem>>, vector<1x16xf32>,
          %get3A_231 = arith.index_cast %scan3A_162 : i32 to index
          %get3A_232 = arith.constant 80 : index
          %get3A_233 = tpu.vector_load %arg18[%get3A_231, %get3A_232] {strides = array<i32>} : memref<64x128xf32, #tpu.memory_space<vmem>>, vector<1x16xf32>,
          %get3A_234 = vector.shape_cast %get3A_233 : vector<1x16xf32> to vector<16xf32>
          %get3A_235 = arith.index_cast %scan3A_162 : i32 to index
          %get3A_236 = arith.constant 80 : index
          %get3A_237 = tpu.vector_load %arg15[%get3A_235, %get3A_236] {strides = array<i32>} : memref<64x128xf32, #tpu.memory_space<vmem>>, vector<1x16xf32>,
          %get3A_238 = vector.shape_cast %get3A_237 : vector<1x16xf32> to vector<16xf32>
          %mul3A_239 = arith.mulf %get3A_234, %get3A_238 : vector<16xf32>
          %swap3A_240 = arith.index_cast %scan3A_162 : i32 to index
          %swap3A_241 = arith.constant 80 : index
          %swap3A_242 = tpu.vector_load %arg15[%swap3A_240, %swap3A_241] {strides = array<i32>} : memref<64x128xf32, #tpu.memory_space<vmem>>, vector<1x16xf32>,
          %swap3A_243 = vector.shape_cast %swap3A_242 : vector<1x16xf32> to vector<16xf32>
          %swap3A_244 = vector.shape_cast %mul3A_239 : vector<16xf32> to vector<1x16xf32>
          tpu.vector_store %arg15[%swap3A_240, %swap3A_241], %swap3A_244 {strides = array<i32>} : memref<64x128xf32, #tpu.memory_space<vmem>>, vector<1x16xf32>,
          %get3A_245 = arith.index_cast %scan3A_162 : i32 to index
          %get3A_246 = arith.constant 96 : index
          %get3A_247 = tpu.vector_load %arg18[%get3A_245, %get3A_246] {strides = array<i32>} : memref<64x128xf32, #tpu.memory_space<vmem>>, vector<1x16xf32>,
          %get3A_248 = vector.shape_cast %get3A_247 : vector<1x16xf32> to vector<16xf32>
          %get3A_249 = arith.index_cast %scan3A_162 : i32 to index
          %get3A_250 = arith.constant 96 : index
          %get3A_251 = tpu.vector_load %arg15[%get3A_249, %get3A_250] {strides = array<i32>} : memref<64x128xf32, #tpu.memory_space<vmem>>, vector<1x16xf32>,
          %get3A_252 = vector.shape_cast %get3A_251 : vector<1x16xf32> to vector<16xf32>
          %mul3A_253 = arith.mulf %get3A_248, %get3A_252 : vector<16xf32>
          %swap3A_254 = arith.index_cast %scan3A_162 : i32 to index
          %swap3A_255 = arith.constant 96 : index
          %swap3A_256 = tpu.vector_load %arg15[%swap3A_254, %swap3A_255] {strides = array<i32>} : memref<64x128xf32, #tpu.memory_space<vmem>>, vector<1x16xf32>,
          %swap3A_257 = vector.shape_cast %swap3A_256 : vector<1x16xf32> to vector<16xf32>
          %swap3A_258 = vector.shape_cast %mul3A_253 : vector<16xf32> to vector<1x16xf32>
          tpu.vector_store %arg15[%swap3A_254, %swap3A_255], %swap3A_258 {strides = array<i32>} : memref<64x128xf32, #tpu.memory_space<vmem>>, vector<1x16xf32>,
          %get3A_259 = arith.index_cast %scan3A_162 : i32 to index
          %get3A_260 = arith.constant 112 : index
          %get3A_261 = tpu.vector_load %arg18[%get3A_259, %get3A_260] {strides = array<i32>} : memref<64x128xf32, #tpu.memory_space<vmem>>, vector<1x16xf32>,
          %get3A_262 = vector.shape_cast %get3A_261 : vector<1x16xf32> to vector<16xf32>
          %get3A_263 = arith.index_cast %scan3A_162 : i32 to index
          %get3A_264 = arith.constant 112 : index
          %get3A_265 = tpu.vector_load %arg15[%get3A_263, %get3A_264] {strides = array<i32>} : memref<64x128xf32, #tpu.memory_space<vmem>>, vector<1x16xf32>,
          %get3A_266 = vector.shape_cast %get3A_265 : vector<1x16xf32> to vector<16xf32>
          %mul3A_267 = arith.mulf %get3A_262, %get3A_266 : vector<16xf32>
          %swap3A_268 = arith.index_cast %scan3A_162 : i32 to index
          %swap3A_269 = arith.constant 112 : index
          %swap3A_270 = tpu.vector_load %arg15[%swap3A_268, %swap3A_269] {strides = array<i32>} : memref<64x128xf32, #tpu.memory_space<vmem>>, vector<1x16xf32>,
          %swap3A_271 = vector.shape_cast %swap3A_270 : vector<1x16xf32> to vector<16xf32>
          %swap3A_272 = vector.shape_cast %mul3A_267 : vector<16xf32> to vector<1x16xf32>
          tpu.vector_store %arg15[%swap3A_268, %swap3A_269], %swap3A_272 {strides = array<i32>} : memref<64x128xf32, #tpu.memory_space<vmem>>, vector<1x16xf32>,
        }
        %scan3A_156 = arith.constant 64 : i32
        %dma_start3A_157 = arith.constant 0 : i32
        %dma_start3A_158 = arith.constant 0 : i32
        %dma_start3A_159 = tpu.memref_slice %arg32[%dma_start3A_157, %dma_start3A_158] : memref<10000x128xf32, #tpu.memory_space<vmem_shared>> -> memref<10000x128xf32, #tpu.memory_space<vmem_shared>>
        tpu.enqueue_indirect_dma source(%arg15 : memref<64x128xf32, #tpu.memory_space<vmem>>) target(%dma_start3A_159 : memref<10000x128xf32, #tpu.memory_space<vmem_shared>>) offsets(%arg12 : memref<64xi32, #tpu.memory_space<vmem>>) semaphore(%arg30 : memref<!tpu.dma_semaphore, #tpu.memory_space<semaphore_mem>>) {add = true}
        %dma_start3A_160 = arith.constant 0 : i32
        %dma_start3A_161 = tpu.memref_slice %arg33[%dma_start3A_160] : memref<10000xf32, #tpu.memory_space<vmem_shared>> -> memref<10000xf32, #tpu.memory_space<vmem_shared>>
        tpu.enqueue_indirect_dma source(%arg21 : memref<64xf32, #tpu.memory_space<vmem>>) target(%dma_start3A_161 : memref<10000xf32, #tpu.memory_space<vmem_shared>>) offsets(%arg12 : memref<64xi32, #tpu.memory_space<vmem>>) semaphore(%arg30 : memref<!tpu.dma_semaphore, #tpu.memory_space<semaphore_mem>>) {add = true}
      } else {
      }
      %mul3A_122 = arith.constant 3 : i32
      %mul3A_123 = arith.muli %scan3A_105, %mul3A_122 : i32
      %add3A_124 = arith.constant 2 : i32
      %add3A_125 = arith.addi %mul3A_123, %add3A_124 : i32
      %lt3A_126 = arith.cmpi slt, %add3A_125, %select_n3A : i32
      %convert_element_type3A_127 = arith.extui %lt3A_126 : i1 to i32
      %cond3A_128 = arith.constant 0 : i32
      %cond3A_129 = arith.cmpi ne, %convert_element_type3A_127, %cond3A_128 : i32
      scf.if %cond3A_129 {
        %add3A_130 = arith.constant 1 : i32
        %add3A_131 = arith.addi %add3A_125, %add3A_130 : i32
        %lt3A_132 = arith.cmpi slt, %add3A_131, %select_n3A : i32
        %convert_element_type3A_133 = arith.extui %lt3A_132 : i1 to i32
        %cond3A_134 = arith.constant 0 : i32
        %cond3A_135 = arith.cmpi ne, %convert_element_type3A_133, %cond3A_134 : i32
        scf.if %cond3A_135 {
          %dma_wait3A_162 = arith.constant 0 : i32
          %dma_wait3A_163 = tpu.memref_slice %arg3[%dma_wait3A_162] : memref<320000xi32, #tpu.memory_space<hbm>> -> memref<64xi32, #tpu.memory_space<hbm>>
          %dma_wait3A_164 = arith.constant 0 : i32
          %dma_wait3A_165 = tpu.memref_slice %arg3[%dma_wait3A_164] : memref<320000xi32, #tpu.memory_space<hbm>> -> memref<64xi32, #tpu.memory_space<hbm>>
          tpu.wait_dma2 semaphore(%arg23 : memref<!tpu.dma_semaphore, #tpu.memory_space<semaphore_mem>>) src(%dma_wait3A_165 : memref<64xi32, #tpu.memory_space<hbm>>) dst(%arg8 : memref<64xi32, #tpu.memory_space<vmem>>)
          %dma_wait3A_166 = arith.constant 0 : i32
          %dma_wait3A_167 = tpu.memref_slice %arg4[%dma_wait3A_166] : memref<320000xi32, #tpu.memory_space<hbm>> -> memref<64xi32, #tpu.memory_space<hbm>>
          %dma_wait3A_168 = arith.constant 0 : i32
          %dma_wait3A_169 = tpu.memref_slice %arg4[%dma_wait3A_168] : memref<320000xi32, #tpu.memory_space<hbm>> -> memref<64xi32, #tpu.memory_space<hbm>>
          tpu.wait_dma2 semaphore(%arg23 : memref<!tpu.dma_semaphore, #tpu.memory_space<semaphore_mem>>) src(%dma_wait3A_169 : memref<64xi32, #tpu.memory_space<hbm>>) dst(%arg11 : memref<64xi32, #tpu.memory_space<vmem>>)
          %dma_wait3A_170 = arith.constant 0 : i32
          %dma_wait3A_171 = arith.constant 0 : i32
          %dma_wait3A_172 = tpu.memref_slice %arg5[%dma_wait3A_170, %dma_wait3A_171] : memref<320000x128xf32, #tpu.memory_space<hbm>> -> memref<64x128xf32, #tpu.memory_space<hbm>>
          %dma_wait3A_173 = arith.constant 0 : i32
          %dma_wait3A_174 = arith.constant 0 : i32
          %dma_wait3A_175 = tpu.memref_slice %arg5[%dma_wait3A_173, %dma_wait3A_174] : memref<320000x128xf32, #tpu.memory_space<hbm>> -> memref<64x128xf32, #tpu.memory_space<hbm>>
          tpu.wait_dma2 semaphore(%arg23 : memref<!tpu.dma_semaphore, #tpu.memory_space<semaphore_mem>>) src(%dma_wait3A_175 : memref<64x128xf32, #tpu.memory_space<hbm>>) dst(%arg14 : memref<64x128xf32, #tpu.memory_space<vmem>>)
          %dma_start3A_176 = arith.constant 0 : i32
          %dma_start3A_177 = arith.constant 0 : i32
          %dma_start3A_178 = tpu.memref_slice %arg2[%dma_start3A_176, %dma_start3A_177] : memref<10000x128xf32, #tpu.memory_space<hbm>> -> memref<10000x128xf32, #tpu.memory_space<hbm>>
          tpu.enqueue_indirect_dma source(%dma_start3A_178 : memref<10000x128xf32, #tpu.memory_space<hbm>>) target(%arg17 : memref<64x128xf32, #tpu.memory_space<vmem>>) offsets(%arg8 : memref<64xi32, #tpu.memory_space<vmem>>) semaphore(%arg26 : memref<!tpu.dma_semaphore, #tpu.memory_space<semaphore_mem>>)
        } else {
        }
        %ge3A = arith.constant 1 : i32
        %ge3A_136 = arith.cmpi sge, %add3A_125, %ge3A : i32
        %convert_element_type3A_137 = arith.extui %ge3A_136 : i1 to i32
        %cond3A_138 = arith.constant 0 : i32
        %cond3A_139 = arith.cmpi ne, %convert_element_type3A_137, %cond3A_138 : i32
        scf.if %cond3A_139 {
          %dma_wait3A_162 = arith.constant 0 : i32
          %dma_wait3A_163 = arith.constant 0 : i32
          %dma_wait3A_164 = tpu.memref_slice %arg32[%dma_wait3A_162, %dma_wait3A_163] : memref<10000x128xf32, #tpu.memory_space<vmem_shared>> -> memref<10000x128xf32, #tpu.memory_space<vmem_shared>>
          tpu.wait_indirect_dma semaphore(%arg30 : memref<!tpu.dma_semaphore, #tpu.memory_space<semaphore_mem>>) src(%arg15 : memref<64x128xf32, #tpu.memory_space<vmem>>) dst(%dma_wait3A_164 : memref<10000x128xf32, #tpu.memory_space<vmem_shared>>)
          %dma_wait3A_165 = arith.constant 0 : i32
          %dma_wait3A_166 = tpu.memref_slice %arg33[%dma_wait3A_165] : memref<10000xf32, #tpu.memory_space<vmem_shared>> -> memref<10000xf32, #tpu.memory_space<vmem_shared>>
          tpu.wait_indirect_dma semaphore(%arg30 : memref<!tpu.dma_semaphore, #tpu.memory_space<semaphore_mem>>) src(%arg21 : memref<64xf32, #tpu.memory_space<vmem>>) dst(%dma_wait3A_166 : memref<10000xf32, #tpu.memory_space<vmem_shared>>)
        } else {
        }
        %add3A_140 = arith.constant 3 : i32
        %add3A_141 = arith.addi %add3A_125, %add3A_140 : i32
        %sub3A_142 = arith.constant 1 : i32
        %sub3A_143 = arith.subi %add3A_141, %sub3A_142 : i32
        %lt3A_144 = arith.cmpi slt, %sub3A_143, %select_n3A : i32
        %convert_element_type3A_145 = arith.extui %lt3A_144 : i1 to i32
        %cond3A_146 = arith.constant 0 : i32
        %cond3A_147 = arith.cmpi ne, %convert_element_type3A_145, %cond3A_146 : i32
        scf.if %cond3A_147 {
          %add3A_162 = arith.constant 3 : i32
          %add3A_163 = arith.addi %add3A_125, %add3A_162 : i32
          %sub3A_164 = arith.constant 1 : i32
          %sub3A_165 = arith.subi %add3A_163, %sub3A_164 : i32
          %mul3A_166 = arith.constant 32 : i32
          %mul3A_167 = arith.muli %sub3A_165, %mul3A_166 : i32
          %add3A_168 = arith.addi %mul3A_167, %add3A : i32
          %mul3A_169 = arith.constant 64 : i32
          %mul3A_170 = arith.muli %add3A_168, %mul3A_169 : i32
          %dma_start3A_171 = tpu.memref_slice %arg3[%mul3A_170] : memref<320000xi32, #tpu.memory_space<hbm>> -> memref<64xi32, #tpu.memory_space<hbm>>
          %dma_start3A_172 = tpu.memref_slice %arg3[%mul3A_170] : memref<320000xi32, #tpu.memory_space<hbm>> -> memref<64xi32, #tpu.memory_space<hbm>>
          tpu.enqueue_dma source(%dma_start3A_172 : memref<64xi32, #tpu.memory_space<hbm>>) target(%arg9 : memref<64xi32, #tpu.memory_space<vmem>>) target_semaphore(%arg24 : memref<!tpu.dma_semaphore, #tpu.memory_space<semaphore_mem>>)
          %dma_start3A_173 = tpu.memref_slice %arg4[%mul3A_170] : memref<320000xi32, #tpu.memory_space<hbm>> -> memref<64xi32, #tpu.memory_space<hbm>>
          %dma_start3A_174 = tpu.memref_slice %arg4[%mul3A_170] : memref<320000xi32, #tpu.memory_space<hbm>> -> memref<64xi32, #tpu.memory_space<hbm>>
          tpu.enqueue_dma source(%dma_start3A_174 : memref<64xi32, #tpu.memory_space<hbm>>) target(%arg12 : memref<64xi32, #tpu.memory_space<vmem>>) target_semaphore(%arg24 : memref<!tpu.dma_semaphore, #tpu.memory_space<semaphore_mem>>)
          %dma_start3A_175 = arith.constant 0 : i32
          %dma_start3A_176 = tpu.memref_slice %arg5[%mul3A_170, %dma_start3A_175] : memref<320000x128xf32, #tpu.memory_space<hbm>> -> memref<64x128xf32, #tpu.memory_space<hbm>>
          %dma_start3A_177 = arith.constant 0 : i32
          %dma_start3A_178 = tpu.memref_slice %arg5[%mul3A_170, %dma_start3A_177] : memref<320000x128xf32, #tpu.memory_space<hbm>> -> memref<64x128xf32, #tpu.memory_space<hbm>>
          tpu.enqueue_dma source(%dma_start3A_178 : memref<64x128xf32, #tpu.memory_space<hbm>>) target(%arg15 : memref<64x128xf32, #tpu.memory_space<vmem>>) target_semaphore(%arg24 : memref<!tpu.dma_semaphore, #tpu.memory_space<semaphore_mem>>)
        } else {
        }
        %dma_wait3A_148 = arith.constant 0 : i32
        %dma_wait3A_149 = arith.constant 0 : i32
        %dma_wait3A_150 = tpu.memref_slice %arg2[%dma_wait3A_148, %dma_wait3A_149] : memref<10000x128xf32, #tpu.memory_space<hbm>> -> memref<10000x128xf32, #tpu.memory_space<hbm>>
        tpu.wait_indirect_dma semaphore(%arg28 : memref<!tpu.dma_semaphore, #tpu.memory_space<semaphore_mem>>) src(%dma_wait3A_150 : memref<10000x128xf32, #tpu.memory_space<hbm>>) dst(%arg19 : memref<64x128xf32, #tpu.memory_space<vmem>>)
        %scan3A_151 = arith.constant 0 : i32
        %scan3A_152 = arith.constant 0 : i32
        %scan3A_153 = arith.constant 64 : i32
        %scan3A_154 = arith.addi %scan3A_152, %scan3A_153 : i32
        %scan3A_155 = arith.constant 1 : i32
        scf.for %scan3A_162 = %scan3A_152 to %scan3A_154 step %scan3A_155  : i32 {
          %get3A = arith.index_cast %scan3A_162 : i32 to index
          %get3A_163 = arith.constant 0 : index
          %get3A_164 = tpu.vector_load %arg19[%get3A, %get3A_163] {strides = array<i32>} : memref<64x128xf32, #tpu.memory_space<vmem>>, vector<1x16xf32>,
          %get3A_165 = vector.shape_cast %get3A_164 : vector<1x16xf32> to vector<16xf32>
          %get3A_166 = arith.index_cast %scan3A_162 : i32 to index
          %get3A_167 = arith.constant 0 : index
          %get3A_168 = tpu.vector_load %arg16[%get3A_166, %get3A_167] {strides = array<i32>} : memref<64x128xf32, #tpu.memory_space<vmem>>, vector<1x16xf32>,
          %get3A_169 = vector.shape_cast %get3A_168 : vector<1x16xf32> to vector<16xf32>
          %mul3A_170 = arith.mulf %get3A_165, %get3A_169 : vector<16xf32>
          %swap3A = arith.index_cast %scan3A_162 : i32 to index
          %swap3A_171 = arith.constant 0 : index
          %swap3A_172 = tpu.vector_load %arg16[%swap3A, %swap3A_171] {strides = array<i32>} : memref<64x128xf32, #tpu.memory_space<vmem>>, vector<1x16xf32>,
          %swap3A_173 = vector.shape_cast %swap3A_172 : vector<1x16xf32> to vector<16xf32>
          %swap3A_174 = vector.shape_cast %mul3A_170 : vector<16xf32> to vector<1x16xf32>
          tpu.vector_store %arg16[%swap3A, %swap3A_171], %swap3A_174 {strides = array<i32>} : memref<64x128xf32, #tpu.memory_space<vmem>>, vector<1x16xf32>,
          %get3A_175 = arith.index_cast %scan3A_162 : i32 to index
          %get3A_176 = arith.constant 16 : index
          %get3A_177 = tpu.vector_load %arg19[%get3A_175, %get3A_176] {strides = array<i32>} : memref<64x128xf32, #tpu.memory_space<vmem>>, vector<1x16xf32>,
          %get3A_178 = vector.shape_cast %get3A_177 : vector<1x16xf32> to vector<16xf32>
          %get3A_179 = arith.index_cast %scan3A_162 : i32 to index
          %get3A_180 = arith.constant 16 : index
          %get3A_181 = tpu.vector_load %arg16[%get3A_179, %get3A_180] {strides = array<i32>} : memref<64x128xf32, #tpu.memory_space<vmem>>, vector<1x16xf32>,
          %get3A_182 = vector.shape_cast %get3A_181 : vector<1x16xf32> to vector<16xf32>
          %mul3A_183 = arith.mulf %get3A_178, %get3A_182 : vector<16xf32>
          %swap3A_184 = arith.index_cast %scan3A_162 : i32 to index
          %swap3A_185 = arith.constant 16 : index
          %swap3A_186 = tpu.vector_load %arg16[%swap3A_184, %swap3A_185] {strides = array<i32>} : memref<64x128xf32, #tpu.memory_space<vmem>>, vector<1x16xf32>,
          %swap3A_187 = vector.shape_cast %swap3A_186 : vector<1x16xf32> to vector<16xf32>
          %swap3A_188 = vector.shape_cast %mul3A_183 : vector<16xf32> to vector<1x16xf32>
          tpu.vector_store %arg16[%swap3A_184, %swap3A_185], %swap3A_188 {strides = array<i32>} : memref<64x128xf32, #tpu.memory_space<vmem>>, vector<1x16xf32>,
          %get3A_189 = arith.index_cast %scan3A_162 : i32 to index
          %get3A_190 = arith.constant 32 : index
          %get3A_191 = tpu.vector_load %arg19[%get3A_189, %get3A_190] {strides = array<i32>} : memref<64x128xf32, #tpu.memory_space<vmem>>, vector<1x16xf32>,
          %get3A_192 = vector.shape_cast %get3A_191 : vector<1x16xf32> to vector<16xf32>
          %get3A_193 = arith.index_cast %scan3A_162 : i32 to index
          %get3A_194 = arith.constant 32 : index
          %get3A_195 = tpu.vector_load %arg16[%get3A_193, %get3A_194] {strides = array<i32>} : memref<64x128xf32, #tpu.memory_space<vmem>>, vector<1x16xf32>,
          %get3A_196 = vector.shape_cast %get3A_195 : vector<1x16xf32> to vector<16xf32>
          %mul3A_197 = arith.mulf %get3A_192, %get3A_196 : vector<16xf32>
          %swap3A_198 = arith.index_cast %scan3A_162 : i32 to index
          %swap3A_199 = arith.constant 32 : index
          %swap3A_200 = tpu.vector_load %arg16[%swap3A_198, %swap3A_199] {strides = array<i32>} : memref<64x128xf32, #tpu.memory_space<vmem>>, vector<1x16xf32>,
          %swap3A_201 = vector.shape_cast %swap3A_200 : vector<1x16xf32> to vector<16xf32>
          %swap3A_202 = vector.shape_cast %mul3A_197 : vector<16xf32> to vector<1x16xf32>
          tpu.vector_store %arg16[%swap3A_198, %swap3A_199], %swap3A_202 {strides = array<i32>} : memref<64x128xf32, #tpu.memory_space<vmem>>, vector<1x16xf32>,
          %get3A_203 = arith.index_cast %scan3A_162 : i32 to index
          %get3A_204 = arith.constant 48 : index
          %get3A_205 = tpu.vector_load %arg19[%get3A_203, %get3A_204] {strides = array<i32>} : memref<64x128xf32, #tpu.memory_space<vmem>>, vector<1x16xf32>,
          %get3A_206 = vector.shape_cast %get3A_205 : vector<1x16xf32> to vector<16xf32>
          %get3A_207 = arith.index_cast %scan3A_162 : i32 to index
          %get3A_208 = arith.constant 48 : index
          %get3A_209 = tpu.vector_load %arg16[%get3A_207, %get3A_208] {strides = array<i32>} : memref<64x128xf32, #tpu.memory_space<vmem>>, vector<1x16xf32>,
          %get3A_210 = vector.shape_cast %get3A_209 : vector<1x16xf32> to vector<16xf32>
          %mul3A_211 = arith.mulf %get3A_206, %get3A_210 : vector<16xf32>
          %swap3A_212 = arith.index_cast %scan3A_162 : i32 to index
          %swap3A_213 = arith.constant 48 : index
          %swap3A_214 = tpu.vector_load %arg16[%swap3A_212, %swap3A_213] {strides = array<i32>} : memref<64x128xf32, #tpu.memory_space<vmem>>, vector<1x16xf32>,
          %swap3A_215 = vector.shape_cast %swap3A_214 : vector<1x16xf32> to vector<16xf32>
          %swap3A_216 = vector.shape_cast %mul3A_211 : vector<16xf32> to vector<1x16xf32>
          tpu.vector_store %arg16[%swap3A_212, %swap3A_213], %swap3A_216 {strides = array<i32>} : memref<64x128xf32, #tpu.memory_space<vmem>>, vector<1x16xf32>,
          %get3A_217 = arith.index_cast %scan3A_162 : i32 to index
          %get3A_218 = arith.constant 64 : index
          %get3A_219 = tpu.vector_load %arg19[%get3A_217, %get3A_218] {strides = array<i32>} : memref<64x128xf32, #tpu.memory_space<vmem>>, vector<1x16xf32>,
          %get3A_220 = vector.shape_cast %get3A_219 : vector<1x16xf32> to vector<16xf32>
          %get3A_221 = arith.index_cast %scan3A_162 : i32 to index
          %get3A_222 = arith.constant 64 : index
          %get3A_223 = tpu.vector_load %arg16[%get3A_221, %get3A_222] {strides = array<i32>} : memref<64x128xf32, #tpu.memory_space<vmem>>, vector<1x16xf32>,
          %get3A_224 = vector.shape_cast %get3A_223 : vector<1x16xf32> to vector<16xf32>
          %mul3A_225 = arith.mulf %get3A_220, %get3A_224 : vector<16xf32>
          %swap3A_226 = arith.index_cast %scan3A_162 : i32 to index
          %swap3A_227 = arith.constant 64 : index
          %swap3A_228 = tpu.vector_load %arg16[%swap3A_226, %swap3A_227] {strides = array<i32>} : memref<64x128xf32, #tpu.memory_space<vmem>>, vector<1x16xf32>,
          %swap3A_229 = vector.shape_cast %swap3A_228 : vector<1x16xf32> to vector<16xf32>
          %swap3A_230 = vector.shape_cast %mul3A_225 : vector<16xf32> to vector<1x16xf32>
          tpu.vector_store %arg16[%swap3A_226, %swap3A_227], %swap3A_230 {strides = array<i32>} : memref<64x128xf32, #tpu.memory_space<vmem>>, vector<1x16xf32>,
          %get3A_231 = arith.index_cast %scan3A_162 : i32 to index
          %get3A_232 = arith.constant 80 : index
          %get3A_233 = tpu.vector_load %arg19[%get3A_231, %get3A_232] {strides = array<i32>} : memref<64x128xf32, #tpu.memory_space<vmem>>, vector<1x16xf32>,
          %get3A_234 = vector.shape_cast %get3A_233 : vector<1x16xf32> to vector<16xf32>
          %get3A_235 = arith.index_cast %scan3A_162 : i32 to index
          %get3A_236 = arith.constant 80 : index
          %get3A_237 = tpu.vector_load %arg16[%get3A_235, %get3A_236] {strides = array<i32>} : memref<64x128xf32, #tpu.memory_space<vmem>>, vector<1x16xf32>,
          %get3A_238 = vector.shape_cast %get3A_237 : vector<1x16xf32> to vector<16xf32>
          %mul3A_239 = arith.mulf %get3A_234, %get3A_238 : vector<16xf32>
          %swap3A_240 = arith.index_cast %scan3A_162 : i32 to index
          %swap3A_241 = arith.constant 80 : index
          %swap3A_242 = tpu.vector_load %arg16[%swap3A_240, %swap3A_241] {strides = array<i32>} : memref<64x128xf32, #tpu.memory_space<vmem>>, vector<1x16xf32>,
          %swap3A_243 = vector.shape_cast %swap3A_242 : vector<1x16xf32> to vector<16xf32>
          %swap3A_244 = vector.shape_cast %mul3A_239 : vector<16xf32> to vector<1x16xf32>
          tpu.vector_store %arg16[%swap3A_240, %swap3A_241], %swap3A_244 {strides = array<i32>} : memref<64x128xf32, #tpu.memory_space<vmem>>, vector<1x16xf32>,
          %get3A_245 = arith.index_cast %scan3A_162 : i32 to index
          %get3A_246 = arith.constant 96 : index
          %get3A_247 = tpu.vector_load %arg19[%get3A_245, %get3A_246] {strides = array<i32>} : memref<64x128xf32, #tpu.memory_space<vmem>>, vector<1x16xf32>,
          %get3A_248 = vector.shape_cast %get3A_247 : vector<1x16xf32> to vector<16xf32>
          %get3A_249 = arith.index_cast %scan3A_162 : i32 to index
          %get3A_250 = arith.constant 96 : index
          %get3A_251 = tpu.vector_load %arg16[%get3A_249, %get3A_250] {strides = array<i32>} : memref<64x128xf32, #tpu.memory_space<vmem>>, vector<1x16xf32>,
          %get3A_252 = vector.shape_cast %get3A_251 : vector<1x16xf32> to vector<16xf32>
          %mul3A_253 = arith.mulf %get3A_248, %get3A_252 : vector<16xf32>
          %swap3A_254 = arith.index_cast %scan3A_162 : i32 to index
          %swap3A_255 = arith.constant 96 : index
          %swap3A_256 = tpu.vector_load %arg16[%swap3A_254, %swap3A_255] {strides = array<i32>} : memref<64x128xf32, #tpu.memory_space<vmem>>, vector<1x16xf32>,
          %swap3A_257 = vector.shape_cast %swap3A_256 : vector<1x16xf32> to vector<16xf32>
          %swap3A_258 = vector.shape_cast %mul3A_253 : vector<16xf32> to vector<1x16xf32>
          tpu.vector_store %arg16[%swap3A_254, %swap3A_255], %swap3A_258 {strides = array<i32>} : memref<64x128xf32, #tpu.memory_space<vmem>>, vector<1x16xf32>,
          %get3A_259 = arith.index_cast %scan3A_162 : i32 to index
          %get3A_260 = arith.constant 112 : index
          %get3A_261 = tpu.vector_load %arg19[%get3A_259, %get3A_260] {strides = array<i32>} : memref<64x128xf32, #tpu.memory_space<vmem>>, vector<1x16xf32>,
          %get3A_262 = vector.shape_cast %get3A_261 : vector<1x16xf32> to vector<16xf32>
          %get3A_263 = arith.index_cast %scan3A_162 : i32 to index
          %get3A_264 = arith.constant 112 : index
          %get3A_265 = tpu.vector_load %arg16[%get3A_263, %get3A_264] {strides = array<i32>} : memref<64x128xf32, #tpu.memory_space<vmem>>, vector<1x16xf32>,
          %get3A_266 = vector.shape_cast %get3A_265 : vector<1x16xf32> to vector<16xf32>
          %mul3A_267 = arith.mulf %get3A_262, %get3A_266 : vector<16xf32>
          %swap3A_268 = arith.index_cast %scan3A_162 : i32 to index
          %swap3A_269 = arith.constant 112 : index
          %swap3A_270 = tpu.vector_load %arg16[%swap3A_268, %swap3A_269] {strides = array<i32>} : memref<64x128xf32, #tpu.memory_space<vmem>>, vector<1x16xf32>,
          %swap3A_271 = vector.shape_cast %swap3A_270 : vector<1x16xf32> to vector<16xf32>
          %swap3A_272 = vector.shape_cast %mul3A_267 : vector<16xf32> to vector<1x16xf32>
          tpu.vector_store %arg16[%swap3A_268, %swap3A_269], %swap3A_272 {strides = array<i32>} : memref<64x128xf32, #tpu.memory_space<vmem>>, vector<1x16xf32>,
        }
        %scan3A_156 = arith.constant 64 : i32
        %dma_start3A_157 = arith.constant 0 : i32
        %dma_start3A_158 = arith.constant 0 : i32
        %dma_start3A_159 = tpu.memref_slice %arg32[%dma_start3A_157, %dma_start3A_158] : memref<10000x128xf32, #tpu.memory_space<vmem_shared>> -> memref<10000x128xf32, #tpu.memory_space<vmem_shared>>
        tpu.enqueue_indirect_dma source(%arg16 : memref<64x128xf32, #tpu.memory_space<vmem>>) target(%dma_start3A_159 : memref<10000x128xf32, #tpu.memory_space<vmem_shared>>) offsets(%arg13 : memref<64xi32, #tpu.memory_space<vmem>>) semaphore(%arg31 : memref<!tpu.dma_semaphore, #tpu.memory_space<semaphore_mem>>) {add = true}
        %dma_start3A_160 = arith.constant 0 : i32
        %dma_start3A_161 = tpu.memref_slice %arg33[%dma_start3A_160] : memref<10000xf32, #tpu.memory_space<vmem_shared>> -> memref<10000xf32, #tpu.memory_space<vmem_shared>>
        tpu.enqueue_indirect_dma source(%arg21 : memref<64xf32, #tpu.memory_space<vmem>>) target(%dma_start3A_161 : memref<10000xf32, #tpu.memory_space<vmem_shared>>) offsets(%arg13 : memref<64xi32, #tpu.memory_space<vmem>>) semaphore(%arg31 : memref<!tpu.dma_semaphore, #tpu.memory_space<semaphore_mem>>) {add = true}
      } else {
      }
    }
    %scan3A_66 = arith.constant 53 : i32
    %sub3A = arith.constant 1 : i32
    %sub3A_67 = arith.subi %select_n3A, %sub3A : i32
    %rem3A = arith.constant 3 : i32
    %rem3A_68 = arith.remsi %sub3A_67, %rem3A : i32
    %eq3A_69 = arith.constant 0 : i32
    %eq3A_70 = arith.cmpi eq, %rem3A_68, %eq3A_69 : i32
    %convert_element_type3A_71 = arith.extui %eq3A_70 : i1 to i32
    %cond3A_72 = arith.constant 0 : i32
    %cond3A_73 = arith.cmpi ne, %convert_element_type3A_71, %cond3A_72 : i32
    scf.if %cond3A_73 {
      %dma_wait3A_105 = arith.constant 0 : i32
      %dma_wait3A_106 = arith.constant 0 : i32
      %dma_wait3A_107 = tpu.memref_slice %arg32[%dma_wait3A_105, %dma_wait3A_106] : memref<10000x128xf32, #tpu.memory_space<vmem_shared>> -> memref<10000x128xf32, #tpu.memory_space<vmem_shared>>
      tpu.wait_indirect_dma semaphore(%arg29 : memref<!tpu.dma_semaphore, #tpu.memory_space<semaphore_mem>>) src(%arg14 : memref<64x128xf32, #tpu.memory_space<vmem>>) dst(%dma_wait3A_107 : memref<10000x128xf32, #tpu.memory_space<vmem_shared>>)
      %dma_wait3A_108 = arith.constant 0 : i32
      %dma_wait3A_109 = tpu.memref_slice %arg33[%dma_wait3A_108] : memref<10000xf32, #tpu.memory_space<vmem_shared>> -> memref<10000xf32, #tpu.memory_space<vmem_shared>>
      tpu.wait_indirect_dma semaphore(%arg29 : memref<!tpu.dma_semaphore, #tpu.memory_space<semaphore_mem>>) src(%arg21 : memref<64xf32, #tpu.memory_space<vmem>>) dst(%dma_wait3A_109 : memref<10000xf32, #tpu.memory_space<vmem_shared>>)
    } else {
    }
    %sub3A_74 = arith.constant 1 : i32
    %sub3A_75 = arith.subi %select_n3A, %sub3A_74 : i32
    %rem3A_76 = arith.constant 3 : i32
    %rem3A_77 = arith.remsi %sub3A_75, %rem3A_76 : i32
    %eq3A_78 = arith.constant 1 : i32
    %eq3A_79 = arith.cmpi eq, %rem3A_77, %eq3A_78 : i32
    %convert_element_type3A_80 = arith.extui %eq3A_79 : i1 to i32
    %cond3A_81 = arith.constant 0 : i32
    %cond3A_82 = arith.cmpi ne, %convert_element_type3A_80, %cond3A_81 : i32
    scf.if %cond3A_82 {
      %dma_wait3A_105 = arith.constant 0 : i32
      %dma_wait3A_106 = arith.constant 0 : i32
      %dma_wait3A_107 = tpu.memref_slice %arg32[%dma_wait3A_105, %dma_wait3A_106] : memref<10000x128xf32, #tpu.memory_space<vmem_shared>> -> memref<10000x128xf32, #tpu.memory_space<vmem_shared>>
      tpu.wait_indirect_dma semaphore(%arg30 : memref<!tpu.dma_semaphore, #tpu.memory_space<semaphore_mem>>) src(%arg15 : memref<64x128xf32, #tpu.memory_space<vmem>>) dst(%dma_wait3A_107 : memref<10000x128xf32, #tpu.memory_space<vmem_shared>>)
      %dma_wait3A_108 = arith.constant 0 : i32
      %dma_wait3A_109 = tpu.memref_slice %arg33[%dma_wait3A_108] : memref<10000xf32, #tpu.memory_space<vmem_shared>> -> memref<10000xf32, #tpu.memory_space<vmem_shared>>
      tpu.wait_indirect_dma semaphore(%arg30 : memref<!tpu.dma_semaphore, #tpu.memory_space<semaphore_mem>>) src(%arg21 : memref<64xf32, #tpu.memory_space<vmem>>) dst(%dma_wait3A_109 : memref<10000xf32, #tpu.memory_space<vmem_shared>>)
    } else {
    }
    %sub3A_83 = arith.constant 1 : i32
    %sub3A_84 = arith.subi %select_n3A, %sub3A_83 : i32
    %rem3A_85 = arith.constant 3 : i32
    %rem3A_86 = arith.remsi %sub3A_84, %rem3A_85 : i32
    %eq3A_87 = arith.constant 2 : i32
    %eq3A_88 = arith.cmpi eq, %rem3A_86, %eq3A_87 : i32
    %convert_element_type3A_89 = arith.extui %eq3A_88 : i1 to i32
    %cond3A_90 = arith.constant 0 : i32
    %cond3A_91 = arith.cmpi ne, %convert_element_type3A_89, %cond3A_90 : i32
    scf.if %cond3A_91 {
      %dma_wait3A_105 = arith.constant 0 : i32
      %dma_wait3A_106 = arith.constant 0 : i32
      %dma_wait3A_107 = tpu.memref_slice %arg32[%dma_wait3A_105, %dma_wait3A_106] : memref<10000x128xf32, #tpu.memory_space<vmem_shared>> -> memref<10000x128xf32, #tpu.memory_space<vmem_shared>>
      tpu.wait_indirect_dma semaphore(%arg31 : memref<!tpu.dma_semaphore, #tpu.memory_space<semaphore_mem>>) src(%arg16 : memref<64x128xf32, #tpu.memory_space<vmem>>) dst(%dma_wait3A_107 : memref<10000x128xf32, #tpu.memory_space<vmem_shared>>)
      %dma_wait3A_108 = arith.constant 0 : i32
      %dma_wait3A_109 = tpu.memref_slice %arg33[%dma_wait3A_108] : memref<10000xf32, #tpu.memory_space<vmem_shared>> -> memref<10000xf32, #tpu.memory_space<vmem_shared>>
      tpu.wait_indirect_dma semaphore(%arg31 : memref<!tpu.dma_semaphore, #tpu.memory_space<semaphore_mem>>) src(%arg21 : memref<64xf32, #tpu.memory_space<vmem>>) dst(%dma_wait3A_109 : memref<10000xf32, #tpu.memory_space<vmem_shared>>)
    } else {
    }
    %barrier3A_92 = arith.constant 0 : index
    tpu.barrier barrier_id(%barrier3A_92)
    %scan3A_93 = arith.constant 0 : i32
    %scan3A_94 = arith.constant 0 : i32
    %scan3A_95 = arith.constant 4 : i32
    %scan3A_96 = arith.addi %scan3A_94, %scan3A_95 : i32
    %scan3A_97 = arith.constant 1 : i32
    scf.for %scan3A_105 = %scan3A_94 to %scan3A_96 step %scan3A_97  : i32 {
      %mul3A_106 = arith.constant 16 : i32
      %mul3A_107 = arith.muli %scan3A_105, %mul3A_106 : i32
      %add3A_108 = arith.addi %arg1, %mul3A_107 : i32
      %lt3A_109 = arith.constant 50 : i32
      %lt3A_110 = arith.cmpi slt, %add3A_108, %lt3A_109 : i32
      %convert_element_type3A_111 = arith.extui %lt3A_110 : i1 to i32
      %cond3A_112 = arith.constant 0 : i32
      %cond3A_113 = arith.cmpi ne, %convert_element_type3A_111, %cond3A_112 : i32
      scf.if %cond3A_113 {
        %mul3A_114 = arith.constant 200 : i32
        %mul3A_115 = arith.muli %add3A_108, %mul3A_114 : i32
        %mul3A_116 = arith.constant 10000 : i32
        %mul3A_117 = arith.muli %arg0, %mul3A_116 : i32
        %mul3A_118 = arith.constant 200 : i32
        %mul3A_119 = arith.muli %add3A_108, %mul3A_118 : i32
        %add3A_120 = arith.addi %mul3A_117, %mul3A_119 : i32
        "tpu.region"() ({
          %run_scoped3A = tpu.sem_alloc : memref<!tpu.dma_semaphore, #tpu.memory_space<semaphore_mem>>
          %dma_start3A_121 = arith.constant 0 : i32
          %dma_start3A_122 = tpu.memref_slice %arg6[%add3A_120, %dma_start3A_121] : memref<20000x128xf32, #tpu.memory_space<hbm>> -> memref<200x128xf32, #tpu.memory_space<hbm>>
          %dma_start3A_123 = arith.constant 0 : i32
          %dma_start3A_124 = tpu.memref_slice %arg32[%mul3A_115, %dma_start3A_123] : memref<10000x128xf32, #tpu.memory_space<vmem_shared>> -> memref<200x128xf32, #tpu.memory_space<vmem_shared>>
          tpu.enqueue_dma source(%dma_start3A_124 : memref<200x128xf32, #tpu.memory_space<vmem_shared>>) target(%dma_start3A_122 : memref<200x128xf32, #tpu.memory_space<hbm>>) target_semaphore(%run_scoped3A : memref<!tpu.dma_semaphore, #tpu.memory_space<semaphore_mem>>)
          %dma_wait3A_125 = arith.constant 0 : i32
          %dma_wait3A_126 = tpu.memref_slice %arg6[%add3A_120, %dma_wait3A_125] : memref<20000x128xf32, #tpu.memory_space<hbm>> -> memref<200x128xf32, #tpu.memory_space<hbm>>
          %dma_wait3A_127 = arith.constant 0 : i32
          %dma_wait3A_128 = tpu.memref_slice %arg32[%mul3A_115, %dma_wait3A_127] : memref<10000x128xf32, #tpu.memory_space<vmem_shared>> -> memref<200x128xf32, #tpu.memory_space<vmem_shared>>
          tpu.wait_dma2 semaphore(%run_scoped3A : memref<!tpu.dma_semaphore, #tpu.memory_space<semaphore_mem>>) src(%dma_wait3A_128 : memref<200x128xf32, #tpu.memory_space<vmem_shared>>) dst(%dma_wait3A_126 : memref<200x128xf32, #tpu.memory_space<hbm>>)
          tpu.yield
        }) : () -> ()
      } else {
      }
    }
    %scan3A_98 = arith.constant 4 : i32
    %scan3A_99 = arith.constant 0 : i32
    %scan3A_100 = arith.constant 0 : i32
    %scan3A_101 = arith.constant 4 : i32
    %scan3A_102 = arith.addi %scan3A_100, %scan3A_101 : i32
    %scan3A_103 = arith.constant 1 : i32
    scf.for %scan3A_105 = %scan3A_100 to %scan3A_102 step %scan3A_103  : i32 {
      %mul3A_106 = arith.constant 16 : i32
      %mul3A_107 = arith.muli %scan3A_105, %mul3A_106 : i32
      %add3A_108 = arith.addi %arg1, %mul3A_107 : i32
      %lt3A_109 = arith.constant 50 : i32
      %lt3A_110 = arith.cmpi slt, %add3A_108, %lt3A_109 : i32
      %convert_element_type3A_111 = arith.extui %lt3A_110 : i1 to i32
      %cond3A_112 = arith.constant 0 : i32
      %cond3A_113 = arith.cmpi ne, %convert_element_type3A_111, %cond3A_112 : i32
      scf.if %cond3A_113 {
        %mul3A_114 = arith.constant 200 : i32
        %mul3A_115 = arith.muli %add3A_108, %mul3A_114 : i32
        "tpu.region"() ({
          %run_scoped3A = tpu.sem_alloc : memref<!tpu.dma_semaphore, #tpu.memory_space<semaphore_mem>>
          %dma_start3A_121 = tpu.memref_slice %arg33[%mul3A_115] : memref<10000xf32, #tpu.memory_space<vmem_shared>> -> memref<200xf32, #tpu.memory_space<vmem_shared>>
          %dma_start3A_122 = tpu.memref_slice %arg33[%mul3A_115] : memref<10000xf32, #tpu.memory_space<vmem_shared>> -> memref<200xf32, #tpu.memory_space<vmem_shared>>
          tpu.enqueue_dma source(%dma_start3A_122 : memref<200xf32, #tpu.memory_space<vmem_shared>>) target(%arg22 : memref<200xf32, #tpu.memory_space<vmem>>) target_semaphore(%run_scoped3A : memref<!tpu.dma_semaphore, #tpu.memory_space<semaphore_mem>>)
          %dma_wait3A_123 = tpu.memref_slice %arg33[%mul3A_115] : memref<10000xf32, #tpu.memory_space<vmem_shared>> -> memref<200xf32, #tpu.memory_space<vmem_shared>>
          %dma_wait3A_124 = tpu.memref_slice %arg33[%mul3A_115] : memref<10000xf32, #tpu.memory_space<vmem_shared>> -> memref<200xf32, #tpu.memory_space<vmem_shared>>
          tpu.wait_dma2 semaphore(%run_scoped3A : memref<!tpu.dma_semaphore, #tpu.memory_space<semaphore_mem>>) src(%dma_wait3A_124 : memref<200xf32, #tpu.memory_space<vmem_shared>>) dst(%arg22 : memref<200xf32, #tpu.memory_space<vmem>>)
          tpu.yield
        }) : () -> ()
        %mul3A_116 = arith.constant 10000 : i32
        %mul3A_117 = arith.muli %arg0, %mul3A_116 : i32
        %mul3A_118 = arith.constant 200 : i32
        %mul3A_119 = arith.muli %add3A_108, %mul3A_118 : i32
        %add3A_120 = arith.addi %mul3A_117, %mul3A_119 : i32
        "tpu.region"() ({
          %run_scoped3A = tpu.sem_alloc : memref<!tpu.dma_semaphore, #tpu.memory_space<semaphore_mem>>
          %dma_start3A_121 = tpu.memref_slice %arg7[%add3A_120] : memref<20000xf32, #tpu.memory_space<hbm>> -> memref<200xf32, #tpu.memory_space<hbm>>
          %dma_start3A_122 = tpu.memref_slice %arg7[%add3A_120] : memref<20000xf32, #tpu.memory_space<hbm>> -> memref<200xf32, #tpu.memory_space<hbm>>
          tpu.enqueue_dma source(%arg22 : memref<200xf32, #tpu.memory_space<vmem>>) target(%dma_start3A_122 : memref<200xf32, #tpu.memory_space<hbm>>) target_semaphore(%run_scoped3A : memref<!tpu.dma_semaphore, #tpu.memory_space<semaphore_mem>>)
          %dma_wait3A_123 = tpu.memref_slice %arg7[%add3A_120] : memref<20000xf32, #tpu.memory_space<hbm>> -> memref<200xf32, #tpu.memory_space<hbm>>
          %dma_wait3A_124 = tpu.memref_slice %arg7[%add3A_120] : memref<20000xf32, #tpu.memory_space<hbm>> -> memref<200xf32, #tpu.memory_space<hbm>>
          tpu.wait_dma2 semaphore(%run_scoped3A : memref<!tpu.dma_semaphore, #tpu.memory_space<semaphore_mem>>) src(%arg22 : memref<200xf32, #tpu.memory_space<vmem>>) dst(%dma_wait3A_124 : memref<200xf32, #tpu.memory_space<hbm>>)
          tpu.yield
        }) : () -> ()
      } else {
      }
    }
    %scan3A_104 = arith.constant 4 : i32
    return
  }
}

module attributes {stable_mosaic.version = 14 : i64} {
  func.func @_norm_body(%arg0: i32, %arg1: memref<2x1000x128xf32, #tpu.memory_space<vmem>>, %arg2: memref<2x1000x1xf32, #tpu.memory_space<vmem>>, %arg3: memref<1000x128xf32, #tpu.memory_space<vmem>>, %arg4: memref<1000x128xf32, #tpu.memory_space<vmem>>) attributes {dimension_semantics = [#tpu.dimension_semantics<arbitrary>], iteration_bounds = array<i64: 10>, scalar_prefetch = 0 : i64, scratch_operands = 0 : i64, tpu.core_type = #tpu.core_type<tc>, window_params = [{transform_indices = @transform_0, window_bounds = array<i64: 2, 1000, 128>}, {transform_indices = @transform_1, window_bounds = array<i64: 2, 1000, 1>}, {transform_indices = @transform_2, window_bounds = array<i64: 1000, 128>}, {transform_indices = @transform_3, window_bounds = array<i64: 1000, 128>}]} {
    %get3A = arith.constant 0 : index
    %get3A_0 = arith.constant 0 : index
    %get3A_1 = arith.constant 0 : index
    %get3A_2 = vector.load %arg1[%get3A, %get3A_0, %get3A_1] : memref<2x1000x128xf32, #tpu.memory_space<vmem>>, vector<1x1000x128xf32>
    %get3A_3 = vector.shape_cast %get3A_2 : vector<1x1000x128xf32> to vector<1000x128xf32>
    %get3A_4 = arith.constant 1 : index
    %get3A_5 = arith.constant 0 : index
    %get3A_6 = arith.constant 0 : index
    %get3A_7 = vector.load %arg1[%get3A_4, %get3A_5, %get3A_6] : memref<2x1000x128xf32, #tpu.memory_space<vmem>>, vector<1x1000x128xf32>
    %get3A_8 = vector.shape_cast %get3A_7 : vector<1x1000x128xf32> to vector<1000x128xf32>
    %add3A = arith.addf %get3A_3, %get3A_8 : vector<1000x128xf32>
    %get3A_9 = arith.constant 0 : index
    %get3A_10 = arith.constant 0 : index
    %get3A_11 = arith.constant 0 : index
    %get3A_12 = vector.load %arg2[%get3A_9, %get3A_10, %get3A_11] : memref<2x1000x1xf32, #tpu.memory_space<vmem>>, vector<1x1000x1xf32>
    %get3A_13 = vector.shape_cast %get3A_12 : vector<1x1000x1xf32> to vector<1000x1xf32>
    %get3A_14 = arith.constant 1 : index
    %get3A_15 = arith.constant 0 : index
    %get3A_16 = arith.constant 0 : index
    %get3A_17 = vector.load %arg2[%get3A_14, %get3A_15, %get3A_16] : memref<2x1000x1xf32, #tpu.memory_space<vmem>>, vector<1x1000x1xf32>
    %get3A_18 = vector.shape_cast %get3A_17 : vector<1x1000x1xf32> to vector<1000x1xf32>
    %add3A_19 = arith.addf %get3A_13, %get3A_18 : vector<1000x1xf32>
    %max3A = arith.constant 1.000000e+00 : f32
    %max3A_20 = vector.broadcast %max3A : f32 to vector<1000x1xf32>
    %max3A_21 = arith.maximumf %add3A_19, %max3A_20 : vector<1000x1xf32>
    %div3A = vector.broadcast %max3A_21 : vector<1000x1xf32> to vector<1000x128xf32>
    %div3A_22 = arith.divf %add3A, %div3A : vector<1000x128xf32>
    %get3A_23 = arith.constant 0 : index
    %get3A_24 = arith.constant 0 : index
    %get3A_25 = vector.load %arg3[%get3A_23, %get3A_24] : memref<1000x128xf32, #tpu.memory_space<vmem>>, vector<1000x128xf32>
    %add3A_26 = arith.addf %div3A_22, %get3A_25 : vector<1000x128xf32>
    %swap3A = arith.constant 0 : index
    %swap3A_27 = arith.constant 0 : index
    %swap3A_28 = vector.load %arg4[%swap3A, %swap3A_27] : memref<1000x128xf32, #tpu.memory_space<vmem>>, vector<1000x128xf32>
    tpu.vector_store %arg4[%swap3A, %swap3A_27], %add3A_26 {strides = array<i32>} : memref<1000x128xf32, #tpu.memory_space<vmem>>, vector<1000x128xf32>,
    return
  }
  func.func @transform_0(%arg0: i32) -> (i32, i32, i32) {
    %c0_i32 = arith.constant 0 : i32
    %c0_i32_0 = arith.constant 0 : i32
    %c0_i32_1 = arith.constant 0 : i32
    return %c0_i32, %arg0, %c0_i32_0 : i32, i32, i32
  }
  func.func @transform_1(%arg0: i32) -> (i32, i32, i32) {
    %c0_i32 = arith.constant 0 : i32
    %c0_i32_0 = arith.constant 0 : i32
    %c0_i32_1 = arith.constant 0 : i32
    return %c0_i32, %arg0, %c0_i32_0 : i32, i32, i32
  }
  func.func @transform_2(%arg0: i32) -> (i32, i32) {
    %c0_i32 = arith.constant 0 : i32
    %c0_i32_0 = arith.constant 0 : i32
    return %arg0, %c0_i32 : i32, i32
  }
  func.func @transform_3(%arg0: i32) -> (i32, i32) {
    %c0_i32 = arith.constant 0 : i32
    %c0_i32_0 = arith.constant 0 : i32
    return %arg0, %c0_i32 : i32, i32
  }
}

module attributes {stable_mosaic.version = 14 : i64} {
  func.func @_lstm_body(%arg0: i32, %arg1: memref<1000x128xf32, #tpu.memory_space<vmem>>, %arg2: memref<1000x128xf32, #tpu.memory_space<vmem>>, %arg3: memref<1000x128xf32, #tpu.memory_space<vmem>>, %arg4: memref<128x512xf32, #tpu.memory_space<vmem>>, %arg5: memref<128x512xf32, #tpu.memory_space<vmem>>, %arg6: memref<1x512xf32, #tpu.memory_space<vmem>>, %arg7: memref<1000x128xf32, #tpu.memory_space<vmem>>, %arg8: memref<1000x128xf32, #tpu.memory_space<vmem>>) attributes {dimension_semantics = [#tpu.dimension_semantics<arbitrary>], iteration_bounds = array<i64: 10>, scalar_prefetch = 0 : i64, scratch_operands = 0 : i64, tpu.core_type = #tpu.core_type<tc>, window_params = [{transform_indices = @transform_0, window_bounds = array<i64: 1000, 128>}, {transform_indices = @transform_1, window_bounds = array<i64: 1000, 128>}, {transform_indices = @transform_2, window_bounds = array<i64: 1000, 128>}, {pipeline_mode = #tpu.pipeline_mode<synchronous>, transform_indices = @transform_3, window_bounds = array<i64: 128, 512>}, {pipeline_mode = #tpu.pipeline_mode<synchronous>, transform_indices = @transform_4, window_bounds = array<i64: 128, 512>}, {pipeline_mode = #tpu.pipeline_mode<synchronous>, transform_indices = @transform_5, window_bounds = array<i64: 1, 512>}, {transform_indices = @transform_6, window_bounds = array<i64: 1000, 128>}, {transform_indices = @transform_7, window_bounds = array<i64: 1000, 128>}]} {
    %get3A = arith.constant 0 : index
    %get3A_0 = arith.constant 0 : index
    %get3A_1 = vector.load %arg1[%get3A, %get3A_0] : memref<1000x128xf32, #tpu.memory_space<vmem>>, vector<1000x128xf32>
    %get3A_2 = arith.constant 0 : index
    %get3A_3 = arith.constant 0 : index
    %get3A_4 = vector.load %arg4[%get3A_2, %get3A_3] : memref<128x512xf32, #tpu.memory_space<vmem>>, vector<128x512xf32>
    %dot_general3A = arith.constant dense<0.000000e+00> : vector<1000x512xf32>
    %dot_general3A_5 = tpu.matmul %get3A_1, %get3A_4, %dot_general3A {dimension_numbers = #tpu.dot_dimension_numbers<[1], [0], [0], [1], [0, 0, 1, 1], [], []>, transpose_lhs_hint = false} : vector<1000x128xf32>, vector<128x512xf32>, vector<1000x512xf32> -> vector<1000x512xf32>
    %get3A_6 = arith.constant 0 : index
    %get3A_7 = arith.constant 0 : index
    %get3A_8 = vector.load %arg2[%get3A_6, %get3A_7] : memref<1000x128xf32, #tpu.memory_space<vmem>>, vector<1000x128xf32>
    %get3A_9 = arith.constant 0 : index
    %get3A_10 = arith.constant 0 : index
    %get3A_11 = vector.load %arg5[%get3A_9, %get3A_10] : memref<128x512xf32, #tpu.memory_space<vmem>>, vector<128x512xf32>
    %dot_general3A_12 = arith.constant dense<0.000000e+00> : vector<1000x512xf32>
    %dot_general3A_13 = tpu.matmul %get3A_8, %get3A_11, %dot_general3A_12 {dimension_numbers = #tpu.dot_dimension_numbers<[1], [0], [0], [1], [0, 0, 1, 1], [], []>, transpose_lhs_hint = false} : vector<1000x128xf32>, vector<128x512xf32>, vector<1000x512xf32> -> vector<1000x512xf32>
    %add3A = arith.addf %dot_general3A_5, %dot_general3A_13 : vector<1000x512xf32>
    %get3A_14 = arith.constant 0 : index
    %get3A_15 = arith.constant 0 : index
    %get3A_16 = vector.load %arg6[%get3A_14, %get3A_15] : memref<1x512xf32, #tpu.memory_space<vmem>>, vector<1x512xf32>
    %add3A_17 = vector.broadcast %get3A_16 : vector<1x512xf32> to vector<1000x512xf32>
    %add3A_18 = arith.addf %add3A, %add3A_17 : vector<1000x512xf32>
    %slice3A = vector.extract_strided_slice %add3A_18 {offsets = [0, 0], sizes = [1000, 128], strides = [1, 1]} : vector<1000x512xf32> to vector<1000x128xf32>
    %logistic3A = arith.negf %slice3A : vector<1000x128xf32>
    %logistic3A_19 = math.exp %logistic3A : vector<1000x128xf32>
    %logistic3A_20 = arith.constant 1.000000e+00 : f32
    %logistic3A_21 = vector.broadcast %logistic3A_20 : f32 to vector<1000x128xf32>
    %logistic3A_22 = arith.addf %logistic3A_21, %logistic3A_19 : vector<1000x128xf32>
    %logistic3A_23 = arith.divf %logistic3A_21, %logistic3A_22 : vector<1000x128xf32>
    %slice3A_24 = vector.extract_strided_slice %add3A_18 {offsets = [0, 128], sizes = [1000, 128], strides = [1, 1]} : vector<1000x512xf32> to vector<1000x128xf32>
    %logistic3A_25 = arith.negf %slice3A_24 : vector<1000x128xf32>
    %logistic3A_26 = math.exp %logistic3A_25 : vector<1000x128xf32>
    %logistic3A_27 = arith.constant 1.000000e+00 : f32
    %logistic3A_28 = vector.broadcast %logistic3A_27 : f32 to vector<1000x128xf32>
    %logistic3A_29 = arith.addf %logistic3A_28, %logistic3A_26 : vector<1000x128xf32>
    %logistic3A_30 = arith.divf %logistic3A_28, %logistic3A_29 : vector<1000x128xf32>
    %slice3A_31 = vector.extract_strided_slice %add3A_18 {offsets = [0, 256], sizes = [1000, 128], strides = [1, 1]} : vector<1000x512xf32> to vector<1000x128xf32>
    %tanh3A = math.tanh %slice3A_31 : vector<1000x128xf32>
    %slice3A_32 = vector.extract_strided_slice %add3A_18 {offsets = [0, 384], sizes = [1000, 128], strides = [1, 1]} : vector<1000x512xf32> to vector<1000x128xf32>
    %logistic3A_33 = arith.negf %slice3A_32 : vector<1000x128xf32>
    %logistic3A_34 = math.exp %logistic3A_33 : vector<1000x128xf32>
    %logistic3A_35 = arith.constant 1.000000e+00 : f32
    %logistic3A_36 = vector.broadcast %logistic3A_35 : f32 to vector<1000x128xf32>
    %logistic3A_37 = arith.addf %logistic3A_36, %logistic3A_34 : vector<1000x128xf32>
    %logistic3A_38 = arith.divf %logistic3A_36, %logistic3A_37 : vector<1000x128xf32>
    %get3A_39 = arith.constant 0 : index
    %get3A_40 = arith.constant 0 : index
    %get3A_41 = vector.load %arg3[%get3A_39, %get3A_40] : memref<1000x128xf32, #tpu.memory_space<vmem>>, vector<1000x128xf32>
    %mul3A = arith.mulf %logistic3A_30, %get3A_41 : vector<1000x128xf32>
    %mul3A_42 = arith.mulf %logistic3A_23, %tanh3A : vector<1000x128xf32>
    %add3A_43 = arith.addf %mul3A, %mul3A_42 : vector<1000x128xf32>
    %swap3A = arith.constant 0 : index
    %swap3A_44 = arith.constant 0 : index
    %swap3A_45 = vector.load %arg8[%swap3A, %swap3A_44] : memref<1000x128xf32, #tpu.memory_space<vmem>>, vector<1000x128xf32>
    tpu.vector_store %arg8[%swap3A, %swap3A_44], %add3A_43 {strides = array<i32>} : memref<1000x128xf32, #tpu.memory_space<vmem>>, vector<1000x128xf32>,
    %tanh3A_46 = math.tanh %add3A_43 : vector<1000x128xf32>
    %mul3A_47 = arith.mulf %logistic3A_38, %tanh3A_46 : vector<1000x128xf32>
    %swap3A_48 = arith.constant 0 : index
    %swap3A_49 = arith.constant 0 : index
    %swap3A_50 = vector.load %arg7[%swap3A_48, %swap3A_49] : memref<1000x128xf32, #tpu.memory_space<vmem>>, vector<1000x128xf32>
    tpu.vector_store %arg7[%swap3A_48, %swap3A_49], %mul3A_47 {strides = array<i32>} : memref<1000x128xf32, #tpu.memory_space<vmem>>, vector<1000x128xf32>,
    return
  }
  func.func @transform_0(%arg0: i32) -> (i32, i32) {
    %c0_i32 = arith.constant 0 : i32
    %c0_i32_0 = arith.constant 0 : i32
    return %arg0, %c0_i32 : i32, i32
  }
  func.func @transform_1(%arg0: i32) -> (i32, i32) {
    %c0_i32 = arith.constant 0 : i32
    %c0_i32_0 = arith.constant 0 : i32
    return %arg0, %c0_i32 : i32, i32
  }
  func.func @transform_2(%arg0: i32) -> (i32, i32) {
    %c0_i32 = arith.constant 0 : i32
    %c0_i32_0 = arith.constant 0 : i32
    return %arg0, %c0_i32 : i32, i32
  }
  func.func @transform_3(%arg0: i32) -> (i32, i32) {
    %c0_i32 = arith.constant 0 : i32
    %c0_i32_0 = arith.constant 0 : i32
    %c0_i32_1 = arith.constant 0 : i32
    return %c0_i32, %c0_i32_0 : i32, i32
  }
  func.func @transform_4(%arg0: i32) -> (i32, i32) {
    %c0_i32 = arith.constant 0 : i32
    %c0_i32_0 = arith.constant 0 : i32
    %c0_i32_1 = arith.constant 0 : i32
    return %c0_i32, %c0_i32_0 : i32, i32
  }
  func.func @transform_5(%arg0: i32) -> (i32, i32) {
    %c0_i32 = arith.constant 0 : i32
    %c0_i32_0 = arith.constant 0 : i32
    %c0_i32_1 = arith.constant 0 : i32
    return %c0_i32, %c0_i32_0 : i32, i32
  }
  func.func @transform_6(%arg0: i32) -> (i32, i32) {
    %c0_i32 = arith.constant 0 : i32
    %c0_i32_0 = arith.constant 0 : i32
    return %arg0, %c0_i32 : i32, i32
  }
  func.func @transform_7(%arg0: i32) -> (i32, i32) {
    %c0_i32 = arith.constant 0 : i32
    %c0_i32_0 = arith.constant 0 : i32
    return %arg0, %c0_i32 : i32, i32
  }
}

module attributes {stable_mosaic.version = 14 : i64} {
  func.func @_norm_body(%arg0: i32, %arg1: memref<2x1000x128xf32, #tpu.memory_space<vmem>>, %arg2: memref<2x1000x1xf32, #tpu.memory_space<vmem>>, %arg3: memref<1000x128xf32, #tpu.memory_space<vmem>>, %arg4: memref<1000x128xf32, #tpu.memory_space<vmem>>) attributes {dimension_semantics = [#tpu.dimension_semantics<arbitrary>], iteration_bounds = array<i64: 10>, scalar_prefetch = 0 : i64, scratch_operands = 0 : i64, tpu.core_type = #tpu.core_type<tc>, window_params = [{transform_indices = @transform_0, window_bounds = array<i64: 2, 1000, 128>}, {transform_indices = @transform_1, window_bounds = array<i64: 2, 1000, 1>}, {transform_indices = @transform_2, window_bounds = array<i64: 1000, 128>}, {transform_indices = @transform_3, window_bounds = array<i64: 1000, 128>}]} {
    %get3A = arith.constant 0 : index
    %get3A_0 = arith.constant 0 : index
    %get3A_1 = arith.constant 0 : index
    %get3A_2 = vector.load %arg1[%get3A, %get3A_0, %get3A_1] : memref<2x1000x128xf32, #tpu.memory_space<vmem>>, vector<1x1000x128xf32>
    %get3A_3 = vector.shape_cast %get3A_2 : vector<1x1000x128xf32> to vector<1000x128xf32>
    %get3A_4 = arith.constant 1 : index
    %get3A_5 = arith.constant 0 : index
    %get3A_6 = arith.constant 0 : index
    %get3A_7 = vector.load %arg1[%get3A_4, %get3A_5, %get3A_6] : memref<2x1000x128xf32, #tpu.memory_space<vmem>>, vector<1x1000x128xf32>
    %get3A_8 = vector.shape_cast %get3A_7 : vector<1x1000x128xf32> to vector<1000x128xf32>
    %add3A = arith.addf %get3A_3, %get3A_8 : vector<1000x128xf32>
    %get3A_9 = arith.constant 0 : index
    %get3A_10 = arith.constant 0 : index
    %get3A_11 = arith.constant 0 : index
    %get3A_12 = vector.load %arg2[%get3A_9, %get3A_10, %get3A_11] : memref<2x1000x1xf32, #tpu.memory_space<vmem>>, vector<1x1000x1xf32>
    %get3A_13 = vector.shape_cast %get3A_12 : vector<1x1000x1xf32> to vector<1000x1xf32>
    %get3A_14 = arith.constant 1 : index
    %get3A_15 = arith.constant 0 : index
    %get3A_16 = arith.constant 0 : index
    %get3A_17 = vector.load %arg2[%get3A_14, %get3A_15, %get3A_16] : memref<2x1000x1xf32, #tpu.memory_space<vmem>>, vector<1x1000x1xf32>
    %get3A_18 = vector.shape_cast %get3A_17 : vector<1x1000x1xf32> to vector<1000x1xf32>
    %add3A_19 = arith.addf %get3A_13, %get3A_18 : vector<1000x1xf32>
    %max3A = arith.constant 1.000000e+00 : f32
    %max3A_20 = vector.broadcast %max3A : f32 to vector<1000x1xf32>
    %max3A_21 = arith.maximumf %add3A_19, %max3A_20 : vector<1000x1xf32>
    %div3A = vector.broadcast %max3A_21 : vector<1000x1xf32> to vector<1000x128xf32>
    %div3A_22 = arith.divf %add3A, %div3A : vector<1000x128xf32>
    %get3A_23 = arith.constant 0 : index
    %get3A_24 = arith.constant 0 : index
    %get3A_25 = vector.load %arg3[%get3A_23, %get3A_24] : memref<1000x128xf32, #tpu.memory_space<vmem>>, vector<1000x128xf32>
    %add3A_26 = arith.addf %div3A_22, %get3A_25 : vector<1000x128xf32>
    %swap3A = arith.constant 0 : index
    %swap3A_27 = arith.constant 0 : index
    %swap3A_28 = vector.load %arg4[%swap3A, %swap3A_27] : memref<1000x128xf32, #tpu.memory_space<vmem>>, vector<1000x128xf32>
    tpu.vector_store %arg4[%swap3A, %swap3A_27], %add3A_26 {strides = array<i32>} : memref<1000x128xf32, #tpu.memory_space<vmem>>, vector<1000x128xf32>,
    return
  }
  func.func @transform_0(%arg0: i32) -> (i32, i32, i32) {
    %c0_i32 = arith.constant 0 : i32
    %c0_i32_0 = arith.constant 0 : i32
    %c0_i32_1 = arith.constant 0 : i32
    return %c0_i32, %arg0, %c0_i32_0 : i32, i32, i32
  }
  func.func @transform_1(%arg0: i32) -> (i32, i32, i32) {
    %c0_i32 = arith.constant 0 : i32
    %c0_i32_0 = arith.constant 0 : i32
    %c0_i32_1 = arith.constant 0 : i32
    return %c0_i32, %arg0, %c0_i32_0 : i32, i32, i32
  }
  func.func @transform_2(%arg0: i32) -> (i32, i32) {
    %c0_i32 = arith.constant 0 : i32
    %c0_i32_0 = arith.constant 0 : i32
    return %arg0, %c0_i32 : i32, i32
  }
  func.func @transform_3(%arg0: i32) -> (i32, i32) {
    %c0_i32 = arith.constant 0 : i32
    %c0_i32_0 = arith.constant 0 : i32
    return %arg0, %c0_i32 : i32, i32
  }
}

</mosaic_0001>

<sc_bundles>
// kernel: kernel.10.cloned.1.call-start
scs
__scs_entry_jumppad:
0x0: {  	(pc) =	sbr.rel $0x88, $3  }
0x1: {  	(tag) =	ssettag $0x0;
	lr =	simm.s32 $0x1  }
0x2: {  	[smem:$0x3F95] =	sst lr;
	_ =	strace $0xD0000000  }
0x3: {  	_ = 	snop  }
0x4: {  	_ = 	snop  }
0x5: {  	_ = 	snop  }
0x6: {  	_ = 	snop  }
0x7: {  	_ = 	snop  }
__scs_overlays_trampoline_lowered:
0x8: {  	[smem:$0x3FA4] =	sst s0  }
0x9: {  	[smem:$0x3FA5] =	sst s1  }
0xa: {  	[smem:$0x3FA6] =	sst s2  }
0xb: {  	[smem:$0x3FA7] =	sst s3  }
0xc: {  	[smem:$0x3FA8] =	sst s4  }
0xd: {  	[smem:$0x3FA9] =	sst s5  }
0xe: {  	[smem:$0x3FAA] =	sst s6  }
0xf: {  	[smem:$0x3FAB] =	sst s7  }
0x10: {  	[smem:$0x3FAC] =	sst s8  }
0x11: {  	[smem:$0x3FAD] =	sst s9;
	s0 =	simm.s32 @!p0 $0x0  }
0x12: {  	s1 =	sld [smem:$0x3F93];
	s0 =	simm.s32 @p0 $0x1  }
0x13: {  	[smem:$0x3FAE] =	sst s0;
	s0 =	simm.s32 @!p1 $0x0  }
0x14: {  	s2 =	sld [smem:$0x3F92];
	s0 =	simm.s32 @p1 $0x1  }
0x15: {  	[smem:$0x3FAF] =	sst s0;
	s0 =	simm.s32 @!p2 $0x0  }
0x16: {  	s3 =	sld [smem:$0x3FDB];
	s0 =	simm.s32 @p2 $0x1  }
0x17: {  	s4 =	simm.s32 $0x1BF5;
	[smem:$0x3FB1] =	sst s0  }
0x18: {  	s0 =	sld [smem:$0x3F94];
	_ =	swait.ge [sflag:s4], $0x0  }
0x19: {  	s7 =	sld [smem:$0x3F95]  }
0x1a: {  	s8 =	sadd.s32 $0xFFFFE003, lr  }
0x1b: {  	s9 =	sadd.s32 $0xFFFFFEF7, lr;
	s5 =	simm.s32 $0xFFFFFFFF;
	p2 =	slt.u32 s8, $0xFFFFF086  }
0x1c: {  	p1 =	slt.u32 s9, $0xF7A;
	s5 =	simm.s32 @!p2 $0x0  }
0x1d: {  	s5 =	simm.s32 @p1 $0x1;
	p0 =	seq.s32 s7, s2  }
0x1e: {  	s7 =	smul.u32 @!p0 $0xF7A, s2;
	p2 =	seq.s32 @!p0 s5, $0x0  }
0x1f: {  	s9 =	smul.u32 $0xF7A, s1;
	s8 =	simm.s32 @!p0 $0x1BF5;
	p2 =	por !p2, p0  }
0x20: {  	[sflag:s8] =	ssyncset.s32 @!p0 $0xFFFFF086;
	s6 =	sadd.s32 @!p0 s3, s7;
	s7 =	simm.s32 @!p0 $0x108  }
0x21: {  	s3 =	sadd.s32 s3, s9;
	s6 =	sadd.s32 @!p0 $0x88, s6;
	s7 =	simm.s32 @p2 $0x1082  }
0x22: {  	[simem:s7], [sflag:s8] =	dma.local @!p0 [hbm:s6], $0xF7A  }
0x23: {  	s9 =	sor.u32 $0xD0000000, s2;
	s6 =	simm.s32 $0x108;
	_ =	swait.ge @!p0 [sflag:s8], $0x0  }
0x24: {  	s3 =	sadd.s32 $0x88, s3;
	s6 =	simm.s32 @!p1 $0x1082;
	[sflag:s4] =	ssyncset.s32 $0xFFFFF086  }
0x25: {  	[simem:s6], [sflag:s4] =	dma.local [hbm:s3], $0xF7A  }
0x26: {  	[smem:$0x3F95] =	sst s1;
	(tag) =	ssettag s2;
	_ =	strace s9  }
0x27: {  	s1 =	sld [smem:$0x3FA5]  }
0x28: {  	s2 =	sld [smem:$0x3FA6]  }
0x29: {  	s4 =	sld [smem:$0x3FA8]  }
0x2a: {  	p0 =	seq.s32 s5, $0x0;
	s5 =	sld [smem:$0x3FA9]  }
0x2b: {  	s6 =	sld [smem:$0x3FAA]  }
0x2c: {  	s7 =	sld [smem:$0x3FAB]  }
0x2d: {  	s3 =	simm.s32 $0x108;
	s8 =	sld [smem:$0x3FAC]  }
0x2e: {  	s3 =	simm.s32 @!p0 $0x1082;
	s9 =	sld [smem:$0x3FAD]  }
0x2f: {  	lr =	sadd.s32 s0, s3;
	s0 =	sld [smem:$0x3FA4]  }
0x30: {  	s3 =	sld [smem:$0x3FA7]  }
0x31: {  	[smem:$0x3FB0] =	sst s10  }
0x32: {  	s10 =	sld [smem:$0x3FAE];
	_ =	sdelay $0x3  }
0x33: {  	p0 =	seq.s32 s10, $0x1;
	s10 =	sld [smem:$0x3FB0];
	_ =	sdelay $0x3  }
0x34: {  	[smem:$0x3FB0] =	sst s10  }
0x35: {  	s10 =	sld [smem:$0x3FAF];
	_ =	sdelay $0x3  }
0x36: {  	p1 =	seq.s32 s10, $0x1;
	s10 =	sld [smem:$0x3FB0];
	_ =	sdelay $0x3  }
0x37: {  	[smem:$0x3FB0] =	sst s10  }
0x38: {  	s10 =	sld [smem:$0x3FB1]  }
0x39: {  	_ = 	snop;
	(pc) =	sbr.ind lr, $3  }
0x3a: {  	_ = 	snop  }
0x3b: {  	_ = 	snop  }
0x3c: {  	p2 =	seq.s32 s10, $0x1;
	s10 =	sld [smem:$0x3FB0]  }
0x3d: {  	_ =	shalt  }
0x3e: {  	_ =	shalt  }
0x3f: {  	_ =	shalt  }
0x40: {  	_ =	shalt  }
0x41: {  	_ =	shalt  }
0x42: {  	_ =	shalt  }
0x43: {  	_ =	shalt  }
0x44: {  	_ =	shalt  }
0x45: {  	_ =	shalt  }
0x46: {  	_ =	shalt  }
0x47: {  	_ =	shalt  }
0x48: {  	_ =	shalt  }
0x49: {  	_ =	shalt  }
0x4a: {  	_ =	shalt  }
0x4b: {  	_ =	shalt  }
0x4c: {  	_ =	shalt  }
0x4d: {  	_ =	shalt  }
0x4e: {  	_ =	shalt  }
0x4f: {  	_ =	shalt  }
0x50: {  	_ =	shalt  }
0x51: {  	_ =	shalt  }
0x52: {  	_ =	shalt  }
0x53: {  	_ =	shalt  }
0x54: {  	_ =	shalt  }
0x55: {  	_ =	shalt  }
0x56: {  	_ =	shalt  }
0x57: {  	_ =	shalt  }
0x58: {  	_ =	shalt  }
0x59: {  	_ =	shalt  }
0x5a: {  	_ =	shalt  }
0x5b: {  	_ =	shalt  }
0x5c: {  	_ =	shalt  }
0x5d: {  	_ =	shalt  }
0x5e: {  	_ =	shalt  }
0x5f: {  	_ =	shalt  }
0x60: {  	_ =	shalt  }
0x61: {  	_ =	shalt  }
0x62: {  	_ =	shalt  }
0x63: {  	_ =	shalt  }
0x64: {  	_ =	shalt  }
0x65: {  	_ =	shalt  }
0x66: {  	_ =	shalt  }
0x67: {  	_ =	shalt  }
0x68: {  	_ =	shalt  }
0x69: {  	_ =	shalt  }
0x6a: {  	_ =	shalt  }
0x6b: {  	_ =	shalt  }
0x6c: {  	_ =	shalt  }
0x6d: {  	_ =	shalt  }
0x6e: {  	_ =	shalt  }
0x6f: {  	_ =	shalt  }
0x70: {  	_ =	shalt  }
0x71: {  	_ =	shalt  }
0x72: {  	_ =	shalt  }
0x73: {  	_ =	shalt  }
0x74: {  	_ =	shalt  }
0x75: {  	_ =	shalt  }
0x76: {  	_ =	shalt  }
0x77: {  	_ =	shalt  }
0x78: {  	_ =	shalt  }
0x79: {  	_ =	shalt  }
0x7a: {  	_ =	shalt  }
0x7b: {  	_ =	shalt  }
0x7c: {  	_ =	shalt  }
0x7d: {  	_ =	shalt  }
0x7e: {  	_ =	shalt  }
0x7f: {  	_ =	shalt  }
0x80: {  	_ =	shalt  }
0x81: {  	_ =	shalt  }
0x82: {  	_ =	shalt  }
0x83: {  	_ =	shalt  }
0x84: {  	_ =	shalt  }
0x85: {  	_ =	shalt  }
0x86: {  	_ =	shalt  }
0x87: {  	_ =	shalt  }
.Lfunc_end0:
.L_simem_size_0:
called_computation.1_lowered:
.L_overlay_start_0:
0x88: {  	s2 =	sld [smem:$0x3FD9]  }
0x89: {  	s3 =	sld [smem:$0x3FFE];
	_ =	sdelay $0x1  }
0x8a: {  	s1 =	srdreg.scid  }
0x8b: {  	s0 =	sand.u32 $0x1, s1  }
0x8c: {  	s14 =	sshll.u32 s0, $0xA;
	s2 =	sadd.s32 s3, s2  }
0x8d: {  	s2 =	sadd.s32 s2, s14  }
0x8e: {  	[smem:$0x3FBC] =	sst s2  }
0x8f: {  	_ = 	snop  }
0x90: {  	s2 =	sld [smem:$0x3FD0]  }
0x91: {  	s15 =	sld [smem:$0x3FC7]  }
0x92: {  	s4 =	sld [smem:$0x3FC6]  }
0x93: {  	s6 =	simm.s32 $0xA;
	s7 =	simm.s32 $0x10;
	s5 =	sld [smem:$0x3FC5]  }
0x94: {  	[smem:s7], [sflag:s6] =	dma.local [hbm:s2], $0x1  }
0x95: {  	_ =	swait.eq [sflag:s6], $0x1  }
0x96: {  	[sflag:s6] =	ssyncset.done $0x0  }
0x97: {  	[sflag:s6] =	ssyncadd.s32 $0xFFFFFFFF  }
0x98: {  	s16 =	sld [smem:$0x12];
	(tm) =	ssettm $0x1  }
0x99: {  	s17 =	sld [smem:$0x3FFB];
	_ =	sdelay $0x3  }
0x9a: {  	_ =	strace s17  }
0x9b: {  	s6 =	sld [smem:$0x3FFC];
	_ =	sdelay $0x3  }
0x9c: {  	_ =	strace s6  }
0x9d: {  	s6 =	sld [smem:$0x3FFD];
	_ =	sdelay $0x3  }
0x9e: {  	_ =	strace s6  }
0x9f: {  	_ =	strace $0x8FFFFFFF  }
0xa0: {  	s18 =	sld [smem:$0x3FDB];
	_ =	sdelay $0x1  }
0xa1: {  	s19 =	simm.s32 $_scs_section_size  }
0xa2: {  	s8 =	simm.s32 $_size__tile_overlayer_lowered;
	s9 =	simm.s32 $_tile_overlayer_lowered  }
0xa3: {  	s22 =	simm.s32 $0x1BFF;
	s21 =	sshll.u32 s9, $0x1;
	s6 =	sadd.s32 s19, s18  }
0xa4: {  	s10 =	simm.s32 $0x0;
	s20 =	sshll.u32 s8, $0x1;
	s8 =	sadd.s32 s21, s6  }
0xa5: {  	[timem:s10], [sflag:s22] =	dma.local [hbm:s8], s20  }
0xa6: {  	_ =	swait.ge [sflag:s22], s20  }
0xa7: {  	s7 =	ssub.s32 $0x0, s20;
	[sflag:s22] =	ssyncset.done $0x0  }
0xa8: {  	[sflag:s22] =	ssyncadd.s32 s7;
	_ =	sdelay $0x1  }
0xa9: {  	s23 =	simm.s32 $0x1B8B  }
0xaa: {  	_ =	swait.ge [sflag:s23], $0x1  }
0xab: {  	[sflag:s23] =	ssyncset.done $0x0  }
0xac: {  	s25 =	simm.s32 $0x1B8E;
	s24 =	sld [smem:$0x3FFE];
	[sflag:s23] =	ssyncadd.s32 $0xFFFFFFFF  }
0xad: {  	s26 =	simm.s32 $execute0_lowered;
	[smem:$0x3FD2] =	sst s25  }
0xae: {  	s8 =	sshll.u32 s26, $0x1;
	_ =	strace $0x80000049;
	[dreg:$0x1] =	wrdreg $0xFFFFFFFF  }
0xaf: {  	s28 =	simm.s32 $_size_execute0_lowered;
	s6 =	sadd.s32 s6, s8;
	[dreg:$0x0] =	wrdreg $0x0  }
0xb0: {  	s8 =	sshll.u32 s28, $0x1;
	[dreg:$0x2] =	wrdreg s6  }
0xb1: {  	[dreg:$0x3] =	wrdreg s8  }
0xb2: {  	[dreg:$0x4] =	wrdreg $0xC0  }
0xb3: {  	_ =	task [dreg:s10], $0x5FFFF  }
0xb4: {  	[dreg:$0x1] =	wrdreg $0xFFFFFFFF  }
0xb5: {  	[dreg:$0x0] =	wrdreg $0x60  }
0xb6: {  	[dreg:$0x2] =	wrdreg s16  }
0xb7: {  	[dreg:$0x3] =	wrdreg s15  }
0xb8: {  	[dreg:$0x4] =	wrdreg s4  }
0xb9: {  	[dreg:$0x5] =	wrdreg s5  }
0xba: {  	[dreg:$0x6] =	wrdreg s24  }
0xbb: {  	[dreg:$0x7] =	wrdreg $0xC5000  }
0xbc: {  	[dreg:$0x8] =	wrdreg $0x1FD800  }
0xbd: {  	[dreg:$0x9] =	wrdreg $0x9  }
0xbe: {  	_ =	task.clear_ibuf [dreg:s10], $0xAFFFF;
	_ =	strace $0x90000049  }
0xbf: {  	s29 =	simm.s32 $0x9;
	_ =	strace $0x8000004B  }
0xc0: {  	_ =	swait.ge [sflag:s29], $0x1  }
0xc1: {  	[sflag:s29] =	ssyncadd.s32 $0xFFFFFFFF  }
0xc2: {  	_ =	strace $0x9000004B  }
0xc3: {  	_ =	sfence  }
0xc4: {  	s30 =	sld [smem:$0x0];
	_ =	sdelay $0x2  }
0xc5: {  	s31 =	sshll.u32 s1, $0xD;
	s1 =	sshrl.u32 s1, $0x2  }
0xc6: {  	s3 =	sand.u32 $0x4000, s31;
	s1 =	sadd.s32 s1, s30  }
0xc7: {  	s0 =	sor.u32 s3, s0;
	s1 =	sshll.u32 s1, $0x11  }
0xc8: {  	s0 =	sor.u32 s1, s0  }
0xc9: {  	s0 =	sadd.s32 $0x8F2B, s0  }
0xca: {  	[sflag:s0] =	ssyncadd.remote.s32 $0x1  }
0xcb: {  	_ =	sfence.sel $0xFFFF  }
0xcc: {  	[dreg:$0x0] =	wrdreg $0xFFFFFFFF;
	(pc) =	sbr.abs _section_cstart, $3  }
0xcd: {  	[dreg:$0x1] =	wrdreg $0xFFFFFFFF  }
0xce: {  	_ =	task.clear_ibuf [dreg:s10], $0x2FFFF;
	_ =	strace $0x9FFFFFFF  }
0xcf: {  	(tm) =	ssettm $0x7FFFFFFF  }
tec
execute0_lowered:
.L_overlay_start_1:
0x0: {  	(tag) =	ssettag $0x1  }
0x1: {  	s2 =	rddreg [dreg:$0x0]  }
0x2: {  	s21 =	stileid.u32;
	s4 =	rddreg [dreg:$0x1]  }
0x3: {  	s1 =	simm.s32 $0x9D;
	s0 =	srdreg.scid;
	s5 =	rddreg [dreg:$0x2]  }
0x4: {  	s8 =	rddreg [dreg:$0x4];
	s10 =	simm.s32 $0x0;
	s28 =	simm.s32 $0x4  }
0x5: {  	s29 =	simm.s32 $0xC380;
	s30 =	simm.s32 $0x7;
	s31 =	simm.s32 $0x5  }
0x6: {  	p0 =	slt.u32 s21, $0x4;
	s0 =	sand.u32 $0x1, s0;
	s13 =	smul.u32 $0xC80, s21  }
0x7: {  	[smem:$0x7FF] =	sst s10;
	s10 =	sor.u32 $0x10, s21;
	s7 =	smul.u32 $0x27100, s0  }
0x8: {  	s15 =	sadd.s32 $0x3000, s8;
	s18 =	sshll.u32 s21, $0x1;
	s12 =	smul.u32 $0x2710, s0  }
0x9: {  	s1 =	simm.s32 @!p0 $0x9C;
	s14 =	smul.u32 $0xC80, s10;
	s23 =	ssub.s32 $0x2, s0  }
0xa: {  	s20 =	sor.u32 s0, s18;
	s0 =	smul.u32 $0xC8, s21;
	s3 =	sadd.s32 $0xFFFFFFFF, s1  }
0xb: {  	s17 =	sshrl.u32 s23, $0x1;
	s6 =	smul.u32 $0xAB, s3;
	s11 =	sadd.s32 s7, s8  }
0xc: {  	s7 =	sor.u32 $0x20, s21;
	s17 =	ssub.s32 s23, s17;
	s8 =	smul.u32 $0xC8, s10  }
0xd: {  	s16 =	smul.u32 $0xC80, s7;
	s11 =	sadd.s32 $0x3A00, s11;
	s6 =	sshrl.u32 s6, $0x9  }
0xe: {  	s24 =	sadd.s32 s11, s13;
	s25 =	sadd.s32 s11, s14;
	s14 =	sadd.s32 s12, s0  }
0xf: {  	s9 =	smul.u32 $0x3, s6;
	s6 =	sor.u32 $0x30, s21;
	[dreg:$0x8] =	wrdreg s24  }
0x10: {  	[dreg:$0x9] =	wrdreg s25;
	s26 =	sadd.s32 s11, s16;
	s16 =	sshrl.u32 s14, $0x3  }
0x11: {  	s19 =	smul.u32 $0xC80, s6;
	[dreg:$0xa] =	wrdreg s26;
	s13 =	sadd.s32 s15, s16  }
0x12: {  	s16 =	rddreg [dreg:$0x5];
	s26 =	sshll.u32 s20, $0x3;
	p2 =	sgt.u32 s6, $0x31  }
0x13: {  	s18 =	ssub.s32 s3, s9;
	s9 =	smul.u32 $0xC8, s7;
	[dreg:$0xc] =	wrdreg s13  }
0x14: {  	s11 =	sadd.s32 s11, s19;
	s13 =	sand.u32 $0xFF, s18;
	s18 =	rddreg [dreg:$0x6]  }
0x15: {  	s19 =	sadd.s32 s12, s8;
	[dreg:$0xb] =	wrdreg s11;
	s22 =	sadd.s32 s12, s9  }
0x16: {  	s23 =	sshrl.u32 s19, $0x3;
	s11 =	smul.u32 $0xC8, s6;
	p0 =	seq.s32 s13, $0x0  }
0x17: {  	s19 =	sshll.u32 s20, $0x6;
	s0 =	sadd.s32 s0, s18;
	s14 =	sshrl.u32 s22, $0x3  }
0x18: {  	s24 =	sadd.s32 s15, s23;
	p4 =	seq.s32 @!p0 s13, $0x2;
	s22 =	sor.u32 $0x800, s19  }
0x19: {  	s23 =	sshll.u32 s20, $0xA;
	[dreg:$0xd] =	wrdreg s24;
	s12 =	sadd.s32 s12, s11  }
0x1a: {  	s25 =	sadd.s32 s15, s14;
	s14 =	rddreg [dreg:$0x3];
	s12 =	sshrl.u32 s12, $0x3  }
0x1b: {  	s24 =	sshrl.u32 s22, $0x3;
	[dreg:$0xe] =	wrdreg s25;
	s12 =	sadd.s32 s15, s12  }
0x1c: {  	p4 =	por !p4, p0;
	s15 =	sadd.s32 s4, s26;
	[dreg:$0xf] =	wrdreg s12  }
0x1d: {  	s12 =	sadd.s32 s5, s26;
	_ =	strace $0x8000004A;
	[dreg:$0x10] =	wrdreg s15  }
0x1e: {  	s25 =	sshll.u32 s22, $0x4;
	s26 =	sadd.s32 s4, s24;
	[dreg:$0x11] =	wrdreg s12  }
0x1f: {  	s20 =	sadd.s32 s5, s24;
	s22 =	sshll.u32 s21, $0xD;
	[dreg:$0x13] =	wrdreg s26  }
0x20: {  	s24 =	sshll.u32 s10, $0xD;
	s12 =	sadd.s32 s14, s23;
	[dreg:$0x14] =	wrdreg s20  }
0x21: {  	s23 =	smax.u32 s17, $0x1;
	s26 =	sshll.u32 s7, $0xD;
	s17 =	sshll.u32 s7, $0x6  }
0x22: {  	s20 =	sshll.u32 s6, $0xD;
	s7 =	smul.u32 $0x19000, s7;
	[smem:$0x7F1] =	sst s0  }
0x23: {  	s0 =	simm.s32 @!p0 $0x0;
	[dreg:$0x12] =	wrdreg s12;
	s12 =	sadd.s32 s14, s25  }
0x24: {  	[dreg:$0x16] =	wrdreg s23;
	s25 =	sshll.u32 s10, $0x6;
	s15 =	sadd.s32 s26, s16  }
0x25: {  	s26 =	sor.u32 $0x50, s21;
	s10 =	smul.u32 $0x19000, s10;
	[dreg:$0x15] =	wrdreg s12  }
0x26: {  	s0 =	simm.s32 @p0 $0x1;
	s12 =	sadd.s32 s22, s16;
	[dreg:$0x1a] =	wrdreg s15  }
0x27: {  	s22 =	sshll.u32 s6, $0x6;
	s6 =	smul.u32 $0x19000, s6;
	[smem:$0x7F5] =	sst s0  }
0x28: {  	s7 =	sshrl.u32 s7, $0x2;
	s15 =	sadd.s32 s9, s18;
	[dreg:$0x17] =	wrdreg s12  }
0x29: {  	s12 =	sadd.s32 s24, s16;
	s23 =	sadd.s32 s22, s18;
	s24 =	sor.u32 $0x40, s21  }
0x2a: {  	s10 =	sshrl.u32 s10, $0x2;
	s7 =	sadd.s32 s7, s16;
	[smem:$0x7F3] =	sst s15  }
0x2b: {  	s15 =	simm.s32 $0x8;
	[dreg:$0x18] =	wrdreg s12;
	s12 =	sadd.s32 s25, s18  }
0x2c: {  	[dreg:$0x1d] =	wrdreg s23;
	s25 =	sshll.u32 s24, $0xD;
	s10 =	sadd.s32 s10, s16  }
0x2d: {  	s6 =	sshrl.u32 s6, $0x2;
	[dreg:$0x19] =	wrdreg s12;
	s12 =	sadd.s32 s17, s18  }
0x2e: {  	s13 =	sadd.s32 s25, s16;
	s17 =	sshll.u32 s26, $0x6;
	[dreg:$0x1b] =	wrdreg s12  }
0x2f: {  	s6 =	sadd.s32 s6, s16;
	s12 =	sadd.s32 s20, s16;
	[dreg:$0x1e] =	wrdreg s13  }
0x30: {  	s13 =	sshll.u32 s26, $0xD;
	s20 =	sor.u32 $0x60, s21;
	s26 =	sor.u32 $0x80, s21  }
0x31: {  	s0 =	sshrl.u32 @!p2 s6, $0x3;
	[dreg:$0x1c] =	wrdreg s12;
	s12 =	sshll.u32 s24, $0x6  }
0x32: {  	s22 =	sshll.u32 s20, $0xD;
	[smem:$0x7F9] =	sst s0;
	s12 =	sadd.s32 s12, s18  }
0x33: {  	s24 =	sor.u32 $0x70, s21;
	[dreg:$0x1f] =	wrdreg s12;
	s12 =	sadd.s32 s13, s16  }
0x34: {  	s13 =	sshll.u32 s20, $0x6;
	[smem:$0x7E7] =	sst s12;
	s12 =	sadd.s32 s17, s18  }
0x35: {  	s25 =	sshll.u32 s24, $0xD;
	s23 =	sadd.s32 s13, s18;
	[smem:$0x7E8] =	sst s12  }
0x36: {  	s20 =	sshll.u32 s26, $0x6;
	s13 =	sadd.s32 s25, s16;
	[smem:$0x7EA] =	sst s23  }
0x37: {  	s12 =	sadd.s32 s22, s16;
	[smem:$0x7EB] =	sst s13;
	s22 =	sor.u32 $0x90, s21  }
0x38: {  	[smem:$0x7E9] =	sst s12;
	s12 =	sshll.u32 s24, $0x6;
	p1 =	sgt.u32 s22, $0x9B  }
0x39: {  	s23 =	sshll.u32 s22, $0xD;
	s13 =	sshll.u32 s22, $0x6;
	s22 =	sshrl.u32 s10, $0x3  }
0x3a: {  	s17 =	sshll.u32 s26, $0xD;
	s12 =	sadd.s32 s12, s18;
	[smem:$0x7F7] =	sst s22  }
0x3b: {  	s24 =	smul.u32 $0x19000, s21;
	s25 =	sadd.s32 s13, s18;
	[smem:$0x7EC] =	sst s12  }
0x3c: {  	s10 =	sadd.s32 $0xFFFFFFFE, s1;
	s13 =	sadd.s32 s8, s18;
	[smem:$0x7F0] =	sst s25  }
0x3d: {  	p3 =	sne.s32 @!p1 s21, $0x0;
	s12 =	sadd.s32 s17, s16;
	[smem:$0x7F2] =	sst s13  }
0x3e: {  	s22 =	simm.s32 $0x180;
	s17 =	sadd.s32 s11, s18;
	[smem:$0x7ED] =	sst s12  }
0x3f: {  	s26 =	sshrl.u32 s24, $0x2;
	s24 =	sadd.s32 $0x138000, s16;
	[smem:$0x7F4] =	sst s17  }
0x40: {  	p3 =	por p3, p1;
	s25 =	sadd.s32 $0x2700, s18;
	[smem:$0x7FA] =	sst s24  }
0x41: {  	s11 =	sadd.s32 $0xFFFFFFFD, s1;
	s12 =	sadd.s32 s20, s18;
	[smem:$0x7FB] =	sst s25  }
0x42: {  	s13 =	simm.s32 $0x300;
	s17 =	simm.s32 $0xB;
	[smem:$0x7EE] =	sst s12  }
0x43: {  	s12 =	sadd.s32 s23, s16;
	s23 =	sshrl.u32 s7, $0x3;
	s7 =	simm.s32 $0x280  }
.Ltmp0:
0x44: {  	[smem:$0x7EF] =	sst s12;
	s12 =	sadd.s32 s26, s16;
	(pc) =	sbr.rel .LBB2_1-.Ltmp0, $4  }
0x45: {  	[smem:$0x7F8] =	sst s23;
	s26 =	sshll.u32 s21, $0x6;
	s21 =	simm.s32 $0xA  }
0x46: {  	s23 =	simm.s32 $0x200;
	s20 =	sshrl.u32 s12, $0x3;
	[smem:$0x7FC] =	sst s26  }
0x47: {  	s0 =	sadd.s32 s26, s18;
	s26 =	simm.s32 $0x40;
	[smem:$0x7F6] =	sst s20  }
0x48: {  	v0 =	vimm.f32 $0.0e+00;
	v1 =	vimm.f32 $1.000000000e+00;
	[smem:$0x7FD] =	sst s0;
	s0 =	simm.s32 $0x6;
	s20 =	simm.s32 $0x0  }
.LBB2_17:
0x49: {  	s8 =	sld [smem:$0x7F5];
	_ =	sdelay $0x1  }
0x4a: {  	s6 =	simm.s32 @!p4 $0x9  }
0x4b: {  	s6 =	simm.s32 @p4 $0x8;
	p0 =	seq.s32 s8, $0x1  }
0x4c: {  	s6 =	simm.s32 @p0 $0x7  }
0x4d: {  	s20 =	sld [smem:$0x7E6];
	_ =	swait.ge [sflag:s6], $0x2000  }
0x4e: {  	[sflag:s6] =	ssyncset.done $0x0  }
0x4f: {  	[sflag:s6] =	ssyncadd.s32 $0xFFFFE000  }
0x50: {  	_ =	swait.ge [sflag:s6], $0x40  }
0x51: {  	[sflag:s6] =	ssyncset.done $0x0  }
0x52: {  	[sflag:s6] =	ssyncadd.s32 $0xFFFFFFC0  }
0x53: {  	[bflag:$0x0] =	sbarrier.arrive $0xFFFF  }
0x54: {  	s24 =	sld [smem:$0x7FC]  }
0x55: {  	s9 =	sld [smem:$0x7F6];
	_ =	sdelay $0x1  }
0x56: {  	s25 =	rddreg [dreg:$0x8];
	s6 =	sor.u32 $0x1C0A, s24  }
0x57: {  	[hbm:s25], [sflag:s6] =	dma.local [spmem:s9], $0xC80  }
0x58: {  	_ =	swait.ge [sflag:s21], $0xC80  }
0x59: {  	s12 =	sld [smem:$0x7F7]  }
0x5a: {  	[sflag:s21] =	ssyncset.done $0x0  }
0x5b: {  	s9 =	rddreg [dreg:$0x9];
	[sflag:s21] =	ssyncadd.s32 $0xFFFFF380  }
0x5c: {  	[hbm:s9], [sflag:s6] =	dma.local [spmem:s12], $0xC80  }
0x5d: {  	_ =	swait.ge [sflag:s21], $0xC80  }
0x5e: {  	s25 =	sld [smem:$0x7F8]  }
0x5f: {  	[sflag:s21] =	ssyncset.done $0x0  }
0x60: {  	s24 =	rddreg [dreg:$0xa];
	[sflag:s21] =	ssyncadd.s32 $0xFFFFF380  }
0x61: {  	[hbm:s24], [sflag:s6] =	dma.local [spmem:s25], $0xC80  }
0x62: {  	_ =	swait.ge [sflag:s21], $0xC80  }
0x63: {  	s9 =	sld [smem:$0x7F9]  }
0x64: {  	[sflag:s21] =	ssyncset.done $0x0  }
0x65: {  	s8 =	rddreg [dreg:$0xb];
	[sflag:s21] =	ssyncadd.s32 $0xFFFFF380  }
0x66: {  	[hbm:s8], [sflag:s6] =	dma.local @!p2 [spmem:s9], $0xC80  }
0x67: {  	s6 =	simm.s32 @!p2 $0xA  }
0x68: {  	_ =	swait.ge @!p2 [sflag:s6], $0xC80  }
0x69: {  	s9 =	sld [smem:$0x7F1]  }
0x6a: {  	[sflag:s6] =	ssyncset.done @!p2 $0x0  }
0x6b: {  	s12 =	simm.s32 $0xC400;
	[sflag:s6] =	ssyncadd.s32 @!p2 $0xFFFFF380  }
0x6c: {  	[tilespmem:s12], [sflag:$0xB] =	stream.linear.gather [spmem:s9], $0xC8, $0x38;
	v63 =	vld [tilespmem:$0x0]  }
0x6d: {  	_ =	swait.ge [sflag:s17], $0xC8  }
0x6e: {  	[sflag:s17] =	ssyncset.done $0x0  }
0x6f: {  	s8 =	simm.s32 $0x0;
	s24 =	rddreg [dreg:$0xc];
	[sflag:s17] =	ssyncadd.s32 $0xFFFFFF38  }
0x70: {  	[hbm4b:s24+s8] =	stream.linear.scatter [tilespmem:s12], [sflag:$0xA], $0xC8, $0x38;
	v63 =	vld [tilespmem:$0x0]  }
0x71: {  	_ =	swait.ge [sflag:s21], $0xC8  }
0x72: {  	s25 =	sld [smem:$0x7F2]  }
0x73: {  	[sflag:s21] =	ssyncset.done $0x0  }
0x74: {  	[sflag:s21] =	ssyncadd.s32 $0xFFFFFF38  }
0x75: {  	[tilespmem:s12], [sflag:$0xB] =	stream.linear.gather [spmem:s25], $0xC8, $0x38;
	v63 =	vld [tilespmem:$0x0]  }
0x76: {  	_ =	swait.ge [sflag:s17], $0xC8  }
0x77: {  	[sflag:s17] =	ssyncset.done $0x0  }
0x78: {  	s24 =	rddreg [dreg:$0xd];
	[sflag:s17] =	ssyncadd.s32 $0xFFFFFF38  }
0x79: {  	[hbm4b:s24+s8] =	stream.linear.scatter [tilespmem:s12], [sflag:$0xA], $0xC8, $0x38;
	v63 =	vld [tilespmem:$0x0]  }
0x7a: {  	_ =	swait.ge [sflag:s21], $0xC8  }
0x7b: {  	s25 =	sld [smem:$0x7F3]  }
0x7c: {  	[sflag:s21] =	ssyncset.done $0x0  }
0x7d: {  	[sflag:s21] =	ssyncadd.s32 $0xFFFFFF38  }
0x7e: {  	[tilespmem:s12], [sflag:$0xB] =	stream.linear.gather [spmem:s25], $0xC8, $0x38;
	v63 =	vld [tilespmem:$0x0]  }
0x7f: {  	_ =	swait.ge [sflag:s17], $0xC8  }
0x80: {  	[sflag:s17] =	ssyncset.done $0x0  }
0x81: {  	s24 =	rddreg [dreg:$0xe];
	[sflag:s17] =	ssyncadd.s32 $0xFFFFFF38  }
0x82: {  	[hbm4b:s24+s8] =	stream.linear.scatter [tilespmem:s12], [sflag:$0xA], $0xC8, $0x38;
	v63 =	vld [tilespmem:$0x0]  }
0x83: {  	_ =	swait.ge [sflag:s21], $0xC8  }
0x84: {  	s9 =	sld [smem:$0x7F4]  }
0x85: {  	[sflag:s21] =	ssyncset.done $0x0  }
0x86: {  	s8 =	simm.s32 @!p2 $0xC400;
	[sflag:s21] =	ssyncadd.s32 $0xFFFFFF38  }
0x87: {  	[tilespmem:s8], [sflag:$0xB] =	stream.linear.gather @!p2 [spmem:s9], $0xC8, $0x38;
	v63 =	vld [tilespmem:$0x0]  }
0x88: {  	s9 =	simm.s32 @!p2 $0xB  }
0x89: {  	_ =	swait.ge @!p2 [sflag:s9], $0xC8  }
0x8a: {  	[sflag:s9] =	ssyncset.done @!p2 $0x0  }
0x8b: {  	s12 =	rddreg [dreg:$0xf];
	[sflag:s9] =	ssyncadd.s32 @!p2 $0xFFFFFF38;
	s9 =	simm.s32 @!p2 $0x0  }
0x8c: {  	[hbm4b:s12+s9] =	stream.linear.scatter @!p2 [tilespmem:s8], [sflag:$0xA], $0xC8, $0x38;
	v63 =	vld [tilespmem:$0x0]  }
0x8d: {  	_ =	swait.ge @!p2 [sflag:s6], $0xC8  }
0x8e: {  	s20 =	sadd.s32 $0x1, s20;
	s25 =	rddreg [dreg:$0x16]  }
0x8f: {  	p0 =	sne.s32 s20, s25  }
.Ltmp1:
0x90: {  	_ = 	snop;
	(pc) =	sbr.rel @!p0 .LBB2_18-.Ltmp1, $3  }
0x91: {  	_ =	sdelay $0x1  }
0x92: {  	[sflag:s6] =	ssyncset.done @!p2 $0x0  }
0x93: {  	[sflag:s6] =	ssyncadd.s32 @!p2 $0xFFFFFF38  }
.LBB2_1:
0x94: {  	[tilespmem:$0xC300] =	vst v0  }
0x95: {  	[tilespmem:$0xC380] =	vst v1  }
0x96: {  	[tilespmem:$0xC310] =	vst v0  }
0x97: {  	[tilespmem:$0xC390] =	vst v1  }
0x98: {  	[tilespmem:$0xC320] =	vst v0  }
0x99: {  	[tilespmem:$0xC3A0] =	vst v1  }
0x9a: {  	[tilespmem:$0xC330] =	vst v0  }
0x9b: {  	[smem:$0x7E6] =	sst s20;
	[tilespmem:$0xC3B0] =	vst v1;
	s6 =	simm.s32 $0x0;
	s12 =	simm.s32 $0x200  }
.LBB2_2:
0x9c: {  	p5 =	sne.s32 s12, $0x7E00;
	[tilespmem:s6+$0x370] =	vst v0  }
0x9d: {  	[tilespmem:s6+$0x300] =	vst v0  }
0x9e: {  	[tilespmem:s6+$0x310] =	vst v0  }
.Ltmp2:
0x9f: {  	[tilespmem:s6+$0x320] =	vst v0;
	(pc) =	sbr.rel @p5 .LBB2_2-.Ltmp2, $4  }
0xa0: {  	[tilespmem:s6+$0x330] =	vst v0  }
0xa1: {  	[tilespmem:s6+$0x340] =	vst v0  }
0xa2: {  	[tilespmem:s6+$0x350] =	vst v0  }
0xa3: {  	[tilespmem:s6+$0x360] =	vst v0;
	s6 =	sshra.s32 s12, $0x2;
	s12 =	sadd.s32 $0x200, s12  }
0xa4: {  	[tilespmem:s6+$0x370] =	vst v0  }
0xa5: {  	[tilespmem:s6+$0x300] =	vst v0  }
0xa6: {  	[tilespmem:s6+$0x310] =	vst v0  }
0xa7: {  	[tilespmem:s6+$0x320] =	vst v0  }
0xa8: {  	[tilespmem:s6+$0x330] =	vst v0  }
0xa9: {  	[tilespmem:s6+$0x340] =	vst v0  }
0xaa: {  	[tilespmem:s6+$0x350] =	vst v0  }
0xab: {  	[tilespmem:s6+$0x360] =	vst v0;
	s24 =	rddreg [dreg:$0x17]  }
0xac: {  	[spmem:s24] =	stream.linear.scatter [tilespmem:s13], [sflag:$0xB], $0x2000, $0x38;
	v63 =	vld [tilespmem:$0x0]  }
0xad: {  	_ =	swait.ge [sflag:s17], $0x2000  }
0xae: {  	s25 =	sld [smem:$0x7FD]  }
0xaf: {  	[sflag:s17] =	ssyncset.done $0x0  }
0xb0: {  	s8 =	simm.s32 $0xC300;
	[sflag:s17] =	ssyncadd.s32 $0xFFFFE000  }
0xb1: {  	[spmem:s25] =	stream.linear.scatter [tilespmem:s8], [sflag:$0xA], $0x40, $0x38;
	v63 =	vld [tilespmem:$0x0]  }
0xb2: {  	_ =	swait.ge [sflag:s21], $0x40  }
0xb3: {  	[sflag:s21] =	ssyncset.done $0x0  }
0xb4: {  	s9 =	rddreg [dreg:$0x18];
	[sflag:s21] =	ssyncadd.s32 $0xFFFFFFC0  }
0xb5: {  	[spmem:s9] =	stream.linear.scatter [tilespmem:s13], [sflag:$0xB], $0x2000, $0x38;
	v63 =	vld [tilespmem:$0x0]  }
0xb6: {  	_ =	swait.ge [sflag:s17], $0x2000  }
0xb7: {  	[sflag:s17] =	ssyncset.done $0x0  }
0xb8: {  	s12 =	rddreg [dreg:$0x19];
	[sflag:s17] =	ssyncadd.s32 $0xFFFFE000  }
0xb9: {  	[spmem:s12] =	stream.linear.scatter [tilespmem:s8], [sflag:$0xA], $0x40, $0x38;
	v63 =	vld [tilespmem:$0x0]  }
0xba: {  	_ =	swait.ge [sflag:s21], $0x40  }
0xbb: {  	[sflag:s21] =	ssyncset.done $0x0  }
0xbc: {  	s20 =	rddreg [dreg:$0x1a];
	[sflag:s21] =	ssyncadd.s32 $0xFFFFFFC0  }
0xbd: {  	[spmem:s20] =	stream.linear.scatter [tilespmem:s13], [sflag:$0xB], $0x2000, $0x38;
	v63 =	vld [tilespmem:$0x0]  }
0xbe: {  	_ =	swait.ge [sflag:s17], $0x2000  }
0xbf: {  	[sflag:s17] =	ssyncset.done $0x0  }
0xc0: {  	s24 =	rddreg [dreg:$0x1b];
	[sflag:s17] =	ssyncadd.s32 $0xFFFFE000  }
0xc1: {  	[spmem:s24] =	stream.linear.scatter [tilespmem:s8], [sflag:$0xA], $0x40, $0x38;
	v63 =	vld [tilespmem:$0x0]  }
0xc2: {  	_ =	swait.ge [sflag:s21], $0x40  }
0xc3: {  	[sflag:s21] =	ssyncset.done $0x0  }
0xc4: {  	s25 =	rddreg [dreg:$0x1c];
	[sflag:s21] =	ssyncadd.s32 $0xFFFFFFC0  }
0xc5: {  	[spmem:s25] =	stream.linear.scatter [tilespmem:s13], [sflag:$0xB], $0x2000, $0x38;
	v63 =	vld [tilespmem:$0x0]  }
0xc6: {  	_ =	swait.ge [sflag:s17], $0x2000  }
0xc7: {  	[sflag:s17] =	ssyncset.done $0x0  }
0xc8: {  	s9 =	rddreg [dreg:$0x1d];
	[sflag:s17] =	ssyncadd.s32 $0xFFFFE000  }
0xc9: {  	[spmem:s9] =	stream.linear.scatter [tilespmem:s8], [sflag:$0xA], $0x40, $0x38;
	v63 =	vld [tilespmem:$0x0]  }
0xca: {  	_ =	swait.ge [sflag:s21], $0x40  }
0xcb: {  	[sflag:s21] =	ssyncset.done $0x0  }
0xcc: {  	s12 =	rddreg [dreg:$0x1e];
	[sflag:s21] =	ssyncadd.s32 $0xFFFFFFC0  }
0xcd: {  	[spmem:s12] =	stream.linear.scatter [tilespmem:s13], [sflag:$0xB], $0x2000, $0x38;
	v63 =	vld [tilespmem:$0x0]  }
0xce: {  	_ =	swait.ge [sflag:s17], $0x2000  }
0xcf: {  	[sflag:s17] =	ssyncset.done $0x0  }
0xd0: {  	s20 =	rddreg [dreg:$0x1f];
	[sflag:s17] =	ssyncadd.s32 $0xFFFFE000  }
0xd1: {  	[spmem:s20] =	stream.linear.scatter [tilespmem:s8], [sflag:$0xA], $0x40, $0x38;
	v63 =	vld [tilespmem:$0x0]  }
0xd2: {  	_ =	swait.ge [sflag:s21], $0x40  }
0xd3: {  	s24 =	sld [smem:$0x7E7]  }
0xd4: {  	[sflag:s21] =	ssyncset.done $0x0  }
0xd5: {  	[sflag:s21] =	ssyncadd.s32 $0xFFFFFFC0  }
0xd6: {  	[spmem:s24] =	stream.linear.scatter [tilespmem:s13], [sflag:$0xB], $0x2000, $0x38;
	v63 =	vld [tilespmem:$0x0]  }
0xd7: {  	_ =	swait.ge [sflag:s17], $0x2000  }
0xd8: {  	s25 =	sld [smem:$0x7E8]  }
0xd9: {  	[sflag:s17] =	ssyncset.done $0x0  }
0xda: {  	[sflag:s17] =	ssyncadd.s32 $0xFFFFE000  }
0xdb: {  	[spmem:s25] =	stream.linear.scatter [tilespmem:s8], [sflag:$0xA], $0x40, $0x38;
	v63 =	vld [tilespmem:$0x0]  }
0xdc: {  	_ =	swait.ge [sflag:s21], $0x40  }
0xdd: {  	s9 =	sld [smem:$0x7E9]  }
0xde: {  	[sflag:s21] =	ssyncset.done $0x0  }
0xdf: {  	[sflag:s21] =	ssyncadd.s32 $0xFFFFFFC0  }
0xe0: {  	[spmem:s9] =	stream.linear.scatter [tilespmem:s13], [sflag:$0xB], $0x2000, $0x38;
	v63 =	vld [tilespmem:$0x0]  }
0xe1: {  	_ =	swait.ge [sflag:s17], $0x2000  }
0xe2: {  	s12 =	sld [smem:$0x7EA]  }
0xe3: {  	[sflag:s17] =	ssyncset.done $0x0  }
0xe4: {  	[sflag:s17] =	ssyncadd.s32 $0xFFFFE000  }
0xe5: {  	[spmem:s12] =	stream.linear.scatter [tilespmem:s8], [sflag:$0xA], $0x40, $0x38;
	v63 =	vld [tilespmem:$0x0]  }
0xe6: {  	_ =	swait.ge [sflag:s21], $0x40  }
0xe7: {  	s20 =	sld [smem:$0x7EB]  }
0xe8: {  	[sflag:s21] =	ssyncset.done $0x0  }
0xe9: {  	[sflag:s21] =	ssyncadd.s32 $0xFFFFFFC0  }
0xea: {  	[spmem:s20] =	stream.linear.scatter [tilespmem:s13], [sflag:$0xB], $0x2000, $0x38;
	v63 =	vld [tilespmem:$0x0]  }
0xeb: {  	_ =	swait.ge [sflag:s17], $0x2000  }
0xec: {  	s24 =	sld [smem:$0x7EC]  }
0xed: {  	[sflag:s17] =	ssyncset.done $0x0  }
0xee: {  	[sflag:s17] =	ssyncadd.s32 $0xFFFFE000  }
0xef: {  	[spmem:s24] =	stream.linear.scatter [tilespmem:s8], [sflag:$0xA], $0x40, $0x38;
	v63 =	vld [tilespmem:$0x0]  }
0xf0: {  	_ =	swait.ge [sflag:s21], $0x40  }
0xf1: {  	s25 =	sld [smem:$0x7ED]  }
0xf2: {  	[sflag:s21] =	ssyncset.done $0x0  }
0xf3: {  	[sflag:s21] =	ssyncadd.s32 $0xFFFFFFC0  }
0xf4: {  	[spmem:s25] =	stream.linear.scatter [tilespmem:s13], [sflag:$0xB], $0x2000, $0x38;
	v63 =	vld [tilespmem:$0x0]  }
0xf5: {  	_ =	swait.ge [sflag:s17], $0x2000  }
0xf6: {  	s9 =	sld [smem:$0x7EE]  }
0xf7: {  	[sflag:s17] =	ssyncset.done $0x0  }
0xf8: {  	[sflag:s17] =	ssyncadd.s32 $0xFFFFE000  }
0xf9: {  	[spmem:s9] =	stream.linear.scatter [tilespmem:s8], [sflag:$0xA], $0x40, $0x38;
	v63 =	vld [tilespmem:$0x0]  }
0xfa: {  	_ =	swait.ge [sflag:s21], $0x40  }
0xfb: {  	s8 =	sld [smem:$0x7EF]  }
0xfc: {  	[sflag:s21] =	ssyncset.done $0x0  }
0xfd: {  	s6 =	simm.s32 @!p1 $0x300;
	[sflag:s21] =	ssyncadd.s32 $0xFFFFFFC0  }
0xfe: {  	[spmem:s8] =	stream.linear.scatter @!p1 [tilespmem:s6], [sflag:$0xB], $0x2000, $0x38;
	v63 =	vld [tilespmem:$0x0]  }
0xff: {  	s6 =	simm.s32 @!p1 $0xB  }
0x100: {  	_ =	swait.ge @!p1 [sflag:s6], $0x2000  }
0x101: {  	s8 =	sld [smem:$0x7F0]  }
0x102: {  	[sflag:s6] =	ssyncset.done @!p1 $0x0  }
0x103: {  	[sflag:s6] =	ssyncadd.s32 @!p1 $0xFFFFE000;
	s6 =	simm.s32 @!p1 $0xC300  }
0x104: {  	[spmem:s8] =	stream.linear.scatter @!p1 [tilespmem:s6], [sflag:$0xA], $0x40, $0x38;
	v63 =	vld [tilespmem:$0x0]  }
0x105: {  	s6 =	simm.s32 @!p1 $0xA  }
0x106: {  	_ =	swait.ge @!p1 [sflag:s6], $0x40  }
0x107: {  	s8 =	sld [smem:$0x7FA]  }
0x108: {  	[sflag:s6] =	ssyncset.done @!p1 $0x0  }
0x109: {  	[sflag:s6] =	ssyncadd.s32 @!p1 $0xFFFFFFC0;
	s6 =	simm.s32 @!p3 $0x300  }
0x10a: {  	[spmem:s8] =	stream.linear.scatter @!p3 [tilespmem:s6], [sflag:$0xA], $0x800, $0x38;
	v63 =	vld [tilespmem:$0x0]  }
0x10b: {  	s6 =	simm.s32 @!p3 $0xA  }
0x10c: {  	_ =	swait.ge @!p3 [sflag:s6], $0x800  }
0x10d: {  	s8 =	sld [smem:$0x7FB]  }
0x10e: {  	[sflag:s6] =	ssyncset.done @!p3 $0x0  }
0x10f: {  	s12 =	simm.s32 @!p3 $0xC300;
	[sflag:s6] =	ssyncadd.s32 @!p3 $0xFFFFF800  }
0x110: {  	[spmem:s8] =	stream.linear.scatter @!p3 [tilespmem:s12], [sflag:$0xA], $0x10, $0x38;
	v63 =	vld [tilespmem:$0x0]  }
0x111: {  	_ =	swait.ge @!p3 [sflag:s6], $0x10  }
0x112: {  	[sflag:s6] =	ssyncset.done @!p3 $0x0  }
0x113: {  	[sflag:s6] =	ssyncadd.s32 @!p3 $0xFFFFFFF0  }
0x114: {  	[bflag:$0x0] =	sbarrier.arrive $0xFFFF  }
0x115: {  	s6 =	simm.s32 $0x0;
	s12 =	rddreg [dreg:$0x10]  }
0x116: {  	[tilespmem:s6], [sflag:$0x1] =	stream.linear.gather [hbm4b:s12+s6], $0x40, $0x38;
	v63 =	vld [tilespmem:$0x0]  }
0x117: {  	s20 =	rddreg [dreg:$0x11]  }
0x118: {  	[tilespmem:s22], [sflag:$0x1] =	stream.linear.gather [hbm4b:s20+s6], $0x40, $0x38;
	v63 =	vld [tilespmem:$0x0]  }
0x119: {  	s24 =	rddreg [dreg:$0x12]  }
0x11a: {  	[tilespmem:s13], [sflag:$0x1] =	stream.linear.gather [hbm4b:s24+s6], $0x2000, $0x38;
	v63 =	vld [tilespmem:$0x0]  }
0x11b: {  	s9 =	simm.s32 $0x80;
	s25 =	rddreg [dreg:$0x13]  }
0x11c: {  	[tilespmem:s9], [sflag:$0x2] =	stream.linear.gather [hbm4b:s25+s6], $0x40, $0x38;
	v63 =	vld [tilespmem:$0x0]  }
0x11d: {  	s9 =	rddreg [dreg:$0x14]  }
0x11e: {  	[tilespmem:s23], [sflag:$0x2] =	stream.linear.gather [hbm4b:s9+s6], $0x40, $0x38;
	v63 =	vld [tilespmem:$0x0]  }
0x11f: {  	s12 =	rddreg [dreg:$0x15];
	s20 =	simm.s32 $0x2300;
	s24 =	simm.s32 $0x1  }
0x120: {  	[tilespmem:s20], [sflag:$0x2] =	stream.linear.gather [hbm4b:s12+s6], $0x2000, $0x38;
	v63 =	vld [tilespmem:$0x0]  }
0x121: {  	_ =	swait.ge [sflag:s24], $0x40  }
0x122: {  	[sflag:s24] =	ssyncset.done $0x0  }
0x123: {  	[sflag:s24] =	ssyncadd.s32 $0xFFFFFFC0  }
0x124: {  	_ =	swait.ge [sflag:s24], $0x40  }
0x125: {  	[sflag:s24] =	ssyncset.done $0x0  }
.Ltmp3:
0x126: {  	[sflag:s24] =	ssyncadd.s32 $0xFFFFFFC0;
	(pc) =	sbr.rel .LBB2_4-.Ltmp3, $4  }
0x127: {  	_ =	swait.ge [sflag:s24], $0x2000  }
0x128: {  	[sflag:s24] =	ssyncset.done $0x0  }
0x129: {  	s25 =	simm.s32 $0x6300;
	[sflag:s24] =	ssyncadd.s32 $0xFFFFE000  }
0x12a: {  	[tilespmem:s25], [sflag:$0x4] =	stream.indirect.gather [hbm4b:s2+s26], $0x80, s6, s26, $0xb8;
	v63 =	vld [tilespmem:$0x0]  }
.LBB2_16:
0x12b: {  	s6 =	sadd.s32 $0x1, s6  }
0x12c: {  	p0 =	sne.s32 s6, $0x35  }
.Ltmp4:
0x12d: {  	_ = 	snop;
	(pc) =	sbr.rel @!p0 .LBB2_17-.Ltmp4, $1  }
0x12e: {  	_ =	sdelay $0x3  }
.LBB2_4:
0x12f: {  	s12 =	smul.u32 $0x3, s6;
	_ =	sdelay $0x1  }
0x130: {  	p6 =	sge.u32 s12, s1  }
.Ltmp5:
0x131: {  	_ = 	snop;
	(pc) =	sbr.rel @p6 .LBB2_8-.Ltmp5, $2  }
0x132: {  	_ =	sdelay $0x2  }
0x133: {  	p5 =	sge.u32 s12, s3  }
0x134: {  	s20 =	simm.s32 @!p5 $0x2  }
0x135: {  	_ =	swait.ge @!p5 [sflag:s20], $0x40  }
0x136: {  	[sflag:s20] =	ssyncset.done @!p5 $0x0  }
0x137: {  	[sflag:s20] =	ssyncadd.s32 @!p5 $0xFFFFFFC0  }
0x138: {  	_ =	swait.ge @!p5 [sflag:s20], $0x40  }
0x139: {  	[sflag:s20] =	ssyncset.done @!p5 $0x0  }
0x13a: {  	[sflag:s20] =	ssyncadd.s32 @!p5 $0xFFFFFFC0  }
0x13b: {  	_ =	swait.ge @!p5 [sflag:s20], $0x2000  }
0x13c: {  	s25 =	simm.s32 @!p5 $0x80;
	s9 =	simm.s32 @!p5 $0x8300;
	[sflag:s20] =	ssyncset.done @!p5 $0x0  }
0x13d: {  	p0 =	seq.s32 s6, $0x0;
	[sflag:s20] =	ssyncadd.s32 @!p5 $0xFFFFE000;
	s20 =	simm.s32 @!p5 $0x40  }
0x13e: {  	[tilespmem:s9], [sflag:$0x5] =	stream.indirect.gather @!p5 [hbm4b:s2+s20], $0x80, s25, s20, $0xb8;
	v63 =	vld [tilespmem:$0x0]  }
0x13f: {  	s9 =	simm.s32 @!p0 $0x9  }
0x140: {  	_ =	swait.ge @!p0 [sflag:s9], $0x2000  }
0x141: {  	s20 =	sadd.s32 $0x2, s12;
	[sflag:s9] =	ssyncset.done @!p0 $0x0  }
0x142: {  	p6 =	sge.u32 s20, s1;
	[sflag:s9] =	ssyncadd.s32 @!p0 $0xFFFFE000  }
0x143: {  	s20 =	sshll.u32 @!p6 s20, $0xB;
	_ =	swait.ge @!p0 [sflag:s9], $0x40  }
0x144: {  	s20 =	sor.u32 @!p6 s19, s20;
	[sflag:s9] =	ssyncset.done @!p0 $0x0  }
0x145: {  	[sflag:s9] =	ssyncadd.s32 @!p0 $0xFFFFFFC0;
	s9 =	sshrl.u32 @!p6 s20, $0x3  }
0x146: {  	s8 =	simm.s32 @!p6 $0x0;
	s24 =	simm.s32 @!p6 $0x100;
	s25 =	sadd.s32 @!p6 s4, s9  }
0x147: {  	[tilespmem:s24], [sflag:$0x3] =	stream.linear.gather @!p6 [hbm4b:s25+s8], $0x40, $0x38;
	v63 =	vld [tilespmem:$0x0]  }
0x148: {  	s9 =	sadd.s32 @!p6 s5, s9;
	s24 =	simm.s32 @!p6 $0x280  }
0x149: {  	[tilespmem:s24], [sflag:$0x3] =	stream.linear.gather @!p6 [hbm4b:s9+s8], $0x40, $0x38;
	v63 =	vld [tilespmem:$0x0]  }
0x14a: {  	s9 =	sshll.u32 @!p6 s20, $0x4  }
0x14b: {  	s20 =	simm.s32 @!p6 $0x4300;
	s9 =	sadd.s32 @!p6 s14, s9  }
0x14c: {  	[tilespmem:s20], [sflag:$0x3] =	stream.linear.gather @!p6 [hbm4b:s9+s8], $0x2000, $0x38;
	v63 =	vld [tilespmem:$0x0]  }
0x14d: {  	_ =	swait.ge [sflag:s28], $0x2000  }
0x14e: {  	[sflag:s28] =	ssyncset.done $0x0  }
0x14f: {  	s20 =	simm.s32 $0x0;
	[sflag:s28] =	ssyncadd.s32 $0xFFFFE000  }
0x150: {  	v9 =	vld [tilespmem:s20+$0x6300]  }
0x151: {  	v13 =	vld [tilespmem:s20+$0x6310]  }
0x152: {  	v7 =	vld [tilespmem:s20+$0x6320]  }
0x153: {  	v6 =	vld [tilespmem:s20+$0x6330]  }
0x154: {  	v5 =	vld [tilespmem:s20+$0x6340]  }
0x155: {  	v4 =	vld [tilespmem:s20+$0x6350]  }
0x156: {  	v3 =	vld [tilespmem:s20+$0x6360]  }
0x157: {  	v2 =	vld [tilespmem:s20+$0x6370]  }
0x158: {  	v14 =	vld [tilespmem:s20+$0x300]  }
0x159: {  	v15 =	vld [tilespmem:s20+$0x310]  }
0x15a: {  	v12 =	vld [tilespmem:s20+$0x320]  }
0x15b: {  	v11 =	vld [tilespmem:s20+$0x330]  }
0x15c: {  	v10 =	vld [tilespmem:s20+$0x340]  }
0x15d: {  	v8 =	vld [tilespmem:s20+$0x350];
	v14 =	vmul.f32 v14, v9  }
0x15e: {  	s25 =	simm.s32 $0x200;
	v13 =	vmul.f32 v15, v13;
	v9 =	vld [tilespmem:s20+$0x360]  }
.LBB2_6:
0x15f: {  	s8 =	sshra.s32 s25, $0x2;
	p6 =	sne.s32 s25, $0x7E00;
	[tilespmem:s20+$0x300] =	vst v14;
	v7 =	vmul.f32 v12, v7;
	v12 =	vld [tilespmem:s20+$0x370]  }
0x160: {  	v14 =	vld [tilespmem:s8+$0x6300];
	[tilespmem:s20+$0x310] =	vst v13;
	v6 =	vmul.f32 v11, v6  }
0x161: {  	v13 =	vld [tilespmem:s8+$0x6310];
	[tilespmem:s20+$0x320] =	vst v7;
	v5 =	vmul.f32 v10, v5  }
0x162: {  	v7 =	vld [tilespmem:s8+$0x6320];
	[tilespmem:s20+$0x330] =	vst v6;
	v4 =	vmul.f32 v8, v4  }
0x163: {  	v6 =	vld [tilespmem:s8+$0x6330];
	[tilespmem:s20+$0x340] =	vst v5;
	v3 =	vmul.f32 v9, v3  }
0x164: {  	v5 =	vld [tilespmem:s8+$0x6340];
	[tilespmem:s20+$0x350] =	vst v4;
	v2 =	vmul.f32 v12, v2  }
0x165: {  	v4 =	vld [tilespmem:s8+$0x6350];
	[tilespmem:s20+$0x360] =	vst v3  }
0x166: {  	v3 =	vld [tilespmem:s8+$0x6360];
	[tilespmem:s20+$0x370] =	vst v2;
	s20 =	smov.u32 s8  }
0x167: {  	v2 =	vld [tilespmem:s20+$0x6370]  }
0x168: {  	v8 =	vld [tilespmem:s20+$0x300]  }
0x169: {  	v9 =	vld [tilespmem:s20+$0x310]  }
.Ltmp6:
0x16a: {  	v12 =	vld [tilespmem:s20+$0x320];
	(pc) =	sbr.rel @p6 .LBB2_6-.Ltmp6, $4  }
0x16b: {  	v11 =	vld [tilespmem:s20+$0x330]  }
0x16c: {  	v10 =	vld [tilespmem:s20+$0x340]  }
0x16d: {  	v14 =	vmul.f32 v8, v14;
	v8 =	vld [tilespmem:s20+$0x350]  }
0x16e: {  	s25 =	sadd.s32 $0x200, s25;
	v13 =	vmul.f32 v9, v13;
	v9 =	vld [tilespmem:s20+$0x360]  }
0x16f: {  	[tilespmem:s20+$0x300] =	vst v14;
	v7 =	vmul.f32 v12, v7;
	v62 =	vld [tilespmem:s20+$0x370]  }
0x170: {  	[tilespmem:s20+$0x310] =	vst v13;
	v6 =	vmul.f32 v11, v6  }
0x171: {  	[tilespmem:s20+$0x320] =	vst v7;
	v5 =	vmul.f32 v10, v5  }
0x172: {  	[tilespmem:s20+$0x330] =	vst v6;
	v4 =	vmul.f32 v8, v4  }
0x173: {  	[tilespmem:s20+$0x340] =	vst v5;
	v3 =	vmul.f32 v9, v3  }
0x174: {  	[tilespmem:s20+$0x350] =	vst v4;
	v2 =	vmul.f32 v62, v2  }
0x175: {  	[tilespmem:s20+$0x360] =	vst v3  }
0x176: {  	[tilespmem:s20+$0x370] =	vst v2  }
0x177: {  	[spmem:s16] =	stream.indirect.scatter.add.f32 [tilespmem:s13], [sflag:$0x7], $0x80, s22, s26, $0xb8;
	v63 =	vld [tilespmem:$0x0]  }
0x178: {  	_ = 	snop  }
0x179: {  	[spmem:s18] =	stream.indirect.scatter.add.f32 [tilespmem:s29], [sflag:$0x7], $0x1, s22, s26, $0xb8;
	v63 =	vld [tilespmem:$0x0]  }
.LBB2_8:
.Ltmp7:
0x17a: {  	(pc) =	sbr.rel @p5 .LBB2_12-.Ltmp7, $2  }
0x17b: {  	_ =	sdelay $0x2  }
0x17c: {  	p6 =	sge.u32 s12, s10  }
0x17d: {  	s8 =	simm.s32 @!p6 $0x3  }
0x17e: {  	_ =	swait.ge @!p6 [sflag:s8], $0x40  }
0x17f: {  	[sflag:s8] =	ssyncset.done @!p6 $0x0  }
0x180: {  	[sflag:s8] =	ssyncadd.s32 @!p6 $0xFFFFFFC0  }
0x181: {  	_ =	swait.ge @!p6 [sflag:s8], $0x40  }
0x182: {  	[sflag:s8] =	ssyncset.done @!p6 $0x0  }
0x183: {  	[sflag:s8] =	ssyncadd.s32 @!p6 $0xFFFFFFC0  }
0x184: {  	_ =	swait.ge @!p6 [sflag:s8], $0x2000  }
0x185: {  	s9 =	simm.s32 @!p6 $0x100;
	[sflag:s8] =	ssyncset.done @!p6 $0x0  }
0x186: {  	s20 =	simm.s32 @!p6 $0xA300;
	[sflag:s8] =	ssyncadd.s32 @!p6 $0xFFFFE000;
	s8 =	simm.s32 @!p6 $0x40  }
0x187: {  	[tilespmem:s20], [sflag:$0x6] =	stream.indirect.gather @!p6 [hbm4b:s2+s8], $0x80, s9, s8, $0xb8;
	v63 =	vld [tilespmem:$0x0]  }
0x188: {  	s8 =	sadd.s32 $0x3, s12;
	_ =	swait.ge [sflag:s30], $0x2000  }
0x189: {  	p5 =	sge.u32 s8, s1;
	[sflag:s30] =	ssyncset.done $0x0  }
0x18a: {  	s8 =	sshll.u32 @!p5 s8, $0xB;
	[sflag:s30] =	ssyncadd.s32 $0xFFFFE000  }
0x18b: {  	s8 =	sor.u32 @!p5 s19, s8;
	_ =	swait.ge [sflag:s30], $0x40  }
0x18c: {  	s9 =	sshrl.u32 @!p5 s8, $0x3;
	[sflag:s30] =	ssyncset.done $0x0  }
0x18d: {  	s24 =	simm.s32 @!p5 $0x0;
	s20 =	sadd.s32 @!p5 s4, s9;
	[sflag:s30] =	ssyncadd.s32 $0xFFFFFFC0  }
0x18e: {  	[tilespmem:s24], [sflag:$0x1] =	stream.linear.gather @!p5 [hbm4b:s20+s24], $0x40, $0x38;
	v63 =	vld [tilespmem:$0x0]  }
0x18f: {  	s8 =	sshll.u32 @!p5 s8, $0x4;
	s9 =	sadd.s32 @!p5 s5, s9;
	s20 =	simm.s32 @!p5 $0x180  }
0x190: {  	[tilespmem:s20], [sflag:$0x1] =	stream.linear.gather @!p5 [hbm4b:s9+s24], $0x40, $0x38;
	v63 =	vld [tilespmem:$0x0]  }
0x191: {  	s8 =	sadd.s32 @!p5 s14, s8;
	s9 =	simm.s32 @!p5 $0x300  }
0x192: {  	[tilespmem:s9], [sflag:$0x1] =	stream.linear.gather @!p5 [hbm4b:s8+s24], $0x2000, $0x38;
	v63 =	vld [tilespmem:$0x0]  }
0x193: {  	_ =	swait.ge [sflag:s31], $0x2000  }
0x194: {  	[sflag:s31] =	ssyncset.done $0x0  }
0x195: {  	s20 =	simm.s32 $0x0;
	[sflag:s31] =	ssyncadd.s32 $0xFFFFE000  }
0x196: {  	v9 =	vld [tilespmem:s20+$0x8300]  }
0x197: {  	v13 =	vld [tilespmem:s20+$0x8310]  }
0x198: {  	v7 =	vld [tilespmem:s20+$0x8320]  }
0x199: {  	v6 =	vld [tilespmem:s20+$0x8330]  }
0x19a: {  	v5 =	vld [tilespmem:s20+$0x8340]  }
0x19b: {  	v4 =	vld [tilespmem:s20+$0x8350]  }
0x19c: {  	v3 =	vld [tilespmem:s20+$0x8360]  }
0x19d: {  	v2 =	vld [tilespmem:s20+$0x8370]  }
0x19e: {  	v14 =	vld [tilespmem:s20+$0x2300]  }
0x19f: {  	v15 =	vld [tilespmem:s20+$0x2310]  }
0x1a0: {  	v12 =	vld [tilespmem:s20+$0x2320]  }
0x1a1: {  	v11 =	vld [tilespmem:s20+$0x2330]  }
0x1a2: {  	v10 =	vld [tilespmem:s20+$0x2340]  }
0x1a3: {  	v8 =	vld [tilespmem:s20+$0x2350];
	v14 =	vmul.f32 v14, v9  }
0x1a4: {  	s25 =	simm.s32 $0x200;
	v13 =	vmul.f32 v15, v13;
	v9 =	vld [tilespmem:s20+$0x2360]  }
.LBB2_10:
0x1a5: {  	s8 =	sshra.s32 s25, $0x2;
	p5 =	sne.s32 s25, $0x7E00;
	[tilespmem:s20+$0x2300] =	vst v14;
	v7 =	vmul.f32 v12, v7;
	v12 =	vld [tilespmem:s20+$0x2370]  }
0x1a6: {  	v14 =	vld [tilespmem:s8+$0x8300];
	[tilespmem:s20+$0x2310] =	vst v13;
	v6 =	vmul.f32 v11, v6  }
0x1a7: {  	v13 =	vld [tilespmem:s8+$0x8310];
	[tilespmem:s20+$0x2320] =	vst v7;
	v5 =	vmul.f32 v10, v5  }
0x1a8: {  	v7 =	vld [tilespmem:s8+$0x8320];
	[tilespmem:s20+$0x2330] =	vst v6;
	v4 =	vmul.f32 v8, v4  }
0x1a9: {  	v6 =	vld [tilespmem:s8+$0x8330];
	[tilespmem:s20+$0x2340] =	vst v5;
	v3 =	vmul.f32 v9, v3  }
0x1aa: {  	v5 =	vld [tilespmem:s8+$0x8340];
	[tilespmem:s20+$0x2350] =	vst v4;
	v2 =	vmul.f32 v12, v2  }
0x1ab: {  	v4 =	vld [tilespmem:s8+$0x8350];
	[tilespmem:s20+$0x2360] =	vst v3  }
0x1ac: {  	v3 =	vld [tilespmem:s8+$0x8360];
	[tilespmem:s20+$0x2370] =	vst v2;
	s20 =	smov.u32 s8  }
0x1ad: {  	v2 =	vld [tilespmem:s20+$0x8370]  }
0x1ae: {  	v8 =	vld [tilespmem:s20+$0x2300]  }
0x1af: {  	v9 =	vld [tilespmem:s20+$0x2310]  }
.Ltmp8:
0x1b0: {  	v12 =	vld [tilespmem:s20+$0x2320];
	(pc) =	sbr.rel @p5 .LBB2_10-.Ltmp8, $4  }
0x1b1: {  	v11 =	vld [tilespmem:s20+$0x2330]  }
0x1b2: {  	v10 =	vld [tilespmem:s20+$0x2340]  }
0x1b3: {  	v14 =	vmul.f32 v8, v14;
	v8 =	vld [tilespmem:s20+$0x2350]  }
0x1b4: {  	s25 =	sadd.s32 $0x200, s25;
	v13 =	vmul.f32 v9, v13;
	v9 =	vld [tilespmem:s20+$0x2360]  }
0x1b5: {  	[tilespmem:s20+$0x2300] =	vst v14;
	v7 =	vmul.f32 v12, v7;
	v62 =	vld [tilespmem:s20+$0x2370]  }
0x1b6: {  	[tilespmem:s20+$0x2310] =	vst v13;
	v6 =	vmul.f32 v11, v6  }
0x1b7: {  	[tilespmem:s20+$0x2320] =	vst v7;
	v5 =	vmul.f32 v10, v5  }
0x1b8: {  	[tilespmem:s20+$0x2330] =	vst v6;
	v4 =	vmul.f32 v8, v4  }
0x1b9: {  	[tilespmem:s20+$0x2340] =	vst v5;
	v3 =	vmul.f32 v9, v3  }
0x1ba: {  	[tilespmem:s20+$0x2350] =	vst v4;
	v2 =	vmul.f32 v62, v2  }
0x1bb: {  	[tilespmem:s20+$0x2360] =	vst v3  }
0x1bc: {  	s8 =	simm.s32 $0x2300;
	[tilespmem:s20+$0x2370] =	vst v2  }
0x1bd: {  	[spmem:s16] =	stream.indirect.scatter.add.f32 [tilespmem:s8], [sflag:$0x8], $0x80, s23, s26, $0xb8;
	v63 =	vld [tilespmem:$0x0]  }
0x1be: {  	_ = 	snop  }
0x1bf: {  	[spmem:s18] =	stream.indirect.scatter.add.f32 [tilespmem:s29], [sflag:$0x8], $0x1, s23, s26, $0xb8;
	v63 =	vld [tilespmem:$0x0]  }
.LBB2_12:
.Ltmp9:
0x1c0: {  	(pc) =	sbr.rel @p6 .LBB2_16-.Ltmp9, $1  }
0x1c1: {  	_ =	sdelay $0x3  }
0x1c2: {  	p0 =	sge.u32 s12, s11  }
0x1c3: {  	s8 =	simm.s32 @!p0 $0x1  }
0x1c4: {  	_ =	swait.ge @!p0 [sflag:s8], $0x40  }
0x1c5: {  	[sflag:s8] =	ssyncset.done @!p0 $0x0  }
0x1c6: {  	[sflag:s8] =	ssyncadd.s32 @!p0 $0xFFFFFFC0  }
0x1c7: {  	_ =	swait.ge @!p0 [sflag:s8], $0x40  }
0x1c8: {  	[sflag:s8] =	ssyncset.done @!p0 $0x0  }
0x1c9: {  	[sflag:s8] =	ssyncadd.s32 @!p0 $0xFFFFFFC0  }
0x1ca: {  	_ =	swait.ge @!p0 [sflag:s8], $0x2000  }
0x1cb: {  	s9 =	simm.s32 @!p0 $0x0;
	[sflag:s8] =	ssyncset.done @!p0 $0x0  }
0x1cc: {  	s20 =	simm.s32 @!p0 $0x6300;
	[sflag:s8] =	ssyncadd.s32 @!p0 $0xFFFFE000;
	s8 =	simm.s32 @!p0 $0x40  }
0x1cd: {  	[tilespmem:s20], [sflag:$0x4] =	stream.indirect.gather @!p0 [hbm4b:s2+s8], $0x80, s9, s8, $0xb8;
	v63 =	vld [tilespmem:$0x0]  }
0x1ce: {  	s8 =	sadd.s32 $0x4, s12;
	_ =	swait.ge [sflag:s15], $0x2000  }
0x1cf: {  	p5 =	sge.u32 s8, s1;
	[sflag:s15] =	ssyncset.done $0x0  }
0x1d0: {  	s8 =	sshll.u32 @!p5 s8, $0xB;
	[sflag:s15] =	ssyncadd.s32 $0xFFFFE000  }
0x1d1: {  	s8 =	sor.u32 @!p5 s19, s8;
	_ =	swait.ge [sflag:s15], $0x40  }
0x1d2: {  	s20 =	simm.s32 @!p5 $0x0;
	s9 =	sshrl.u32 @!p5 s8, $0x3;
	[sflag:s15] =	ssyncset.done $0x0  }
0x1d3: {  	s24 =	simm.s32 @!p5 $0x80;
	s12 =	sadd.s32 @!p5 s4, s9;
	[sflag:s15] =	ssyncadd.s32 $0xFFFFFFC0  }
0x1d4: {  	[tilespmem:s24], [sflag:$0x2] =	stream.linear.gather @!p5 [hbm4b:s12+s20], $0x40, $0x38;
	v63 =	vld [tilespmem:$0x0]  }
0x1d5: {  	s8 =	sshll.u32 @!p5 s8, $0x4;
	s9 =	sadd.s32 @!p5 s5, s9;
	s12 =	simm.s32 @!p5 $0x200  }
0x1d6: {  	[tilespmem:s12], [sflag:$0x2] =	stream.linear.gather @!p5 [hbm4b:s9+s20], $0x40, $0x38;
	v63 =	vld [tilespmem:$0x0]  }
0x1d7: {  	s8 =	sadd.s32 @!p5 s14, s8;
	s9 =	simm.s32 @!p5 $0x2300  }
0x1d8: {  	[tilespmem:s9], [sflag:$0x2] =	stream.linear.gather @!p5 [hbm4b:s8+s20], $0x2000, $0x38;
	v63 =	vld [tilespmem:$0x0]  }
0x1d9: {  	_ =	swait.ge [sflag:s0], $0x2000  }
0x1da: {  	[sflag:s0] =	ssyncset.done $0x0  }
0x1db: {  	s12 =	simm.s32 $0x0;
	[sflag:s0] =	ssyncadd.s32 $0xFFFFE000  }
0x1dc: {  	v9 =	vld [tilespmem:s12+$0xA300]  }
0x1dd: {  	v13 =	vld [tilespmem:s12+$0xA310]  }
0x1de: {  	v7 =	vld [tilespmem:s12+$0xA320]  }
0x1df: {  	v6 =	vld [tilespmem:s12+$0xA330]  }
0x1e0: {  	v5 =	vld [tilespmem:s12+$0xA340]  }
0x1e1: {  	v4 =	vld [tilespmem:s12+$0xA350]  }
0x1e2: {  	v3 =	vld [tilespmem:s12+$0xA360]  }
0x1e3: {  	v2 =	vld [tilespmem:s12+$0xA370]  }
0x1e4: {  	v14 =	vld [tilespmem:s12+$0x4300]  }
0x1e5: {  	v15 =	vld [tilespmem:s12+$0x4310]  }
0x1e6: {  	v12 =	vld [tilespmem:s12+$0x4320]  }
0x1e7: {  	v11 =	vld [tilespmem:s12+$0x4330]  }
0x1e8: {  	v10 =	vld [tilespmem:s12+$0x4340]  }
0x1e9: {  	v8 =	vld [tilespmem:s12+$0x4350];
	v14 =	vmul.f32 v14, v9  }
0x1ea: {  	s20 =	simm.s32 $0x200;
	v13 =	vmul.f32 v15, v13;
	v9 =	vld [tilespmem:s12+$0x4360]  }
.LBB2_14:
0x1eb: {  	s8 =	sshra.s32 s20, $0x2;
	p5 =	sne.s32 s20, $0x7E00;
	[tilespmem:s12+$0x4300] =	vst v14;
	v7 =	vmul.f32 v12, v7;
	v12 =	vld [tilespmem:s12+$0x4370]  }
0x1ec: {  	v14 =	vld [tilespmem:s8+$0xA300];
	[tilespmem:s12+$0x4310] =	vst v13;
	v6 =	vmul.f32 v11, v6  }
0x1ed: {  	v13 =	vld [tilespmem:s8+$0xA310];
	[tilespmem:s12+$0x4320] =	vst v7;
	v5 =	vmul.f32 v10, v5  }
0x1ee: {  	v7 =	vld [tilespmem:s8+$0xA320];
	[tilespmem:s12+$0x4330] =	vst v6;
	v4 =	vmul.f32 v8, v4  }
0x1ef: {  	v6 =	vld [tilespmem:s8+$0xA330];
	[tilespmem:s12+$0x4340] =	vst v5;
	v3 =	vmul.f32 v9, v3  }
0x1f0: {  	v5 =	vld [tilespmem:s8+$0xA340];
	[tilespmem:s12+$0x4350] =	vst v4;
	v2 =	vmul.f32 v12, v2  }
0x1f1: {  	v4 =	vld [tilespmem:s8+$0xA350];
	[tilespmem:s12+$0x4360] =	vst v3  }
0x1f2: {  	v3 =	vld [tilespmem:s8+$0xA360];
	[tilespmem:s12+$0x4370] =	vst v2;
	s12 =	smov.u32 s8  }
0x1f3: {  	v2 =	vld [tilespmem:s12+$0xA370]  }
0x1f4: {  	v8 =	vld [tilespmem:s12+$0x4300]  }
0x1f5: {  	v9 =	vld [tilespmem:s12+$0x4310]  }
.Ltmp10:
0x1f6: {  	v12 =	vld [tilespmem:s12+$0x4320];
	(pc) =	sbr.rel @p5 .LBB2_14-.Ltmp10, $4  }
0x1f7: {  	v11 =	vld [tilespmem:s12+$0x4330]  }
0x1f8: {  	v10 =	vld [tilespmem:s12+$0x4340]  }
0x1f9: {  	v14 =	vmul.f32 v8, v14;
	v8 =	vld [tilespmem:s12+$0x4350]  }
0x1fa: {  	s20 =	sadd.s32 $0x200, s20;
	v13 =	vmul.f32 v9, v13;
	v9 =	vld [tilespmem:s12+$0x4360]  }
0x1fb: {  	[tilespmem:s12+$0x4300] =	vst v14;
	v7 =	vmul.f32 v12, v7;
	v62 =	vld [tilespmem:s12+$0x4370]  }
0x1fc: {  	[tilespmem:s12+$0x4310] =	vst v13;
	v6 =	vmul.f32 v11, v6  }
0x1fd: {  	[tilespmem:s12+$0x4320] =	vst v7;
	v5 =	vmul.f32 v10, v5  }
0x1fe: {  	[tilespmem:s12+$0x4330] =	vst v6;
	v4 =	vmul.f32 v8, v4  }
0x1ff: {  	[tilespmem:s12+$0x4340] =	vst v5;
	v3 =	vmul.f32 v9, v3  }
0x200: {  	[tilespmem:s12+$0x4350] =	vst v4;
	v2 =	vmul.f32 v62, v2  }
.Ltmp11:
0x201: {  	[tilespmem:s12+$0x4360] =	vst v3;
	(pc) =	sbr.rel .LBB2_16-.Ltmp11, $4  }
0x202: {  	s8 =	simm.s32 $0x4300;
	[tilespmem:s12+$0x4370] =	vst v2  }
0x203: {  	[spmem:s16] =	stream.indirect.scatter.add.f32 [tilespmem:s8], [sflag:$0x9], $0x80, s7, s26, $0xb8;
	v63 =	vld [tilespmem:$0x0]  }
0x204: {  	_ = 	snop  }
0x205: {  	[spmem:s18] =	stream.indirect.scatter.add.f32 [tilespmem:s29], [sflag:$0x9], $0x1, s7, s26, $0xb8;
	v63 =	vld [tilespmem:$0x0]  }
.LBB2_18:
0x206: {  	_ =	sfence.sel $0x180000  }
0x207: {  	[bflag:$0x0] =	sbarrier.arrive $0xFFFF  }
0x208: {  	_ =	strace $0x9000004A  }
0x209: {  	s0 =	stileid.u32;
	[bflag:$0x2] =	sbarrier.arrive $0xFFFF  }
0x20a: {  	p0 =	sne.s32 s0, $0x0;
	s0 =	rddreg [dreg:$0x7]  }
0x20b: {  	s0 =	sadd.s32 @!p0 $0x100000, s0  }
0x20c: {  	[sflag:s0] =	ssyncadd.tile.s32 @!p0 $0x1;
	_ =	shalt  }
.Lfunc_end2:
_tile_overlayer_lowered:
.L_overlay_start_2:
0x20d: {  	(tag) =	ssettag $0x2  }
0x20e: {  	s0 =	rddreg [dreg:$0x0];
	s2 =	stileid.u32  }
0x20f: {  	s1 =	rddreg [dreg:$0x1];
	p0 =	sne.s32 s2, $0x0  }
0x210: {  	s3 =	rddreg [dreg:$0x2];
	[bflag:$0x3] =	sbarrier.arrive $0xFFFF;
	s2 =	simm.s32 @!p0 $0x1C0A  }
0x211: {  	[timem:s3], [sflag:s2] =	dma.local @!p0 [hbm:s0], s1  }
0x212: {  	s0 =	simm.s32 @!p0 $0xA  }
0x213: {  	_ =	swait.ge @!p0 [sflag:s0], s1  }
0x214: {  	s1 =	ssub.s32 @!p0 $0x0, s1;
	[sflag:s0] =	ssyncset.done @!p0 $0x0  }
0x215: {  	[sflag:s0] =	ssyncadd.s32 @!p0 s1  }
0x216: {  	[bflag:$0x3] =	sbarrier.arrive $0xFFFF  }
0x217: {  	_ =	shalt  }

// kernel: kernel.7.cloned.1.call-start
scs
__scs_entry_jumppad:
0x0: {  	(pc) =	sbr.rel $0x88, $3  }
0x1: {  	(tag) =	ssettag $0x0;
	lr =	simm.s32 $0x1  }
0x2: {  	[smem:$0x3F95] =	sst lr;
	_ =	strace $0xD0000000  }
0x3: {  	_ = 	snop  }
0x4: {  	_ = 	snop  }
0x5: {  	_ = 	snop  }
0x6: {  	_ = 	snop  }
0x7: {  	_ = 	snop  }
__scs_overlays_trampoline_lowered:
0x8: {  	[smem:$0x3FA4] =	sst s0  }
0x9: {  	[smem:$0x3FA5] =	sst s1  }
0xa: {  	[smem:$0x3FA6] =	sst s2  }
0xb: {  	[smem:$0x3FA7] =	sst s3  }
0xc: {  	[smem:$0x3FA8] =	sst s4  }
0xd: {  	[smem:$0x3FA9] =	sst s5  }
0xe: {  	[smem:$0x3FAA] =	sst s6  }
0xf: {  	[smem:$0x3FAB] =	sst s7  }
0x10: {  	[smem:$0x3FAC] =	sst s8  }
0x11: {  	[smem:$0x3FAD] =	sst s9;
	s0 =	simm.s32 @!p0 $0x0  }
0x12: {  	s1 =	sld [smem:$0x3F93];
	s0 =	simm.s32 @p0 $0x1  }
0x13: {  	[smem:$0x3FAE] =	sst s0;
	s0 =	simm.s32 @!p1 $0x0  }
0x14: {  	s2 =	sld [smem:$0x3F92];
	s0 =	simm.s32 @p1 $0x1  }
0x15: {  	[smem:$0x3FAF] =	sst s0;
	s0 =	simm.s32 @!p2 $0x0  }
0x16: {  	s3 =	sld [smem:$0x3FDB];
	s0 =	simm.s32 @p2 $0x1  }
0x17: {  	s4 =	simm.s32 $0x1BF5;
	[smem:$0x3FB1] =	sst s0  }
0x18: {  	s0 =	sld [smem:$0x3F94];
	_ =	swait.ge [sflag:s4], $0x0  }
0x19: {  	s7 =	sld [smem:$0x3F95]  }
0x1a: {  	s8 =	sadd.s32 $0xFFFFE003, lr  }
0x1b: {  	s9 =	sadd.s32 $0xFFFFFEF7, lr;
	s5 =	simm.s32 $0xFFFFFFFF;
	p2 =	slt.u32 s8, $0xFFFFF086  }
0x1c: {  	p1 =	slt.u32 s9, $0xF7A;
	s5 =	simm.s32 @!p2 $0x0  }
0x1d: {  	s5 =	simm.s32 @p1 $0x1;
	p0 =	seq.s32 s7, s2  }
0x1e: {  	s7 =	smul.u32 @!p0 $0xF7A, s2;
	p2 =	seq.s32 @!p0 s5, $0x0  }
0x1f: {  	s9 =	smul.u32 $0xF7A, s1;
	s8 =	simm.s32 @!p0 $0x1BF5;
	p2 =	por !p2, p0  }
0x20: {  	[sflag:s8] =	ssyncset.s32 @!p0 $0xFFFFF086;
	s6 =	sadd.s32 @!p0 s3, s7;
	s7 =	simm.s32 @!p0 $0x108  }
0x21: {  	s3 =	sadd.s32 s3, s9;
	s6 =	sadd.s32 @!p0 $0x88, s6;
	s7 =	simm.s32 @p2 $0x1082  }
0x22: {  	[simem:s7], [sflag:s8] =	dma.local @!p0 [hbm:s6], $0xF7A  }
0x23: {  	s9 =	sor.u32 $0xD0000000, s2;
	s6 =	simm.s32 $0x108;
	_ =	swait.ge @!p0 [sflag:s8], $0x0  }
0x24: {  	s3 =	sadd.s32 $0x88, s3;
	s6 =	simm.s32 @!p1 $0x1082;
	[sflag:s4] =	ssyncset.s32 $0xFFFFF086  }
0x25: {  	[simem:s6], [sflag:s4] =	dma.local [hbm:s3], $0xF7A  }
0x26: {  	[smem:$0x3F95] =	sst s1;
	(tag) =	ssettag s2;
	_ =	strace s9  }
0x27: {  	s1 =	sld [smem:$0x3FA5]  }
0x28: {  	s2 =	sld [smem:$0x3FA6]  }
0x29: {  	s4 =	sld [smem:$0x3FA8]  }
0x2a: {  	p0 =	seq.s32 s5, $0x0;
	s5 =	sld [smem:$0x3FA9]  }
0x2b: {  	s6 =	sld [smem:$0x3FAA]  }
0x2c: {  	s7 =	sld [smem:$0x3FAB]  }
0x2d: {  	s3 =	simm.s32 $0x108;
	s8 =	sld [smem:$0x3FAC]  }
0x2e: {  	s3 =	simm.s32 @!p0 $0x1082;
	s9 =	sld [smem:$0x3FAD]  }
0x2f: {  	lr =	sadd.s32 s0, s3;
	s0 =	sld [smem:$0x3FA4]  }
0x30: {  	s3 =	sld [smem:$0x3FA7]  }
0x31: {  	[smem:$0x3FB0] =	sst s10  }
0x32: {  	s10 =	sld [smem:$0x3FAE];
	_ =	sdelay $0x3  }
0x33: {  	p0 =	seq.s32 s10, $0x1;
	s10 =	sld [smem:$0x3FB0];
	_ =	sdelay $0x3  }
0x34: {  	[smem:$0x3FB0] =	sst s10  }
0x35: {  	s10 =	sld [smem:$0x3FAF];
	_ =	sdelay $0x3  }
0x36: {  	p1 =	seq.s32 s10, $0x1;
	s10 =	sld [smem:$0x3FB0];
	_ =	sdelay $0x3  }
0x37: {  	[smem:$0x3FB0] =	sst s10  }
0x38: {  	s10 =	sld [smem:$0x3FB1]  }
0x39: {  	_ = 	snop;
	(pc) =	sbr.ind lr, $3  }
0x3a: {  	_ = 	snop  }
0x3b: {  	_ = 	snop  }
0x3c: {  	p2 =	seq.s32 s10, $0x1;
	s10 =	sld [smem:$0x3FB0]  }
0x3d: {  	_ =	shalt  }
0x3e: {  	_ =	shalt  }
0x3f: {  	_ =	shalt  }
0x40: {  	_ =	shalt  }
0x41: {  	_ =	shalt  }
0x42: {  	_ =	shalt  }
0x43: {  	_ =	shalt  }
0x44: {  	_ =	shalt  }
0x45: {  	_ =	shalt  }
0x46: {  	_ =	shalt  }
0x47: {  	_ =	shalt  }
0x48: {  	_ =	shalt  }
0x49: {  	_ =	shalt  }
0x4a: {  	_ =	shalt  }
0x4b: {  	_ =	shalt  }
0x4c: {  	_ =	shalt  }
0x4d: {  	_ =	shalt  }
0x4e: {  	_ =	shalt  }
0x4f: {  	_ =	shalt  }
0x50: {  	_ =	shalt  }
0x51: {  	_ =	shalt  }
0x52: {  	_ =	shalt  }
0x53: {  	_ =	shalt  }
0x54: {  	_ =	shalt  }
0x55: {  	_ =	shalt  }
0x56: {  	_ =	shalt  }
0x57: {  	_ =	shalt  }
0x58: {  	_ =	shalt  }
0x59: {  	_ =	shalt  }
0x5a: {  	_ =	shalt  }
0x5b: {  	_ =	shalt  }
0x5c: {  	_ =	shalt  }
0x5d: {  	_ =	shalt  }
0x5e: {  	_ =	shalt  }
0x5f: {  	_ =	shalt  }
0x60: {  	_ =	shalt  }
0x61: {  	_ =	shalt  }
0x62: {  	_ =	shalt  }
0x63: {  	_ =	shalt  }
0x64: {  	_ =	shalt  }
0x65: {  	_ =	shalt  }
0x66: {  	_ =	shalt  }
0x67: {  	_ =	shalt  }
0x68: {  	_ =	shalt  }
0x69: {  	_ =	shalt  }
0x6a: {  	_ =	shalt  }
0x6b: {  	_ =	shalt  }
0x6c: {  	_ =	shalt  }
0x6d: {  	_ =	shalt  }
0x6e: {  	_ =	shalt  }
0x6f: {  	_ =	shalt  }
0x70: {  	_ =	shalt  }
0x71: {  	_ =	shalt  }
0x72: {  	_ =	shalt  }
0x73: {  	_ =	shalt  }
0x74: {  	_ =	shalt  }
0x75: {  	_ =	shalt  }
0x76: {  	_ =	shalt  }
0x77: {  	_ =	shalt  }
0x78: {  	_ =	shalt  }
0x79: {  	_ =	shalt  }
0x7a: {  	_ =	shalt  }
0x7b: {  	_ =	shalt  }
0x7c: {  	_ =	shalt  }
0x7d: {  	_ =	shalt  }
0x7e: {  	_ =	shalt  }
0x7f: {  	_ =	shalt  }
0x80: {  	_ =	shalt  }
0x81: {  	_ =	shalt  }
0x82: {  	_ =	shalt  }
0x83: {  	_ =	shalt  }
0x84: {  	_ =	shalt  }
0x85: {  	_ =	shalt  }
0x86: {  	_ =	shalt  }
0x87: {  	_ =	shalt  }
.Lfunc_end0:
.L_simem_size_0:
called_computation_lowered:
.L_overlay_start_0:
0x88: {  	s2 =	sld [smem:$0x3FD9]  }
0x89: {  	s3 =	sld [smem:$0x3FFE];
	_ =	sdelay $0x1  }
0x8a: {  	s1 =	srdreg.scid  }
0x8b: {  	s0 =	sand.u32 $0x1, s1  }
0x8c: {  	s14 =	sshll.u32 s0, $0xA;
	s2 =	sadd.s32 s3, s2  }
0x8d: {  	s2 =	sadd.s32 s2, s14  }
0x8e: {  	[smem:$0x3FBC] =	sst s2  }
0x8f: {  	_ = 	snop  }
0x90: {  	s2 =	sld [smem:$0x3FC8]  }
0x91: {  	s15 =	sld [smem:$0x3FD0]  }
0x92: {  	s4 =	sld [smem:$0x3FC7]  }
0x93: {  	s5 =	sld [smem:$0x3FC6]  }
0x94: {  	s7 =	simm.s32 $0xA;
	s8 =	simm.s32 $0x10;
	s6 =	sld [smem:$0x3FC4]  }
0x95: {  	[smem:s8], [sflag:s7] =	dma.local [hbm:s15], $0x1  }
0x96: {  	_ =	swait.eq [sflag:s7], $0x1  }
0x97: {  	[sflag:s7] =	ssyncset.done $0x0  }
0x98: {  	[sflag:s7] =	ssyncadd.s32 $0xFFFFFFFF  }
0x99: {  	s16 =	sld [smem:$0x12];
	(tm) =	ssettm $0x1  }
0x9a: {  	s17 =	sld [smem:$0x3FFB];
	_ =	sdelay $0x3  }
0x9b: {  	_ =	strace s17  }
0x9c: {  	s7 =	sld [smem:$0x3FFC];
	_ =	sdelay $0x3  }
0x9d: {  	_ =	strace s7  }
0x9e: {  	s7 =	sld [smem:$0x3FFD];
	_ =	sdelay $0x3  }
0x9f: {  	_ =	strace s7  }
0xa0: {  	_ =	strace $0x8FFFFFFF  }
0xa1: {  	s18 =	sld [smem:$0x3FDB];
	_ =	sdelay $0x1  }
0xa2: {  	s19 =	simm.s32 $_scs_section_size  }
0xa3: {  	s9 =	simm.s32 $_size__tile_overlayer_lowered;
	s10 =	simm.s32 $_tile_overlayer_lowered  }
0xa4: {  	s22 =	simm.s32 $0x1BFF;
	s21 =	sshll.u32 s10, $0x1;
	s7 =	sadd.s32 s19, s18  }
0xa5: {  	s11 =	simm.s32 $0x0;
	s20 =	sshll.u32 s9, $0x1;
	s9 =	sadd.s32 s21, s7  }
0xa6: {  	[timem:s11], [sflag:s22] =	dma.local [hbm:s9], s20  }
0xa7: {  	_ =	swait.ge [sflag:s22], s20  }
0xa8: {  	s8 =	ssub.s32 $0x0, s20;
	[sflag:s22] =	ssyncset.done $0x0  }
0xa9: {  	[sflag:s22] =	ssyncadd.s32 s8;
	_ =	sdelay $0x1  }
0xaa: {  	s23 =	simm.s32 $0x1B8B  }
0xab: {  	_ =	swait.ge [sflag:s23], $0x1  }
0xac: {  	[sflag:s23] =	ssyncset.done $0x0  }
0xad: {  	s25 =	simm.s32 $0x1B8E;
	s24 =	sld [smem:$0x3FFE];
	[sflag:s23] =	ssyncadd.s32 $0xFFFFFFFF  }
0xae: {  	s26 =	simm.s32 $execute0_lowered;
	[smem:$0x3FD2] =	sst s25  }
0xaf: {  	s9 =	sshll.u32 s26, $0x1;
	_ =	strace $0x80000046;
	[dreg:$0x1] =	wrdreg $0xFFFFFFFF  }
0xb0: {  	s28 =	simm.s32 $_size_execute0_lowered;
	s7 =	sadd.s32 s7, s9;
	[dreg:$0x0] =	wrdreg $0x0  }
0xb1: {  	s9 =	sshll.u32 s28, $0x1;
	[dreg:$0x2] =	wrdreg s7  }
0xb2: {  	[dreg:$0x3] =	wrdreg s9  }
0xb3: {  	[dreg:$0x4] =	wrdreg $0xC0  }
0xb4: {  	_ =	task [dreg:s11], $0x5FFFF  }
0xb5: {  	[dreg:$0x1] =	wrdreg $0xFFFFFFFF  }
0xb6: {  	[dreg:$0x0] =	wrdreg $0x60  }
0xb7: {  	[dreg:$0x2] =	wrdreg s2  }
0xb8: {  	[dreg:$0x3] =	wrdreg s5  }
0xb9: {  	[dreg:$0x4] =	wrdreg s4  }
0xba: {  	[dreg:$0x5] =	wrdreg s6  }
0xbb: {  	[dreg:$0x6] =	wrdreg s24  }
0xbc: {  	[dreg:$0x7] =	wrdreg s16  }
0xbd: {  	[dreg:$0x8] =	wrdreg $0xC5000  }
0xbe: {  	[dreg:$0x9] =	wrdreg $0x1FD800  }
0xbf: {  	[dreg:$0xa] =	wrdreg $0x9  }
0xc0: {  	_ =	task.clear_ibuf [dreg:s11], $0xBFFFF;
	_ =	strace $0x90000046  }
0xc1: {  	s29 =	simm.s32 $0x9;
	_ =	strace $0x80000048  }
0xc2: {  	_ =	swait.ge [sflag:s29], $0x1  }
0xc3: {  	[sflag:s29] =	ssyncadd.s32 $0xFFFFFFFF  }
0xc4: {  	_ =	strace $0x90000048  }
0xc5: {  	_ =	sfence  }
0xc6: {  	s30 =	sld [smem:$0x0];
	_ =	sdelay $0x2  }
0xc7: {  	s31 =	sshll.u32 s1, $0xD;
	s1 =	sshrl.u32 s1, $0x2  }
0xc8: {  	s3 =	sand.u32 $0x4000, s31;
	s1 =	sadd.s32 s1, s30  }
0xc9: {  	s0 =	sor.u32 s3, s0;
	s1 =	sshll.u32 s1, $0x11  }
0xca: {  	s0 =	sor.u32 s1, s0  }
0xcb: {  	s0 =	sadd.s32 $0x8F2B, s0  }
0xcc: {  	[sflag:s0] =	ssyncadd.remote.s32 $0x1  }
0xcd: {  	_ =	sfence.sel $0xFFFF  }
0xce: {  	[dreg:$0x0] =	wrdreg $0xFFFFFFFF;
	(pc) =	sbr.abs _section_cstart, $3  }
0xcf: {  	[dreg:$0x1] =	wrdreg $0xFFFFFFFF  }
0xd0: {  	_ =	task.clear_ibuf [dreg:s11], $0x2FFFF;
	_ =	strace $0x9FFFFFFF  }
0xd1: {  	(tm) =	ssettm $0x7FFFFFFF  }
tec
execute0_lowered:
.L_overlay_start_1:
0x0: {  	(tag) =	ssettag $0x1  }
0x1: {  	s2 =	rddreg [dreg:$0x0]  }
0x2: {  	s4 =	rddreg [dreg:$0x1]  }
0x3: {  	s5 =	rddreg [dreg:$0x2]  }
0x4: {  	s21 =	stileid.u32;
	s1 =	simm.s32 $0x9D;
	s8 =	rddreg [dreg:$0x4]  }
0x5: {  	s0 =	srdreg.scid;
	s12 =	rddreg [dreg:$0x5];
	s23 =	simm.s32 $0x0  }
0x6: {  	s28 =	simm.s32 $0x4;
	s29 =	simm.s32 $0xC380;
	s30 =	simm.s32 $0x7  }
0x7: {  	p0 =	slt.u32 s21, $0x4;
	s0 =	sand.u32 $0x1, s0;
	s11 =	smul.u32 $0xC80, s21  }
0x8: {  	s10 =	sor.u32 $0x10, s21;
	s18 =	sshll.u32 s21, $0x1;
	s7 =	smul.u32 $0x27100, s0  }
0x9: {  	s1 =	simm.s32 @!p0 $0x9C;
	s13 =	smul.u32 $0x2710, s0;
	s15 =	ssub.s32 $0x2, s0  }
0xa: {  	s14 =	smul.u32 $0xC80, s10;
	s3 =	sadd.s32 $0xFFFFFFFF, s1;
	s17 =	sshrl.u32 s15, $0x1  }
0xb: {  	s6 =	smul.u32 $0xAB, s3;
	s8 =	sadd.s32 s7, s8;
	s7 =	sor.u32 $0x20, s21  }
0xc: {  	s15 =	ssub.s32 s15, s17;
	s17 =	sor.u32 s0, s18;
	s0 =	smul.u32 $0xC8, s21  }
0xd: {  	s31 =	simm.s32 $0x5;
	s16 =	smul.u32 $0xC80, s7;
	s20 =	sadd.s32 $0x3000, s8  }
0xe: {  	[smem:$0x7FF] =	sst s23;
	s8 =	smul.u32 $0xC8, s10;
	s24 =	sadd.s32 s20, s11  }
0xf: {  	s6 =	sshrl.u32 s6, $0x9;
	s25 =	sadd.s32 s20, s14;
	[dreg:$0x9] =	wrdreg s24  }
0x10: {  	s9 =	smul.u32 $0x3, s6;
	s6 =	sor.u32 $0x30, s21;
	[dreg:$0xa] =	wrdreg s25  }
0x11: {  	s26 =	sadd.s32 s20, s16;
	s16 =	sadd.s32 s13, s0;
	s19 =	smul.u32 $0xC80, s6  }
0x12: {  	[dreg:$0xb] =	wrdreg s26;
	s11 =	smul.u32 $0xC8, s6;
	s26 =	sshll.u32 s17, $0x3  }
0x13: {  	p2 =	sgt.u32 s6, $0x31;
	s18 =	ssub.s32 s3, s9;
	s9 =	smul.u32 $0xC8, s7  }
0x14: {  	s14 =	sadd.s32 s20, s19;
	s19 =	sshrl.u32 s16, $0x3;
	s20 =	sadd.s32 s13, s8  }
0x15: {  	s18 =	sand.u32 $0xFF, s18;
	[dreg:$0xc] =	wrdreg s14;
	s22 =	sadd.s32 s13, s9  }
0x16: {  	s23 =	sshrl.u32 s20, $0x3;
	s14 =	sadd.s32 s12, s19;
	s13 =	sadd.s32 s13, s11  }
0x17: {  	p0 =	seq.s32 s18, $0x0;
	s19 =	sshll.u32 s17, $0x6;
	[dreg:$0xd] =	wrdreg s14  }
0x18: {  	s20 =	sadd.s32 s4, s26;
	s16 =	sshrl.u32 s22, $0x3;
	s14 =	rddreg [dreg:$0x3]  }
0x19: {  	s24 =	sadd.s32 s12, s23;
	p4 =	seq.s32 @!p0 s18, $0x2;
	s18 =	rddreg [dreg:$0x7]  }
0x1a: {  	s13 =	sshrl.u32 s13, $0x3;
	s22 =	sor.u32 $0x800, s19;
	[dreg:$0xe] =	wrdreg s24  }
0x1b: {  	s23 =	sshll.u32 s17, $0xA;
	s25 =	sadd.s32 s12, s16;
	s16 =	rddreg [dreg:$0x6]  }
0x1c: {  	s17 =	sshll.u32 s7, $0x6;
	s12 =	sadd.s32 s12, s13;
	[dreg:$0xf] =	wrdreg s25  }
0x1d: {  	s24 =	sshrl.u32 s22, $0x3;
	s0 =	sadd.s32 s0, s18;
	[dreg:$0x10] =	wrdreg s12  }
0x1e: {  	s12 =	sadd.s32 s5, s26;
	_ =	strace $0x80000047;
	[dreg:$0x11] =	wrdreg s20  }
0x1f: {  	p4 =	por !p4, p0;
	s26 =	sadd.s32 s4, s24;
	[dreg:$0x12] =	wrdreg s12  }
0x20: {  	s25 =	sshll.u32 s22, $0x4;
	s22 =	sshll.u32 s21, $0xD;
	[dreg:$0x14] =	wrdreg s26  }
0x21: {  	s12 =	sadd.s32 s14, s23;
	s20 =	sadd.s32 s5, s24;
	[smem:$0x7F1] =	sst s0  }
0x22: {  	s23 =	smax.u32 s15, $0x1;
	s24 =	sshll.u32 s10, $0xD;
	[dreg:$0x13] =	wrdreg s12  }
0x23: {  	s26 =	sshll.u32 s7, $0xD;
	s7 =	smul.u32 $0x19000, s7;
	[dreg:$0x15] =	wrdreg s20  }
0x24: {  	s0 =	simm.s32 @!p0 $0x0;
	s12 =	sadd.s32 s14, s25;
	[dreg:$0x17] =	wrdreg s23  }
0x25: {  	s25 =	sshll.u32 s10, $0x6;
	s15 =	sadd.s32 s26, s16;
	s20 =	sshll.u32 s6, $0xD  }
0x26: {  	s26 =	sor.u32 $0x50, s21;
	s10 =	smul.u32 $0x19000, s10;
	[dreg:$0x16] =	wrdreg s12  }
0x27: {  	s0 =	simm.s32 @p0 $0x1;
	s12 =	sadd.s32 s22, s16;
	[dreg:$0x1b] =	wrdreg s15  }
0x28: {  	s22 =	sshll.u32 s6, $0x6;
	s6 =	smul.u32 $0x19000, s6;
	[smem:$0x7F5] =	sst s0  }
0x29: {  	s7 =	sshrl.u32 s7, $0x2;
	s15 =	sadd.s32 s9, s18;
	[dreg:$0x18] =	wrdreg s12  }
0x2a: {  	s12 =	sadd.s32 s24, s16;
	s23 =	sadd.s32 s22, s18;
	s24 =	sor.u32 $0x40, s21  }
0x2b: {  	s10 =	sshrl.u32 s10, $0x2;
	s7 =	sadd.s32 s7, s16;
	[smem:$0x7F3] =	sst s15  }
0x2c: {  	s15 =	simm.s32 $0x8;
	[dreg:$0x19] =	wrdreg s12;
	s12 =	sadd.s32 s25, s18  }
0x2d: {  	[dreg:$0x1e] =	wrdreg s23;
	s25 =	sshll.u32 s24, $0xD;
	s10 =	sadd.s32 s10, s16  }
0x2e: {  	s6 =	sshrl.u32 s6, $0x2;
	[dreg:$0x1a] =	wrdreg s12;
	s12 =	sadd.s32 s17, s18  }
0x2f: {  	s13 =	sadd.s32 s25, s16;
	s17 =	sshll.u32 s26, $0x6;
	[dreg:$0x1c] =	wrdreg s12  }
0x30: {  	s6 =	sadd.s32 s6, s16;
	s12 =	sadd.s32 s20, s16;
	[dreg:$0x1f] =	wrdreg s13  }
0x31: {  	s13 =	sshll.u32 s26, $0xD;
	s20 =	sor.u32 $0x60, s21;
	s26 =	sor.u32 $0x80, s21  }
0x32: {  	s0 =	sshrl.u32 @!p2 s6, $0x3;
	[dreg:$0x1d] =	wrdreg s12;
	s12 =	sshll.u32 s24, $0x6  }
0x33: {  	s22 =	sshll.u32 s20, $0xD;
	[smem:$0x7F9] =	sst s0;
	s12 =	sadd.s32 s12, s18  }
0x34: {  	s24 =	sor.u32 $0x70, s21;
	[smem:$0x7E6] =	sst s12;
	s12 =	sadd.s32 s13, s16  }
0x35: {  	s13 =	sshll.u32 s20, $0x6;
	[smem:$0x7E7] =	sst s12;
	s12 =	sadd.s32 s17, s18  }
0x36: {  	s25 =	sshll.u32 s24, $0xD;
	s23 =	sadd.s32 s13, s18;
	[smem:$0x7E8] =	sst s12  }
0x37: {  	s20 =	sshll.u32 s26, $0x6;
	s13 =	sadd.s32 s25, s16;
	[smem:$0x7EA] =	sst s23  }
0x38: {  	s12 =	sadd.s32 s22, s16;
	[smem:$0x7EB] =	sst s13;
	s22 =	sor.u32 $0x90, s21  }
0x39: {  	[smem:$0x7E9] =	sst s12;
	s12 =	sshll.u32 s24, $0x6;
	p1 =	sgt.u32 s22, $0x9B  }
0x3a: {  	s23 =	sshll.u32 s22, $0xD;
	s13 =	sshll.u32 s22, $0x6;
	s22 =	sshrl.u32 s10, $0x3  }
0x3b: {  	s17 =	sshll.u32 s26, $0xD;
	s12 =	sadd.s32 s12, s18;
	[smem:$0x7F7] =	sst s22  }
0x3c: {  	s24 =	smul.u32 $0x19000, s21;
	s25 =	sadd.s32 s13, s18;
	[smem:$0x7EC] =	sst s12  }
0x3d: {  	s10 =	sadd.s32 $0xFFFFFFFE, s1;
	s13 =	sadd.s32 s8, s18;
	[smem:$0x7F0] =	sst s25  }
0x3e: {  	p3 =	sne.s32 @!p1 s21, $0x0;
	s12 =	sadd.s32 s17, s16;
	[smem:$0x7F2] =	sst s13  }
0x3f: {  	s22 =	simm.s32 $0x180;
	s17 =	sadd.s32 s11, s18;
	[smem:$0x7ED] =	sst s12  }
0x40: {  	s26 =	sshrl.u32 s24, $0x2;
	s24 =	sadd.s32 $0x138000, s16;
	[smem:$0x7F4] =	sst s17  }
0x41: {  	p3 =	por p3, p1;
	s25 =	sadd.s32 $0x2700, s18;
	[smem:$0x7FA] =	sst s24  }
0x42: {  	s11 =	sadd.s32 $0xFFFFFFFD, s1;
	s12 =	sadd.s32 s20, s18;
	[smem:$0x7FB] =	sst s25  }
0x43: {  	s13 =	simm.s32 $0x300;
	s17 =	simm.s32 $0xB;
	[smem:$0x7EE] =	sst s12  }
0x44: {  	s12 =	sadd.s32 s23, s16;
	s23 =	sshrl.u32 s7, $0x3;
	s7 =	simm.s32 $0x280  }
.Ltmp0:
0x45: {  	[smem:$0x7EF] =	sst s12;
	s12 =	sadd.s32 s26, s16;
	(pc) =	sbr.rel .LBB2_1-.Ltmp0, $4  }
0x46: {  	[smem:$0x7F8] =	sst s23;
	s26 =	sshll.u32 s21, $0x6;
	s21 =	simm.s32 $0xA  }
0x47: {  	s23 =	simm.s32 $0x200;
	s20 =	sshrl.u32 s12, $0x3;
	[smem:$0x7FC] =	sst s26  }
0x48: {  	s0 =	sadd.s32 s26, s18;
	s26 =	simm.s32 $0x40;
	[smem:$0x7F6] =	sst s20  }
0x49: {  	v0 =	vimm.f32 $0.0e+00;
	v1 =	vimm.f32 $1.000000000e+00;
	[smem:$0x7FD] =	sst s0;
	s0 =	simm.s32 $0x6;
	s20 =	simm.s32 $0x0  }
.LBB2_17:
0x4a: {  	s8 =	sld [smem:$0x7F5];
	_ =	sdelay $0x1  }
0x4b: {  	s6 =	simm.s32 @!p4 $0x9  }
0x4c: {  	s6 =	simm.s32 @p4 $0x8;
	p0 =	seq.s32 s8, $0x1  }
0x4d: {  	s6 =	simm.s32 @p0 $0x7  }
0x4e: {  	s20 =	sld [smem:$0x7E5];
	_ =	swait.ge [sflag:s6], $0x2000  }
0x4f: {  	[sflag:s6] =	ssyncset.done $0x0  }
0x50: {  	[sflag:s6] =	ssyncadd.s32 $0xFFFFE000  }
0x51: {  	_ =	swait.ge [sflag:s6], $0x40  }
0x52: {  	[sflag:s6] =	ssyncset.done $0x0  }
0x53: {  	[sflag:s6] =	ssyncadd.s32 $0xFFFFFFC0  }
0x54: {  	[bflag:$0x0] =	sbarrier.arrive $0xFFFF  }
0x55: {  	s24 =	sld [smem:$0x7FC]  }
0x56: {  	s9 =	sld [smem:$0x7F6];
	_ =	sdelay $0x1  }
0x57: {  	s25 =	rddreg [dreg:$0x9];
	s6 =	sor.u32 $0x1C0A, s24  }
0x58: {  	[hbm:s25], [sflag:s6] =	dma.local [spmem:s9], $0xC80  }
0x59: {  	_ =	swait.ge [sflag:s21], $0xC80  }
0x5a: {  	s12 =	sld [smem:$0x7F7]  }
0x5b: {  	[sflag:s21] =	ssyncset.done $0x0  }
0x5c: {  	s9 =	rddreg [dreg:$0xa];
	[sflag:s21] =	ssyncadd.s32 $0xFFFFF380  }
0x5d: {  	[hbm:s9], [sflag:s6] =	dma.local [spmem:s12], $0xC80  }
0x5e: {  	_ =	swait.ge [sflag:s21], $0xC80  }
0x5f: {  	s25 =	sld [smem:$0x7F8]  }
0x60: {  	[sflag:s21] =	ssyncset.done $0x0  }
0x61: {  	s24 =	rddreg [dreg:$0xb];
	[sflag:s21] =	ssyncadd.s32 $0xFFFFF380  }
0x62: {  	[hbm:s24], [sflag:s6] =	dma.local [spmem:s25], $0xC80  }
0x63: {  	_ =	swait.ge [sflag:s21], $0xC80  }
0x64: {  	s9 =	sld [smem:$0x7F9]  }
0x65: {  	[sflag:s21] =	ssyncset.done $0x0  }
0x66: {  	s8 =	rddreg [dreg:$0xc];
	[sflag:s21] =	ssyncadd.s32 $0xFFFFF380  }
0x67: {  	[hbm:s8], [sflag:s6] =	dma.local @!p2 [spmem:s9], $0xC80  }
0x68: {  	s6 =	simm.s32 @!p2 $0xA  }
0x69: {  	_ =	swait.ge @!p2 [sflag:s6], $0xC80  }
0x6a: {  	s9 =	sld [smem:$0x7F1]  }
0x6b: {  	[sflag:s6] =	ssyncset.done @!p2 $0x0  }
0x6c: {  	s12 =	simm.s32 $0xC400;
	[sflag:s6] =	ssyncadd.s32 @!p2 $0xFFFFF380  }
0x6d: {  	[tilespmem:s12], [sflag:$0xB] =	stream.linear.gather [spmem:s9], $0xC8, $0x38;
	v63 =	vld [tilespmem:$0x0]  }
0x6e: {  	_ =	swait.ge [sflag:s17], $0xC8  }
0x6f: {  	[sflag:s17] =	ssyncset.done $0x0  }
0x70: {  	s8 =	simm.s32 $0x0;
	s24 =	rddreg [dreg:$0xd];
	[sflag:s17] =	ssyncadd.s32 $0xFFFFFF38  }
0x71: {  	[hbm4b:s24+s8] =	stream.linear.scatter [tilespmem:s12], [sflag:$0xA], $0xC8, $0x38;
	v63 =	vld [tilespmem:$0x0]  }
0x72: {  	_ =	swait.ge [sflag:s21], $0xC8  }
0x73: {  	s25 =	sld [smem:$0x7F2]  }
0x74: {  	[sflag:s21] =	ssyncset.done $0x0  }
0x75: {  	[sflag:s21] =	ssyncadd.s32 $0xFFFFFF38  }
0x76: {  	[tilespmem:s12], [sflag:$0xB] =	stream.linear.gather [spmem:s25], $0xC8, $0x38;
	v63 =	vld [tilespmem:$0x0]  }
0x77: {  	_ =	swait.ge [sflag:s17], $0xC8  }
0x78: {  	[sflag:s17] =	ssyncset.done $0x0  }
0x79: {  	s24 =	rddreg [dreg:$0xe];
	[sflag:s17] =	ssyncadd.s32 $0xFFFFFF38  }
0x7a: {  	[hbm4b:s24+s8] =	stream.linear.scatter [tilespmem:s12], [sflag:$0xA], $0xC8, $0x38;
	v63 =	vld [tilespmem:$0x0]  }
0x7b: {  	_ =	swait.ge [sflag:s21], $0xC8  }
0x7c: {  	s25 =	sld [smem:$0x7F3]  }
0x7d: {  	[sflag:s21] =	ssyncset.done $0x0  }
0x7e: {  	[sflag:s21] =	ssyncadd.s32 $0xFFFFFF38  }
0x7f: {  	[tilespmem:s12], [sflag:$0xB] =	stream.linear.gather [spmem:s25], $0xC8, $0x38;
	v63 =	vld [tilespmem:$0x0]  }
0x80: {  	_ =	swait.ge [sflag:s17], $0xC8  }
0x81: {  	[sflag:s17] =	ssyncset.done $0x0  }
0x82: {  	s24 =	rddreg [dreg:$0xf];
	[sflag:s17] =	ssyncadd.s32 $0xFFFFFF38  }
0x83: {  	[hbm4b:s24+s8] =	stream.linear.scatter [tilespmem:s12], [sflag:$0xA], $0xC8, $0x38;
	v63 =	vld [tilespmem:$0x0]  }
0x84: {  	_ =	swait.ge [sflag:s21], $0xC8  }
0x85: {  	s9 =	sld [smem:$0x7F4]  }
0x86: {  	[sflag:s21] =	ssyncset.done $0x0  }
0x87: {  	s8 =	simm.s32 @!p2 $0xC400;
	[sflag:s21] =	ssyncadd.s32 $0xFFFFFF38  }
0x88: {  	[tilespmem:s8], [sflag:$0xB] =	stream.linear.gather @!p2 [spmem:s9], $0xC8, $0x38;
	v63 =	vld [tilespmem:$0x0]  }
0x89: {  	s9 =	simm.s32 @!p2 $0xB  }
0x8a: {  	_ =	swait.ge @!p2 [sflag:s9], $0xC8  }
0x8b: {  	[sflag:s9] =	ssyncset.done @!p2 $0x0  }
0x8c: {  	s12 =	rddreg [dreg:$0x10];
	[sflag:s9] =	ssyncadd.s32 @!p2 $0xFFFFFF38;
	s9 =	simm.s32 @!p2 $0x0  }
0x8d: {  	[hbm4b:s12+s9] =	stream.linear.scatter @!p2 [tilespmem:s8], [sflag:$0xA], $0xC8, $0x38;
	v63 =	vld [tilespmem:$0x0]  }
0x8e: {  	_ =	swait.ge @!p2 [sflag:s6], $0xC8  }
0x8f: {  	s20 =	sadd.s32 $0x1, s20;
	s25 =	rddreg [dreg:$0x17]  }
0x90: {  	p0 =	sne.s32 s20, s25  }
.Ltmp1:
0x91: {  	_ = 	snop;
	(pc) =	sbr.rel @!p0 .LBB2_18-.Ltmp1, $3  }
0x92: {  	_ =	sdelay $0x1  }
0x93: {  	[sflag:s6] =	ssyncset.done @!p2 $0x0  }
0x94: {  	[sflag:s6] =	ssyncadd.s32 @!p2 $0xFFFFFF38  }
.LBB2_1:
0x95: {  	[tilespmem:$0xC300] =	vst v0  }
0x96: {  	[tilespmem:$0xC380] =	vst v1  }
0x97: {  	[tilespmem:$0xC310] =	vst v0  }
0x98: {  	[tilespmem:$0xC390] =	vst v1  }
0x99: {  	[tilespmem:$0xC320] =	vst v0  }
0x9a: {  	[tilespmem:$0xC3A0] =	vst v1  }
0x9b: {  	[tilespmem:$0xC330] =	vst v0  }
0x9c: {  	[smem:$0x7E5] =	sst s20;
	[tilespmem:$0xC3B0] =	vst v1;
	s6 =	simm.s32 $0x0;
	s12 =	simm.s32 $0x200  }
.LBB2_2:
0x9d: {  	p5 =	sne.s32 s12, $0x7E00;
	[tilespmem:s6+$0x370] =	vst v0  }
0x9e: {  	[tilespmem:s6+$0x300] =	vst v0  }
0x9f: {  	[tilespmem:s6+$0x310] =	vst v0  }
.Ltmp2:
0xa0: {  	[tilespmem:s6+$0x320] =	vst v0;
	(pc) =	sbr.rel @p5 .LBB2_2-.Ltmp2, $4  }
0xa1: {  	[tilespmem:s6+$0x330] =	vst v0  }
0xa2: {  	[tilespmem:s6+$0x340] =	vst v0  }
0xa3: {  	[tilespmem:s6+$0x350] =	vst v0  }
0xa4: {  	[tilespmem:s6+$0x360] =	vst v0;
	s6 =	sshra.s32 s12, $0x2;
	s12 =	sadd.s32 $0x200, s12  }
0xa5: {  	[tilespmem:s6+$0x370] =	vst v0  }
0xa6: {  	[tilespmem:s6+$0x300] =	vst v0  }
0xa7: {  	[tilespmem:s6+$0x310] =	vst v0  }
0xa8: {  	[tilespmem:s6+$0x320] =	vst v0  }
0xa9: {  	[tilespmem:s6+$0x330] =	vst v0  }
0xaa: {  	[tilespmem:s6+$0x340] =	vst v0  }
0xab: {  	[tilespmem:s6+$0x350] =	vst v0  }
0xac: {  	[tilespmem:s6+$0x360] =	vst v0;
	s24 =	rddreg [dreg:$0x18]  }
0xad: {  	[spmem:s24] =	stream.linear.scatter [tilespmem:s13], [sflag:$0xB], $0x2000, $0x38;
	v63 =	vld [tilespmem:$0x0]  }
0xae: {  	_ =	swait.ge [sflag:s17], $0x2000  }
0xaf: {  	s25 =	sld [smem:$0x7FD]  }
0xb0: {  	[sflag:s17] =	ssyncset.done $0x0  }
0xb1: {  	s8 =	simm.s32 $0xC300;
	[sflag:s17] =	ssyncadd.s32 $0xFFFFE000  }
0xb2: {  	[spmem:s25] =	stream.linear.scatter [tilespmem:s8], [sflag:$0xA], $0x40, $0x38;
	v63 =	vld [tilespmem:$0x0]  }
0xb3: {  	_ =	swait.ge [sflag:s21], $0x40  }
0xb4: {  	[sflag:s21] =	ssyncset.done $0x0  }
0xb5: {  	s9 =	rddreg [dreg:$0x19];
	[sflag:s21] =	ssyncadd.s32 $0xFFFFFFC0  }
0xb6: {  	[spmem:s9] =	stream.linear.scatter [tilespmem:s13], [sflag:$0xB], $0x2000, $0x38;
	v63 =	vld [tilespmem:$0x0]  }
0xb7: {  	_ =	swait.ge [sflag:s17], $0x2000  }
0xb8: {  	[sflag:s17] =	ssyncset.done $0x0  }
0xb9: {  	s12 =	rddreg [dreg:$0x1a];
	[sflag:s17] =	ssyncadd.s32 $0xFFFFE000  }
0xba: {  	[spmem:s12] =	stream.linear.scatter [tilespmem:s8], [sflag:$0xA], $0x40, $0x38;
	v63 =	vld [tilespmem:$0x0]  }
0xbb: {  	_ =	swait.ge [sflag:s21], $0x40  }
0xbc: {  	[sflag:s21] =	ssyncset.done $0x0  }
0xbd: {  	s20 =	rddreg [dreg:$0x1b];
	[sflag:s21] =	ssyncadd.s32 $0xFFFFFFC0  }
0xbe: {  	[spmem:s20] =	stream.linear.scatter [tilespmem:s13], [sflag:$0xB], $0x2000, $0x38;
	v63 =	vld [tilespmem:$0x0]  }
0xbf: {  	_ =	swait.ge [sflag:s17], $0x2000  }
0xc0: {  	[sflag:s17] =	ssyncset.done $0x0  }
0xc1: {  	s24 =	rddreg [dreg:$0x1c];
	[sflag:s17] =	ssyncadd.s32 $0xFFFFE000  }
0xc2: {  	[spmem:s24] =	stream.linear.scatter [tilespmem:s8], [sflag:$0xA], $0x40, $0x38;
	v63 =	vld [tilespmem:$0x0]  }
0xc3: {  	_ =	swait.ge [sflag:s21], $0x40  }
0xc4: {  	[sflag:s21] =	ssyncset.done $0x0  }
0xc5: {  	s25 =	rddreg [dreg:$0x1d];
	[sflag:s21] =	ssyncadd.s32 $0xFFFFFFC0  }
0xc6: {  	[spmem:s25] =	stream.linear.scatter [tilespmem:s13], [sflag:$0xB], $0x2000, $0x38;
	v63 =	vld [tilespmem:$0x0]  }
0xc7: {  	_ =	swait.ge [sflag:s17], $0x2000  }
0xc8: {  	[sflag:s17] =	ssyncset.done $0x0  }
0xc9: {  	s9 =	rddreg [dreg:$0x1e];
	[sflag:s17] =	ssyncadd.s32 $0xFFFFE000  }
0xca: {  	[spmem:s9] =	stream.linear.scatter [tilespmem:s8], [sflag:$0xA], $0x40, $0x38;
	v63 =	vld [tilespmem:$0x0]  }
0xcb: {  	_ =	swait.ge [sflag:s21], $0x40  }
0xcc: {  	[sflag:s21] =	ssyncset.done $0x0  }
0xcd: {  	s12 =	rddreg [dreg:$0x1f];
	[sflag:s21] =	ssyncadd.s32 $0xFFFFFFC0  }
0xce: {  	[spmem:s12] =	stream.linear.scatter [tilespmem:s13], [sflag:$0xB], $0x2000, $0x38;
	v63 =	vld [tilespmem:$0x0]  }
0xcf: {  	_ =	swait.ge [sflag:s17], $0x2000  }
0xd0: {  	s20 =	sld [smem:$0x7E6]  }
0xd1: {  	[sflag:s17] =	ssyncset.done $0x0  }
0xd2: {  	[sflag:s17] =	ssyncadd.s32 $0xFFFFE000  }
0xd3: {  	[spmem:s20] =	stream.linear.scatter [tilespmem:s8], [sflag:$0xA], $0x40, $0x38;
	v63 =	vld [tilespmem:$0x0]  }
0xd4: {  	_ =	swait.ge [sflag:s21], $0x40  }
0xd5: {  	s24 =	sld [smem:$0x7E7]  }
0xd6: {  	[sflag:s21] =	ssyncset.done $0x0  }
0xd7: {  	[sflag:s21] =	ssyncadd.s32 $0xFFFFFFC0  }
0xd8: {  	[spmem:s24] =	stream.linear.scatter [tilespmem:s13], [sflag:$0xB], $0x2000, $0x38;
	v63 =	vld [tilespmem:$0x0]  }
0xd9: {  	_ =	swait.ge [sflag:s17], $0x2000  }
0xda: {  	s25 =	sld [smem:$0x7E8]  }
0xdb: {  	[sflag:s17] =	ssyncset.done $0x0  }
0xdc: {  	[sflag:s17] =	ssyncadd.s32 $0xFFFFE000  }
0xdd: {  	[spmem:s25] =	stream.linear.scatter [tilespmem:s8], [sflag:$0xA], $0x40, $0x38;
	v63 =	vld [tilespmem:$0x0]  }
0xde: {  	_ =	swait.ge [sflag:s21], $0x40  }
0xdf: {  	s9 =	sld [smem:$0x7E9]  }
0xe0: {  	[sflag:s21] =	ssyncset.done $0x0  }
0xe1: {  	[sflag:s21] =	ssyncadd.s32 $0xFFFFFFC0  }
0xe2: {  	[spmem:s9] =	stream.linear.scatter [tilespmem:s13], [sflag:$0xB], $0x2000, $0x38;
	v63 =	vld [tilespmem:$0x0]  }
0xe3: {  	_ =	swait.ge [sflag:s17], $0x2000  }
0xe4: {  	s12 =	sld [smem:$0x7EA]  }
0xe5: {  	[sflag:s17] =	ssyncset.done $0x0  }
0xe6: {  	[sflag:s17] =	ssyncadd.s32 $0xFFFFE000  }
0xe7: {  	[spmem:s12] =	stream.linear.scatter [tilespmem:s8], [sflag:$0xA], $0x40, $0x38;
	v63 =	vld [tilespmem:$0x0]  }
0xe8: {  	_ =	swait.ge [sflag:s21], $0x40  }
0xe9: {  	s20 =	sld [smem:$0x7EB]  }
0xea: {  	[sflag:s21] =	ssyncset.done $0x0  }
0xeb: {  	[sflag:s21] =	ssyncadd.s32 $0xFFFFFFC0  }
0xec: {  	[spmem:s20] =	stream.linear.scatter [tilespmem:s13], [sflag:$0xB], $0x2000, $0x38;
	v63 =	vld [tilespmem:$0x0]  }
0xed: {  	_ =	swait.ge [sflag:s17], $0x2000  }
0xee: {  	s24 =	sld [smem:$0x7EC]  }
0xef: {  	[sflag:s17] =	ssyncset.done $0x0  }
0xf0: {  	[sflag:s17] =	ssyncadd.s32 $0xFFFFE000  }
0xf1: {  	[spmem:s24] =	stream.linear.scatter [tilespmem:s8], [sflag:$0xA], $0x40, $0x38;
	v63 =	vld [tilespmem:$0x0]  }
0xf2: {  	_ =	swait.ge [sflag:s21], $0x40  }
0xf3: {  	s25 =	sld [smem:$0x7ED]  }
0xf4: {  	[sflag:s21] =	ssyncset.done $0x0  }
0xf5: {  	[sflag:s21] =	ssyncadd.s32 $0xFFFFFFC0  }
0xf6: {  	[spmem:s25] =	stream.linear.scatter [tilespmem:s13], [sflag:$0xB], $0x2000, $0x38;
	v63 =	vld [tilespmem:$0x0]  }
0xf7: {  	_ =	swait.ge [sflag:s17], $0x2000  }
0xf8: {  	s9 =	sld [smem:$0x7EE]  }
0xf9: {  	[sflag:s17] =	ssyncset.done $0x0  }
0xfa: {  	[sflag:s17] =	ssyncadd.s32 $0xFFFFE000  }
0xfb: {  	[spmem:s9] =	stream.linear.scatter [tilespmem:s8], [sflag:$0xA], $0x40, $0x38;
	v63 =	vld [tilespmem:$0x0]  }
0xfc: {  	_ =	swait.ge [sflag:s21], $0x40  }
0xfd: {  	s8 =	sld [smem:$0x7EF]  }
0xfe: {  	[sflag:s21] =	ssyncset.done $0x0  }
0xff: {  	s6 =	simm.s32 @!p1 $0x300;
	[sflag:s21] =	ssyncadd.s32 $0xFFFFFFC0  }
0x100: {  	[spmem:s8] =	stream.linear.scatter @!p1 [tilespmem:s6], [sflag:$0xB], $0x2000, $0x38;
	v63 =	vld [tilespmem:$0x0]  }
0x101: {  	s6 =	simm.s32 @!p1 $0xB  }
0x102: {  	_ =	swait.ge @!p1 [sflag:s6], $0x2000  }
0x103: {  	s8 =	sld [smem:$0x7F0]  }
0x104: {  	[sflag:s6] =	ssyncset.done @!p1 $0x0  }
0x105: {  	[sflag:s6] =	ssyncadd.s32 @!p1 $0xFFFFE000;
	s6 =	simm.s32 @!p1 $0xC300  }
0x106: {  	[spmem:s8] =	stream.linear.scatter @!p1 [tilespmem:s6], [sflag:$0xA], $0x40, $0x38;
	v63 =	vld [tilespmem:$0x0]  }
0x107: {  	s6 =	simm.s32 @!p1 $0xA  }
0x108: {  	_ =	swait.ge @!p1 [sflag:s6], $0x40  }
0x109: {  	s8 =	sld [smem:$0x7FA]  }
0x10a: {  	[sflag:s6] =	ssyncset.done @!p1 $0x0  }
0x10b: {  	[sflag:s6] =	ssyncadd.s32 @!p1 $0xFFFFFFC0;
	s6 =	simm.s32 @!p3 $0x300  }
0x10c: {  	[spmem:s8] =	stream.linear.scatter @!p3 [tilespmem:s6], [sflag:$0xA], $0x800, $0x38;
	v63 =	vld [tilespmem:$0x0]  }
0x10d: {  	s6 =	simm.s32 @!p3 $0xA  }
0x10e: {  	_ =	swait.ge @!p3 [sflag:s6], $0x800  }
0x10f: {  	s8 =	sld [smem:$0x7FB]  }
0x110: {  	[sflag:s6] =	ssyncset.done @!p3 $0x0  }
0x111: {  	s12 =	simm.s32 @!p3 $0xC300;
	[sflag:s6] =	ssyncadd.s32 @!p3 $0xFFFFF800  }
0x112: {  	[spmem:s8] =	stream.linear.scatter @!p3 [tilespmem:s12], [sflag:$0xA], $0x10, $0x38;
	v63 =	vld [tilespmem:$0x0]  }
0x113: {  	_ =	swait.ge @!p3 [sflag:s6], $0x10  }
0x114: {  	[sflag:s6] =	ssyncset.done @!p3 $0x0  }
0x115: {  	[sflag:s6] =	ssyncadd.s32 @!p3 $0xFFFFFFF0  }
0x116: {  	[bflag:$0x0] =	sbarrier.arrive $0xFFFF  }
0x117: {  	s6 =	simm.s32 $0x0;
	s12 =	rddreg [dreg:$0x11]  }
0x118: {  	[tilespmem:s6], [sflag:$0x1] =	stream.linear.gather [hbm4b:s12+s6], $0x40, $0x38;
	v63 =	vld [tilespmem:$0x0]  }
0x119: {  	s20 =	rddreg [dreg:$0x12]  }
0x11a: {  	[tilespmem:s22], [sflag:$0x1] =	stream.linear.gather [hbm4b:s20+s6], $0x40, $0x38;
	v63 =	vld [tilespmem:$0x0]  }
0x11b: {  	s24 =	rddreg [dreg:$0x13]  }
0x11c: {  	[tilespmem:s13], [sflag:$0x1] =	stream.linear.gather [hbm4b:s24+s6], $0x2000, $0x38;
	v63 =	vld [tilespmem:$0x0]  }
0x11d: {  	s9 =	simm.s32 $0x80;
	s25 =	rddreg [dreg:$0x14]  }
0x11e: {  	[tilespmem:s9], [sflag:$0x2] =	stream.linear.gather [hbm4b:s25+s6], $0x40, $0x38;
	v63 =	vld [tilespmem:$0x0]  }
0x11f: {  	s9 =	rddreg [dreg:$0x15]  }
0x120: {  	[tilespmem:s23], [sflag:$0x2] =	stream.linear.gather [hbm4b:s9+s6], $0x40, $0x38;
	v63 =	vld [tilespmem:$0x0]  }
0x121: {  	s12 =	rddreg [dreg:$0x16];
	s20 =	simm.s32 $0x2300;
	s24 =	simm.s32 $0x1  }
0x122: {  	[tilespmem:s20], [sflag:$0x2] =	stream.linear.gather [hbm4b:s12+s6], $0x2000, $0x38;
	v63 =	vld [tilespmem:$0x0]  }
0x123: {  	_ =	swait.ge [sflag:s24], $0x40  }
0x124: {  	[sflag:s24] =	ssyncset.done $0x0  }
0x125: {  	[sflag:s24] =	ssyncadd.s32 $0xFFFFFFC0  }
0x126: {  	_ =	swait.ge [sflag:s24], $0x40  }
0x127: {  	[sflag:s24] =	ssyncset.done $0x0  }
.Ltmp3:
0x128: {  	[sflag:s24] =	ssyncadd.s32 $0xFFFFFFC0;
	(pc) =	sbr.rel .LBB2_4-.Ltmp3, $4  }
0x129: {  	_ =	swait.ge [sflag:s24], $0x2000  }
0x12a: {  	[sflag:s24] =	ssyncset.done $0x0  }
0x12b: {  	s25 =	simm.s32 $0x6300;
	[sflag:s24] =	ssyncadd.s32 $0xFFFFE000  }
0x12c: {  	[tilespmem:s25], [sflag:$0x4] =	stream.indirect.gather [hbm4b:s2+s26], $0x80, s6, s26, $0xb8;
	v63 =	vld [tilespmem:$0x0]  }
.LBB2_16:
0x12d: {  	s6 =	sadd.s32 $0x1, s6  }
0x12e: {  	p0 =	sne.s32 s6, $0x35  }
.Ltmp4:
0x12f: {  	_ = 	snop;
	(pc) =	sbr.rel @!p0 .LBB2_17-.Ltmp4, $1  }
0x130: {  	_ =	sdelay $0x3  }
.LBB2_4:
0x131: {  	s12 =	smul.u32 $0x3, s6;
	_ =	sdelay $0x1  }
0x132: {  	p6 =	sge.u32 s12, s1  }
.Ltmp5:
0x133: {  	_ = 	snop;
	(pc) =	sbr.rel @p6 .LBB2_8-.Ltmp5, $2  }
0x134: {  	_ =	sdelay $0x2  }
0x135: {  	p5 =	sge.u32 s12, s3  }
0x136: {  	s20 =	simm.s32 @!p5 $0x2  }
0x137: {  	_ =	swait.ge @!p5 [sflag:s20], $0x40  }
0x138: {  	[sflag:s20] =	ssyncset.done @!p5 $0x0  }
0x139: {  	[sflag:s20] =	ssyncadd.s32 @!p5 $0xFFFFFFC0  }
0x13a: {  	_ =	swait.ge @!p5 [sflag:s20], $0x40  }
0x13b: {  	[sflag:s20] =	ssyncset.done @!p5 $0x0  }
0x13c: {  	[sflag:s20] =	ssyncadd.s32 @!p5 $0xFFFFFFC0  }
0x13d: {  	_ =	swait.ge @!p5 [sflag:s20], $0x2000  }
0x13e: {  	s25 =	simm.s32 @!p5 $0x80;
	s9 =	simm.s32 @!p5 $0x8300;
	[sflag:s20] =	ssyncset.done @!p5 $0x0  }
0x13f: {  	p0 =	seq.s32 s6, $0x0;
	[sflag:s20] =	ssyncadd.s32 @!p5 $0xFFFFE000;
	s20 =	simm.s32 @!p5 $0x40  }
0x140: {  	[tilespmem:s9], [sflag:$0x5] =	stream.indirect.gather @!p5 [hbm4b:s2+s20], $0x80, s25, s20, $0xb8;
	v63 =	vld [tilespmem:$0x0]  }
0x141: {  	s9 =	simm.s32 @!p0 $0x9  }
0x142: {  	_ =	swait.ge @!p0 [sflag:s9], $0x2000  }
0x143: {  	s20 =	sadd.s32 $0x2, s12;
	[sflag:s9] =	ssyncset.done @!p0 $0x0  }
0x144: {  	p6 =	sge.u32 s20, s1;
	[sflag:s9] =	ssyncadd.s32 @!p0 $0xFFFFE000  }
0x145: {  	s20 =	sshll.u32 @!p6 s20, $0xB;
	_ =	swait.ge @!p0 [sflag:s9], $0x40  }
0x146: {  	s20 =	sor.u32 @!p6 s19, s20;
	[sflag:s9] =	ssyncset.done @!p0 $0x0  }
0x147: {  	[sflag:s9] =	ssyncadd.s32 @!p0 $0xFFFFFFC0;
	s9 =	sshrl.u32 @!p6 s20, $0x3  }
0x148: {  	s8 =	simm.s32 @!p6 $0x0;
	s24 =	simm.s32 @!p6 $0x100;
	s25 =	sadd.s32 @!p6 s4, s9  }
0x149: {  	[tilespmem:s24], [sflag:$0x3] =	stream.linear.gather @!p6 [hbm4b:s25+s8], $0x40, $0x38;
	v63 =	vld [tilespmem:$0x0]  }
0x14a: {  	s9 =	sadd.s32 @!p6 s5, s9;
	s24 =	simm.s32 @!p6 $0x280  }
0x14b: {  	[tilespmem:s24], [sflag:$0x3] =	stream.linear.gather @!p6 [hbm4b:s9+s8], $0x40, $0x38;
	v63 =	vld [tilespmem:$0x0]  }
0x14c: {  	s9 =	sshll.u32 @!p6 s20, $0x4  }
0x14d: {  	s20 =	simm.s32 @!p6 $0x4300;
	s9 =	sadd.s32 @!p6 s14, s9  }
0x14e: {  	[tilespmem:s20], [sflag:$0x3] =	stream.linear.gather @!p6 [hbm4b:s9+s8], $0x2000, $0x38;
	v63 =	vld [tilespmem:$0x0]  }
0x14f: {  	_ =	swait.ge [sflag:s28], $0x2000  }
0x150: {  	[sflag:s28] =	ssyncset.done $0x0  }
0x151: {  	s20 =	simm.s32 $0x0;
	[sflag:s28] =	ssyncadd.s32 $0xFFFFE000  }
0x152: {  	v9 =	vld [tilespmem:s20+$0x6300]  }
0x153: {  	v13 =	vld [tilespmem:s20+$0x6310]  }
0x154: {  	v7 =	vld [tilespmem:s20+$0x6320]  }
0x155: {  	v6 =	vld [tilespmem:s20+$0x6330]  }
0x156: {  	v5 =	vld [tilespmem:s20+$0x6340]  }
0x157: {  	v4 =	vld [tilespmem:s20+$0x6350]  }
0x158: {  	v3 =	vld [tilespmem:s20+$0x6360]  }
0x159: {  	v2 =	vld [tilespmem:s20+$0x6370]  }
0x15a: {  	v14 =	vld [tilespmem:s20+$0x300]  }
0x15b: {  	v15 =	vld [tilespmem:s20+$0x310]  }
0x15c: {  	v12 =	vld [tilespmem:s20+$0x320]  }
0x15d: {  	v11 =	vld [tilespmem:s20+$0x330]  }
0x15e: {  	v10 =	vld [tilespmem:s20+$0x340]  }
0x15f: {  	v8 =	vld [tilespmem:s20+$0x350];
	v14 =	vmul.f32 v14, v9  }
0x160: {  	s25 =	simm.s32 $0x200;
	v13 =	vmul.f32 v15, v13;
	v9 =	vld [tilespmem:s20+$0x360]  }
.LBB2_6:
0x161: {  	s8 =	sshra.s32 s25, $0x2;
	p6 =	sne.s32 s25, $0x7E00;
	[tilespmem:s20+$0x300] =	vst v14;
	v7 =	vmul.f32 v12, v7;
	v12 =	vld [tilespmem:s20+$0x370]  }
0x162: {  	v14 =	vld [tilespmem:s8+$0x6300];
	[tilespmem:s20+$0x310] =	vst v13;
	v6 =	vmul.f32 v11, v6  }
0x163: {  	v13 =	vld [tilespmem:s8+$0x6310];
	[tilespmem:s20+$0x320] =	vst v7;
	v5 =	vmul.f32 v10, v5  }
0x164: {  	v7 =	vld [tilespmem:s8+$0x6320];
	[tilespmem:s20+$0x330] =	vst v6;
	v4 =	vmul.f32 v8, v4  }
0x165: {  	v6 =	vld [tilespmem:s8+$0x6330];
	[tilespmem:s20+$0x340] =	vst v5;
	v3 =	vmul.f32 v9, v3  }
0x166: {  	v5 =	vld [tilespmem:s8+$0x6340];
	[tilespmem:s20+$0x350] =	vst v4;
	v2 =	vmul.f32 v12, v2  }
0x167: {  	v4 =	vld [tilespmem:s8+$0x6350];
	[tilespmem:s20+$0x360] =	vst v3  }
0x168: {  	v3 =	vld [tilespmem:s8+$0x6360];
	[tilespmem:s20+$0x370] =	vst v2;
	s20 =	smov.u32 s8  }
0x169: {  	v2 =	vld [tilespmem:s20+$0x6370]  }
0x16a: {  	v8 =	vld [tilespmem:s20+$0x300]  }
0x16b: {  	v9 =	vld [tilespmem:s20+$0x310]  }
.Ltmp6:
0x16c: {  	v12 =	vld [tilespmem:s20+$0x320];
	(pc) =	sbr.rel @p6 .LBB2_6-.Ltmp6, $4  }
0x16d: {  	v11 =	vld [tilespmem:s20+$0x330]  }
0x16e: {  	v10 =	vld [tilespmem:s20+$0x340]  }
0x16f: {  	v14 =	vmul.f32 v8, v14;
	v8 =	vld [tilespmem:s20+$0x350]  }
0x170: {  	s25 =	sadd.s32 $0x200, s25;
	v13 =	vmul.f32 v9, v13;
	v9 =	vld [tilespmem:s20+$0x360]  }
0x171: {  	[tilespmem:s20+$0x300] =	vst v14;
	v7 =	vmul.f32 v12, v7;
	v62 =	vld [tilespmem:s20+$0x370]  }
0x172: {  	[tilespmem:s20+$0x310] =	vst v13;
	v6 =	vmul.f32 v11, v6  }
0x173: {  	[tilespmem:s20+$0x320] =	vst v7;
	v5 =	vmul.f32 v10, v5  }
0x174: {  	[tilespmem:s20+$0x330] =	vst v6;
	v4 =	vmul.f32 v8, v4  }
0x175: {  	[tilespmem:s20+$0x340] =	vst v5;
	v3 =	vmul.f32 v9, v3  }
0x176: {  	[tilespmem:s20+$0x350] =	vst v4;
	v2 =	vmul.f32 v62, v2  }
0x177: {  	[tilespmem:s20+$0x360] =	vst v3  }
0x178: {  	[tilespmem:s20+$0x370] =	vst v2  }
0x179: {  	[spmem:s16] =	stream.indirect.scatter.add.f32 [tilespmem:s13], [sflag:$0x7], $0x80, s22, s26, $0xb8;
	v63 =	vld [tilespmem:$0x0]  }
0x17a: {  	_ = 	snop  }
0x17b: {  	[spmem:s18] =	stream.indirect.scatter.add.f32 [tilespmem:s29], [sflag:$0x7], $0x1, s22, s26, $0xb8;
	v63 =	vld [tilespmem:$0x0]  }
.LBB2_8:
.Ltmp7:
0x17c: {  	(pc) =	sbr.rel @p5 .LBB2_12-.Ltmp7, $2  }
0x17d: {  	_ =	sdelay $0x2  }
0x17e: {  	p6 =	sge.u32 s12, s10  }
0x17f: {  	s8 =	simm.s32 @!p6 $0x3  }
0x180: {  	_ =	swait.ge @!p6 [sflag:s8], $0x40  }
0x181: {  	[sflag:s8] =	ssyncset.done @!p6 $0x0  }
0x182: {  	[sflag:s8] =	ssyncadd.s32 @!p6 $0xFFFFFFC0  }
0x183: {  	_ =	swait.ge @!p6 [sflag:s8], $0x40  }
0x184: {  	[sflag:s8] =	ssyncset.done @!p6 $0x0  }
0x185: {  	[sflag:s8] =	ssyncadd.s32 @!p6 $0xFFFFFFC0  }
0x186: {  	_ =	swait.ge @!p6 [sflag:s8], $0x2000  }
0x187: {  	s9 =	simm.s32 @!p6 $0x100;
	[sflag:s8] =	ssyncset.done @!p6 $0x0  }
0x188: {  	s20 =	simm.s32 @!p6 $0xA300;
	[sflag:s8] =	ssyncadd.s32 @!p6 $0xFFFFE000;
	s8 =	simm.s32 @!p6 $0x40  }
0x189: {  	[tilespmem:s20], [sflag:$0x6] =	stream.indirect.gather @!p6 [hbm4b:s2+s8], $0x80, s9, s8, $0xb8;
	v63 =	vld [tilespmem:$0x0]  }
0x18a: {  	s8 =	sadd.s32 $0x3, s12;
	_ =	swait.ge [sflag:s30], $0x2000  }
0x18b: {  	p5 =	sge.u32 s8, s1;
	[sflag:s30] =	ssyncset.done $0x0  }
0x18c: {  	s8 =	sshll.u32 @!p5 s8, $0xB;
	[sflag:s30] =	ssyncadd.s32 $0xFFFFE000  }
0x18d: {  	s8 =	sor.u32 @!p5 s19, s8;
	_ =	swait.ge [sflag:s30], $0x40  }
0x18e: {  	s9 =	sshrl.u32 @!p5 s8, $0x3;
	[sflag:s30] =	ssyncset.done $0x0  }
0x18f: {  	s24 =	simm.s32 @!p5 $0x0;
	s20 =	sadd.s32 @!p5 s4, s9;
	[sflag:s30] =	ssyncadd.s32 $0xFFFFFFC0  }
0x190: {  	[tilespmem:s24], [sflag:$0x1] =	stream.linear.gather @!p5 [hbm4b:s20+s24], $0x40, $0x38;
	v63 =	vld [tilespmem:$0x0]  }
0x191: {  	s8 =	sshll.u32 @!p5 s8, $0x4;
	s9 =	sadd.s32 @!p5 s5, s9;
	s20 =	simm.s32 @!p5 $0x180  }
0x192: {  	[tilespmem:s20], [sflag:$0x1] =	stream.linear.gather @!p5 [hbm4b:s9+s24], $0x40, $0x38;
	v63 =	vld [tilespmem:$0x0]  }
0x193: {  	s8 =	sadd.s32 @!p5 s14, s8;
	s9 =	simm.s32 @!p5 $0x300  }
0x194: {  	[tilespmem:s9], [sflag:$0x1] =	stream.linear.gather @!p5 [hbm4b:s8+s24], $0x2000, $0x38;
	v63 =	vld [tilespmem:$0x0]  }
0x195: {  	_ =	swait.ge [sflag:s31], $0x2000  }
0x196: {  	[sflag:s31] =	ssyncset.done $0x0  }
0x197: {  	s20 =	simm.s32 $0x0;
	[sflag:s31] =	ssyncadd.s32 $0xFFFFE000  }
0x198: {  	v9 =	vld [tilespmem:s20+$0x8300]  }
0x199: {  	v13 =	vld [tilespmem:s20+$0x8310]  }
0x19a: {  	v7 =	vld [tilespmem:s20+$0x8320]  }
0x19b: {  	v6 =	vld [tilespmem:s20+$0x8330]  }
0x19c: {  	v5 =	vld [tilespmem:s20+$0x8340]  }
0x19d: {  	v4 =	vld [tilespmem:s20+$0x8350]  }
0x19e: {  	v3 =	vld [tilespmem:s20+$0x8360]  }
0x19f: {  	v2 =	vld [tilespmem:s20+$0x8370]  }
0x1a0: {  	v14 =	vld [tilespmem:s20+$0x2300]  }
0x1a1: {  	v15 =	vld [tilespmem:s20+$0x2310]  }
0x1a2: {  	v12 =	vld [tilespmem:s20+$0x2320]  }
0x1a3: {  	v11 =	vld [tilespmem:s20+$0x2330]  }
0x1a4: {  	v10 =	vld [tilespmem:s20+$0x2340]  }
0x1a5: {  	v8 =	vld [tilespmem:s20+$0x2350];
	v14 =	vmul.f32 v14, v9  }
0x1a6: {  	s25 =	simm.s32 $0x200;
	v13 =	vmul.f32 v15, v13;
	v9 =	vld [tilespmem:s20+$0x2360]  }
.LBB2_10:
0x1a7: {  	s8 =	sshra.s32 s25, $0x2;
	p5 =	sne.s32 s25, $0x7E00;
	[tilespmem:s20+$0x2300] =	vst v14;
	v7 =	vmul.f32 v12, v7;
	v12 =	vld [tilespmem:s20+$0x2370]  }
0x1a8: {  	v14 =	vld [tilespmem:s8+$0x8300];
	[tilespmem:s20+$0x2310] =	vst v13;
	v6 =	vmul.f32 v11, v6  }
0x1a9: {  	v13 =	vld [tilespmem:s8+$0x8310];
	[tilespmem:s20+$0x2320] =	vst v7;
	v5 =	vmul.f32 v10, v5  }
0x1aa: {  	v7 =	vld [tilespmem:s8+$0x8320];
	[tilespmem:s20+$0x2330] =	vst v6;
	v4 =	vmul.f32 v8, v4  }
0x1ab: {  	v6 =	vld [tilespmem:s8+$0x8330];
	[tilespmem:s20+$0x2340] =	vst v5;
	v3 =	vmul.f32 v9, v3  }
0x1ac: {  	v5 =	vld [tilespmem:s8+$0x8340];
	[tilespmem:s20+$0x2350] =	vst v4;
	v2 =	vmul.f32 v12, v2  }
0x1ad: {  	v4 =	vld [tilespmem:s8+$0x8350];
	[tilespmem:s20+$0x2360] =	vst v3  }
0x1ae: {  	v3 =	vld [tilespmem:s8+$0x8360];
	[tilespmem:s20+$0x2370] =	vst v2;
	s20 =	smov.u32 s8  }
0x1af: {  	v2 =	vld [tilespmem:s20+$0x8370]  }
0x1b0: {  	v8 =	vld [tilespmem:s20+$0x2300]  }
0x1b1: {  	v9 =	vld [tilespmem:s20+$0x2310]  }
.Ltmp8:
0x1b2: {  	v12 =	vld [tilespmem:s20+$0x2320];
	(pc) =	sbr.rel @p5 .LBB2_10-.Ltmp8, $4  }
0x1b3: {  	v11 =	vld [tilespmem:s20+$0x2330]  }
0x1b4: {  	v10 =	vld [tilespmem:s20+$0x2340]  }
0x1b5: {  	v14 =	vmul.f32 v8, v14;
	v8 =	vld [tilespmem:s20+$0x2350]  }
0x1b6: {  	s25 =	sadd.s32 $0x200, s25;
	v13 =	vmul.f32 v9, v13;
	v9 =	vld [tilespmem:s20+$0x2360]  }
0x1b7: {  	[tilespmem:s20+$0x2300] =	vst v14;
	v7 =	vmul.f32 v12, v7;
	v62 =	vld [tilespmem:s20+$0x2370]  }
0x1b8: {  	[tilespmem:s20+$0x2310] =	vst v13;
	v6 =	vmul.f32 v11, v6  }
0x1b9: {  	[tilespmem:s20+$0x2320] =	vst v7;
	v5 =	vmul.f32 v10, v5  }
0x1ba: {  	[tilespmem:s20+$0x2330] =	vst v6;
	v4 =	vmul.f32 v8, v4  }
0x1bb: {  	[tilespmem:s20+$0x2340] =	vst v5;
	v3 =	vmul.f32 v9, v3  }
0x1bc: {  	[tilespmem:s20+$0x2350] =	vst v4;
	v2 =	vmul.f32 v62, v2  }
0x1bd: {  	[tilespmem:s20+$0x2360] =	vst v3  }
0x1be: {  	s8 =	simm.s32 $0x2300;
	[tilespmem:s20+$0x2370] =	vst v2  }
0x1bf: {  	[spmem:s16] =	stream.indirect.scatter.add.f32 [tilespmem:s8], [sflag:$0x8], $0x80, s23, s26, $0xb8;
	v63 =	vld [tilespmem:$0x0]  }
0x1c0: {  	_ = 	snop  }
0x1c1: {  	[spmem:s18] =	stream.indirect.scatter.add.f32 [tilespmem:s29], [sflag:$0x8], $0x1, s23, s26, $0xb8;
	v63 =	vld [tilespmem:$0x0]  }
.LBB2_12:
.Ltmp9:
0x1c2: {  	(pc) =	sbr.rel @p6 .LBB2_16-.Ltmp9, $1  }
0x1c3: {  	_ =	sdelay $0x3  }
0x1c4: {  	p0 =	sge.u32 s12, s11  }
0x1c5: {  	s8 =	simm.s32 @!p0 $0x1  }
0x1c6: {  	_ =	swait.ge @!p0 [sflag:s8], $0x40  }
0x1c7: {  	[sflag:s8] =	ssyncset.done @!p0 $0x0  }
0x1c8: {  	[sflag:s8] =	ssyncadd.s32 @!p0 $0xFFFFFFC0  }
0x1c9: {  	_ =	swait.ge @!p0 [sflag:s8], $0x40  }
0x1ca: {  	[sflag:s8] =	ssyncset.done @!p0 $0x0  }
0x1cb: {  	[sflag:s8] =	ssyncadd.s32 @!p0 $0xFFFFFFC0  }
0x1cc: {  	_ =	swait.ge @!p0 [sflag:s8], $0x2000  }
0x1cd: {  	s9 =	simm.s32 @!p0 $0x0;
	[sflag:s8] =	ssyncset.done @!p0 $0x0  }
0x1ce: {  	s20 =	simm.s32 @!p0 $0x6300;
	[sflag:s8] =	ssyncadd.s32 @!p0 $0xFFFFE000;
	s8 =	simm.s32 @!p0 $0x40  }
0x1cf: {  	[tilespmem:s20], [sflag:$0x4] =	stream.indirect.gather @!p0 [hbm4b:s2+s8], $0x80, s9, s8, $0xb8;
	v63 =	vld [tilespmem:$0x0]  }
0x1d0: {  	s8 =	sadd.s32 $0x4, s12;
	_ =	swait.ge [sflag:s15], $0x2000  }
0x1d1: {  	p5 =	sge.u32 s8, s1;
	[sflag:s15] =	ssyncset.done $0x0  }
0x1d2: {  	s8 =	sshll.u32 @!p5 s8, $0xB;
	[sflag:s15] =	ssyncadd.s32 $0xFFFFE000  }
0x1d3: {  	s8 =	sor.u32 @!p5 s19, s8;
	_ =	swait.ge [sflag:s15], $0x40  }
0x1d4: {  	s20 =	simm.s32 @!p5 $0x0;
	s9 =	sshrl.u32 @!p5 s8, $0x3;
	[sflag:s15] =	ssyncset.done $0x0  }
0x1d5: {  	s24 =	simm.s32 @!p5 $0x80;
	s12 =	sadd.s32 @!p5 s4, s9;
	[sflag:s15] =	ssyncadd.s32 $0xFFFFFFC0  }
0x1d6: {  	[tilespmem:s24], [sflag:$0x2] =	stream.linear.gather @!p5 [hbm4b:s12+s20], $0x40, $0x38;
	v63 =	vld [tilespmem:$0x0]  }
0x1d7: {  	s8 =	sshll.u32 @!p5 s8, $0x4;
	s9 =	sadd.s32 @!p5 s5, s9;
	s12 =	simm.s32 @!p5 $0x200  }
0x1d8: {  	[tilespmem:s12], [sflag:$0x2] =	stream.linear.gather @!p5 [hbm4b:s9+s20], $0x40, $0x38;
	v63 =	vld [tilespmem:$0x0]  }
0x1d9: {  	s8 =	sadd.s32 @!p5 s14, s8;
	s9 =	simm.s32 @!p5 $0x2300  }
0x1da: {  	[tilespmem:s9], [sflag:$0x2] =	stream.linear.gather @!p5 [hbm4b:s8+s20], $0x2000, $0x38;
	v63 =	vld [tilespmem:$0x0]  }
0x1db: {  	_ =	swait.ge [sflag:s0], $0x2000  }
0x1dc: {  	[sflag:s0] =	ssyncset.done $0x0  }
0x1dd: {  	s12 =	simm.s32 $0x0;
	[sflag:s0] =	ssyncadd.s32 $0xFFFFE000  }
0x1de: {  	v9 =	vld [tilespmem:s12+$0xA300]  }
0x1df: {  	v13 =	vld [tilespmem:s12+$0xA310]  }
0x1e0: {  	v7 =	vld [tilespmem:s12+$0xA320]  }
0x1e1: {  	v6 =	vld [tilespmem:s12+$0xA330]  }
0x1e2: {  	v5 =	vld [tilespmem:s12+$0xA340]  }
0x1e3: {  	v4 =	vld [tilespmem:s12+$0xA350]  }
0x1e4: {  	v3 =	vld [tilespmem:s12+$0xA360]  }
0x1e5: {  	v2 =	vld [tilespmem:s12+$0xA370]  }
0x1e6: {  	v14 =	vld [tilespmem:s12+$0x4300]  }
0x1e7: {  	v15 =	vld [tilespmem:s12+$0x4310]  }
0x1e8: {  	v12 =	vld [tilespmem:s12+$0x4320]  }
0x1e9: {  	v11 =	vld [tilespmem:s12+$0x4330]  }
0x1ea: {  	v10 =	vld [tilespmem:s12+$0x4340]  }
0x1eb: {  	v8 =	vld [tilespmem:s12+$0x4350];
	v14 =	vmul.f32 v14, v9  }
0x1ec: {  	s20 =	simm.s32 $0x200;
	v13 =	vmul.f32 v15, v13;
	v9 =	vld [tilespmem:s12+$0x4360]  }
.LBB2_14:
0x1ed: {  	s8 =	sshra.s32 s20, $0x2;
	p5 =	sne.s32 s20, $0x7E00;
	[tilespmem:s12+$0x4300] =	vst v14;
	v7 =	vmul.f32 v12, v7;
	v12 =	vld [tilespmem:s12+$0x4370]  }
0x1ee: {  	v14 =	vld [tilespmem:s8+$0xA300];
	[tilespmem:s12+$0x4310] =	vst v13;
	v6 =	vmul.f32 v11, v6  }
0x1ef: {  	v13 =	vld [tilespmem:s8+$0xA310];
	[tilespmem:s12+$0x4320] =	vst v7;
	v5 =	vmul.f32 v10, v5  }
0x1f0: {  	v7 =	vld [tilespmem:s8+$0xA320];
	[tilespmem:s12+$0x4330] =	vst v6;
	v4 =	vmul.f32 v8, v4  }
0x1f1: {  	v6 =	vld [tilespmem:s8+$0xA330];
	[tilespmem:s12+$0x4340] =	vst v5;
	v3 =	vmul.f32 v9, v3  }
0x1f2: {  	v5 =	vld [tilespmem:s8+$0xA340];
	[tilespmem:s12+$0x4350] =	vst v4;
	v2 =	vmul.f32 v12, v2  }
0x1f3: {  	v4 =	vld [tilespmem:s8+$0xA350];
	[tilespmem:s12+$0x4360] =	vst v3  }
0x1f4: {  	v3 =	vld [tilespmem:s8+$0xA360];
	[tilespmem:s12+$0x4370] =	vst v2;
	s12 =	smov.u32 s8  }
0x1f5: {  	v2 =	vld [tilespmem:s12+$0xA370]  }
0x1f6: {  	v8 =	vld [tilespmem:s12+$0x4300]  }
0x1f7: {  	v9 =	vld [tilespmem:s12+$0x4310]  }
.Ltmp10:
0x1f8: {  	v12 =	vld [tilespmem:s12+$0x4320];
	(pc) =	sbr.rel @p5 .LBB2_14-.Ltmp10, $4  }
0x1f9: {  	v11 =	vld [tilespmem:s12+$0x4330]  }
0x1fa: {  	v10 =	vld [tilespmem:s12+$0x4340]  }
0x1fb: {  	v14 =	vmul.f32 v8, v14;
	v8 =	vld [tilespmem:s12+$0x4350]  }
0x1fc: {  	s20 =	sadd.s32 $0x200, s20;
	v13 =	vmul.f32 v9, v13;
	v9 =	vld [tilespmem:s12+$0x4360]  }
0x1fd: {  	[tilespmem:s12+$0x4300] =	vst v14;
	v7 =	vmul.f32 v12, v7;
	v62 =	vld [tilespmem:s12+$0x4370]  }
0x1fe: {  	[tilespmem:s12+$0x4310] =	vst v13;
	v6 =	vmul.f32 v11, v6  }
0x1ff: {  	[tilespmem:s12+$0x4320] =	vst v7;
	v5 =	vmul.f32 v10, v5  }
0x200: {  	[tilespmem:s12+$0x4330] =	vst v6;
	v4 =	vmul.f32 v8, v4  }
0x201: {  	[tilespmem:s12+$0x4340] =	vst v5;
	v3 =	vmul.f32 v9, v3  }
0x202: {  	[tilespmem:s12+$0x4350] =	vst v4;
	v2 =	vmul.f32 v62, v2  }
.Ltmp11:
0x203: {  	[tilespmem:s12+$0x4360] =	vst v3;
	(pc) =	sbr.rel .LBB2_16-.Ltmp11, $4  }
0x204: {  	s8 =	simm.s32 $0x4300;
	[tilespmem:s12+$0x4370] =	vst v2  }
0x205: {  	[spmem:s16] =	stream.indirect.scatter.add.f32 [tilespmem:s8], [sflag:$0x9], $0x80, s7, s26, $0xb8;
	v63 =	vld [tilespmem:$0x0]  }
0x206: {  	_ = 	snop  }
0x207: {  	[spmem:s18] =	stream.indirect.scatter.add.f32 [tilespmem:s29], [sflag:$0x9], $0x1, s7, s26, $0xb8;
	v63 =	vld [tilespmem:$0x0]  }
.LBB2_18:
0x208: {  	_ =	sfence.sel $0x180000  }
0x209: {  	[bflag:$0x0] =	sbarrier.arrive $0xFFFF  }
0x20a: {  	_ =	strace $0x90000047  }
0x20b: {  	s0 =	stileid.u32;
	[bflag:$0x2] =	sbarrier.arrive $0xFFFF  }
0x20c: {  	p0 =	sne.s32 s0, $0x0;
	s0 =	rddreg [dreg:$0x8]  }
0x20d: {  	s0 =	sadd.s32 @!p0 $0x100000, s0  }
0x20e: {  	[sflag:s0] =	ssyncadd.tile.s32 @!p0 $0x1;
	_ =	shalt  }
.Lfunc_end2:
_tile_overlayer_lowered:
.L_overlay_start_2:
0x20f: {  	(tag) =	ssettag $0x2  }
0x210: {  	s0 =	rddreg [dreg:$0x0];
	s2 =	stileid.u32  }
0x211: {  	s1 =	rddreg [dreg:$0x1];
	p0 =	sne.s32 s2, $0x0  }
0x212: {  	s3 =	rddreg [dreg:$0x2];
	[bflag:$0x3] =	sbarrier.arrive $0xFFFF;
	s2 =	simm.s32 @!p0 $0x1C0A  }
0x213: {  	[timem:s3], [sflag:s2] =	dma.local @!p0 [hbm:s0], s1  }
0x214: {  	s0 =	simm.s32 @!p0 $0xA  }
0x215: {  	_ =	swait.ge @!p0 [sflag:s0], s1  }
0x216: {  	s1 =	ssub.s32 @!p0 $0x0, s1;
	[sflag:s0] =	ssyncset.done @!p0 $0x0  }
0x217: {  	[sflag:s0] =	ssyncadd.s32 @!p0 s1  }
0x218: {  	[bflag:$0x3] =	sbarrier.arrive $0xFFFF  }
0x219: {  	_ =	shalt  }

</sc_bundles>
